<compile_context>
chip_gen: v7x
topology: tpu7x:2x2x1
jax: 0.10.2.dev20260603
libtpu: 0.0.44.dev20260713+nightly
codegen_flags: <defaults>
</compile_context>

<pallas_src>
import functools

import jax
import jax.numpy as jnp
from jax import lax
from jax.experimental import pallas as pl
from jax.experimental.pallas import tpu as pltpu
from jax.experimental.pallas import tpu_sc as plsc

_N = 10000
_D = 128
_C = 64
_HC = _C // 2
_E = 320000
_NC = 2
_NS = 16
_NW = _NC * _NS
_CH = 128
_CHD = 80
_CHH = 160
_EPAD = _NW * _CHD * _CH
_NPAD = 10112
_ZS = _NPAD // _NS
_NB = 4
_PD = 2
_LASTY = 15 * _ZS
_LASTN = _N - _LASTY


def _vmesh():
    return plsc.VectorSubcoreMesh(core_axis_name="c", subcore_axis_name="s")


def _newton_rsqrt(v):
    i = lax.bitcast_convert_type(v, jnp.int32)
    i = 0x5F3759DF - lax.shift_right_logical(i, 1)
    g = lax.bitcast_convert_type(i, jnp.float32)
    h = v * 0.5
    for _ in range(3):
        g = g * (1.5 - h * g * g)
    return g


def _sc_degree(col_t, z16, ones16):

    @functools.partial(
        pl.kernel,
        out_type=jax.ShapeDtypeStruct((_NC, _NPAD, 16), jnp.float32),
        mesh=_vmesh(),
        compiler_params=pltpu.CompilerParams(use_tc_tiling_on_sc=False),
        scratch_types=[
            pltpu.VMEM((_CHD, _CH), jnp.int32),
            pltpu.VMEM((_CH, 16), jnp.float32),
            pltpu.SemaphoreType.DMA((4,)),
            pltpu.VMEM_SHARED((_NPAD, 16), jnp.float32),
        ],
    )
    def k(col_ref, z_ref, ones_ref, out_ref, col_v, ones_v, sems, acc):
        cid = lax.axis_index("c")
        sid = lax.axis_index("s")
        wid = sid * _NC + cid
        pltpu.sync_copy(z_ref, acc.at[pl.ds(sid * _ZS, _ZS)])
        pltpu.sync_copy(col_ref.at[wid], col_v)
        pltpu.sync_copy(ones_ref, ones_v)
        plsc.subcore_barrier()

        @pl.loop(0, _CHD)
        def _(j):
            @pl.when(j >= 4)
            def _():
                pltpu.make_async_copy(ones_v, acc.at[col_v.at[j - 4]],
                                      sems.at[j % 4]).wait()

            pltpu.async_copy(ones_v, acc.at[col_v.at[j]], sems.at[j % 4],
                             add=True)

        for j in range(_CHD - 4, _CHD):
            pltpu.make_async_copy(ones_v, acc.at[col_v.at[j]],
                                  sems.at[j % 4]).wait()

        plsc.subcore_barrier()
        pltpu.sync_copy(acc.at[pl.ds(sid * _ZS, _ZS)],
                        out_ref.at[cid, pl.ds(sid * _ZS, _ZS)])

    return k(col_t, z16, ones16)


def _sc_hops(xw, degp, row_t, col_t, zpad, b4):

    @functools.partial(
        pl.kernel,
        out_type=jax.ShapeDtypeStruct((_N, _C), jnp.float32),
        mesh=_vmesh(),
        compiler_params=pltpu.CompilerParams(use_tc_tiling_on_sc=False),
        scratch_types=[
            pltpu.VMEM((_CHH, _CH), jnp.int32),
            pltpu.VMEM((_CHH, _CH), jnp.int32),
            [pltpu.VMEM((_CH, _HC), jnp.float32) for _ in range(_NB)],
            pltpu.VMEM((_ZS, _HC), jnp.float32),
            pltpu.VMEM((_ZS, 16), jnp.float32),
            pltpu.VMEM((2, 16), jnp.float32),
            pltpu.SemaphoreType.DMA((_NB,)),
            pltpu.SemaphoreType.DMA((_NB,)),
            pltpu.VMEM_SHARED((_NPAD, _HC), jnp.float32),
            pltpu.VMEM_SHARED((_N, _HC), jnp.float32),
        ],
    )
    def k(xw_ref, dp_ref, row_ref, col_ref, zpad_ref, b_ref, o_ref,
          row_v, col_v, gb, ybuf, dv, bbuf, semg, sems, acc, ysh):
        cid = lax.axis_index("c")
        sid = lax.axis_index("s")
        cslice = pl.ds(cid * _HC, _HC)
        pltpu.sync_copy(row_ref.at[sid], row_v)
        pltpu.sync_copy(col_ref.at[sid], col_v)
        pltpu.sync_copy(b_ref.at[pl.ds(cid * 2, 2)], bbuf)

        sl = pl.ds(sid * _ZS, _ZS)
        pltpu.sync_copy(dp_ref.at[0, sl], dv)
        pltpu.sync_copy(dp_ref.at[1, sl], ybuf.at[:, pl.ds(0, 16)])

        @pl.loop(0, _ZS // 8)
        def _(rb):
            for k in range(8):
                r = rb * 8 + k
                dv[r] = _newton_rsqrt(dv[r] + ybuf[r, pl.ds(0, 16)] + 1.0)

        def scale_rows(n):
            @pl.loop(0, n // 8)
            def _(rb):
                for k in range(8):
                    r = rb * 8 + k
                    s = dv[r]
                    for q in (0, 16):
                        ybuf[r, pl.ds(q, 16)] = ybuf[r, pl.ds(q, 16)] * s

        @pl.when(sid < _NS - 1)
        def _():
            pltpu.sync_copy(xw_ref.at[sl, cslice], ybuf)
            scale_rows(_ZS)
            pltpu.sync_copy(ybuf, ysh.at[sl])
            pltpu.sync_copy(ybuf, acc.at[sl])

        @pl.when(sid == _NS - 1)
        def _():
            ll = pl.ds(_LASTY, _LASTN)
            bl = pl.ds(0, _LASTN)
            pltpu.sync_copy(xw_ref.at[ll, cslice], ybuf.at[bl])
            scale_rows(_LASTN)
            pltpu.sync_copy(ybuf.at[bl], ysh.at[ll])
            pltpu.sync_copy(ybuf.at[bl], acc.at[ll])
            pltpu.sync_copy(zpad_ref, acc.at[pl.ds(_N, _NPAD - _N)])

        plsc.subcore_barrier()

        def gather(c, p):
            pltpu.async_copy(ysh.at[row_v.at[c]], gb[p], semg.at[p])

        def wait_gather(c, p):
            pltpu.make_async_copy(ysh.at[row_v.at[c]], gb[p],
                                  semg.at[p]).wait()

        def scatter(c, p):
            pltpu.async_copy(gb[p], acc.at[col_v.at[c]], sems.at[p], add=True)

        def wait_scatter(c, p):
            pltpu.make_async_copy(gb[p], acc.at[col_v.at[c]],
                                  sems.at[p]).wait()

        def hop_loop():
            for p in range(_PD):
                gather(p, p)

            @pl.loop(0, _CHH // _NB)
            def _(t):
                j0 = t * _NB
                for p in range(_NB):
                    j = j0 + p
                    pn = (p + _PD) % _NB

                    @pl.when(j + _PD >= _NB)
                    def _():
                        wait_scatter(j + _PD - _NB, pn)

                    @pl.when(j + _PD < _CHH)
                    def _():
                        gather(j + _PD, pn)

                    wait_gather(j, p)
                    scatter(j, p)

            for c in range(_CHH - _NB, _CHH):
                if c + _NB - _PD > _CHH - 1:
                    wait_scatter(c, c % _NB)

            plsc.subcore_barrier()

        hop_loop()

        pltpu.sync_copy(acc.at[sl], ybuf)

        @pl.loop(0, _ZS // 8)
        def _(rb):
            for k in range(8):
                r = rb * 8 + k
                s = dv[r]
                s2 = s * s
                for q in (0, 16):
                    ybuf[r, pl.ds(q, 16)] = ybuf[r, pl.ds(q, 16)] * s2

        pltpu.sync_copy(ybuf, acc.at[sl])

        @pl.when(sid < _NS - 1)
        def _():
            pltpu.sync_copy(ybuf, ysh.at[sl])

        @pl.when(sid == _NS - 1)
        def _():
            pltpu.sync_copy(ybuf.at[pl.ds(0, _LASTN)],
                            ysh.at[pl.ds(_LASTY, _LASTN)])

        plsc.subcore_barrier()

        hop_loop()

        pltpu.sync_copy(acc.at[sl], ybuf)

        @pl.loop(0, _ZS // 8)
        def _(rb):
            for k in range(8):
                r = rb * 8 + k
                s = dv[r]
                for qi in (0, 1):
                    q = qi * 16
                    ybuf[r, pl.ds(q, 16)] = (ybuf[r, pl.ds(q, 16)] * s
                                             + bbuf[qi])

        @pl.when(sid < _NS - 1)
        def _():
            pltpu.sync_copy(ybuf, o_ref.at[sl, cslice])

        @pl.when(sid == _NS - 1)
        def _():
            pltpu.sync_copy(ybuf.at[pl.ds(0, _LASTN)],
                            o_ref.at[pl.ds(_LASTY, _LASTN), cslice])

    return k(xw, degp, row_t, col_t, zpad, b4)


def _tc_matmul(x, W):

    def body(x_ref, w_ref, o_ref):
        o_ref[...] = jnp.dot(x_ref[...], w_ref[...],
                             preferred_element_type=jnp.float32)

    return pl.pallas_call(
        body,
        out_shape=jax.ShapeDtypeStruct((_N, _C), jnp.float32),
    )(x, W)


def kernel(x, edge_index, W, b):
    row = edge_index[0]
    col = edge_index[1]
    pad = _EPAD - _E
    rowp = jnp.concatenate([row, jnp.zeros((pad,), row.dtype)])
    colp = jnp.concatenate([col, jnp.full((pad,), _N, col.dtype)])
    col_t32 = colp.reshape(_NW, _CHD, _CH)
    row_t16 = rowp.reshape(_NS, _CHH, _CH)
    col_t16 = colp.reshape(_NS, _CHH, _CH)
    z16 = jnp.zeros((_ZS, 16), jnp.float32)
    ones16 = jnp.ones((_CH, 16), jnp.float32)
    zpad = jnp.zeros((_NPAD - _N, _HC), jnp.float32)

    degp = _sc_degree(col_t32, z16, ones16)
    xw = _tc_matmul(x, W)
    return _sc_hops(xw, degp, row_t16, col_t16, zpad,
                    b.astype(jnp.float32).reshape(4, 16))

# --- scband reference (transcript-rebuilt; emitter-appended) ---
"""Pipeline reference for scband-sgc-22127671509367 (READ-ONLY COPY).

The authoritative reference and input builder live on the scoring server;
editing this copy changes nothing except your own understanding.
"""

import jax, jax.numpy as jnp
import numpy as np

K = 2
N_NODES = 10000
N_EDGES = 320000
D_FEAT = 128
N_CLASSES = 64


def setup_inputs(seed: int = 0) -> dict:
    key = jax.random.key(seed)
    k1, k2, k3 = jax.random.split(key, 3)
    x = jax.random.normal(k1, (N_NODES, D_FEAT), dtype=jnp.float32)
    edge_index = jax.random.randint(k2, (2, N_EDGES), 0, N_NODES, dtype=jnp.int32)
    W = jax.random.normal(k3, (D_FEAT, N_CLASSES), dtype=jnp.float32) * 0.05
    b = jnp.zeros((N_CLASSES,), dtype=jnp.float32)
    return {"x": x, "edge_index": edge_index, "W": W, "b": b}


def reference(x, edge_index, W, b):
    # SGC forward: gcn_norm (with self-loops), K propagation hops, then linear head.
    # Dropout is identity in eval/reference mode.
    N = x.shape[0]
    row = edge_index[0]
    col = edge_index[1]
    loop = jnp.arange(N, dtype=edge_index.dtype)
    row = jnp.concatenate([row, loop])
    col = jnp.concatenate([col, loop])
    ew = jnp.ones(row.shape[0], dtype=x.dtype)
    # deg computed over target (col) indices, as in PyG gcn_norm (source_to_target)
    deg = jnp.zeros(N, dtype=x.dtype).at[col].add(ew)
    deg_inv_sqrt = jnp.where(deg > 0, jax.lax.rsqrt(jnp.maximum(deg, 1e-12)), 0.0)
    norm = deg_inv_sqrt[row] * ew * deg_inv_sqrt[col]
    h = x
    for _ in range(K):
        msg = norm[:, None] * jnp.take(h, row, axis=0)
        h = jnp.zeros_like(h).at[col].add(msg)
    return h @ W + b

if __name__ == "__main__":
    import jax
    _d = setup_inputs()
    print(jax.jit(kernel)(*tuple(_d.values())))

</pallas_src>

<mosaic_0001>
#map = affine_map<(d0, d1) -> (0, 0)>
#map1 = affine_map<(d0, d1) -> (0, 0, 0)>
module attributes {stable_mosaic.version = 14 : i64} {
  func.func @k(%arg0: i32, %arg1: i32, %arg2: memref<10000x64xf32, #tpu.memory_space<hbm>>, %arg3: memref<2x10112x16xf32, #tpu.memory_space<hbm>>, %arg4: memref<16x160x128xi32, #tpu.memory_space<hbm>>, %arg5: memref<16x160x128xi32, #tpu.memory_space<hbm>>, %arg6: memref<112x32xf32, #tpu.memory_space<hbm>>, %arg7: memref<4x16xf32, #tpu.memory_space<hbm>>, %arg8: memref<10000x64xf32, #tpu.memory_space<hbm>>, %arg9: memref<160x128xi32, #tpu.memory_space<vmem>>, %arg10: memref<160x128xi32, #tpu.memory_space<vmem>>, %arg11: memref<128x32xf32, #tpu.memory_space<vmem>>, %arg12: memref<128x32xf32, #tpu.memory_space<vmem>>, %arg13: memref<128x32xf32, #tpu.memory_space<vmem>>, %arg14: memref<128x32xf32, #tpu.memory_space<vmem>>, %arg15: memref<632x32xf32, #tpu.memory_space<vmem>>, %arg16: memref<632x16xf32, #tpu.memory_space<vmem>>, %arg17: memref<2x16xf32, #tpu.memory_space<vmem>>, %arg18: memref<4x!tpu.dma_semaphore, #tpu.memory_space<semaphore_mem>>, %arg19: memref<4x!tpu.dma_semaphore, #tpu.memory_space<semaphore_mem>>, %arg20: memref<10112x32xf32, #tpu.memory_space<vmem_shared>>, %arg21: memref<10000x32xf32, #tpu.memory_space<vmem_shared>>) attributes {dimension_semantics = [#tpu.dimension_semantics<core_parallel>, #tpu.dimension_semantics<subcore_parallel>], iteration_bounds = array<i64: 2, 16>, scalar_prefetch = 0 : i64, scratch_operands = 13 : i64, tpu.core_type = #tpu.core_type<sc_vector_subcore>, window_params = [{transform_indices = #map}, {transform_indices = #map1}, {transform_indices = #map1}, {transform_indices = #map1}, {transform_indices = #map}, {transform_indices = #map}, {transform_indices = #map}]} {
    %mul3A = arith.constant 32 : i32
    %mul3A_0 = arith.muli %arg0, %mul3A : i32
    "tpu.region"() ({
      %run_scoped3A_137 = tpu.sem_alloc : memref<!tpu.dma_semaphore, #tpu.memory_space<semaphore_mem>>
      %dma_start3A_138 = arith.constant 0 : i32
      %dma_start3A_139 = arith.constant 0 : i32
      %dma_start3A_140 = tpu.memref_slice %arg4[%arg1, %dma_start3A_138, %dma_start3A_139] : memref<16x160x128xi32, #tpu.memory_space<hbm>> -> memref<1x160x128xi32, #tpu.memory_space<hbm>>
      %dma_start3A_141 = tpu.memref_squeeze %dma_start3A_140 : memref<1x160x128xi32, #tpu.memory_space<hbm>> -> memref<160x128xi32, #tpu.memory_space<hbm>>
      %dma_start3A_142 = arith.constant 0 : i32
      %dma_start3A_143 = arith.constant 0 : i32
      %dma_start3A_144 = tpu.memref_slice %arg4[%arg1, %dma_start3A_142, %dma_start3A_143] : memref<16x160x128xi32, #tpu.memory_space<hbm>> -> memref<1x160x128xi32, #tpu.memory_space<hbm>>
      %dma_start3A_145 = tpu.memref_squeeze %dma_start3A_144 : memref<1x160x128xi32, #tpu.memory_space<hbm>> -> memref<160x128xi32, #tpu.memory_space<hbm>>
      tpu.enqueue_dma source(%dma_start3A_145 : memref<160x128xi32, #tpu.memory_space<hbm>>) target(%arg9 : memref<160x128xi32, #tpu.memory_space<vmem>>) target_semaphore(%run_scoped3A_137 : memref<!tpu.dma_semaphore, #tpu.memory_space<semaphore_mem>>)
      %dma_wait3A_146 = arith.constant 0 : i32
      %dma_wait3A_147 = arith.constant 0 : i32
      %dma_wait3A_148 = tpu.memref_slice %arg4[%arg1, %dma_wait3A_146, %dma_wait3A_147] : memref<16x160x128xi32, #tpu.memory_space<hbm>> -> memref<1x160x128xi32, #tpu.memory_space<hbm>>
      %dma_wait3A_149 = tpu.memref_squeeze %dma_wait3A_148 : memref<1x160x128xi32, #tpu.memory_space<hbm>> -> memref<160x128xi32, #tpu.memory_space<hbm>>
      %dma_wait3A_150 = arith.constant 0 : i32
      %dma_wait3A_151 = arith.constant 0 : i32
      %dma_wait3A_152 = tpu.memref_slice %arg4[%arg1, %dma_wait3A_150, %dma_wait3A_151] : memref<16x160x128xi32, #tpu.memory_space<hbm>> -> memref<1x160x128xi32, #tpu.memory_space<hbm>>
      %dma_wait3A_153 = tpu.memref_squeeze %dma_wait3A_152 : memref<1x160x128xi32, #tpu.memory_space<hbm>> -> memref<160x128xi32, #tpu.memory_space<hbm>>
      tpu.wait_dma2 semaphore(%run_scoped3A_137 : memref<!tpu.dma_semaphore, #tpu.memory_space<semaphore_mem>>) src(%dma_wait3A_153 : memref<160x128xi32, #tpu.memory_space<hbm>>) dst(%arg9 : memref<160x128xi32, #tpu.memory_space<vmem>>)
      tpu.yield
    }) : () -> ()
    "tpu.region"() ({
      %run_scoped3A_137 = tpu.sem_alloc : memref<!tpu.dma_semaphore, #tpu.memory_space<semaphore_mem>>
      %dma_start3A_138 = arith.constant 0 : i32
      %dma_start3A_139 = arith.constant 0 : i32
      %dma_start3A_140 = tpu.memref_slice %arg5[%arg1, %dma_start3A_138, %dma_start3A_139] : memref<16x160x128xi32, #tpu.memory_space<hbm>> -> memref<1x160x128xi32, #tpu.memory_space<hbm>>
      %dma_start3A_141 = tpu.memref_squeeze %dma_start3A_140 : memref<1x160x128xi32, #tpu.memory_space<hbm>> -> memref<160x128xi32, #tpu.memory_space<hbm>>
      %dma_start3A_142 = arith.constant 0 : i32
      %dma_start3A_143 = arith.constant 0 : i32
      %dma_start3A_144 = tpu.memref_slice %arg5[%arg1, %dma_start3A_142, %dma_start3A_143] : memref<16x160x128xi32, #tpu.memory_space<hbm>> -> memref<1x160x128xi32, #tpu.memory_space<hbm>>
      %dma_start3A_145 = tpu.memref_squeeze %dma_start3A_144 : memref<1x160x128xi32, #tpu.memory_space<hbm>> -> memref<160x128xi32, #tpu.memory_space<hbm>>
      tpu.enqueue_dma source(%dma_start3A_145 : memref<160x128xi32, #tpu.memory_space<hbm>>) target(%arg10 : memref<160x128xi32, #tpu.memory_space<vmem>>) target_semaphore(%run_scoped3A_137 : memref<!tpu.dma_semaphore, #tpu.memory_space<semaphore_mem>>)
      %dma_wait3A_146 = arith.constant 0 : i32
      %dma_wait3A_147 = arith.constant 0 : i32
      %dma_wait3A_148 = tpu.memref_slice %arg5[%arg1, %dma_wait3A_146, %dma_wait3A_147] : memref<16x160x128xi32, #tpu.memory_space<hbm>> -> memref<1x160x128xi32, #tpu.memory_space<hbm>>
      %dma_wait3A_149 = tpu.memref_squeeze %dma_wait3A_148 : memref<1x160x128xi32, #tpu.memory_space<hbm>> -> memref<160x128xi32, #tpu.memory_space<hbm>>
      %dma_wait3A_150 = arith.constant 0 : i32
      %dma_wait3A_151 = arith.constant 0 : i32
      %dma_wait3A_152 = tpu.memref_slice %arg5[%arg1, %dma_wait3A_150, %dma_wait3A_151] : memref<16x160x128xi32, #tpu.memory_space<hbm>> -> memref<1x160x128xi32, #tpu.memory_space<hbm>>
      %dma_wait3A_153 = tpu.memref_squeeze %dma_wait3A_152 : memref<1x160x128xi32, #tpu.memory_space<hbm>> -> memref<160x128xi32, #tpu.memory_space<hbm>>
      tpu.wait_dma2 semaphore(%run_scoped3A_137 : memref<!tpu.dma_semaphore, #tpu.memory_space<semaphore_mem>>) src(%dma_wait3A_153 : memref<160x128xi32, #tpu.memory_space<hbm>>) dst(%arg10 : memref<160x128xi32, #tpu.memory_space<vmem>>)
      tpu.yield
    }) : () -> ()
    %mul3A_1 = arith.constant 2 : i32
    %mul3A_2 = arith.muli %arg0, %mul3A_1 : i32
    "tpu.region"() ({
      %run_scoped3A_137 = tpu.sem_alloc : memref<!tpu.dma_semaphore, #tpu.memory_space<semaphore_mem>>
      %dma_start3A_138 = arith.constant 0 : i32
      %dma_start3A_139 = tpu.memref_slice %arg7[%mul3A_2, %dma_start3A_138] : memref<4x16xf32, #tpu.memory_space<hbm>> -> memref<2x16xf32, #tpu.memory_space<hbm>>
      %dma_start3A_140 = arith.constant 0 : i32
      %dma_start3A_141 = tpu.memref_slice %arg7[%mul3A_2, %dma_start3A_140] : memref<4x16xf32, #tpu.memory_space<hbm>> -> memref<2x16xf32, #tpu.memory_space<hbm>>
      tpu.enqueue_dma source(%dma_start3A_141 : memref<2x16xf32, #tpu.memory_space<hbm>>) target(%arg17 : memref<2x16xf32, #tpu.memory_space<vmem>>) target_semaphore(%run_scoped3A_137 : memref<!tpu.dma_semaphore, #tpu.memory_space<semaphore_mem>>)
      %dma_wait3A_142 = arith.constant 0 : i32
      %dma_wait3A_143 = tpu.memref_slice %arg7[%mul3A_2, %dma_wait3A_142] : memref<4x16xf32, #tpu.memory_space<hbm>> -> memref<2x16xf32, #tpu.memory_space<hbm>>
      %dma_wait3A_144 = arith.constant 0 : i32
      %dma_wait3A_145 = tpu.memref_slice %arg7[%mul3A_2, %dma_wait3A_144] : memref<4x16xf32, #tpu.memory_space<hbm>> -> memref<2x16xf32, #tpu.memory_space<hbm>>
      tpu.wait_dma2 semaphore(%run_scoped3A_137 : memref<!tpu.dma_semaphore, #tpu.memory_space<semaphore_mem>>) src(%dma_wait3A_145 : memref<2x16xf32, #tpu.memory_space<hbm>>) dst(%arg17 : memref<2x16xf32, #tpu.memory_space<vmem>>)
      tpu.yield
    }) : () -> ()
    %mul3A_3 = arith.constant 632 : i32
    %mul3A_4 = arith.muli %arg1, %mul3A_3 : i32
    %run_scoped3A = arith.constant 0 : i32
    "tpu.region"() ({
      %run_scoped3A_137 = tpu.sem_alloc : memref<!tpu.dma_semaphore, #tpu.memory_space<semaphore_mem>>
      %dma_start3A_138 = arith.constant 0 : i32
      %dma_start3A_139 = tpu.memref_slice %arg3[%run_scoped3A, %mul3A_4, %dma_start3A_138] : memref<2x10112x16xf32, #tpu.memory_space<hbm>> -> memref<1x632x16xf32, #tpu.memory_space<hbm>>
      %dma_start3A_140 = tpu.memref_squeeze %dma_start3A_139 : memref<1x632x16xf32, #tpu.memory_space<hbm>> -> memref<632x16xf32, #tpu.memory_space<hbm>>
      %dma_start3A_141 = arith.constant 0 : i32
      %dma_start3A_142 = tpu.memref_slice %arg3[%run_scoped3A, %mul3A_4, %dma_start3A_141] : memref<2x10112x16xf32, #tpu.memory_space<hbm>> -> memref<1x632x16xf32, #tpu.memory_space<hbm>>
      %dma_start3A_143 = tpu.memref_squeeze %dma_start3A_142 : memref<1x632x16xf32, #tpu.memory_space<hbm>> -> memref<632x16xf32, #tpu.memory_space<hbm>>
      tpu.enqueue_dma source(%dma_start3A_143 : memref<632x16xf32, #tpu.memory_space<hbm>>) target(%arg16 : memref<632x16xf32, #tpu.memory_space<vmem>>) target_semaphore(%run_scoped3A_137 : memref<!tpu.dma_semaphore, #tpu.memory_space<semaphore_mem>>)
      %dma_wait3A_144 = arith.constant 0 : i32
      %dma_wait3A_145 = tpu.memref_slice %arg3[%run_scoped3A, %mul3A_4, %dma_wait3A_144] : memref<2x10112x16xf32, #tpu.memory_space<hbm>> -> memref<1x632x16xf32, #tpu.memory_space<hbm>>
      %dma_wait3A_146 = tpu.memref_squeeze %dma_wait3A_145 : memref<1x632x16xf32, #tpu.memory_space<hbm>> -> memref<632x16xf32, #tpu.memory_space<hbm>>
      %dma_wait3A_147 = arith.constant 0 : i32
      %dma_wait3A_148 = tpu.memref_slice %arg3[%run_scoped3A, %mul3A_4, %dma_wait3A_147] : memref<2x10112x16xf32, #tpu.memory_space<hbm>> -> memref<1x632x16xf32, #tpu.memory_space<hbm>>
      %dma_wait3A_149 = tpu.memref_squeeze %dma_wait3A_148 : memref<1x632x16xf32, #tpu.memory_space<hbm>> -> memref<632x16xf32, #tpu.memory_space<hbm>>
      tpu.wait_dma2 semaphore(%run_scoped3A_137 : memref<!tpu.dma_semaphore, #tpu.memory_space<semaphore_mem>>) src(%dma_wait3A_149 : memref<632x16xf32, #tpu.memory_space<hbm>>) dst(%arg16 : memref<632x16xf32, #tpu.memory_space<vmem>>)
      tpu.yield
    }) : () -> ()
    %run_scoped3A_5 = arith.constant 1 : i32
    "tpu.region"() ({
      %run_scoped3A_137 = tpu.sem_alloc : memref<!tpu.dma_semaphore, #tpu.memory_space<semaphore_mem>>
      %dma_start3A_138 = arith.constant 0 : i32
      %dma_start3A_139 = arith.constant 0 : i32
      %dma_start3A_140 = tpu.memref_slice %arg15[%dma_start3A_138, %dma_start3A_139] : memref<632x32xf32, #tpu.memory_space<vmem>> -> memref<632x16xf32, #tpu.memory_space<vmem>>
      %dma_start3A_141 = arith.constant 0 : i32
      %dma_start3A_142 = tpu.memref_slice %arg3[%run_scoped3A_5, %mul3A_4, %dma_start3A_141] : memref<2x10112x16xf32, #tpu.memory_space<hbm>> -> memref<1x632x16xf32, #tpu.memory_space<hbm>>
      %dma_start3A_143 = tpu.memref_squeeze %dma_start3A_142 : memref<1x632x16xf32, #tpu.memory_space<hbm>> -> memref<632x16xf32, #tpu.memory_space<hbm>>
      %dma_start3A_144 = arith.constant 0 : i32
      %dma_start3A_145 = arith.constant 0 : i32
      %dma_start3A_146 = tpu.memref_slice %arg15[%dma_start3A_144, %dma_start3A_145] : memref<632x32xf32, #tpu.memory_space<vmem>> -> memref<632x16xf32, #tpu.memory_space<vmem>>
      %dma_start3A_147 = arith.constant 0 : i32
      %dma_start3A_148 = tpu.memref_slice %arg3[%run_scoped3A_5, %mul3A_4, %dma_start3A_147] : memref<2x10112x16xf32, #tpu.memory_space<hbm>> -> memref<1x632x16xf32, #tpu.memory_space<hbm>>
      %dma_start3A_149 = tpu.memref_squeeze %dma_start3A_148 : memref<1x632x16xf32, #tpu.memory_space<hbm>> -> memref<632x16xf32, #tpu.memory_space<hbm>>
      tpu.enqueue_dma source(%dma_start3A_149 : memref<632x16xf32, #tpu.memory_space<hbm>>) target(%dma_start3A_146 : memref<632x16xf32, #tpu.memory_space<vmem>>) target_semaphore(%run_scoped3A_137 : memref<!tpu.dma_semaphore, #tpu.memory_space<semaphore_mem>>)
      %dma_wait3A_150 = arith.constant 0 : i32
      %dma_wait3A_151 = arith.constant 0 : i32
      %dma_wait3A_152 = tpu.memref_slice %arg15[%dma_wait3A_150, %dma_wait3A_151] : memref<632x32xf32, #tpu.memory_space<vmem>> -> memref<632x16xf32, #tpu.memory_space<vmem>>
      %dma_wait3A_153 = arith.constant 0 : i32
      %dma_wait3A_154 = tpu.memref_slice %arg3[%run_scoped3A_5, %mul3A_4, %dma_wait3A_153] : memref<2x10112x16xf32, #tpu.memory_space<hbm>> -> memref<1x632x16xf32, #tpu.memory_space<hbm>>
      %dma_wait3A_155 = tpu.memref_squeeze %dma_wait3A_154 : memref<1x632x16xf32, #tpu.memory_space<hbm>> -> memref<632x16xf32, #tpu.memory_space<hbm>>
      %dma_wait3A_156 = arith.constant 0 : i32
      %dma_wait3A_157 = arith.constant 0 : i32
      %dma_wait3A_158 = tpu.memref_slice %arg15[%dma_wait3A_156, %dma_wait3A_157] : memref<632x32xf32, #tpu.memory_space<vmem>> -> memref<632x16xf32, #tpu.memory_space<vmem>>
      %dma_wait3A_159 = arith.constant 0 : i32
      %dma_wait3A_160 = tpu.memref_slice %arg3[%run_scoped3A_5, %mul3A_4, %dma_wait3A_159] : memref<2x10112x16xf32, #tpu.memory_space<hbm>> -> memref<1x632x16xf32, #tpu.memory_space<hbm>>
      %dma_wait3A_161 = tpu.memref_squeeze %dma_wait3A_160 : memref<1x632x16xf32, #tpu.memory_space<hbm>> -> memref<632x16xf32, #tpu.memory_space<hbm>>
      tpu.wait_dma2 semaphore(%run_scoped3A_137 : memref<!tpu.dma_semaphore, #tpu.memory_space<semaphore_mem>>) src(%dma_wait3A_161 : memref<632x16xf32, #tpu.memory_space<hbm>>) dst(%dma_wait3A_158 : memref<632x16xf32, #tpu.memory_space<vmem>>)
      tpu.yield
    }) : () -> ()
    %scan3A = arith.constant 0 : i32
    %scan3A_6 = arith.constant 79 : i32
    %scan3A_7 = arith.addi %scan3A, %scan3A_6 : i32
    %scan3A_8 = arith.constant 1 : i32
    scf.for %scan3A_137 = %scan3A to %scan3A_7 step %scan3A_8  : i32 {
      %mul3A_138 = arith.constant 1 : i32
      %mul3A_139 = arith.muli %scan3A_137, %mul3A_138 : i32
      %add3A = arith.constant 0 : i32
      %add3A_140 = arith.addi %add3A, %mul3A_139 : i32
      %mul3A_141 = arith.constant 8 : i32
      %mul3A_142 = arith.muli %add3A_140, %mul3A_141 : i32
      %add3A_143 = arith.constant 0 : i32
      %add3A_144 = arith.addi %mul3A_142, %add3A_143 : i32
      %get3A = arith.index_cast %add3A_144 : i32 to index
      %get3A_145 = arith.constant 0 : index
      %get3A_146 = tpu.vector_load %arg16[%get3A, %get3A_145] {strides = array<i32>} : memref<632x16xf32, #tpu.memory_space<vmem>>, vector<1x16xf32>,
      %get3A_147 = vector.shape_cast %get3A_146 : vector<1x16xf32> to vector<16xf32>
      %get3A_148 = arith.index_cast %add3A_144 : i32 to index
      %get3A_149 = arith.constant 0 : index
      %get3A_150 = tpu.vector_load %arg15[%get3A_148, %get3A_149] {strides = array<i32>} : memref<632x32xf32, #tpu.memory_space<vmem>>, vector<1x16xf32>,
      %get3A_151 = vector.shape_cast %get3A_150 : vector<1x16xf32> to vector<16xf32>
      %add3A_152 = arith.addf %get3A_147, %get3A_151 : vector<16xf32>
      %add3A_153 = arith.constant 1.000000e+00 : f32
      %add3A_154 = vector.broadcast %add3A_153 : f32 to vector<16xf32>
      %add3A_155 = arith.addf %add3A_152, %add3A_154 : vector<16xf32>
      %bitcast_convert_type3A = tpu.bitcast %add3A_155 : vector<16xf32> -> vector<16xi32>
      %shift_right_logical3A = arith.constant 1 : i32
      %shift_right_logical3A_156 = vector.broadcast %shift_right_logical3A : i32 to vector<16xi32>
      %shift_right_logical3A_157 = arith.shrui %bitcast_convert_type3A, %shift_right_logical3A_156 : vector<16xi32>
      %sub3A = arith.constant 1597463007 : i32
      %sub3A_158 = vector.broadcast %sub3A : i32 to vector<16xi32>
      %sub3A_159 = arith.subi %sub3A_158, %shift_right_logical3A_157 : vector<16xi32>
      %bitcast_convert_type3A_160 = tpu.bitcast %sub3A_159 : vector<16xi32> -> vector<16xf32>
      %mul3A_161 = arith.constant 5.000000e-01 : f32
      %mul3A_162 = vector.broadcast %mul3A_161 : f32 to vector<16xf32>
      %mul3A_163 = arith.mulf %add3A_155, %mul3A_162 : vector<16xf32>
      %mul3A_164 = arith.mulf %mul3A_163, %bitcast_convert_type3A_160 : vector<16xf32>
      %mul3A_165 = arith.mulf %mul3A_164, %bitcast_convert_type3A_160 : vector<16xf32>
      %sub3A_166 = arith.constant 1.500000e+00 : f32
      %sub3A_167 = vector.broadcast %sub3A_166 : f32 to vector<16xf32>
      %sub3A_168 = arith.subf %sub3A_167, %mul3A_165 : vector<16xf32>
      %mul3A_169 = arith.mulf %bitcast_convert_type3A_160, %sub3A_168 : vector<16xf32>
      %mul3A_170 = arith.mulf %mul3A_163, %mul3A_169 : vector<16xf32>
      %mul3A_171 = arith.mulf %mul3A_170, %mul3A_169 : vector<16xf32>
      %sub3A_172 = arith.constant 1.500000e+00 : f32
      %sub3A_173 = vector.broadcast %sub3A_172 : f32 to vector<16xf32>
      %sub3A_174 = arith.subf %sub3A_173, %mul3A_171 : vector<16xf32>
      %mul3A_175 = arith.mulf %mul3A_169, %sub3A_174 : vector<16xf32>
      %mul3A_176 = arith.mulf %mul3A_163, %mul3A_175 : vector<16xf32>
      %mul3A_177 = arith.mulf %mul3A_176, %mul3A_175 : vector<16xf32>
      %sub3A_178 = arith.constant 1.500000e+00 : f32
      %sub3A_179 = vector.broadcast %sub3A_178 : f32 to vector<16xf32>
      %sub3A_180 = arith.subf %sub3A_179, %mul3A_177 : vector<16xf32>
      %mul3A_181 = arith.mulf %mul3A_175, %sub3A_180 : vector<16xf32>
      %swap3A = arith.index_cast %add3A_144 : i32 to index
      %swap3A_182 = arith.constant 0 : index
      %swap3A_183 = tpu.vector_load %arg16[%swap3A, %swap3A_182] {strides = array<i32>} : memref<632x16xf32, #tpu.memory_space<vmem>>, vector<1x16xf32>,
      %swap3A_184 = vector.shape_cast %swap3A_183 : vector<1x16xf32> to vector<16xf32>
      %swap3A_185 = vector.shape_cast %mul3A_181 : vector<16xf32> to vector<1x16xf32>
      tpu.vector_store %arg16[%swap3A, %swap3A_182], %swap3A_185 {strides = array<i32>} : memref<632x16xf32, #tpu.memory_space<vmem>>, vector<1x16xf32>,
      %mul3A_186 = arith.constant 8 : i32
      %mul3A_187 = arith.muli %add3A_140, %mul3A_186 : i32
      %add3A_188 = arith.constant 1 : i32
      %add3A_189 = arith.addi %mul3A_187, %add3A_188 : i32
      %get3A_190 = arith.index_cast %add3A_189 : i32 to index
      %get3A_191 = arith.constant 0 : index
      %get3A_192 = tpu.vector_load %arg16[%get3A_190, %get3A_191] {strides = array<i32>} : memref<632x16xf32, #tpu.memory_space<vmem>>, vector<1x16xf32>,
      %get3A_193 = vector.shape_cast %get3A_192 : vector<1x16xf32> to vector<16xf32>
      %get3A_194 = arith.index_cast %add3A_189 : i32 to index
      %get3A_195 = arith.constant 0 : index
      %get3A_196 = tpu.vector_load %arg15[%get3A_194, %get3A_195] {strides = array<i32>} : memref<632x32xf32, #tpu.memory_space<vmem>>, vector<1x16xf32>,
      %get3A_197 = vector.shape_cast %get3A_196 : vector<1x16xf32> to vector<16xf32>
      %add3A_198 = arith.addf %get3A_193, %get3A_197 : vector<16xf32>
      %add3A_199 = arith.constant 1.000000e+00 : f32
      %add3A_200 = vector.broadcast %add3A_199 : f32 to vector<16xf32>
      %add3A_201 = arith.addf %add3A_198, %add3A_200 : vector<16xf32>
      %bitcast_convert_type3A_202 = tpu.bitcast %add3A_201 : vector<16xf32> -> vector<16xi32>
      %shift_right_logical3A_203 = arith.constant 1 : i32
      %shift_right_logical3A_204 = vector.broadcast %shift_right_logical3A_203 : i32 to vector<16xi32>
      %shift_right_logical3A_205 = arith.shrui %bitcast_convert_type3A_202, %shift_right_logical3A_204 : vector<16xi32>
      %sub3A_206 = arith.constant 1597463007 : i32
      %sub3A_207 = vector.broadcast %sub3A_206 : i32 to vector<16xi32>
      %sub3A_208 = arith.subi %sub3A_207, %shift_right_logical3A_205 : vector<16xi32>
      %bitcast_convert_type3A_209 = tpu.bitcast %sub3A_208 : vector<16xi32> -> vector<16xf32>
      %mul3A_210 = arith.constant 5.000000e-01 : f32
      %mul3A_211 = vector.broadcast %mul3A_210 : f32 to vector<16xf32>
      %mul3A_212 = arith.mulf %add3A_201, %mul3A_211 : vector<16xf32>
      %mul3A_213 = arith.mulf %mul3A_212, %bitcast_convert_type3A_209 : vector<16xf32>
      %mul3A_214 = arith.mulf %mul3A_213, %bitcast_convert_type3A_209 : vector<16xf32>
      %sub3A_215 = arith.constant 1.500000e+00 : f32
      %sub3A_216 = vector.broadcast %sub3A_215 : f32 to vector<16xf32>
      %sub3A_217 = arith.subf %sub3A_216, %mul3A_214 : vector<16xf32>
      %mul3A_218 = arith.mulf %bitcast_convert_type3A_209, %sub3A_217 : vector<16xf32>
      %mul3A_219 = arith.mulf %mul3A_212, %mul3A_218 : vector<16xf32>
      %mul3A_220 = arith.mulf %mul3A_219, %mul3A_218 : vector<16xf32>
      %sub3A_221 = arith.constant 1.500000e+00 : f32
      %sub3A_222 = vector.broadcast %sub3A_221 : f32 to vector<16xf32>
      %sub3A_223 = arith.subf %sub3A_222, %mul3A_220 : vector<16xf32>
      %mul3A_224 = arith.mulf %mul3A_218, %sub3A_223 : vector<16xf32>
      %mul3A_225 = arith.mulf %mul3A_212, %mul3A_224 : vector<16xf32>
      %mul3A_226 = arith.mulf %mul3A_225, %mul3A_224 : vector<16xf32>
      %sub3A_227 = arith.constant 1.500000e+00 : f32
      %sub3A_228 = vector.broadcast %sub3A_227 : f32 to vector<16xf32>
      %sub3A_229 = arith.subf %sub3A_228, %mul3A_226 : vector<16xf32>
      %mul3A_230 = arith.mulf %mul3A_224, %sub3A_229 : vector<16xf32>
      %swap3A_231 = arith.index_cast %add3A_189 : i32 to index
      %swap3A_232 = arith.constant 0 : index
      %swap3A_233 = tpu.vector_load %arg16[%swap3A_231, %swap3A_232] {strides = array<i32>} : memref<632x16xf32, #tpu.memory_space<vmem>>, vector<1x16xf32>,
      %swap3A_234 = vector.shape_cast %swap3A_233 : vector<1x16xf32> to vector<16xf32>
      %swap3A_235 = vector.shape_cast %mul3A_230 : vector<16xf32> to vector<1x16xf32>
      tpu.vector_store %arg16[%swap3A_231, %swap3A_232], %swap3A_235 {strides = array<i32>} : memref<632x16xf32, #tpu.memory_space<vmem>>, vector<1x16xf32>,
      %mul3A_236 = arith.constant 8 : i32
      %mul3A_237 = arith.muli %add3A_140, %mul3A_236 : i32
      %add3A_238 = arith.constant 2 : i32
      %add3A_239 = arith.addi %mul3A_237, %add3A_238 : i32
      %get3A_240 = arith.index_cast %add3A_239 : i32 to index
      %get3A_241 = arith.constant 0 : index
      %get3A_242 = tpu.vector_load %arg16[%get3A_240, %get3A_241] {strides = array<i32>} : memref<632x16xf32, #tpu.memory_space<vmem>>, vector<1x16xf32>,
      %get3A_243 = vector.shape_cast %get3A_242 : vector<1x16xf32> to vector<16xf32>
      %get3A_244 = arith.index_cast %add3A_239 : i32 to index
      %get3A_245 = arith.constant 0 : index
      %get3A_246 = tpu.vector_load %arg15[%get3A_244, %get3A_245] {strides = array<i32>} : memref<632x32xf32, #tpu.memory_space<vmem>>, vector<1x16xf32>,
      %get3A_247 = vector.shape_cast %get3A_246 : vector<1x16xf32> to vector<16xf32>
      %add3A_248 = arith.addf %get3A_243, %get3A_247 : vector<16xf32>
      %add3A_249 = arith.constant 1.000000e+00 : f32
      %add3A_250 = vector.broadcast %add3A_249 : f32 to vector<16xf32>
      %add3A_251 = arith.addf %add3A_248, %add3A_250 : vector<16xf32>
      %bitcast_convert_type3A_252 = tpu.bitcast %add3A_251 : vector<16xf32> -> vector<16xi32>
      %shift_right_logical3A_253 = arith.constant 1 : i32
      %shift_right_logical3A_254 = vector.broadcast %shift_right_logical3A_253 : i32 to vector<16xi32>
      %shift_right_logical3A_255 = arith.shrui %bitcast_convert_type3A_252, %shift_right_logical3A_254 : vector<16xi32>
      %sub3A_256 = arith.constant 1597463007 : i32
      %sub3A_257 = vector.broadcast %sub3A_256 : i32 to vector<16xi32>
      %sub3A_258 = arith.subi %sub3A_257, %shift_right_logical3A_255 : vector<16xi32>
      %bitcast_convert_type3A_259 = tpu.bitcast %sub3A_258 : vector<16xi32> -> vector<16xf32>
      %mul3A_260 = arith.constant 5.000000e-01 : f32
      %mul3A_261 = vector.broadcast %mul3A_260 : f32 to vector<16xf32>
      %mul3A_262 = arith.mulf %add3A_251, %mul3A_261 : vector<16xf32>
      %mul3A_263 = arith.mulf %mul3A_262, %bitcast_convert_type3A_259 : vector<16xf32>
      %mul3A_264 = arith.mulf %mul3A_263, %bitcast_convert_type3A_259 : vector<16xf32>
      %sub3A_265 = arith.constant 1.500000e+00 : f32
      %sub3A_266 = vector.broadcast %sub3A_265 : f32 to vector<16xf32>
      %sub3A_267 = arith.subf %sub3A_266, %mul3A_264 : vector<16xf32>
      %mul3A_268 = arith.mulf %bitcast_convert_type3A_259, %sub3A_267 : vector<16xf32>
      %mul3A_269 = arith.mulf %mul3A_262, %mul3A_268 : vector<16xf32>
      %mul3A_270 = arith.mulf %mul3A_269, %mul3A_268 : vector<16xf32>
      %sub3A_271 = arith.constant 1.500000e+00 : f32
      %sub3A_272 = vector.broadcast %sub3A_271 : f32 to vector<16xf32>
      %sub3A_273 = arith.subf %sub3A_272, %mul3A_270 : vector<16xf32>
      %mul3A_274 = arith.mulf %mul3A_268, %sub3A_273 : vector<16xf32>
      %mul3A_275 = arith.mulf %mul3A_262, %mul3A_274 : vector<16xf32>
      %mul3A_276 = arith.mulf %mul3A_275, %mul3A_274 : vector<16xf32>
      %sub3A_277 = arith.constant 1.500000e+00 : f32
      %sub3A_278 = vector.broadcast %sub3A_277 : f32 to vector<16xf32>
      %sub3A_279 = arith.subf %sub3A_278, %mul3A_276 : vector<16xf32>
      %mul3A_280 = arith.mulf %mul3A_274, %sub3A_279 : vector<16xf32>
      %swap3A_281 = arith.index_cast %add3A_239 : i32 to index
      %swap3A_282 = arith.constant 0 : index
      %swap3A_283 = tpu.vector_load %arg16[%swap3A_281, %swap3A_282] {strides = array<i32>} : memref<632x16xf32, #tpu.memory_space<vmem>>, vector<1x16xf32>,
      %swap3A_284 = vector.shape_cast %swap3A_283 : vector<1x16xf32> to vector<16xf32>
      %swap3A_285 = vector.shape_cast %mul3A_280 : vector<16xf32> to vector<1x16xf32>
      tpu.vector_store %arg16[%swap3A_281, %swap3A_282], %swap3A_285 {strides = array<i32>} : memref<632x16xf32, #tpu.memory_space<vmem>>, vector<1x16xf32>,
      %mul3A_286 = arith.constant 8 : i32
      %mul3A_287 = arith.muli %add3A_140, %mul3A_286 : i32
      %add3A_288 = arith.constant 3 : i32
      %add3A_289 = arith.addi %mul3A_287, %add3A_288 : i32
      %get3A_290 = arith.index_cast %add3A_289 : i32 to index
      %get3A_291 = arith.constant 0 : index
      %get3A_292 = tpu.vector_load %arg16[%get3A_290, %get3A_291] {strides = array<i32>} : memref<632x16xf32, #tpu.memory_space<vmem>>, vector<1x16xf32>,
      %get3A_293 = vector.shape_cast %get3A_292 : vector<1x16xf32> to vector<16xf32>
      %get3A_294 = arith.index_cast %add3A_289 : i32 to index
      %get3A_295 = arith.constant 0 : index
      %get3A_296 = tpu.vector_load %arg15[%get3A_294, %get3A_295] {strides = array<i32>} : memref<632x32xf32, #tpu.memory_space<vmem>>, vector<1x16xf32>,
      %get3A_297 = vector.shape_cast %get3A_296 : vector<1x16xf32> to vector<16xf32>
      %add3A_298 = arith.addf %get3A_293, %get3A_297 : vector<16xf32>
      %add3A_299 = arith.constant 1.000000e+00 : f32
      %add3A_300 = vector.broadcast %add3A_299 : f32 to vector<16xf32>
      %add3A_301 = arith.addf %add3A_298, %add3A_300 : vector<16xf32>
      %bitcast_convert_type3A_302 = tpu.bitcast %add3A_301 : vector<16xf32> -> vector<16xi32>
      %shift_right_logical3A_303 = arith.constant 1 : i32
      %shift_right_logical3A_304 = vector.broadcast %shift_right_logical3A_303 : i32 to vector<16xi32>
      %shift_right_logical3A_305 = arith.shrui %bitcast_convert_type3A_302, %shift_right_logical3A_304 : vector<16xi32>
      %sub3A_306 = arith.constant 1597463007 : i32
      %sub3A_307 = vector.broadcast %sub3A_306 : i32 to vector<16xi32>
      %sub3A_308 = arith.subi %sub3A_307, %shift_right_logical3A_305 : vector<16xi32>
      %bitcast_convert_type3A_309 = tpu.bitcast %sub3A_308 : vector<16xi32> -> vector<16xf32>
      %mul3A_310 = arith.constant 5.000000e-01 : f32
      %mul3A_311 = vector.broadcast %mul3A_310 : f32 to vector<16xf32>
      %mul3A_312 = arith.mulf %add3A_301, %mul3A_311 : vector<16xf32>
      %mul3A_313 = arith.mulf %mul3A_312, %bitcast_convert_type3A_309 : vector<16xf32>
      %mul3A_314 = arith.mulf %mul3A_313, %bitcast_convert_type3A_309 : vector<16xf32>
      %sub3A_315 = arith.constant 1.500000e+00 : f32
      %sub3A_316 = vector.broadcast %sub3A_315 : f32 to vector<16xf32>
      %sub3A_317 = arith.subf %sub3A_316, %mul3A_314 : vector<16xf32>
      %mul3A_318 = arith.mulf %bitcast_convert_type3A_309, %sub3A_317 : vector<16xf32>
      %mul3A_319 = arith.mulf %mul3A_312, %mul3A_318 : vector<16xf32>
      %mul3A_320 = arith.mulf %mul3A_319, %mul3A_318 : vector<16xf32>
      %sub3A_321 = arith.constant 1.500000e+00 : f32
      %sub3A_322 = vector.broadcast %sub3A_321 : f32 to vector<16xf32>
      %sub3A_323 = arith.subf %sub3A_322, %mul3A_320 : vector<16xf32>
      %mul3A_324 = arith.mulf %mul3A_318, %sub3A_323 : vector<16xf32>
      %mul3A_325 = arith.mulf %mul3A_312, %mul3A_324 : vector<16xf32>
      %mul3A_326 = arith.mulf %mul3A_325, %mul3A_324 : vector<16xf32>
      %sub3A_327 = arith.constant 1.500000e+00 : f32
      %sub3A_328 = vector.broadcast %sub3A_327 : f32 to vector<16xf32>
      %sub3A_329 = arith.subf %sub3A_328, %mul3A_326 : vector<16xf32>
      %mul3A_330 = arith.mulf %mul3A_324, %sub3A_329 : vector<16xf32>
      %swap3A_331 = arith.index_cast %add3A_289 : i32 to index
      %swap3A_332 = arith.constant 0 : index
      %swap3A_333 = tpu.vector_load %arg16[%swap3A_331, %swap3A_332] {strides = array<i32>} : memref<632x16xf32, #tpu.memory_space<vmem>>, vector<1x16xf32>,
      %swap3A_334 = vector.shape_cast %swap3A_333 : vector<1x16xf32> to vector<16xf32>
      %swap3A_335 = vector.shape_cast %mul3A_330 : vector<16xf32> to vector<1x16xf32>
      tpu.vector_store %arg16[%swap3A_331, %swap3A_332], %swap3A_335 {strides = array<i32>} : memref<632x16xf32, #tpu.memory_space<vmem>>, vector<1x16xf32>,
      %mul3A_336 = arith.constant 8 : i32
      %mul3A_337 = arith.muli %add3A_140, %mul3A_336 : i32
      %add3A_338 = arith.constant 4 : i32
      %add3A_339 = arith.addi %mul3A_337, %add3A_338 : i32
      %get3A_340 = arith.index_cast %add3A_339 : i32 to index
      %get3A_341 = arith.constant 0 : index
      %get3A_342 = tpu.vector_load %arg16[%get3A_340, %get3A_341] {strides = array<i32>} : memref<632x16xf32, #tpu.memory_space<vmem>>, vector<1x16xf32>,
      %get3A_343 = vector.shape_cast %get3A_342 : vector<1x16xf32> to vector<16xf32>
      %get3A_344 = arith.index_cast %add3A_339 : i32 to index
      %get3A_345 = arith.constant 0 : index
      %get3A_346 = tpu.vector_load %arg15[%get3A_344, %get3A_345] {strides = array<i32>} : memref<632x32xf32, #tpu.memory_space<vmem>>, vector<1x16xf32>,
      %get3A_347 = vector.shape_cast %get3A_346 : vector<1x16xf32> to vector<16xf32>
      %add3A_348 = arith.addf %get3A_343, %get3A_347 : vector<16xf32>
      %add3A_349 = arith.constant 1.000000e+00 : f32
      %add3A_350 = vector.broadcast %add3A_349 : f32 to vector<16xf32>
      %add3A_351 = arith.addf %add3A_348, %add3A_350 : vector<16xf32>
      %bitcast_convert_type3A_352 = tpu.bitcast %add3A_351 : vector<16xf32> -> vector<16xi32>
      %shift_right_logical3A_353 = arith.constant 1 : i32
      %shift_right_logical3A_354 = vector.broadcast %shift_right_logical3A_353 : i32 to vector<16xi32>
      %shift_right_logical3A_355 = arith.shrui %bitcast_convert_type3A_352, %shift_right_logical3A_354 : vector<16xi32>
      %sub3A_356 = arith.constant 1597463007 : i32
      %sub3A_357 = vector.broadcast %sub3A_356 : i32 to vector<16xi32>
      %sub3A_358 = arith.subi %sub3A_357, %shift_right_logical3A_355 : vector<16xi32>
      %bitcast_convert_type3A_359 = tpu.bitcast %sub3A_358 : vector<16xi32> -> vector<16xf32>
      %mul3A_360 = arith.constant 5.000000e-01 : f32
      %mul3A_361 = vector.broadcast %mul3A_360 : f32 to vector<16xf32>
      %mul3A_362 = arith.mulf %add3A_351, %mul3A_361 : vector<16xf32>
      %mul3A_363 = arith.mulf %mul3A_362, %bitcast_convert_type3A_359 : vector<16xf32>
      %mul3A_364 = arith.mulf %mul3A_363, %bitcast_convert_type3A_359 : vector<16xf32>
      %sub3A_365 = arith.constant 1.500000e+00 : f32
      %sub3A_366 = vector.broadcast %sub3A_365 : f32 to vector<16xf32>
      %sub3A_367 = arith.subf %sub3A_366, %mul3A_364 : vector<16xf32>
      %mul3A_368 = arith.mulf %bitcast_convert_type3A_359, %sub3A_367 : vector<16xf32>
      %mul3A_369 = arith.mulf %mul3A_362, %mul3A_368 : vector<16xf32>
      %mul3A_370 = arith.mulf %mul3A_369, %mul3A_368 : vector<16xf32>
      %sub3A_371 = arith.constant 1.500000e+00 : f32
      %sub3A_372 = vector.broadcast %sub3A_371 : f32 to vector<16xf32>
      %sub3A_373 = arith.subf %sub3A_372, %mul3A_370 : vector<16xf32>
      %mul3A_374 = arith.mulf %mul3A_368, %sub3A_373 : vector<16xf32>
      %mul3A_375 = arith.mulf %mul3A_362, %mul3A_374 : vector<16xf32>
      %mul3A_376 = arith.mulf %mul3A_375, %mul3A_374 : vector<16xf32>
      %sub3A_377 = arith.constant 1.500000e+00 : f32
      %sub3A_378 = vector.broadcast %sub3A_377 : f32 to vector<16xf32>
      %sub3A_379 = arith.subf %sub3A_378, %mul3A_376 : vector<16xf32>
      %mul3A_380 = arith.mulf %mul3A_374, %sub3A_379 : vector<16xf32>
      %swap3A_381 = arith.index_cast %add3A_339 : i32 to index
      %swap3A_382 = arith.constant 0 : index
      %swap3A_383 = tpu.vector_load %arg16[%swap3A_381, %swap3A_382] {strides = array<i32>} : memref<632x16xf32, #tpu.memory_space<vmem>>, vector<1x16xf32>,
      %swap3A_384 = vector.shape_cast %swap3A_383 : vector<1x16xf32> to vector<16xf32>
      %swap3A_385 = vector.shape_cast %mul3A_380 : vector<16xf32> to vector<1x16xf32>
      tpu.vector_store %arg16[%swap3A_381, %swap3A_382], %swap3A_385 {strides = array<i32>} : memref<632x16xf32, #tpu.memory_space<vmem>>, vector<1x16xf32>,
      %mul3A_386 = arith.constant 8 : i32
      %mul3A_387 = arith.muli %add3A_140, %mul3A_386 : i32
      %add3A_388 = arith.constant 5 : i32
      %add3A_389 = arith.addi %mul3A_387, %add3A_388 : i32
      %get3A_390 = arith.index_cast %add3A_389 : i32 to index
      %get3A_391 = arith.constant 0 : index
      %get3A_392 = tpu.vector_load %arg16[%get3A_390, %get3A_391] {strides = array<i32>} : memref<632x16xf32, #tpu.memory_space<vmem>>, vector<1x16xf32>,
      %get3A_393 = vector.shape_cast %get3A_392 : vector<1x16xf32> to vector<16xf32>
      %get3A_394 = arith.index_cast %add3A_389 : i32 to index
      %get3A_395 = arith.constant 0 : index
      %get3A_396 = tpu.vector_load %arg15[%get3A_394, %get3A_395] {strides = array<i32>} : memref<632x32xf32, #tpu.memory_space<vmem>>, vector<1x16xf32>,
      %get3A_397 = vector.shape_cast %get3A_396 : vector<1x16xf32> to vector<16xf32>
      %add3A_398 = arith.addf %get3A_393, %get3A_397 : vector<16xf32>
      %add3A_399 = arith.constant 1.000000e+00 : f32
      %add3A_400 = vector.broadcast %add3A_399 : f32 to vector<16xf32>
      %add3A_401 = arith.addf %add3A_398, %add3A_400 : vector<16xf32>
      %bitcast_convert_type3A_402 = tpu.bitcast %add3A_401 : vector<16xf32> -> vector<16xi32>
      %shift_right_logical3A_403 = arith.constant 1 : i32
      %shift_right_logical3A_404 = vector.broadcast %shift_right_logical3A_403 : i32 to vector<16xi32>
      %shift_right_logical3A_405 = arith.shrui %bitcast_convert_type3A_402, %shift_right_logical3A_404 : vector<16xi32>
      %sub3A_406 = arith.constant 1597463007 : i32
      %sub3A_407 = vector.broadcast %sub3A_406 : i32 to vector<16xi32>
      %sub3A_408 = arith.subi %sub3A_407, %shift_right_logical3A_405 : vector<16xi32>
      %bitcast_convert_type3A_409 = tpu.bitcast %sub3A_408 : vector<16xi32> -> vector<16xf32>
      %mul3A_410 = arith.constant 5.000000e-01 : f32
      %mul3A_411 = vector.broadcast %mul3A_410 : f32 to vector<16xf32>
      %mul3A_412 = arith.mulf %add3A_401, %mul3A_411 : vector<16xf32>
      %mul3A_413 = arith.mulf %mul3A_412, %bitcast_convert_type3A_409 : vector<16xf32>
      %mul3A_414 = arith.mulf %mul3A_413, %bitcast_convert_type3A_409 : vector<16xf32>
      %sub3A_415 = arith.constant 1.500000e+00 : f32
      %sub3A_416 = vector.broadcast %sub3A_415 : f32 to vector<16xf32>
      %sub3A_417 = arith.subf %sub3A_416, %mul3A_414 : vector<16xf32>
      %mul3A_418 = arith.mulf %bitcast_convert_type3A_409, %sub3A_417 : vector<16xf32>
      %mul3A_419 = arith.mulf %mul3A_412, %mul3A_418 : vector<16xf32>
      %mul3A_420 = arith.mulf %mul3A_419, %mul3A_418 : vector<16xf32>
      %sub3A_421 = arith.constant 1.500000e+00 : f32
      %sub3A_422 = vector.broadcast %sub3A_421 : f32 to vector<16xf32>
      %sub3A_423 = arith.subf %sub3A_422, %mul3A_420 : vector<16xf32>
      %mul3A_424 = arith.mulf %mul3A_418, %sub3A_423 : vector<16xf32>
      %mul3A_425 = arith.mulf %mul3A_412, %mul3A_424 : vector<16xf32>
      %mul3A_426 = arith.mulf %mul3A_425, %mul3A_424 : vector<16xf32>
      %sub3A_427 = arith.constant 1.500000e+00 : f32
      %sub3A_428 = vector.broadcast %sub3A_427 : f32 to vector<16xf32>
      %sub3A_429 = arith.subf %sub3A_428, %mul3A_426 : vector<16xf32>
      %mul3A_430 = arith.mulf %mul3A_424, %sub3A_429 : vector<16xf32>
      %swap3A_431 = arith.index_cast %add3A_389 : i32 to index
      %swap3A_432 = arith.constant 0 : index
      %swap3A_433 = tpu.vector_load %arg16[%swap3A_431, %swap3A_432] {strides = array<i32>} : memref<632x16xf32, #tpu.memory_space<vmem>>, vector<1x16xf32>,
      %swap3A_434 = vector.shape_cast %swap3A_433 : vector<1x16xf32> to vector<16xf32>
      %swap3A_435 = vector.shape_cast %mul3A_430 : vector<16xf32> to vector<1x16xf32>
      tpu.vector_store %arg16[%swap3A_431, %swap3A_432], %swap3A_435 {strides = array<i32>} : memref<632x16xf32, #tpu.memory_space<vmem>>, vector<1x16xf32>,
      %mul3A_436 = arith.constant 8 : i32
      %mul3A_437 = arith.muli %add3A_140, %mul3A_436 : i32
      %add3A_438 = arith.constant 6 : i32
      %add3A_439 = arith.addi %mul3A_437, %add3A_438 : i32
      %get3A_440 = arith.index_cast %add3A_439 : i32 to index
      %get3A_441 = arith.constant 0 : index
      %get3A_442 = tpu.vector_load %arg16[%get3A_440, %get3A_441] {strides = array<i32>} : memref<632x16xf32, #tpu.memory_space<vmem>>, vector<1x16xf32>,
      %get3A_443 = vector.shape_cast %get3A_442 : vector<1x16xf32> to vector<16xf32>
      %get3A_444 = arith.index_cast %add3A_439 : i32 to index
      %get3A_445 = arith.constant 0 : index
      %get3A_446 = tpu.vector_load %arg15[%get3A_444, %get3A_445] {strides = array<i32>} : memref<632x32xf32, #tpu.memory_space<vmem>>, vector<1x16xf32>,
      %get3A_447 = vector.shape_cast %get3A_446 : vector<1x16xf32> to vector<16xf32>
      %add3A_448 = arith.addf %get3A_443, %get3A_447 : vector<16xf32>
      %add3A_449 = arith.constant 1.000000e+00 : f32
      %add3A_450 = vector.broadcast %add3A_449 : f32 to vector<16xf32>
      %add3A_451 = arith.addf %add3A_448, %add3A_450 : vector<16xf32>
      %bitcast_convert_type3A_452 = tpu.bitcast %add3A_451 : vector<16xf32> -> vector<16xi32>
      %shift_right_logical3A_453 = arith.constant 1 : i32
      %shift_right_logical3A_454 = vector.broadcast %shift_right_logical3A_453 : i32 to vector<16xi32>
      %shift_right_logical3A_455 = arith.shrui %bitcast_convert_type3A_452, %shift_right_logical3A_454 : vector<16xi32>
      %sub3A_456 = arith.constant 1597463007 : i32
      %sub3A_457 = vector.broadcast %sub3A_456 : i32 to vector<16xi32>
      %sub3A_458 = arith.subi %sub3A_457, %shift_right_logical3A_455 : vector<16xi32>
      %bitcast_convert_type3A_459 = tpu.bitcast %sub3A_458 : vector<16xi32> -> vector<16xf32>
      %mul3A_460 = arith.constant 5.000000e-01 : f32
      %mul3A_461 = vector.broadcast %mul3A_460 : f32 to vector<16xf32>
      %mul3A_462 = arith.mulf %add3A_451, %mul3A_461 : vector<16xf32>
      %mul3A_463 = arith.mulf %mul3A_462, %bitcast_convert_type3A_459 : vector<16xf32>
      %mul3A_464 = arith.mulf %mul3A_463, %bitcast_convert_type3A_459 : vector<16xf32>
      %sub3A_465 = arith.constant 1.500000e+00 : f32
      %sub3A_466 = vector.broadcast %sub3A_465 : f32 to vector<16xf32>
      %sub3A_467 = arith.subf %sub3A_466, %mul3A_464 : vector<16xf32>
      %mul3A_468 = arith.mulf %bitcast_convert_type3A_459, %sub3A_467 : vector<16xf32>
      %mul3A_469 = arith.mulf %mul3A_462, %mul3A_468 : vector<16xf32>
      %mul3A_470 = arith.mulf %mul3A_469, %mul3A_468 : vector<16xf32>
      %sub3A_471 = arith.constant 1.500000e+00 : f32
      %sub3A_472 = vector.broadcast %sub3A_471 : f32 to vector<16xf32>
      %sub3A_473 = arith.subf %sub3A_472, %mul3A_470 : vector<16xf32>
      %mul3A_474 = arith.mulf %mul3A_468, %sub3A_473 : vector<16xf32>
      %mul3A_475 = arith.mulf %mul3A_462, %mul3A_474 : vector<16xf32>
      %mul3A_476 = arith.mulf %mul3A_475, %mul3A_474 : vector<16xf32>
      %sub3A_477 = arith.constant 1.500000e+00 : f32
      %sub3A_478 = vector.broadcast %sub3A_477 : f32 to vector<16xf32>
      %sub3A_479 = arith.subf %sub3A_478, %mul3A_476 : vector<16xf32>
      %mul3A_480 = arith.mulf %mul3A_474, %sub3A_479 : vector<16xf32>
      %swap3A_481 = arith.index_cast %add3A_439 : i32 to index
      %swap3A_482 = arith.constant 0 : index
      %swap3A_483 = tpu.vector_load %arg16[%swap3A_481, %swap3A_482] {strides = array<i32>} : memref<632x16xf32, #tpu.memory_space<vmem>>, vector<1x16xf32>,
      %swap3A_484 = vector.shape_cast %swap3A_483 : vector<1x16xf32> to vector<16xf32>
      %swap3A_485 = vector.shape_cast %mul3A_480 : vector<16xf32> to vector<1x16xf32>
      tpu.vector_store %arg16[%swap3A_481, %swap3A_482], %swap3A_485 {strides = array<i32>} : memref<632x16xf32, #tpu.memory_space<vmem>>, vector<1x16xf32>,
      %mul3A_486 = arith.constant 8 : i32
      %mul3A_487 = arith.muli %add3A_140, %mul3A_486 : i32
      %add3A_488 = arith.constant 7 : i32
      %add3A_489 = arith.addi %mul3A_487, %add3A_488 : i32
      %get3A_490 = arith.index_cast %add3A_489 : i32 to index
      %get3A_491 = arith.constant 0 : index
      %get3A_492 = tpu.vector_load %arg16[%get3A_490, %get3A_491] {strides = array<i32>} : memref<632x16xf32, #tpu.memory_space<vmem>>, vector<1x16xf32>,
      %get3A_493 = vector.shape_cast %get3A_492 : vector<1x16xf32> to vector<16xf32>
      %get3A_494 = arith.index_cast %add3A_489 : i32 to index
      %get3A_495 = arith.constant 0 : index
      %get3A_496 = tpu.vector_load %arg15[%get3A_494, %get3A_495] {strides = array<i32>} : memref<632x32xf32, #tpu.memory_space<vmem>>, vector<1x16xf32>,
      %get3A_497 = vector.shape_cast %get3A_496 : vector<1x16xf32> to vector<16xf32>
      %add3A_498 = arith.addf %get3A_493, %get3A_497 : vector<16xf32>
      %add3A_499 = arith.constant 1.000000e+00 : f32
      %add3A_500 = vector.broadcast %add3A_499 : f32 to vector<16xf32>
      %add3A_501 = arith.addf %add3A_498, %add3A_500 : vector<16xf32>
      %bitcast_convert_type3A_502 = tpu.bitcast %add3A_501 : vector<16xf32> -> vector<16xi32>
      %shift_right_logical3A_503 = arith.constant 1 : i32
      %shift_right_logical3A_504 = vector.broadcast %shift_right_logical3A_503 : i32 to vector<16xi32>
      %shift_right_logical3A_505 = arith.shrui %bitcast_convert_type3A_502, %shift_right_logical3A_504 : vector<16xi32>
      %sub3A_506 = arith.constant 1597463007 : i32
      %sub3A_507 = vector.broadcast %sub3A_506 : i32 to vector<16xi32>
      %sub3A_508 = arith.subi %sub3A_507, %shift_right_logical3A_505 : vector<16xi32>
      %bitcast_convert_type3A_509 = tpu.bitcast %sub3A_508 : vector<16xi32> -> vector<16xf32>
      %mul3A_510 = arith.constant 5.000000e-01 : f32
      %mul3A_511 = vector.broadcast %mul3A_510 : f32 to vector<16xf32>
      %mul3A_512 = arith.mulf %add3A_501, %mul3A_511 : vector<16xf32>
      %mul3A_513 = arith.mulf %mul3A_512, %bitcast_convert_type3A_509 : vector<16xf32>
      %mul3A_514 = arith.mulf %mul3A_513, %bitcast_convert_type3A_509 : vector<16xf32>
      %sub3A_515 = arith.constant 1.500000e+00 : f32
      %sub3A_516 = vector.broadcast %sub3A_515 : f32 to vector<16xf32>
      %sub3A_517 = arith.subf %sub3A_516, %mul3A_514 : vector<16xf32>
      %mul3A_518 = arith.mulf %bitcast_convert_type3A_509, %sub3A_517 : vector<16xf32>
      %mul3A_519 = arith.mulf %mul3A_512, %mul3A_518 : vector<16xf32>
      %mul3A_520 = arith.mulf %mul3A_519, %mul3A_518 : vector<16xf32>
      %sub3A_521 = arith.constant 1.500000e+00 : f32
      %sub3A_522 = vector.broadcast %sub3A_521 : f32 to vector<16xf32>
      %sub3A_523 = arith.subf %sub3A_522, %mul3A_520 : vector<16xf32>
      %mul3A_524 = arith.mulf %mul3A_518, %sub3A_523 : vector<16xf32>
      %mul3A_525 = arith.mulf %mul3A_512, %mul3A_524 : vector<16xf32>
      %mul3A_526 = arith.mulf %mul3A_525, %mul3A_524 : vector<16xf32>
      %sub3A_527 = arith.constant 1.500000e+00 : f32
      %sub3A_528 = vector.broadcast %sub3A_527 : f32 to vector<16xf32>
      %sub3A_529 = arith.subf %sub3A_528, %mul3A_526 : vector<16xf32>
      %mul3A_530 = arith.mulf %mul3A_524, %sub3A_529 : vector<16xf32>
      %swap3A_531 = arith.index_cast %add3A_489 : i32 to index
      %swap3A_532 = arith.constant 0 : index
      %swap3A_533 = tpu.vector_load %arg16[%swap3A_531, %swap3A_532] {strides = array<i32>} : memref<632x16xf32, #tpu.memory_space<vmem>>, vector<1x16xf32>,
      %swap3A_534 = vector.shape_cast %swap3A_533 : vector<1x16xf32> to vector<16xf32>
      %swap3A_535 = vector.shape_cast %mul3A_530 : vector<16xf32> to vector<1x16xf32>
      tpu.vector_store %arg16[%swap3A_531, %swap3A_532], %swap3A_535 {strides = array<i32>} : memref<632x16xf32, #tpu.memory_space<vmem>>, vector<1x16xf32>,
    }
    %scan3A_9 = arith.constant 79 : i32
    %lt3A = arith.constant 15 : i32
    %lt3A_10 = arith.cmpi slt, %arg1, %lt3A : i32
    %convert_element_type3A = arith.extui %lt3A_10 : i1 to i32
    %cond3A = arith.constant 0 : i32
    %cond3A_11 = arith.cmpi ne, %convert_element_type3A, %cond3A : i32
    scf.if %cond3A_11 {
      "tpu.region"() ({
        %run_scoped3A_142 = tpu.sem_alloc : memref<!tpu.dma_semaphore, #tpu.memory_space<semaphore_mem>>
        %dma_start3A_143 = tpu.memref_slice %arg2[%mul3A_4, %mul3A_0] : memref<10000x64xf32, #tpu.memory_space<hbm>> -> memref<632x32xf32, #tpu.memory_space<hbm>>
        %dma_start3A_144 = tpu.memref_slice %arg2[%mul3A_4, %mul3A_0] : memref<10000x64xf32, #tpu.memory_space<hbm>> -> memref<632x32xf32, #tpu.memory_space<hbm>>
        tpu.enqueue_dma source(%dma_start3A_144 : memref<632x32xf32, #tpu.memory_space<hbm>>) target(%arg15 : memref<632x32xf32, #tpu.memory_space<vmem>>) target_semaphore(%run_scoped3A_142 : memref<!tpu.dma_semaphore, #tpu.memory_space<semaphore_mem>>)
        %dma_wait3A_145 = tpu.memref_slice %arg2[%mul3A_4, %mul3A_0] : memref<10000x64xf32, #tpu.memory_space<hbm>> -> memref<632x32xf32, #tpu.memory_space<hbm>>
        %dma_wait3A_146 = tpu.memref_slice %arg2[%mul3A_4, %mul3A_0] : memref<10000x64xf32, #tpu.memory_space<hbm>> -> memref<632x32xf32, #tpu.memory_space<hbm>>
        tpu.wait_dma2 semaphore(%run_scoped3A_142 : memref<!tpu.dma_semaphore, #tpu.memory_space<semaphore_mem>>) src(%dma_wait3A_146 : memref<632x32xf32, #tpu.memory_space<hbm>>) dst(%arg15 : memref<632x32xf32, #tpu.memory_space<vmem>>)
        tpu.yield
      }) : () -> ()
      %scan3A_137 = arith.constant 0 : i32
      %scan3A_138 = arith.constant 79 : i32
      %scan3A_139 = arith.addi %scan3A_137, %scan3A_138 : i32
      %scan3A_140 = arith.constant 1 : i32
      scf.for %scan3A_142 = %scan3A_137 to %scan3A_139 step %scan3A_140  : i32 {
        %mul3A_143 = arith.constant 1 : i32
        %mul3A_144 = arith.muli %scan3A_142, %mul3A_143 : i32
        %add3A = arith.constant 0 : i32
        %add3A_145 = arith.addi %add3A, %mul3A_144 : i32
        %mul3A_146 = arith.constant 8 : i32
        %mul3A_147 = arith.muli %add3A_145, %mul3A_146 : i32
        %add3A_148 = arith.constant 0 : i32
        %add3A_149 = arith.addi %mul3A_147, %add3A_148 : i32
        %get3A = arith.index_cast %add3A_149 : i32 to index
        %get3A_150 = arith.constant 0 : index
        %get3A_151 = tpu.vector_load %arg16[%get3A, %get3A_150] {strides = array<i32>} : memref<632x16xf32, #tpu.memory_space<vmem>>, vector<1x16xf32>,
        %get3A_152 = vector.shape_cast %get3A_151 : vector<1x16xf32> to vector<16xf32>
        %get3A_153 = arith.index_cast %add3A_149 : i32 to index
        %get3A_154 = arith.constant 0 : index
        %get3A_155 = tpu.vector_load %arg15[%get3A_153, %get3A_154] {strides = array<i32>} : memref<632x32xf32, #tpu.memory_space<vmem>>, vector<1x16xf32>,
        %get3A_156 = vector.shape_cast %get3A_155 : vector<1x16xf32> to vector<16xf32>
        %mul3A_157 = arith.mulf %get3A_156, %get3A_152 : vector<16xf32>
        %swap3A = arith.index_cast %add3A_149 : i32 to index
        %swap3A_158 = arith.constant 0 : index
        %swap3A_159 = tpu.vector_load %arg15[%swap3A, %swap3A_158] {strides = array<i32>} : memref<632x32xf32, #tpu.memory_space<vmem>>, vector<1x16xf32>,
        %swap3A_160 = vector.shape_cast %swap3A_159 : vector<1x16xf32> to vector<16xf32>
        %swap3A_161 = vector.shape_cast %mul3A_157 : vector<16xf32> to vector<1x16xf32>
        tpu.vector_store %arg15[%swap3A, %swap3A_158], %swap3A_161 {strides = array<i32>} : memref<632x32xf32, #tpu.memory_space<vmem>>, vector<1x16xf32>,
        %get3A_162 = arith.index_cast %add3A_149 : i32 to index
        %get3A_163 = arith.constant 16 : index
        %get3A_164 = tpu.vector_load %arg15[%get3A_162, %get3A_163] {strides = array<i32>} : memref<632x32xf32, #tpu.memory_space<vmem>>, vector<1x16xf32>,
        %get3A_165 = vector.shape_cast %get3A_164 : vector<1x16xf32> to vector<16xf32>
        %mul3A_166 = arith.mulf %get3A_165, %get3A_152 : vector<16xf32>
        %swap3A_167 = arith.index_cast %add3A_149 : i32 to index
        %swap3A_168 = arith.constant 16 : index
        %swap3A_169 = tpu.vector_load %arg15[%swap3A_167, %swap3A_168] {strides = array<i32>} : memref<632x32xf32, #tpu.memory_space<vmem>>, vector<1x16xf32>,
        %swap3A_170 = vector.shape_cast %swap3A_169 : vector<1x16xf32> to vector<16xf32>
        %swap3A_171 = vector.shape_cast %mul3A_166 : vector<16xf32> to vector<1x16xf32>
        tpu.vector_store %arg15[%swap3A_167, %swap3A_168], %swap3A_171 {strides = array<i32>} : memref<632x32xf32, #tpu.memory_space<vmem>>, vector<1x16xf32>,
        %mul3A_172 = arith.constant 8 : i32
        %mul3A_173 = arith.muli %add3A_145, %mul3A_172 : i32
        %add3A_174 = arith.constant 1 : i32
        %add3A_175 = arith.addi %mul3A_173, %add3A_174 : i32
        %get3A_176 = arith.index_cast %add3A_175 : i32 to index
        %get3A_177 = arith.constant 0 : index
        %get3A_178 = tpu.vector_load %arg16[%get3A_176, %get3A_177] {strides = array<i32>} : memref<632x16xf32, #tpu.memory_space<vmem>>, vector<1x16xf32>,
        %get3A_179 = vector.shape_cast %get3A_178 : vector<1x16xf32> to vector<16xf32>
        %get3A_180 = arith.index_cast %add3A_175 : i32 to index
        %get3A_181 = arith.constant 0 : index
        %get3A_182 = tpu.vector_load %arg15[%get3A_180, %get3A_181] {strides = array<i32>} : memref<632x32xf32, #tpu.memory_space<vmem>>, vector<1x16xf32>,
        %get3A_183 = vector.shape_cast %get3A_182 : vector<1x16xf32> to vector<16xf32>
        %mul3A_184 = arith.mulf %get3A_183, %get3A_179 : vector<16xf32>
        %swap3A_185 = arith.index_cast %add3A_175 : i32 to index
        %swap3A_186 = arith.constant 0 : index
        %swap3A_187 = tpu.vector_load %arg15[%swap3A_185, %swap3A_186] {strides = array<i32>} : memref<632x32xf32, #tpu.memory_space<vmem>>, vector<1x16xf32>,
        %swap3A_188 = vector.shape_cast %swap3A_187 : vector<1x16xf32> to vector<16xf32>
        %swap3A_189 = vector.shape_cast %mul3A_184 : vector<16xf32> to vector<1x16xf32>
        tpu.vector_store %arg15[%swap3A_185, %swap3A_186], %swap3A_189 {strides = array<i32>} : memref<632x32xf32, #tpu.memory_space<vmem>>, vector<1x16xf32>,
        %get3A_190 = arith.index_cast %add3A_175 : i32 to index
        %get3A_191 = arith.constant 16 : index
        %get3A_192 = tpu.vector_load %arg15[%get3A_190, %get3A_191] {strides = array<i32>} : memref<632x32xf32, #tpu.memory_space<vmem>>, vector<1x16xf32>,
        %get3A_193 = vector.shape_cast %get3A_192 : vector<1x16xf32> to vector<16xf32>
        %mul3A_194 = arith.mulf %get3A_193, %get3A_179 : vector<16xf32>
        %swap3A_195 = arith.index_cast %add3A_175 : i32 to index
        %swap3A_196 = arith.constant 16 : index
        %swap3A_197 = tpu.vector_load %arg15[%swap3A_195, %swap3A_196] {strides = array<i32>} : memref<632x32xf32, #tpu.memory_space<vmem>>, vector<1x16xf32>,
        %swap3A_198 = vector.shape_cast %swap3A_197 : vector<1x16xf32> to vector<16xf32>
        %swap3A_199 = vector.shape_cast %mul3A_194 : vector<16xf32> to vector<1x16xf32>
        tpu.vector_store %arg15[%swap3A_195, %swap3A_196], %swap3A_199 {strides = array<i32>} : memref<632x32xf32, #tpu.memory_space<vmem>>, vector<1x16xf32>,
        %mul3A_200 = arith.constant 8 : i32
        %mul3A_201 = arith.muli %add3A_145, %mul3A_200 : i32
        %add3A_202 = arith.constant 2 : i32
        %add3A_203 = arith.addi %mul3A_201, %add3A_202 : i32
        %get3A_204 = arith.index_cast %add3A_203 : i32 to index
        %get3A_205 = arith.constant 0 : index
        %get3A_206 = tpu.vector_load %arg16[%get3A_204, %get3A_205] {strides = array<i32>} : memref<632x16xf32, #tpu.memory_space<vmem>>, vector<1x16xf32>,
        %get3A_207 = vector.shape_cast %get3A_206 : vector<1x16xf32> to vector<16xf32>
        %get3A_208 = arith.index_cast %add3A_203 : i32 to index
        %get3A_209 = arith.constant 0 : index
        %get3A_210 = tpu.vector_load %arg15[%get3A_208, %get3A_209] {strides = array<i32>} : memref<632x32xf32, #tpu.memory_space<vmem>>, vector<1x16xf32>,
        %get3A_211 = vector.shape_cast %get3A_210 : vector<1x16xf32> to vector<16xf32>
        %mul3A_212 = arith.mulf %get3A_211, %get3A_207 : vector<16xf32>
        %swap3A_213 = arith.index_cast %add3A_203 : i32 to index
        %swap3A_214 = arith.constant 0 : index
        %swap3A_215 = tpu.vector_load %arg15[%swap3A_213, %swap3A_214] {strides = array<i32>} : memref<632x32xf32, #tpu.memory_space<vmem>>, vector<1x16xf32>,
        %swap3A_216 = vector.shape_cast %swap3A_215 : vector<1x16xf32> to vector<16xf32>
        %swap3A_217 = vector.shape_cast %mul3A_212 : vector<16xf32> to vector<1x16xf32>
        tpu.vector_store %arg15[%swap3A_213, %swap3A_214], %swap3A_217 {strides = array<i32>} : memref<632x32xf32, #tpu.memory_space<vmem>>, vector<1x16xf32>,
        %get3A_218 = arith.index_cast %add3A_203 : i32 to index
        %get3A_219 = arith.constant 16 : index
        %get3A_220 = tpu.vector_load %arg15[%get3A_218, %get3A_219] {strides = array<i32>} : memref<632x32xf32, #tpu.memory_space<vmem>>, vector<1x16xf32>,
        %get3A_221 = vector.shape_cast %get3A_220 : vector<1x16xf32> to vector<16xf32>
        %mul3A_222 = arith.mulf %get3A_221, %get3A_207 : vector<16xf32>
        %swap3A_223 = arith.index_cast %add3A_203 : i32 to index
        %swap3A_224 = arith.constant 16 : index
        %swap3A_225 = tpu.vector_load %arg15[%swap3A_223, %swap3A_224] {strides = array<i32>} : memref<632x32xf32, #tpu.memory_space<vmem>>, vector<1x16xf32>,
        %swap3A_226 = vector.shape_cast %swap3A_225 : vector<1x16xf32> to vector<16xf32>
        %swap3A_227 = vector.shape_cast %mul3A_222 : vector<16xf32> to vector<1x16xf32>
        tpu.vector_store %arg15[%swap3A_223, %swap3A_224], %swap3A_227 {strides = array<i32>} : memref<632x32xf32, #tpu.memory_space<vmem>>, vector<1x16xf32>,
        %mul3A_228 = arith.constant 8 : i32
        %mul3A_229 = arith.muli %add3A_145, %mul3A_228 : i32
        %add3A_230 = arith.constant 3 : i32
        %add3A_231 = arith.addi %mul3A_229, %add3A_230 : i32
        %get3A_232 = arith.index_cast %add3A_231 : i32 to index
        %get3A_233 = arith.constant 0 : index
        %get3A_234 = tpu.vector_load %arg16[%get3A_232, %get3A_233] {strides = array<i32>} : memref<632x16xf32, #tpu.memory_space<vmem>>, vector<1x16xf32>,
        %get3A_235 = vector.shape_cast %get3A_234 : vector<1x16xf32> to vector<16xf32>
        %get3A_236 = arith.index_cast %add3A_231 : i32 to index
        %get3A_237 = arith.constant 0 : index
        %get3A_238 = tpu.vector_load %arg15[%get3A_236, %get3A_237] {strides = array<i32>} : memref<632x32xf32, #tpu.memory_space<vmem>>, vector<1x16xf32>,
        %get3A_239 = vector.shape_cast %get3A_238 : vector<1x16xf32> to vector<16xf32>
        %mul3A_240 = arith.mulf %get3A_239, %get3A_235 : vector<16xf32>
        %swap3A_241 = arith.index_cast %add3A_231 : i32 to index
        %swap3A_242 = arith.constant 0 : index
        %swap3A_243 = tpu.vector_load %arg15[%swap3A_241, %swap3A_242] {strides = array<i32>} : memref<632x32xf32, #tpu.memory_space<vmem>>, vector<1x16xf32>,
        %swap3A_244 = vector.shape_cast %swap3A_243 : vector<1x16xf32> to vector<16xf32>
        %swap3A_245 = vector.shape_cast %mul3A_240 : vector<16xf32> to vector<1x16xf32>
        tpu.vector_store %arg15[%swap3A_241, %swap3A_242], %swap3A_245 {strides = array<i32>} : memref<632x32xf32, #tpu.memory_space<vmem>>, vector<1x16xf32>,
        %get3A_246 = arith.index_cast %add3A_231 : i32 to index
        %get3A_247 = arith.constant 16 : index
        %get3A_248 = tpu.vector_load %arg15[%get3A_246, %get3A_247] {strides = array<i32>} : memref<632x32xf32, #tpu.memory_space<vmem>>, vector<1x16xf32>,
        %get3A_249 = vector.shape_cast %get3A_248 : vector<1x16xf32> to vector<16xf32>
        %mul3A_250 = arith.mulf %get3A_249, %get3A_235 : vector<16xf32>
        %swap3A_251 = arith.index_cast %add3A_231 : i32 to index
        %swap3A_252 = arith.constant 16 : index
        %swap3A_253 = tpu.vector_load %arg15[%swap3A_251, %swap3A_252] {strides = array<i32>} : memref<632x32xf32, #tpu.memory_space<vmem>>, vector<1x16xf32>,
        %swap3A_254 = vector.shape_cast %swap3A_253 : vector<1x16xf32> to vector<16xf32>
        %swap3A_255 = vector.shape_cast %mul3A_250 : vector<16xf32> to vector<1x16xf32>
        tpu.vector_store %arg15[%swap3A_251, %swap3A_252], %swap3A_255 {strides = array<i32>} : memref<632x32xf32, #tpu.memory_space<vmem>>, vector<1x16xf32>,
        %mul3A_256 = arith.constant 8 : i32
        %mul3A_257 = arith.muli %add3A_145, %mul3A_256 : i32
        %add3A_258 = arith.constant 4 : i32
        %add3A_259 = arith.addi %mul3A_257, %add3A_258 : i32
        %get3A_260 = arith.index_cast %add3A_259 : i32 to index
        %get3A_261 = arith.constant 0 : index
        %get3A_262 = tpu.vector_load %arg16[%get3A_260, %get3A_261] {strides = array<i32>} : memref<632x16xf32, #tpu.memory_space<vmem>>, vector<1x16xf32>,
        %get3A_263 = vector.shape_cast %get3A_262 : vector<1x16xf32> to vector<16xf32>
        %get3A_264 = arith.index_cast %add3A_259 : i32 to index
        %get3A_265 = arith.constant 0 : index
        %get3A_266 = tpu.vector_load %arg15[%get3A_264, %get3A_265] {strides = array<i32>} : memref<632x32xf32, #tpu.memory_space<vmem>>, vector<1x16xf32>,
        %get3A_267 = vector.shape_cast %get3A_266 : vector<1x16xf32> to vector<16xf32>
        %mul3A_268 = arith.mulf %get3A_267, %get3A_263 : vector<16xf32>
        %swap3A_269 = arith.index_cast %add3A_259 : i32 to index
        %swap3A_270 = arith.constant 0 : index
        %swap3A_271 = tpu.vector_load %arg15[%swap3A_269, %swap3A_270] {strides = array<i32>} : memref<632x32xf32, #tpu.memory_space<vmem>>, vector<1x16xf32>,
        %swap3A_272 = vector.shape_cast %swap3A_271 : vector<1x16xf32> to vector<16xf32>
        %swap3A_273 = vector.shape_cast %mul3A_268 : vector<16xf32> to vector<1x16xf32>
        tpu.vector_store %arg15[%swap3A_269, %swap3A_270], %swap3A_273 {strides = array<i32>} : memref<632x32xf32, #tpu.memory_space<vmem>>, vector<1x16xf32>,
        %get3A_274 = arith.index_cast %add3A_259 : i32 to index
        %get3A_275 = arith.constant 16 : index
        %get3A_276 = tpu.vector_load %arg15[%get3A_274, %get3A_275] {strides = array<i32>} : memref<632x32xf32, #tpu.memory_space<vmem>>, vector<1x16xf32>,
        %get3A_277 = vector.shape_cast %get3A_276 : vector<1x16xf32> to vector<16xf32>
        %mul3A_278 = arith.mulf %get3A_277, %get3A_263 : vector<16xf32>
        %swap3A_279 = arith.index_cast %add3A_259 : i32 to index
        %swap3A_280 = arith.constant 16 : index
        %swap3A_281 = tpu.vector_load %arg15[%swap3A_279, %swap3A_280] {strides = array<i32>} : memref<632x32xf32, #tpu.memory_space<vmem>>, vector<1x16xf32>,
        %swap3A_282 = vector.shape_cast %swap3A_281 : vector<1x16xf32> to vector<16xf32>
        %swap3A_283 = vector.shape_cast %mul3A_278 : vector<16xf32> to vector<1x16xf32>
        tpu.vector_store %arg15[%swap3A_279, %swap3A_280], %swap3A_283 {strides = array<i32>} : memref<632x32xf32, #tpu.memory_space<vmem>>, vector<1x16xf32>,
        %mul3A_284 = arith.constant 8 : i32
        %mul3A_285 = arith.muli %add3A_145, %mul3A_284 : i32
        %add3A_286 = arith.constant 5 : i32
        %add3A_287 = arith.addi %mul3A_285, %add3A_286 : i32
        %get3A_288 = arith.index_cast %add3A_287 : i32 to index
        %get3A_289 = arith.constant 0 : index
        %get3A_290 = tpu.vector_load %arg16[%get3A_288, %get3A_289] {strides = array<i32>} : memref<632x16xf32, #tpu.memory_space<vmem>>, vector<1x16xf32>,
        %get3A_291 = vector.shape_cast %get3A_290 : vector<1x16xf32> to vector<16xf32>
        %get3A_292 = arith.index_cast %add3A_287 : i32 to index
        %get3A_293 = arith.constant 0 : index
        %get3A_294 = tpu.vector_load %arg15[%get3A_292, %get3A_293] {strides = array<i32>} : memref<632x32xf32, #tpu.memory_space<vmem>>, vector<1x16xf32>,
        %get3A_295 = vector.shape_cast %get3A_294 : vector<1x16xf32> to vector<16xf32>
        %mul3A_296 = arith.mulf %get3A_295, %get3A_291 : vector<16xf32>
        %swap3A_297 = arith.index_cast %add3A_287 : i32 to index
        %swap3A_298 = arith.constant 0 : index
        %swap3A_299 = tpu.vector_load %arg15[%swap3A_297, %swap3A_298] {strides = array<i32>} : memref<632x32xf32, #tpu.memory_space<vmem>>, vector<1x16xf32>,
        %swap3A_300 = vector.shape_cast %swap3A_299 : vector<1x16xf32> to vector<16xf32>
        %swap3A_301 = vector.shape_cast %mul3A_296 : vector<16xf32> to vector<1x16xf32>
        tpu.vector_store %arg15[%swap3A_297, %swap3A_298], %swap3A_301 {strides = array<i32>} : memref<632x32xf32, #tpu.memory_space<vmem>>, vector<1x16xf32>,
        %get3A_302 = arith.index_cast %add3A_287 : i32 to index
        %get3A_303 = arith.constant 16 : index
        %get3A_304 = tpu.vector_load %arg15[%get3A_302, %get3A_303] {strides = array<i32>} : memref<632x32xf32, #tpu.memory_space<vmem>>, vector<1x16xf32>,
        %get3A_305 = vector.shape_cast %get3A_304 : vector<1x16xf32> to vector<16xf32>
        %mul3A_306 = arith.mulf %get3A_305, %get3A_291 : vector<16xf32>
        %swap3A_307 = arith.index_cast %add3A_287 : i32 to index
        %swap3A_308 = arith.constant 16 : index
        %swap3A_309 = tpu.vector_load %arg15[%swap3A_307, %swap3A_308] {strides = array<i32>} : memref<632x32xf32, #tpu.memory_space<vmem>>, vector<1x16xf32>,
        %swap3A_310 = vector.shape_cast %swap3A_309 : vector<1x16xf32> to vector<16xf32>
        %swap3A_311 = vector.shape_cast %mul3A_306 : vector<16xf32> to vector<1x16xf32>
        tpu.vector_store %arg15[%swap3A_307, %swap3A_308], %swap3A_311 {strides = array<i32>} : memref<632x32xf32, #tpu.memory_space<vmem>>, vector<1x16xf32>,
        %mul3A_312 = arith.constant 8 : i32
        %mul3A_313 = arith.muli %add3A_145, %mul3A_312 : i32
        %add3A_314 = arith.constant 6 : i32
        %add3A_315 = arith.addi %mul3A_313, %add3A_314 : i32
        %get3A_316 = arith.index_cast %add3A_315 : i32 to index
        %get3A_317 = arith.constant 0 : index
        %get3A_318 = tpu.vector_load %arg16[%get3A_316, %get3A_317] {strides = array<i32>} : memref<632x16xf32, #tpu.memory_space<vmem>>, vector<1x16xf32>,
        %get3A_319 = vector.shape_cast %get3A_318 : vector<1x16xf32> to vector<16xf32>
        %get3A_320 = arith.index_cast %add3A_315 : i32 to index
        %get3A_321 = arith.constant 0 : index
        %get3A_322 = tpu.vector_load %arg15[%get3A_320, %get3A_321] {strides = array<i32>} : memref<632x32xf32, #tpu.memory_space<vmem>>, vector<1x16xf32>,
        %get3A_323 = vector.shape_cast %get3A_322 : vector<1x16xf32> to vector<16xf32>
        %mul3A_324 = arith.mulf %get3A_323, %get3A_319 : vector<16xf32>
        %swap3A_325 = arith.index_cast %add3A_315 : i32 to index
        %swap3A_326 = arith.constant 0 : index
        %swap3A_327 = tpu.vector_load %arg15[%swap3A_325, %swap3A_326] {strides = array<i32>} : memref<632x32xf32, #tpu.memory_space<vmem>>, vector<1x16xf32>,
        %swap3A_328 = vector.shape_cast %swap3A_327 : vector<1x16xf32> to vector<16xf32>
        %swap3A_329 = vector.shape_cast %mul3A_324 : vector<16xf32> to vector<1x16xf32>
        tpu.vector_store %arg15[%swap3A_325, %swap3A_326], %swap3A_329 {strides = array<i32>} : memref<632x32xf32, #tpu.memory_space<vmem>>, vector<1x16xf32>,
        %get3A_330 = arith.index_cast %add3A_315 : i32 to index
        %get3A_331 = arith.constant 16 : index
        %get3A_332 = tpu.vector_load %arg15[%get3A_330, %get3A_331] {strides = array<i32>} : memref<632x32xf32, #tpu.memory_space<vmem>>, vector<1x16xf32>,
        %get3A_333 = vector.shape_cast %get3A_332 : vector<1x16xf32> to vector<16xf32>
        %mul3A_334 = arith.mulf %get3A_333, %get3A_319 : vector<16xf32>
        %swap3A_335 = arith.index_cast %add3A_315 : i32 to index
        %swap3A_336 = arith.constant 16 : index
        %swap3A_337 = tpu.vector_load %arg15[%swap3A_335, %swap3A_336] {strides = array<i32>} : memref<632x32xf32, #tpu.memory_space<vmem>>, vector<1x16xf32>,
        %swap3A_338 = vector.shape_cast %swap3A_337 : vector<1x16xf32> to vector<16xf32>
        %swap3A_339 = vector.shape_cast %mul3A_334 : vector<16xf32> to vector<1x16xf32>
        tpu.vector_store %arg15[%swap3A_335, %swap3A_336], %swap3A_339 {strides = array<i32>} : memref<632x32xf32, #tpu.memory_space<vmem>>, vector<1x16xf32>,
        %mul3A_340 = arith.constant 8 : i32
        %mul3A_341 = arith.muli %add3A_145, %mul3A_340 : i32
        %add3A_342 = arith.constant 7 : i32
        %add3A_343 = arith.addi %mul3A_341, %add3A_342 : i32
        %get3A_344 = arith.index_cast %add3A_343 : i32 to index
        %get3A_345 = arith.constant 0 : index
        %get3A_346 = tpu.vector_load %arg16[%get3A_344, %get3A_345] {strides = array<i32>} : memref<632x16xf32, #tpu.memory_space<vmem>>, vector<1x16xf32>,
        %get3A_347 = vector.shape_cast %get3A_346 : vector<1x16xf32> to vector<16xf32>
        %get3A_348 = arith.index_cast %add3A_343 : i32 to index
        %get3A_349 = arith.constant 0 : index
        %get3A_350 = tpu.vector_load %arg15[%get3A_348, %get3A_349] {strides = array<i32>} : memref<632x32xf32, #tpu.memory_space<vmem>>, vector<1x16xf32>,
        %get3A_351 = vector.shape_cast %get3A_350 : vector<1x16xf32> to vector<16xf32>
        %mul3A_352 = arith.mulf %get3A_351, %get3A_347 : vector<16xf32>
        %swap3A_353 = arith.index_cast %add3A_343 : i32 to index
        %swap3A_354 = arith.constant 0 : index
        %swap3A_355 = tpu.vector_load %arg15[%swap3A_353, %swap3A_354] {strides = array<i32>} : memref<632x32xf32, #tpu.memory_space<vmem>>, vector<1x16xf32>,
        %swap3A_356 = vector.shape_cast %swap3A_355 : vector<1x16xf32> to vector<16xf32>
        %swap3A_357 = vector.shape_cast %mul3A_352 : vector<16xf32> to vector<1x16xf32>
        tpu.vector_store %arg15[%swap3A_353, %swap3A_354], %swap3A_357 {strides = array<i32>} : memref<632x32xf32, #tpu.memory_space<vmem>>, vector<1x16xf32>,
        %get3A_358 = arith.index_cast %add3A_343 : i32 to index
        %get3A_359 = arith.constant 16 : index
        %get3A_360 = tpu.vector_load %arg15[%get3A_358, %get3A_359] {strides = array<i32>} : memref<632x32xf32, #tpu.memory_space<vmem>>, vector<1x16xf32>,
        %get3A_361 = vector.shape_cast %get3A_360 : vector<1x16xf32> to vector<16xf32>
        %mul3A_362 = arith.mulf %get3A_361, %get3A_347 : vector<16xf32>
        %swap3A_363 = arith.index_cast %add3A_343 : i32 to index
        %swap3A_364 = arith.constant 16 : index
        %swap3A_365 = tpu.vector_load %arg15[%swap3A_363, %swap3A_364] {strides = array<i32>} : memref<632x32xf32, #tpu.memory_space<vmem>>, vector<1x16xf32>,
        %swap3A_366 = vector.shape_cast %swap3A_365 : vector<1x16xf32> to vector<16xf32>
        %swap3A_367 = vector.shape_cast %mul3A_362 : vector<16xf32> to vector<1x16xf32>
        tpu.vector_store %arg15[%swap3A_363, %swap3A_364], %swap3A_367 {strides = array<i32>} : memref<632x32xf32, #tpu.memory_space<vmem>>, vector<1x16xf32>,
      }
      %scan3A_141 = arith.constant 79 : i32
      "tpu.region"() ({
        %run_scoped3A_142 = tpu.sem_alloc : memref<!tpu.dma_semaphore, #tpu.memory_space<semaphore_mem>>
        %dma_start3A_143 = arith.constant 0 : i32
        %dma_start3A_144 = tpu.memref_slice %arg21[%mul3A_4, %dma_start3A_143] : memref<10000x32xf32, #tpu.memory_space<vmem_shared>> -> memref<632x32xf32, #tpu.memory_space<vmem_shared>>
        %dma_start3A_145 = arith.constant 0 : i32
        %dma_start3A_146 = tpu.memref_slice %arg21[%mul3A_4, %dma_start3A_145] : memref<10000x32xf32, #tpu.memory_space<vmem_shared>> -> memref<632x32xf32, #tpu.memory_space<vmem_shared>>
        tpu.enqueue_dma source(%arg15 : memref<632x32xf32, #tpu.memory_space<vmem>>) target(%dma_start3A_146 : memref<632x32xf32, #tpu.memory_space<vmem_shared>>) target_semaphore(%run_scoped3A_142 : memref<!tpu.dma_semaphore, #tpu.memory_space<semaphore_mem>>)
        %dma_wait3A_147 = arith.constant 0 : i32
        %dma_wait3A_148 = tpu.memref_slice %arg21[%mul3A_4, %dma_wait3A_147] : memref<10000x32xf32, #tpu.memory_space<vmem_shared>> -> memref<632x32xf32, #tpu.memory_space<vmem_shared>>
        %dma_wait3A_149 = arith.constant 0 : i32
        %dma_wait3A_150 = tpu.memref_slice %arg21[%mul3A_4, %dma_wait3A_149] : memref<10000x32xf32, #tpu.memory_space<vmem_shared>> -> memref<632x32xf32, #tpu.memory_space<vmem_shared>>
        tpu.wait_dma2 semaphore(%run_scoped3A_142 : memref<!tpu.dma_semaphore, #tpu.memory_space<semaphore_mem>>) src(%arg15 : memref<632x32xf32, #tpu.memory_space<vmem>>) dst(%dma_wait3A_150 : memref<632x32xf32, #tpu.memory_space<vmem_shared>>)
        tpu.yield
      }) : () -> ()
      "tpu.region"() ({
        %run_scoped3A_142 = tpu.sem_alloc : memref<!tpu.dma_semaphore, #tpu.memory_space<semaphore_mem>>
        %dma_start3A_143 = arith.constant 0 : i32
        %dma_start3A_144 = tpu.memref_slice %arg20[%mul3A_4, %dma_start3A_143] : memref<10112x32xf32, #tpu.memory_space<vmem_shared>> -> memref<632x32xf32, #tpu.memory_space<vmem_shared>>
        %dma_start3A_145 = arith.constant 0 : i32
        %dma_start3A_146 = tpu.memref_slice %arg20[%mul3A_4, %dma_start3A_145] : memref<10112x32xf32, #tpu.memory_space<vmem_shared>> -> memref<632x32xf32, #tpu.memory_space<vmem_shared>>
        tpu.enqueue_dma source(%arg15 : memref<632x32xf32, #tpu.memory_space<vmem>>) target(%dma_start3A_146 : memref<632x32xf32, #tpu.memory_space<vmem_shared>>) target_semaphore(%run_scoped3A_142 : memref<!tpu.dma_semaphore, #tpu.memory_space<semaphore_mem>>)
        %dma_wait3A_147 = arith.constant 0 : i32
        %dma_wait3A_148 = tpu.memref_slice %arg20[%mul3A_4, %dma_wait3A_147] : memref<10112x32xf32, #tpu.memory_space<vmem_shared>> -> memref<632x32xf32, #tpu.memory_space<vmem_shared>>
        %dma_wait3A_149 = arith.constant 0 : i32
        %dma_wait3A_150 = tpu.memref_slice %arg20[%mul3A_4, %dma_wait3A_149] : memref<10112x32xf32, #tpu.memory_space<vmem_shared>> -> memref<632x32xf32, #tpu.memory_space<vmem_shared>>
        tpu.wait_dma2 semaphore(%run_scoped3A_142 : memref<!tpu.dma_semaphore, #tpu.memory_space<semaphore_mem>>) src(%arg15 : memref<632x32xf32, #tpu.memory_space<vmem>>) dst(%dma_wait3A_150 : memref<632x32xf32, #tpu.memory_space<vmem_shared>>)
        tpu.yield
      }) : () -> ()
    } else {
    }
    %eq3A = arith.constant 15 : i32
    %eq3A_12 = arith.cmpi eq, %arg1, %eq3A : i32
    %convert_element_type3A_13 = arith.extui %eq3A_12 : i1 to i32
    %cond3A_14 = arith.constant 0 : i32
    %cond3A_15 = arith.cmpi ne, %convert_element_type3A_13, %cond3A_14 : i32
    scf.if %cond3A_15 {
      "tpu.region"() ({
        %run_scoped3A_142 = tpu.sem_alloc : memref<!tpu.dma_semaphore, #tpu.memory_space<semaphore_mem>>
        %dma_start3A_143 = arith.constant 0 : i32
        %dma_start3A_144 = arith.constant 0 : i32
        %dma_start3A_145 = tpu.memref_slice %arg15[%dma_start3A_143, %dma_start3A_144] : memref<632x32xf32, #tpu.memory_space<vmem>> -> memref<520x32xf32, #tpu.memory_space<vmem>>
        %dma_start3A_146 = arith.constant 9480 : i32
        %dma_start3A_147 = tpu.memref_slice %arg2[%dma_start3A_146, %mul3A_0] : memref<10000x64xf32, #tpu.memory_space<hbm>> -> memref<520x32xf32, #tpu.memory_space<hbm>>
        %dma_start3A_148 = arith.constant 0 : i32
        %dma_start3A_149 = arith.constant 0 : i32
        %dma_start3A_150 = tpu.memref_slice %arg15[%dma_start3A_148, %dma_start3A_149] : memref<632x32xf32, #tpu.memory_space<vmem>> -> memref<520x32xf32, #tpu.memory_space<vmem>>
        %dma_start3A_151 = arith.constant 9480 : i32
        %dma_start3A_152 = tpu.memref_slice %arg2[%dma_start3A_151, %mul3A_0] : memref<10000x64xf32, #tpu.memory_space<hbm>> -> memref<520x32xf32, #tpu.memory_space<hbm>>
        tpu.enqueue_dma source(%dma_start3A_152 : memref<520x32xf32, #tpu.memory_space<hbm>>) target(%dma_start3A_150 : memref<520x32xf32, #tpu.memory_space<vmem>>) target_semaphore(%run_scoped3A_142 : memref<!tpu.dma_semaphore, #tpu.memory_space<semaphore_mem>>)
        %dma_wait3A_153 = arith.constant 0 : i32
        %dma_wait3A_154 = arith.constant 0 : i32
        %dma_wait3A_155 = tpu.memref_slice %arg15[%dma_wait3A_153, %dma_wait3A_154] : memref<632x32xf32, #tpu.memory_space<vmem>> -> memref<520x32xf32, #tpu.memory_space<vmem>>
        %dma_wait3A_156 = arith.constant 9480 : i32
        %dma_wait3A_157 = tpu.memref_slice %arg2[%dma_wait3A_156, %mul3A_0] : memref<10000x64xf32, #tpu.memory_space<hbm>> -> memref<520x32xf32, #tpu.memory_space<hbm>>
        %dma_wait3A_158 = arith.constant 0 : i32
        %dma_wait3A_159 = arith.constant 0 : i32
        %dma_wait3A_160 = tpu.memref_slice %arg15[%dma_wait3A_158, %dma_wait3A_159] : memref<632x32xf32, #tpu.memory_space<vmem>> -> memref<520x32xf32, #tpu.memory_space<vmem>>
        %dma_wait3A_161 = arith.constant 9480 : i32
        %dma_wait3A_162 = tpu.memref_slice %arg2[%dma_wait3A_161, %mul3A_0] : memref<10000x64xf32, #tpu.memory_space<hbm>> -> memref<520x32xf32, #tpu.memory_space<hbm>>
        tpu.wait_dma2 semaphore(%run_scoped3A_142 : memref<!tpu.dma_semaphore, #tpu.memory_space<semaphore_mem>>) src(%dma_wait3A_162 : memref<520x32xf32, #tpu.memory_space<hbm>>) dst(%dma_wait3A_160 : memref<520x32xf32, #tpu.memory_space<vmem>>)
        tpu.yield
      }) : () -> ()
      %scan3A_137 = arith.constant 0 : i32
      %scan3A_138 = arith.constant 65 : i32
      %scan3A_139 = arith.addi %scan3A_137, %scan3A_138 : i32
      %scan3A_140 = arith.constant 1 : i32
      scf.for %scan3A_142 = %scan3A_137 to %scan3A_139 step %scan3A_140  : i32 {
        %mul3A_143 = arith.constant 1 : i32
        %mul3A_144 = arith.muli %scan3A_142, %mul3A_143 : i32
        %add3A = arith.constant 0 : i32
        %add3A_145 = arith.addi %add3A, %mul3A_144 : i32
        %mul3A_146 = arith.constant 8 : i32
        %mul3A_147 = arith.muli %add3A_145, %mul3A_146 : i32
        %add3A_148 = arith.constant 0 : i32
        %add3A_149 = arith.addi %mul3A_147, %add3A_148 : i32
        %get3A = arith.index_cast %add3A_149 : i32 to index
        %get3A_150 = arith.constant 0 : index
        %get3A_151 = tpu.vector_load %arg16[%get3A, %get3A_150] {strides = array<i32>} : memref<632x16xf32, #tpu.memory_space<vmem>>, vector<1x16xf32>,
        %get3A_152 = vector.shape_cast %get3A_151 : vector<1x16xf32> to vector<16xf32>
        %get3A_153 = arith.index_cast %add3A_149 : i32 to index
        %get3A_154 = arith.constant 0 : index
        %get3A_155 = tpu.vector_load %arg15[%get3A_153, %get3A_154] {strides = array<i32>} : memref<632x32xf32, #tpu.memory_space<vmem>>, vector<1x16xf32>,
        %get3A_156 = vector.shape_cast %get3A_155 : vector<1x16xf32> to vector<16xf32>
        %mul3A_157 = arith.mulf %get3A_156, %get3A_152 : vector<16xf32>
        %swap3A = arith.index_cast %add3A_149 : i32 to index
        %swap3A_158 = arith.constant 0 : index
        %swap3A_159 = tpu.vector_load %arg15[%swap3A, %swap3A_158] {strides = array<i32>} : memref<632x32xf32, #tpu.memory_space<vmem>>, vector<1x16xf32>,
        %swap3A_160 = vector.shape_cast %swap3A_159 : vector<1x16xf32> to vector<16xf32>
        %swap3A_161 = vector.shape_cast %mul3A_157 : vector<16xf32> to vector<1x16xf32>
        tpu.vector_store %arg15[%swap3A, %swap3A_158], %swap3A_161 {strides = array<i32>} : memref<632x32xf32, #tpu.memory_space<vmem>>, vector<1x16xf32>,
        %get3A_162 = arith.index_cast %add3A_149 : i32 to index
        %get3A_163 = arith.constant 16 : index
        %get3A_164 = tpu.vector_load %arg15[%get3A_162, %get3A_163] {strides = array<i32>} : memref<632x32xf32, #tpu.memory_space<vmem>>, vector<1x16xf32>,
        %get3A_165 = vector.shape_cast %get3A_164 : vector<1x16xf32> to vector<16xf32>
        %mul3A_166 = arith.mulf %get3A_165, %get3A_152 : vector<16xf32>
        %swap3A_167 = arith.index_cast %add3A_149 : i32 to index
        %swap3A_168 = arith.constant 16 : index
        %swap3A_169 = tpu.vector_load %arg15[%swap3A_167, %swap3A_168] {strides = array<i32>} : memref<632x32xf32, #tpu.memory_space<vmem>>, vector<1x16xf32>,
        %swap3A_170 = vector.shape_cast %swap3A_169 : vector<1x16xf32> to vector<16xf32>
        %swap3A_171 = vector.shape_cast %mul3A_166 : vector<16xf32> to vector<1x16xf32>
        tpu.vector_store %arg15[%swap3A_167, %swap3A_168], %swap3A_171 {strides = array<i32>} : memref<632x32xf32, #tpu.memory_space<vmem>>, vector<1x16xf32>,
        %mul3A_172 = arith.constant 8 : i32
        %mul3A_173 = arith.muli %add3A_145, %mul3A_172 : i32
        %add3A_174 = arith.constant 1 : i32
        %add3A_175 = arith.addi %mul3A_173, %add3A_174 : i32
        %get3A_176 = arith.index_cast %add3A_175 : i32 to index
        %get3A_177 = arith.constant 0 : index
        %get3A_178 = tpu.vector_load %arg16[%get3A_176, %get3A_177] {strides = array<i32>} : memref<632x16xf32, #tpu.memory_space<vmem>>, vector<1x16xf32>,
        %get3A_179 = vector.shape_cast %get3A_178 : vector<1x16xf32> to vector<16xf32>
        %get3A_180 = arith.index_cast %add3A_175 : i32 to index
        %get3A_181 = arith.constant 0 : index
        %get3A_182 = tpu.vector_load %arg15[%get3A_180, %get3A_181] {strides = array<i32>} : memref<632x32xf32, #tpu.memory_space<vmem>>, vector<1x16xf32>,
        %get3A_183 = vector.shape_cast %get3A_182 : vector<1x16xf32> to vector<16xf32>
        %mul3A_184 = arith.mulf %get3A_183, %get3A_179 : vector<16xf32>
        %swap3A_185 = arith.index_cast %add3A_175 : i32 to index
        %swap3A_186 = arith.constant 0 : index
        %swap3A_187 = tpu.vector_load %arg15[%swap3A_185, %swap3A_186] {strides = array<i32>} : memref<632x32xf32, #tpu.memory_space<vmem>>, vector<1x16xf32>,
        %swap3A_188 = vector.shape_cast %swap3A_187 : vector<1x16xf32> to vector<16xf32>
        %swap3A_189 = vector.shape_cast %mul3A_184 : vector<16xf32> to vector<1x16xf32>
        tpu.vector_store %arg15[%swap3A_185, %swap3A_186], %swap3A_189 {strides = array<i32>} : memref<632x32xf32, #tpu.memory_space<vmem>>, vector<1x16xf32>,
        %get3A_190 = arith.index_cast %add3A_175 : i32 to index
        %get3A_191 = arith.constant 16 : index
        %get3A_192 = tpu.vector_load %arg15[%get3A_190, %get3A_191] {strides = array<i32>} : memref<632x32xf32, #tpu.memory_space<vmem>>, vector<1x16xf32>,
        %get3A_193 = vector.shape_cast %get3A_192 : vector<1x16xf32> to vector<16xf32>
        %mul3A_194 = arith.mulf %get3A_193, %get3A_179 : vector<16xf32>
        %swap3A_195 = arith.index_cast %add3A_175 : i32 to index
        %swap3A_196 = arith.constant 16 : index
        %swap3A_197 = tpu.vector_load %arg15[%swap3A_195, %swap3A_196] {strides = array<i32>} : memref<632x32xf32, #tpu.memory_space<vmem>>, vector<1x16xf32>,
        %swap3A_198 = vector.shape_cast %swap3A_197 : vector<1x16xf32> to vector<16xf32>
        %swap3A_199 = vector.shape_cast %mul3A_194 : vector<16xf32> to vector<1x16xf32>
        tpu.vector_store %arg15[%swap3A_195, %swap3A_196], %swap3A_199 {strides = array<i32>} : memref<632x32xf32, #tpu.memory_space<vmem>>, vector<1x16xf32>,
        %mul3A_200 = arith.constant 8 : i32
        %mul3A_201 = arith.muli %add3A_145, %mul3A_200 : i32
        %add3A_202 = arith.constant 2 : i32
        %add3A_203 = arith.addi %mul3A_201, %add3A_202 : i32
        %get3A_204 = arith.index_cast %add3A_203 : i32 to index
        %get3A_205 = arith.constant 0 : index
        %get3A_206 = tpu.vector_load %arg16[%get3A_204, %get3A_205] {strides = array<i32>} : memref<632x16xf32, #tpu.memory_space<vmem>>, vector<1x16xf32>,
        %get3A_207 = vector.shape_cast %get3A_206 : vector<1x16xf32> to vector<16xf32>
        %get3A_208 = arith.index_cast %add3A_203 : i32 to index
        %get3A_209 = arith.constant 0 : index
        %get3A_210 = tpu.vector_load %arg15[%get3A_208, %get3A_209] {strides = array<i32>} : memref<632x32xf32, #tpu.memory_space<vmem>>, vector<1x16xf32>,
        %get3A_211 = vector.shape_cast %get3A_210 : vector<1x16xf32> to vector<16xf32>
        %mul3A_212 = arith.mulf %get3A_211, %get3A_207 : vector<16xf32>
        %swap3A_213 = arith.index_cast %add3A_203 : i32 to index
        %swap3A_214 = arith.constant 0 : index
        %swap3A_215 = tpu.vector_load %arg15[%swap3A_213, %swap3A_214] {strides = array<i32>} : memref<632x32xf32, #tpu.memory_space<vmem>>, vector<1x16xf32>,
        %swap3A_216 = vector.shape_cast %swap3A_215 : vector<1x16xf32> to vector<16xf32>
        %swap3A_217 = vector.shape_cast %mul3A_212 : vector<16xf32> to vector<1x16xf32>
        tpu.vector_store %arg15[%swap3A_213, %swap3A_214], %swap3A_217 {strides = array<i32>} : memref<632x32xf32, #tpu.memory_space<vmem>>, vector<1x16xf32>,
        %get3A_218 = arith.index_cast %add3A_203 : i32 to index
        %get3A_219 = arith.constant 16 : index
        %get3A_220 = tpu.vector_load %arg15[%get3A_218, %get3A_219] {strides = array<i32>} : memref<632x32xf32, #tpu.memory_space<vmem>>, vector<1x16xf32>,
        %get3A_221 = vector.shape_cast %get3A_220 : vector<1x16xf32> to vector<16xf32>
        %mul3A_222 = arith.mulf %get3A_221, %get3A_207 : vector<16xf32>
        %swap3A_223 = arith.index_cast %add3A_203 : i32 to index
        %swap3A_224 = arith.constant 16 : index
        %swap3A_225 = tpu.vector_load %arg15[%swap3A_223, %swap3A_224] {strides = array<i32>} : memref<632x32xf32, #tpu.memory_space<vmem>>, vector<1x16xf32>,
        %swap3A_226 = vector.shape_cast %swap3A_225 : vector<1x16xf32> to vector<16xf32>
        %swap3A_227 = vector.shape_cast %mul3A_222 : vector<16xf32> to vector<1x16xf32>
        tpu.vector_store %arg15[%swap3A_223, %swap3A_224], %swap3A_227 {strides = array<i32>} : memref<632x32xf32, #tpu.memory_space<vmem>>, vector<1x16xf32>,
        %mul3A_228 = arith.constant 8 : i32
        %mul3A_229 = arith.muli %add3A_145, %mul3A_228 : i32
        %add3A_230 = arith.constant 3 : i32
        %add3A_231 = arith.addi %mul3A_229, %add3A_230 : i32
        %get3A_232 = arith.index_cast %add3A_231 : i32 to index
        %get3A_233 = arith.constant 0 : index
        %get3A_234 = tpu.vector_load %arg16[%get3A_232, %get3A_233] {strides = array<i32>} : memref<632x16xf32, #tpu.memory_space<vmem>>, vector<1x16xf32>,
        %get3A_235 = vector.shape_cast %get3A_234 : vector<1x16xf32> to vector<16xf32>
        %get3A_236 = arith.index_cast %add3A_231 : i32 to index
        %get3A_237 = arith.constant 0 : index
        %get3A_238 = tpu.vector_load %arg15[%get3A_236, %get3A_237] {strides = array<i32>} : memref<632x32xf32, #tpu.memory_space<vmem>>, vector<1x16xf32>,
        %get3A_239 = vector.shape_cast %get3A_238 : vector<1x16xf32> to vector<16xf32>
        %mul3A_240 = arith.mulf %get3A_239, %get3A_235 : vector<16xf32>
        %swap3A_241 = arith.index_cast %add3A_231 : i32 to index
        %swap3A_242 = arith.constant 0 : index
        %swap3A_243 = tpu.vector_load %arg15[%swap3A_241, %swap3A_242] {strides = array<i32>} : memref<632x32xf32, #tpu.memory_space<vmem>>, vector<1x16xf32>,
        %swap3A_244 = vector.shape_cast %swap3A_243 : vector<1x16xf32> to vector<16xf32>
        %swap3A_245 = vector.shape_cast %mul3A_240 : vector<16xf32> to vector<1x16xf32>
        tpu.vector_store %arg15[%swap3A_241, %swap3A_242], %swap3A_245 {strides = array<i32>} : memref<632x32xf32, #tpu.memory_space<vmem>>, vector<1x16xf32>,
        %get3A_246 = arith.index_cast %add3A_231 : i32 to index
        %get3A_247 = arith.constant 16 : index
        %get3A_248 = tpu.vector_load %arg15[%get3A_246, %get3A_247] {strides = array<i32>} : memref<632x32xf32, #tpu.memory_space<vmem>>, vector<1x16xf32>,
        %get3A_249 = vector.shape_cast %get3A_248 : vector<1x16xf32> to vector<16xf32>
        %mul3A_250 = arith.mulf %get3A_249, %get3A_235 : vector<16xf32>
        %swap3A_251 = arith.index_cast %add3A_231 : i32 to index
        %swap3A_252 = arith.constant 16 : index
        %swap3A_253 = tpu.vector_load %arg15[%swap3A_251, %swap3A_252] {strides = array<i32>} : memref<632x32xf32, #tpu.memory_space<vmem>>, vector<1x16xf32>,
        %swap3A_254 = vector.shape_cast %swap3A_253 : vector<1x16xf32> to vector<16xf32>
        %swap3A_255 = vector.shape_cast %mul3A_250 : vector<16xf32> to vector<1x16xf32>
        tpu.vector_store %arg15[%swap3A_251, %swap3A_252], %swap3A_255 {strides = array<i32>} : memref<632x32xf32, #tpu.memory_space<vmem>>, vector<1x16xf32>,
        %mul3A_256 = arith.constant 8 : i32
        %mul3A_257 = arith.muli %add3A_145, %mul3A_256 : i32
        %add3A_258 = arith.constant 4 : i32
        %add3A_259 = arith.addi %mul3A_257, %add3A_258 : i32
        %get3A_260 = arith.index_cast %add3A_259 : i32 to index
        %get3A_261 = arith.constant 0 : index
        %get3A_262 = tpu.vector_load %arg16[%get3A_260, %get3A_261] {strides = array<i32>} : memref<632x16xf32, #tpu.memory_space<vmem>>, vector<1x16xf32>,
        %get3A_263 = vector.shape_cast %get3A_262 : vector<1x16xf32> to vector<16xf32>
        %get3A_264 = arith.index_cast %add3A_259 : i32 to index
        %get3A_265 = arith.constant 0 : index
        %get3A_266 = tpu.vector_load %arg15[%get3A_264, %get3A_265] {strides = array<i32>} : memref<632x32xf32, #tpu.memory_space<vmem>>, vector<1x16xf32>,
        %get3A_267 = vector.shape_cast %get3A_266 : vector<1x16xf32> to vector<16xf32>
        %mul3A_268 = arith.mulf %get3A_267, %get3A_263 : vector<16xf32>
        %swap3A_269 = arith.index_cast %add3A_259 : i32 to index
        %swap3A_270 = arith.constant 0 : index
        %swap3A_271 = tpu.vector_load %arg15[%swap3A_269, %swap3A_270] {strides = array<i32>} : memref<632x32xf32, #tpu.memory_space<vmem>>, vector<1x16xf32>,
        %swap3A_272 = vector.shape_cast %swap3A_271 : vector<1x16xf32> to vector<16xf32>
        %swap3A_273 = vector.shape_cast %mul3A_268 : vector<16xf32> to vector<1x16xf32>
        tpu.vector_store %arg15[%swap3A_269, %swap3A_270], %swap3A_273 {strides = array<i32>} : memref<632x32xf32, #tpu.memory_space<vmem>>, vector<1x16xf32>,
        %get3A_274 = arith.index_cast %add3A_259 : i32 to index
        %get3A_275 = arith.constant 16 : index
        %get3A_276 = tpu.vector_load %arg15[%get3A_274, %get3A_275] {strides = array<i32>} : memref<632x32xf32, #tpu.memory_space<vmem>>, vector<1x16xf32>,
        %get3A_277 = vector.shape_cast %get3A_276 : vector<1x16xf32> to vector<16xf32>
        %mul3A_278 = arith.mulf %get3A_277, %get3A_263 : vector<16xf32>
        %swap3A_279 = arith.index_cast %add3A_259 : i32 to index
        %swap3A_280 = arith.constant 16 : index
        %swap3A_281 = tpu.vector_load %arg15[%swap3A_279, %swap3A_280] {strides = array<i32>} : memref<632x32xf32, #tpu.memory_space<vmem>>, vector<1x16xf32>,
        %swap3A_282 = vector.shape_cast %swap3A_281 : vector<1x16xf32> to vector<16xf32>
        %swap3A_283 = vector.shape_cast %mul3A_278 : vector<16xf32> to vector<1x16xf32>
        tpu.vector_store %arg15[%swap3A_279, %swap3A_280], %swap3A_283 {strides = array<i32>} : memref<632x32xf32, #tpu.memory_space<vmem>>, vector<1x16xf32>,
        %mul3A_284 = arith.constant 8 : i32
        %mul3A_285 = arith.muli %add3A_145, %mul3A_284 : i32
        %add3A_286 = arith.constant 5 : i32
        %add3A_287 = arith.addi %mul3A_285, %add3A_286 : i32
        %get3A_288 = arith.index_cast %add3A_287 : i32 to index
        %get3A_289 = arith.constant 0 : index
        %get3A_290 = tpu.vector_load %arg16[%get3A_288, %get3A_289] {strides = array<i32>} : memref<632x16xf32, #tpu.memory_space<vmem>>, vector<1x16xf32>,
        %get3A_291 = vector.shape_cast %get3A_290 : vector<1x16xf32> to vector<16xf32>
        %get3A_292 = arith.index_cast %add3A_287 : i32 to index
        %get3A_293 = arith.constant 0 : index
        %get3A_294 = tpu.vector_load %arg15[%get3A_292, %get3A_293] {strides = array<i32>} : memref<632x32xf32, #tpu.memory_space<vmem>>, vector<1x16xf32>,
        %get3A_295 = vector.shape_cast %get3A_294 : vector<1x16xf32> to vector<16xf32>
        %mul3A_296 = arith.mulf %get3A_295, %get3A_291 : vector<16xf32>
        %swap3A_297 = arith.index_cast %add3A_287 : i32 to index
        %swap3A_298 = arith.constant 0 : index
        %swap3A_299 = tpu.vector_load %arg15[%swap3A_297, %swap3A_298] {strides = array<i32>} : memref<632x32xf32, #tpu.memory_space<vmem>>, vector<1x16xf32>,
        %swap3A_300 = vector.shape_cast %swap3A_299 : vector<1x16xf32> to vector<16xf32>
        %swap3A_301 = vector.shape_cast %mul3A_296 : vector<16xf32> to vector<1x16xf32>
        tpu.vector_store %arg15[%swap3A_297, %swap3A_298], %swap3A_301 {strides = array<i32>} : memref<632x32xf32, #tpu.memory_space<vmem>>, vector<1x16xf32>,
        %get3A_302 = arith.index_cast %add3A_287 : i32 to index
        %get3A_303 = arith.constant 16 : index
        %get3A_304 = tpu.vector_load %arg15[%get3A_302, %get3A_303] {strides = array<i32>} : memref<632x32xf32, #tpu.memory_space<vmem>>, vector<1x16xf32>,
        %get3A_305 = vector.shape_cast %get3A_304 : vector<1x16xf32> to vector<16xf32>
        %mul3A_306 = arith.mulf %get3A_305, %get3A_291 : vector<16xf32>
        %swap3A_307 = arith.index_cast %add3A_287 : i32 to index
        %swap3A_308 = arith.constant 16 : index
        %swap3A_309 = tpu.vector_load %arg15[%swap3A_307, %swap3A_308] {strides = array<i32>} : memref<632x32xf32, #tpu.memory_space<vmem>>, vector<1x16xf32>,
        %swap3A_310 = vector.shape_cast %swap3A_309 : vector<1x16xf32> to vector<16xf32>
        %swap3A_311 = vector.shape_cast %mul3A_306 : vector<16xf32> to vector<1x16xf32>
        tpu.vector_store %arg15[%swap3A_307, %swap3A_308], %swap3A_311 {strides = array<i32>} : memref<632x32xf32, #tpu.memory_space<vmem>>, vector<1x16xf32>,
        %mul3A_312 = arith.constant 8 : i32
        %mul3A_313 = arith.muli %add3A_145, %mul3A_312 : i32
        %add3A_314 = arith.constant 6 : i32
        %add3A_315 = arith.addi %mul3A_313, %add3A_314 : i32
        %get3A_316 = arith.index_cast %add3A_315 : i32 to index
        %get3A_317 = arith.constant 0 : index
        %get3A_318 = tpu.vector_load %arg16[%get3A_316, %get3A_317] {strides = array<i32>} : memref<632x16xf32, #tpu.memory_space<vmem>>, vector<1x16xf32>,
        %get3A_319 = vector.shape_cast %get3A_318 : vector<1x16xf32> to vector<16xf32>
        %get3A_320 = arith.index_cast %add3A_315 : i32 to index
        %get3A_321 = arith.constant 0 : index
        %get3A_322 = tpu.vector_load %arg15[%get3A_320, %get3A_321] {strides = array<i32>} : memref<632x32xf32, #tpu.memory_space<vmem>>, vector<1x16xf32>,
        %get3A_323 = vector.shape_cast %get3A_322 : vector<1x16xf32> to vector<16xf32>
        %mul3A_324 = arith.mulf %get3A_323, %get3A_319 : vector<16xf32>
        %swap3A_325 = arith.index_cast %add3A_315 : i32 to index
        %swap3A_326 = arith.constant 0 : index
        %swap3A_327 = tpu.vector_load %arg15[%swap3A_325, %swap3A_326] {strides = array<i32>} : memref<632x32xf32, #tpu.memory_space<vmem>>, vector<1x16xf32>,
        %swap3A_328 = vector.shape_cast %swap3A_327 : vector<1x16xf32> to vector<16xf32>
        %swap3A_329 = vector.shape_cast %mul3A_324 : vector<16xf32> to vector<1x16xf32>
        tpu.vector_store %arg15[%swap3A_325, %swap3A_326], %swap3A_329 {strides = array<i32>} : memref<632x32xf32, #tpu.memory_space<vmem>>, vector<1x16xf32>,
        %get3A_330 = arith.index_cast %add3A_315 : i32 to index
        %get3A_331 = arith.constant 16 : index
        %get3A_332 = tpu.vector_load %arg15[%get3A_330, %get3A_331] {strides = array<i32>} : memref<632x32xf32, #tpu.memory_space<vmem>>, vector<1x16xf32>,
        %get3A_333 = vector.shape_cast %get3A_332 : vector<1x16xf32> to vector<16xf32>
        %mul3A_334 = arith.mulf %get3A_333, %get3A_319 : vector<16xf32>
        %swap3A_335 = arith.index_cast %add3A_315 : i32 to index
        %swap3A_336 = arith.constant 16 : index
        %swap3A_337 = tpu.vector_load %arg15[%swap3A_335, %swap3A_336] {strides = array<i32>} : memref<632x32xf32, #tpu.memory_space<vmem>>, vector<1x16xf32>,
        %swap3A_338 = vector.shape_cast %swap3A_337 : vector<1x16xf32> to vector<16xf32>
        %swap3A_339 = vector.shape_cast %mul3A_334 : vector<16xf32> to vector<1x16xf32>
        tpu.vector_store %arg15[%swap3A_335, %swap3A_336], %swap3A_339 {strides = array<i32>} : memref<632x32xf32, #tpu.memory_space<vmem>>, vector<1x16xf32>,
        %mul3A_340 = arith.constant 8 : i32
        %mul3A_341 = arith.muli %add3A_145, %mul3A_340 : i32
        %add3A_342 = arith.constant 7 : i32
        %add3A_343 = arith.addi %mul3A_341, %add3A_342 : i32
        %get3A_344 = arith.index_cast %add3A_343 : i32 to index
        %get3A_345 = arith.constant 0 : index
        %get3A_346 = tpu.vector_load %arg16[%get3A_344, %get3A_345] {strides = array<i32>} : memref<632x16xf32, #tpu.memory_space<vmem>>, vector<1x16xf32>,
        %get3A_347 = vector.shape_cast %get3A_346 : vector<1x16xf32> to vector<16xf32>
        %get3A_348 = arith.index_cast %add3A_343 : i32 to index
        %get3A_349 = arith.constant 0 : index
        %get3A_350 = tpu.vector_load %arg15[%get3A_348, %get3A_349] {strides = array<i32>} : memref<632x32xf32, #tpu.memory_space<vmem>>, vector<1x16xf32>,
        %get3A_351 = vector.shape_cast %get3A_350 : vector<1x16xf32> to vector<16xf32>
        %mul3A_352 = arith.mulf %get3A_351, %get3A_347 : vector<16xf32>
        %swap3A_353 = arith.index_cast %add3A_343 : i32 to index
        %swap3A_354 = arith.constant 0 : index
        %swap3A_355 = tpu.vector_load %arg15[%swap3A_353, %swap3A_354] {strides = array<i32>} : memref<632x32xf32, #tpu.memory_space<vmem>>, vector<1x16xf32>,
        %swap3A_356 = vector.shape_cast %swap3A_355 : vector<1x16xf32> to vector<16xf32>
        %swap3A_357 = vector.shape_cast %mul3A_352 : vector<16xf32> to vector<1x16xf32>
        tpu.vector_store %arg15[%swap3A_353, %swap3A_354], %swap3A_357 {strides = array<i32>} : memref<632x32xf32, #tpu.memory_space<vmem>>, vector<1x16xf32>,
        %get3A_358 = arith.index_cast %add3A_343 : i32 to index
        %get3A_359 = arith.constant 16 : index
        %get3A_360 = tpu.vector_load %arg15[%get3A_358, %get3A_359] {strides = array<i32>} : memref<632x32xf32, #tpu.memory_space<vmem>>, vector<1x16xf32>,
        %get3A_361 = vector.shape_cast %get3A_360 : vector<1x16xf32> to vector<16xf32>
        %mul3A_362 = arith.mulf %get3A_361, %get3A_347 : vector<16xf32>
        %swap3A_363 = arith.index_cast %add3A_343 : i32 to index
        %swap3A_364 = arith.constant 16 : index
        %swap3A_365 = tpu.vector_load %arg15[%swap3A_363, %swap3A_364] {strides = array<i32>} : memref<632x32xf32, #tpu.memory_space<vmem>>, vector<1x16xf32>,
        %swap3A_366 = vector.shape_cast %swap3A_365 : vector<1x16xf32> to vector<16xf32>
        %swap3A_367 = vector.shape_cast %mul3A_362 : vector<16xf32> to vector<1x16xf32>
        tpu.vector_store %arg15[%swap3A_363, %swap3A_364], %swap3A_367 {strides = array<i32>} : memref<632x32xf32, #tpu.memory_space<vmem>>, vector<1x16xf32>,
      }
      %scan3A_141 = arith.constant 65 : i32
      "tpu.region"() ({
        %run_scoped3A_142 = tpu.sem_alloc : memref<!tpu.dma_semaphore, #tpu.memory_space<semaphore_mem>>
        %dma_start3A_143 = arith.constant 0 : i32
        %dma_start3A_144 = arith.constant 0 : i32
        %dma_start3A_145 = tpu.memref_slice %arg15[%dma_start3A_143, %dma_start3A_144] : memref<632x32xf32, #tpu.memory_space<vmem>> -> memref<520x32xf32, #tpu.memory_space<vmem>>
        %dma_start3A_146 = arith.constant 9480 : i32
        %dma_start3A_147 = arith.constant 0 : i32
        %dma_start3A_148 = tpu.memref_slice %arg21[%dma_start3A_146, %dma_start3A_147] : memref<10000x32xf32, #tpu.memory_space<vmem_shared>> -> memref<520x32xf32, #tpu.memory_space<vmem_shared>>
        %dma_start3A_149 = arith.constant 9480 : i32
        %dma_start3A_150 = arith.constant 0 : i32
        %dma_start3A_151 = tpu.memref_slice %arg21[%dma_start3A_149, %dma_start3A_150] : memref<10000x32xf32, #tpu.memory_space<vmem_shared>> -> memref<520x32xf32, #tpu.memory_space<vmem_shared>>
        %dma_start3A_152 = arith.constant 0 : i32
        %dma_start3A_153 = arith.constant 0 : i32
        %dma_start3A_154 = tpu.memref_slice %arg15[%dma_start3A_152, %dma_start3A_153] : memref<632x32xf32, #tpu.memory_space<vmem>> -> memref<520x32xf32, #tpu.memory_space<vmem>>
        tpu.enqueue_dma source(%dma_start3A_154 : memref<520x32xf32, #tpu.memory_space<vmem>>) target(%dma_start3A_151 : memref<520x32xf32, #tpu.memory_space<vmem_shared>>) target_semaphore(%run_scoped3A_142 : memref<!tpu.dma_semaphore, #tpu.memory_space<semaphore_mem>>)
        %dma_wait3A_155 = arith.constant 0 : i32
        %dma_wait3A_156 = arith.constant 0 : i32
        %dma_wait3A_157 = tpu.memref_slice %arg15[%dma_wait3A_155, %dma_wait3A_156] : memref<632x32xf32, #tpu.memory_space<vmem>> -> memref<520x32xf32, #tpu.memory_space<vmem>>
        %dma_wait3A_158 = arith.constant 9480 : i32
        %dma_wait3A_159 = arith.constant 0 : i32
        %dma_wait3A_160 = tpu.memref_slice %arg21[%dma_wait3A_158, %dma_wait3A_159] : memref<10000x32xf32, #tpu.memory_space<vmem_shared>> -> memref<520x32xf32, #tpu.memory_space<vmem_shared>>
        %dma_wait3A_161 = arith.constant 9480 : i32
        %dma_wait3A_162 = arith.constant 0 : i32
        %dma_wait3A_163 = tpu.memref_slice %arg21[%dma_wait3A_161, %dma_wait3A_162] : memref<10000x32xf32, #tpu.memory_space<vmem_shared>> -> memref<520x32xf32, #tpu.memory_space<vmem_shared>>
        %dma_wait3A_164 = arith.constant 0 : i32
        %dma_wait3A_165 = arith.constant 0 : i32
        %dma_wait3A_166 = tpu.memref_slice %arg15[%dma_wait3A_164, %dma_wait3A_165] : memref<632x32xf32, #tpu.memory_space<vmem>> -> memref<520x32xf32, #tpu.memory_space<vmem>>
        tpu.wait_dma2 semaphore(%run_scoped3A_142 : memref<!tpu.dma_semaphore, #tpu.memory_space<semaphore_mem>>) src(%dma_wait3A_166 : memref<520x32xf32, #tpu.memory_space<vmem>>) dst(%dma_wait3A_163 : memref<520x32xf32, #tpu.memory_space<vmem_shared>>)
        tpu.yield
      }) : () -> ()
      "tpu.region"() ({
        %run_scoped3A_142 = tpu.sem_alloc : memref<!tpu.dma_semaphore, #tpu.memory_space<semaphore_mem>>
        %dma_start3A_143 = arith.constant 0 : i32
        %dma_start3A_144 = arith.constant 0 : i32
        %dma_start3A_145 = tpu.memref_slice %arg15[%dma_start3A_143, %dma_start3A_144] : memref<632x32xf32, #tpu.memory_space<vmem>> -> memref<520x32xf32, #tpu.memory_space<vmem>>
        %dma_start3A_146 = arith.constant 9480 : i32
        %dma_start3A_147 = arith.constant 0 : i32
        %dma_start3A_148 = tpu.memref_slice %arg20[%dma_start3A_146, %dma_start3A_147] : memref<10112x32xf32, #tpu.memory_space<vmem_shared>> -> memref<520x32xf32, #tpu.memory_space<vmem_shared>>
        %dma_start3A_149 = arith.constant 9480 : i32
        %dma_start3A_150 = arith.constant 0 : i32
        %dma_start3A_151 = tpu.memref_slice %arg20[%dma_start3A_149, %dma_start3A_150] : memref<10112x32xf32, #tpu.memory_space<vmem_shared>> -> memref<520x32xf32, #tpu.memory_space<vmem_shared>>
        %dma_start3A_152 = arith.constant 0 : i32
        %dma_start3A_153 = arith.constant 0 : i32
        %dma_start3A_154 = tpu.memref_slice %arg15[%dma_start3A_152, %dma_start3A_153] : memref<632x32xf32, #tpu.memory_space<vmem>> -> memref<520x32xf32, #tpu.memory_space<vmem>>
        tpu.enqueue_dma source(%dma_start3A_154 : memref<520x32xf32, #tpu.memory_space<vmem>>) target(%dma_start3A_151 : memref<520x32xf32, #tpu.memory_space<vmem_shared>>) target_semaphore(%run_scoped3A_142 : memref<!tpu.dma_semaphore, #tpu.memory_space<semaphore_mem>>)
        %dma_wait3A_155 = arith.constant 0 : i32
        %dma_wait3A_156 = arith.constant 0 : i32
        %dma_wait3A_157 = tpu.memref_slice %arg15[%dma_wait3A_155, %dma_wait3A_156] : memref<632x32xf32, #tpu.memory_space<vmem>> -> memref<520x32xf32, #tpu.memory_space<vmem>>
        %dma_wait3A_158 = arith.constant 9480 : i32
        %dma_wait3A_159 = arith.constant 0 : i32
        %dma_wait3A_160 = tpu.memref_slice %arg20[%dma_wait3A_158, %dma_wait3A_159] : memref<10112x32xf32, #tpu.memory_space<vmem_shared>> -> memref<520x32xf32, #tpu.memory_space<vmem_shared>>
        %dma_wait3A_161 = arith.constant 9480 : i32
        %dma_wait3A_162 = arith.constant 0 : i32
        %dma_wait3A_163 = tpu.memref_slice %arg20[%dma_wait3A_161, %dma_wait3A_162] : memref<10112x32xf32, #tpu.memory_space<vmem_shared>> -> memref<520x32xf32, #tpu.memory_space<vmem_shared>>
        %dma_wait3A_164 = arith.constant 0 : i32
        %dma_wait3A_165 = arith.constant 0 : i32
        %dma_wait3A_166 = tpu.memref_slice %arg15[%dma_wait3A_164, %dma_wait3A_165] : memref<632x32xf32, #tpu.memory_space<vmem>> -> memref<520x32xf32, #tpu.memory_space<vmem>>
        tpu.wait_dma2 semaphore(%run_scoped3A_142 : memref<!tpu.dma_semaphore, #tpu.memory_space<semaphore_mem>>) src(%dma_wait3A_166 : memref<520x32xf32, #tpu.memory_space<vmem>>) dst(%dma_wait3A_163 : memref<520x32xf32, #tpu.memory_space<vmem_shared>>)
        tpu.yield
      }) : () -> ()
      "tpu.region"() ({
        %run_scoped3A_142 = tpu.sem_alloc : memref<!tpu.dma_semaphore, #tpu.memory_space<semaphore_mem>>
        %dma_start3A_143 = arith.constant 10000 : i32
        %dma_start3A_144 = arith.constant 0 : i32
        %dma_start3A_145 = tpu.memref_slice %arg20[%dma_start3A_143, %dma_start3A_144] : memref<10112x32xf32, #tpu.memory_space<vmem_shared>> -> memref<112x32xf32, #tpu.memory_space<vmem_shared>>
        tpu.enqueue_dma source(%arg6 : memref<112x32xf32, #tpu.memory_space<hbm>>) target(%dma_start3A_145 : memref<112x32xf32, #tpu.memory_space<vmem_shared>>) target_semaphore(%run_scoped3A_142 : memref<!tpu.dma_semaphore, #tpu.memory_space<semaphore_mem>>)
        %dma_wait3A_146 = arith.constant 10000 : i32
        %dma_wait3A_147 = arith.constant 0 : i32
        %dma_wait3A_148 = tpu.memref_slice %arg20[%dma_wait3A_146, %dma_wait3A_147] : memref<10112x32xf32, #tpu.memory_space<vmem_shared>> -> memref<112x32xf32, #tpu.memory_space<vmem_shared>>
        tpu.wait_dma2 semaphore(%run_scoped3A_142 : memref<!tpu.dma_semaphore, #tpu.memory_space<semaphore_mem>>) src(%arg6 : memref<112x32xf32, #tpu.memory_space<hbm>>) dst(%dma_wait3A_148 : memref<112x32xf32, #tpu.memory_space<vmem_shared>>)
        tpu.yield
      }) : () -> ()
    } else {
    }
    %barrier3A = arith.constant 0 : index
    tpu.barrier barrier_id(%barrier3A)
    %dma_start3A = arith.constant 0 : i32
    %dma_start3A_16 = arith.constant 0 : i32
    %dma_start3A_17 = arith.constant 0 : i32
    %dma_start3A_18 = tpu.memref_slice %arg9[%dma_start3A, %dma_start3A_17] : memref<160x128xi32, #tpu.memory_space<vmem>> -> memref<1x128xi32, #tpu.memory_space<vmem>>
    %dma_start3A_19 = tpu.memref_squeeze %dma_start3A_18 : memref<1x128xi32, #tpu.memory_space<vmem>> -> memref<128xi32, #tpu.memory_space<vmem>>
    %dma_start3A_20 = arith.constant 0 : i32
    %dma_start3A_21 = arith.constant 0 : i32
    %dma_start3A_22 = tpu.memref_slice %arg21[%dma_start3A_20, %dma_start3A_21] : memref<10000x32xf32, #tpu.memory_space<vmem_shared>> -> memref<10000x32xf32, #tpu.memory_space<vmem_shared>>
    %dma_start3A_23 = tpu.memref_slice %arg18[%dma_start3A_16] : memref<4x!tpu.dma_semaphore, #tpu.memory_space<semaphore_mem>> -> memref<1x!tpu.dma_semaphore, #tpu.memory_space<semaphore_mem>>
    %dma_start3A_24 = tpu.memref_squeeze %dma_start3A_23 : memref<1x!tpu.dma_semaphore, #tpu.memory_space<semaphore_mem>> -> memref<!tpu.dma_semaphore, #tpu.memory_space<semaphore_mem>>
    tpu.enqueue_indirect_dma source(%dma_start3A_22 : memref<10000x32xf32, #tpu.memory_space<vmem_shared>>) target(%arg11 : memref<128x32xf32, #tpu.memory_space<vmem>>) offsets(%dma_start3A_19 : memref<128xi32, #tpu.memory_space<vmem>>) semaphore(%dma_start3A_24 : memref<!tpu.dma_semaphore, #tpu.memory_space<semaphore_mem>>)
    %dma_start3A_25 = arith.constant 1 : i32
    %dma_start3A_26 = arith.constant 1 : i32
    %dma_start3A_27 = arith.constant 0 : i32
    %dma_start3A_28 = tpu.memref_slice %arg9[%dma_start3A_25, %dma_start3A_27] : memref<160x128xi32, #tpu.memory_space<vmem>> -> memref<1x128xi32, #tpu.memory_space<vmem>>
    %dma_start3A_29 = tpu.memref_squeeze %dma_start3A_28 : memref<1x128xi32, #tpu.memory_space<vmem>> -> memref<128xi32, #tpu.memory_space<vmem>>
    %dma_start3A_30 = arith.constant 0 : i32
    %dma_start3A_31 = arith.constant 0 : i32
    %dma_start3A_32 = tpu.memref_slice %arg21[%dma_start3A_30, %dma_start3A_31] : memref<10000x32xf32, #tpu.memory_space<vmem_shared>> -> memref<10000x32xf32, #tpu.memory_space<vmem_shared>>
    %dma_start3A_33 = tpu.memref_slice %arg18[%dma_start3A_26] : memref<4x!tpu.dma_semaphore, #tpu.memory_space<semaphore_mem>> -> memref<1x!tpu.dma_semaphore, #tpu.memory_space<semaphore_mem>>
    %dma_start3A_34 = tpu.memref_squeeze %dma_start3A_33 : memref<1x!tpu.dma_semaphore, #tpu.memory_space<semaphore_mem>> -> memref<!tpu.dma_semaphore, #tpu.memory_space<semaphore_mem>>
    tpu.enqueue_indirect_dma source(%dma_start3A_32 : memref<10000x32xf32, #tpu.memory_space<vmem_shared>>) target(%arg12 : memref<128x32xf32, #tpu.memory_space<vmem>>) offsets(%dma_start3A_29 : memref<128xi32, #tpu.memory_space<vmem>>) semaphore(%dma_start3A_34 : memref<!tpu.dma_semaphore, #tpu.memory_space<semaphore_mem>>)
    %scan3A_35 = arith.constant 0 : i32
    %scan3A_36 = arith.constant 40 : i32
    %scan3A_37 = arith.addi %scan3A_35, %scan3A_36 : i32
    %scan3A_38 = arith.constant 1 : i32
    scf.for %scan3A_137 = %scan3A_35 to %scan3A_37 step %scan3A_38  : i32 {
      %mul3A_138 = arith.constant 1 : i32
      %mul3A_139 = arith.muli %scan3A_137, %mul3A_138 : i32
      %add3A = arith.constant 0 : i32
      %add3A_140 = arith.addi %add3A, %mul3A_139 : i32
      %mul3A_141 = arith.constant 4 : i32
      %mul3A_142 = arith.muli %add3A_140, %mul3A_141 : i32
      %add3A_143 = arith.constant 0 : i32
      %add3A_144 = arith.addi %mul3A_142, %add3A_143 : i32
      %add3A_145 = arith.constant 2 : i32
      %add3A_146 = arith.addi %add3A_144, %add3A_145 : i32
      %ge3A = arith.constant 4 : i32
      %ge3A_147 = arith.cmpi sge, %add3A_146, %ge3A : i32
      %convert_element_type3A_148 = arith.extui %ge3A_147 : i1 to i32
      %cond3A_149 = arith.constant 0 : i32
      %cond3A_150 = arith.cmpi ne, %convert_element_type3A_148, %cond3A_149 : i32
      scf.if %cond3A_150 {
        %add3A_278 = arith.constant 2 : i32
        %add3A_279 = arith.addi %add3A_144, %add3A_278 : i32
        %sub3A = arith.constant 4 : i32
        %sub3A_280 = arith.subi %add3A_279, %sub3A : i32
        %dma_wait3A_281 = arith.constant 2 : i32
        %dma_wait3A_282 = arith.constant 0 : i32
        %dma_wait3A_283 = tpu.memref_slice %arg10[%sub3A_280, %dma_wait3A_282] : memref<160x128xi32, #tpu.memory_space<vmem>> -> memref<1x128xi32, #tpu.memory_space<vmem>>
        %dma_wait3A_284 = tpu.memref_squeeze %dma_wait3A_283 : memref<1x128xi32, #tpu.memory_space<vmem>> -> memref<128xi32, #tpu.memory_space<vmem>>
        %dma_wait3A_285 = arith.constant 0 : i32
        %dma_wait3A_286 = arith.constant 0 : i32
        %dma_wait3A_287 = tpu.memref_slice %arg20[%dma_wait3A_285, %dma_wait3A_286] : memref<10112x32xf32, #tpu.memory_space<vmem_shared>> -> memref<10112x32xf32, #tpu.memory_space<vmem_shared>>
        %dma_wait3A_288 = tpu.memref_slice %arg19[%dma_wait3A_281] : memref<4x!tpu.dma_semaphore, #tpu.memory_space<semaphore_mem>> -> memref<1x!tpu.dma_semaphore, #tpu.memory_space<semaphore_mem>>
        %dma_wait3A_289 = tpu.memref_squeeze %dma_wait3A_288 : memref<1x!tpu.dma_semaphore, #tpu.memory_space<semaphore_mem>> -> memref<!tpu.dma_semaphore, #tpu.memory_space<semaphore_mem>>
        tpu.wait_indirect_dma semaphore(%dma_wait3A_289 : memref<!tpu.dma_semaphore, #tpu.memory_space<semaphore_mem>>) src(%arg13 : memref<128x32xf32, #tpu.memory_space<vmem>>) dst(%dma_wait3A_287 : memref<10112x32xf32, #tpu.memory_space<vmem_shared>>)
      } else {
      }
      %add3A_151 = arith.constant 2 : i32
      %add3A_152 = arith.addi %add3A_144, %add3A_151 : i32
      %lt3A_153 = arith.constant 160 : i32
      %lt3A_154 = arith.cmpi slt, %add3A_152, %lt3A_153 : i32
      %convert_element_type3A_155 = arith.extui %lt3A_154 : i1 to i32
      %cond3A_156 = arith.constant 0 : i32
      %cond3A_157 = arith.cmpi ne, %convert_element_type3A_155, %cond3A_156 : i32
      scf.if %cond3A_157 {
        %add3A_278 = arith.constant 2 : i32
        %add3A_279 = arith.addi %add3A_144, %add3A_278 : i32
        %dma_start3A_280 = arith.constant 2 : i32
        %dma_start3A_281 = arith.constant 0 : i32
        %dma_start3A_282 = tpu.memref_slice %arg9[%add3A_279, %dma_start3A_281] : memref<160x128xi32, #tpu.memory_space<vmem>> -> memref<1x128xi32, #tpu.memory_space<vmem>>
        %dma_start3A_283 = tpu.memref_squeeze %dma_start3A_282 : memref<1x128xi32, #tpu.memory_space<vmem>> -> memref<128xi32, #tpu.memory_space<vmem>>
        %dma_start3A_284 = arith.constant 0 : i32
        %dma_start3A_285 = arith.constant 0 : i32
        %dma_start3A_286 = tpu.memref_slice %arg21[%dma_start3A_284, %dma_start3A_285] : memref<10000x32xf32, #tpu.memory_space<vmem_shared>> -> memref<10000x32xf32, #tpu.memory_space<vmem_shared>>
        %dma_start3A_287 = tpu.memref_slice %arg18[%dma_start3A_280] : memref<4x!tpu.dma_semaphore, #tpu.memory_space<semaphore_mem>> -> memref<1x!tpu.dma_semaphore, #tpu.memory_space<semaphore_mem>>
        %dma_start3A_288 = tpu.memref_squeeze %dma_start3A_287 : memref<1x!tpu.dma_semaphore, #tpu.memory_space<semaphore_mem>> -> memref<!tpu.dma_semaphore, #tpu.memory_space<semaphore_mem>>
        tpu.enqueue_indirect_dma source(%dma_start3A_286 : memref<10000x32xf32, #tpu.memory_space<vmem_shared>>) target(%arg13 : memref<128x32xf32, #tpu.memory_space<vmem>>) offsets(%dma_start3A_283 : memref<128xi32, #tpu.memory_space<vmem>>) semaphore(%dma_start3A_288 : memref<!tpu.dma_semaphore, #tpu.memory_space<semaphore_mem>>)
      } else {
      }
      %dma_wait3A_158 = arith.constant 0 : i32
      %dma_wait3A_159 = arith.constant 0 : i32
      %dma_wait3A_160 = tpu.memref_slice %arg9[%add3A_144, %dma_wait3A_159] : memref<160x128xi32, #tpu.memory_space<vmem>> -> memref<1x128xi32, #tpu.memory_space<vmem>>
      %dma_wait3A_161 = tpu.memref_squeeze %dma_wait3A_160 : memref<1x128xi32, #tpu.memory_space<vmem>> -> memref<128xi32, #tpu.memory_space<vmem>>
      %dma_wait3A_162 = arith.constant 0 : i32
      %dma_wait3A_163 = arith.constant 0 : i32
      %dma_wait3A_164 = tpu.memref_slice %arg21[%dma_wait3A_162, %dma_wait3A_163] : memref<10000x32xf32, #tpu.memory_space<vmem_shared>> -> memref<10000x32xf32, #tpu.memory_space<vmem_shared>>
      %dma_wait3A_165 = tpu.memref_slice %arg18[%dma_wait3A_158] : memref<4x!tpu.dma_semaphore, #tpu.memory_space<semaphore_mem>> -> memref<1x!tpu.dma_semaphore, #tpu.memory_space<semaphore_mem>>
      %dma_wait3A_166 = tpu.memref_squeeze %dma_wait3A_165 : memref<1x!tpu.dma_semaphore, #tpu.memory_space<semaphore_mem>> -> memref<!tpu.dma_semaphore, #tpu.memory_space<semaphore_mem>>
      tpu.wait_indirect_dma semaphore(%dma_wait3A_166 : memref<!tpu.dma_semaphore, #tpu.memory_space<semaphore_mem>>) src(%dma_wait3A_164 : memref<10000x32xf32, #tpu.memory_space<vmem_shared>>) dst(%arg11 : memref<128x32xf32, #tpu.memory_space<vmem>>)
      %dma_start3A_167 = arith.constant 0 : i32
      %dma_start3A_168 = arith.constant 0 : i32
      %dma_start3A_169 = tpu.memref_slice %arg10[%add3A_144, %dma_start3A_168] : memref<160x128xi32, #tpu.memory_space<vmem>> -> memref<1x128xi32, #tpu.memory_space<vmem>>
      %dma_start3A_170 = tpu.memref_squeeze %dma_start3A_169 : memref<1x128xi32, #tpu.memory_space<vmem>> -> memref<128xi32, #tpu.memory_space<vmem>>
      %dma_start3A_171 = arith.constant 0 : i32
      %dma_start3A_172 = arith.constant 0 : i32
      %dma_start3A_173 = tpu.memref_slice %arg20[%dma_start3A_171, %dma_start3A_172] : memref<10112x32xf32, #tpu.memory_space<vmem_shared>> -> memref<10112x32xf32, #tpu.memory_space<vmem_shared>>
      %dma_start3A_174 = tpu.memref_slice %arg19[%dma_start3A_167] : memref<4x!tpu.dma_semaphore, #tpu.memory_space<semaphore_mem>> -> memref<1x!tpu.dma_semaphore, #tpu.memory_space<semaphore_mem>>
      %dma_start3A_175 = tpu.memref_squeeze %dma_start3A_174 : memref<1x!tpu.dma_semaphore, #tpu.memory_space<semaphore_mem>> -> memref<!tpu.dma_semaphore, #tpu.memory_space<semaphore_mem>>
      tpu.enqueue_indirect_dma source(%arg11 : memref<128x32xf32, #tpu.memory_space<vmem>>) target(%dma_start3A_173 : memref<10112x32xf32, #tpu.memory_space<vmem_shared>>) offsets(%dma_start3A_170 : memref<128xi32, #tpu.memory_space<vmem>>) semaphore(%dma_start3A_175 : memref<!tpu.dma_semaphore, #tpu.memory_space<semaphore_mem>>) {add = true}
      %add3A_176 = arith.constant 1 : i32
      %add3A_177 = arith.addi %mul3A_142, %add3A_176 : i32
      %add3A_178 = arith.constant 2 : i32
      %add3A_179 = arith.addi %add3A_177, %add3A_178 : i32
      %ge3A_180 = arith.constant 4 : i32
      %ge3A_181 = arith.cmpi sge, %add3A_179, %ge3A_180 : i32
      %convert_element_type3A_182 = arith.extui %ge3A_181 : i1 to i32
      %cond3A_183 = arith.constant 0 : i32
      %cond3A_184 = arith.cmpi ne, %convert_element_type3A_182, %cond3A_183 : i32
      scf.if %cond3A_184 {
        %add3A_278 = arith.constant 2 : i32
        %add3A_279 = arith.addi %add3A_177, %add3A_278 : i32
        %sub3A = arith.constant 4 : i32
        %sub3A_280 = arith.subi %add3A_279, %sub3A : i32
        %dma_wait3A_281 = arith.constant 3 : i32
        %dma_wait3A_282 = arith.constant 0 : i32
        %dma_wait3A_283 = tpu.memref_slice %arg10[%sub3A_280, %dma_wait3A_282] : memref<160x128xi32, #tpu.memory_space<vmem>> -> memref<1x128xi32, #tpu.memory_space<vmem>>
        %dma_wait3A_284 = tpu.memref_squeeze %dma_wait3A_283 : memref<1x128xi32, #tpu.memory_space<vmem>> -> memref<128xi32, #tpu.memory_space<vmem>>
        %dma_wait3A_285 = arith.constant 0 : i32
        %dma_wait3A_286 = arith.constant 0 : i32
        %dma_wait3A_287 = tpu.memref_slice %arg20[%dma_wait3A_285, %dma_wait3A_286] : memref<10112x32xf32, #tpu.memory_space<vmem_shared>> -> memref<10112x32xf32, #tpu.memory_space<vmem_shared>>
        %dma_wait3A_288 = tpu.memref_slice %arg19[%dma_wait3A_281] : memref<4x!tpu.dma_semaphore, #tpu.memory_space<semaphore_mem>> -> memref<1x!tpu.dma_semaphore, #tpu.memory_space<semaphore_mem>>
        %dma_wait3A_289 = tpu.memref_squeeze %dma_wait3A_288 : memref<1x!tpu.dma_semaphore, #tpu.memory_space<semaphore_mem>> -> memref<!tpu.dma_semaphore, #tpu.memory_space<semaphore_mem>>
        tpu.wait_indirect_dma semaphore(%dma_wait3A_289 : memref<!tpu.dma_semaphore, #tpu.memory_space<semaphore_mem>>) src(%arg14 : memref<128x32xf32, #tpu.memory_space<vmem>>) dst(%dma_wait3A_287 : memref<10112x32xf32, #tpu.memory_space<vmem_shared>>)
      } else {
      }
      %add3A_185 = arith.constant 2 : i32
      %add3A_186 = arith.addi %add3A_177, %add3A_185 : i32
      %lt3A_187 = arith.constant 160 : i32
      %lt3A_188 = arith.cmpi slt, %add3A_186, %lt3A_187 : i32
      %convert_element_type3A_189 = arith.extui %lt3A_188 : i1 to i32
      %cond3A_190 = arith.constant 0 : i32
      %cond3A_191 = arith.cmpi ne, %convert_element_type3A_189, %cond3A_190 : i32
      scf.if %cond3A_191 {
        %add3A_278 = arith.constant 2 : i32
        %add3A_279 = arith.addi %add3A_177, %add3A_278 : i32
        %dma_start3A_280 = arith.constant 3 : i32
        %dma_start3A_281 = arith.constant 0 : i32
        %dma_start3A_282 = tpu.memref_slice %arg9[%add3A_279, %dma_start3A_281] : memref<160x128xi32, #tpu.memory_space<vmem>> -> memref<1x128xi32, #tpu.memory_space<vmem>>
        %dma_start3A_283 = tpu.memref_squeeze %dma_start3A_282 : memref<1x128xi32, #tpu.memory_space<vmem>> -> memref<128xi32, #tpu.memory_space<vmem>>
        %dma_start3A_284 = arith.constant 0 : i32
        %dma_start3A_285 = arith.constant 0 : i32
        %dma_start3A_286 = tpu.memref_slice %arg21[%dma_start3A_284, %dma_start3A_285] : memref<10000x32xf32, #tpu.memory_space<vmem_shared>> -> memref<10000x32xf32, #tpu.memory_space<vmem_shared>>
        %dma_start3A_287 = tpu.memref_slice %arg18[%dma_start3A_280] : memref<4x!tpu.dma_semaphore, #tpu.memory_space<semaphore_mem>> -> memref<1x!tpu.dma_semaphore, #tpu.memory_space<semaphore_mem>>
        %dma_start3A_288 = tpu.memref_squeeze %dma_start3A_287 : memref<1x!tpu.dma_semaphore, #tpu.memory_space<semaphore_mem>> -> memref<!tpu.dma_semaphore, #tpu.memory_space<semaphore_mem>>
        tpu.enqueue_indirect_dma source(%dma_start3A_286 : memref<10000x32xf32, #tpu.memory_space<vmem_shared>>) target(%arg14 : memref<128x32xf32, #tpu.memory_space<vmem>>) offsets(%dma_start3A_283 : memref<128xi32, #tpu.memory_space<vmem>>) semaphore(%dma_start3A_288 : memref<!tpu.dma_semaphore, #tpu.memory_space<semaphore_mem>>)
      } else {
      }
      %dma_wait3A_192 = arith.constant 1 : i32
      %dma_wait3A_193 = arith.constant 0 : i32
      %dma_wait3A_194 = tpu.memref_slice %arg9[%add3A_177, %dma_wait3A_193] : memref<160x128xi32, #tpu.memory_space<vmem>> -> memref<1x128xi32, #tpu.memory_space<vmem>>
      %dma_wait3A_195 = tpu.memref_squeeze %dma_wait3A_194 : memref<1x128xi32, #tpu.memory_space<vmem>> -> memref<128xi32, #tpu.memory_space<vmem>>
      %dma_wait3A_196 = arith.constant 0 : i32
      %dma_wait3A_197 = arith.constant 0 : i32
      %dma_wait3A_198 = tpu.memref_slice %arg21[%dma_wait3A_196, %dma_wait3A_197] : memref<10000x32xf32, #tpu.memory_space<vmem_shared>> -> memref<10000x32xf32, #tpu.memory_space<vmem_shared>>
      %dma_wait3A_199 = tpu.memref_slice %arg18[%dma_wait3A_192] : memref<4x!tpu.dma_semaphore, #tpu.memory_space<semaphore_mem>> -> memref<1x!tpu.dma_semaphore, #tpu.memory_space<semaphore_mem>>
      %dma_wait3A_200 = tpu.memref_squeeze %dma_wait3A_199 : memref<1x!tpu.dma_semaphore, #tpu.memory_space<semaphore_mem>> -> memref<!tpu.dma_semaphore, #tpu.memory_space<semaphore_mem>>
      tpu.wait_indirect_dma semaphore(%dma_wait3A_200 : memref<!tpu.dma_semaphore, #tpu.memory_space<semaphore_mem>>) src(%dma_wait3A_198 : memref<10000x32xf32, #tpu.memory_space<vmem_shared>>) dst(%arg12 : memref<128x32xf32, #tpu.memory_space<vmem>>)
      %dma_start3A_201 = arith.constant 1 : i32
      %dma_start3A_202 = arith.constant 0 : i32
      %dma_start3A_203 = tpu.memref_slice %arg10[%add3A_177, %dma_start3A_202] : memref<160x128xi32, #tpu.memory_space<vmem>> -> memref<1x128xi32, #tpu.memory_space<vmem>>
      %dma_start3A_204 = tpu.memref_squeeze %dma_start3A_203 : memref<1x128xi32, #tpu.memory_space<vmem>> -> memref<128xi32, #tpu.memory_space<vmem>>
      %dma_start3A_205 = arith.constant 0 : i32
      %dma_start3A_206 = arith.constant 0 : i32
      %dma_start3A_207 = tpu.memref_slice %arg20[%dma_start3A_205, %dma_start3A_206] : memref<10112x32xf32, #tpu.memory_space<vmem_shared>> -> memref<10112x32xf32, #tpu.memory_space<vmem_shared>>
      %dma_start3A_208 = tpu.memref_slice %arg19[%dma_start3A_201] : memref<4x!tpu.dma_semaphore, #tpu.memory_space<semaphore_mem>> -> memref<1x!tpu.dma_semaphore, #tpu.memory_space<semaphore_mem>>
      %dma_start3A_209 = tpu.memref_squeeze %dma_start3A_208 : memref<1x!tpu.dma_semaphore, #tpu.memory_space<semaphore_mem>> -> memref<!tpu.dma_semaphore, #tpu.memory_space<semaphore_mem>>
      tpu.enqueue_indirect_dma source(%arg12 : memref<128x32xf32, #tpu.memory_space<vmem>>) target(%dma_start3A_207 : memref<10112x32xf32, #tpu.memory_space<vmem_shared>>) offsets(%dma_start3A_204 : memref<128xi32, #tpu.memory_space<vmem>>) semaphore(%dma_start3A_209 : memref<!tpu.dma_semaphore, #tpu.memory_space<semaphore_mem>>) {add = true}
      %add3A_210 = arith.constant 2 : i32
      %add3A_211 = arith.addi %mul3A_142, %add3A_210 : i32
      %add3A_212 = arith.constant 2 : i32
      %add3A_213 = arith.addi %add3A_211, %add3A_212 : i32
      %ge3A_214 = arith.constant 4 : i32
      %ge3A_215 = arith.cmpi sge, %add3A_213, %ge3A_214 : i32
      %convert_element_type3A_216 = arith.extui %ge3A_215 : i1 to i32
      %cond3A_217 = arith.constant 0 : i32
      %cond3A_218 = arith.cmpi ne, %convert_element_type3A_216, %cond3A_217 : i32
      scf.if %cond3A_218 {
        %add3A_278 = arith.constant 2 : i32
        %add3A_279 = arith.addi %add3A_211, %add3A_278 : i32
        %sub3A = arith.constant 4 : i32
        %sub3A_280 = arith.subi %add3A_279, %sub3A : i32
        %dma_wait3A_281 = arith.constant 0 : i32
        %dma_wait3A_282 = arith.constant 0 : i32
        %dma_wait3A_283 = tpu.memref_slice %arg10[%sub3A_280, %dma_wait3A_282] : memref<160x128xi32, #tpu.memory_space<vmem>> -> memref<1x128xi32, #tpu.memory_space<vmem>>
        %dma_wait3A_284 = tpu.memref_squeeze %dma_wait3A_283 : memref<1x128xi32, #tpu.memory_space<vmem>> -> memref<128xi32, #tpu.memory_space<vmem>>
        %dma_wait3A_285 = arith.constant 0 : i32
        %dma_wait3A_286 = arith.constant 0 : i32
        %dma_wait3A_287 = tpu.memref_slice %arg20[%dma_wait3A_285, %dma_wait3A_286] : memref<10112x32xf32, #tpu.memory_space<vmem_shared>> -> memref<10112x32xf32, #tpu.memory_space<vmem_shared>>
        %dma_wait3A_288 = tpu.memref_slice %arg19[%dma_wait3A_281] : memref<4x!tpu.dma_semaphore, #tpu.memory_space<semaphore_mem>> -> memref<1x!tpu.dma_semaphore, #tpu.memory_space<semaphore_mem>>
        %dma_wait3A_289 = tpu.memref_squeeze %dma_wait3A_288 : memref<1x!tpu.dma_semaphore, #tpu.memory_space<semaphore_mem>> -> memref<!tpu.dma_semaphore, #tpu.memory_space<semaphore_mem>>
        tpu.wait_indirect_dma semaphore(%dma_wait3A_289 : memref<!tpu.dma_semaphore, #tpu.memory_space<semaphore_mem>>) src(%arg11 : memref<128x32xf32, #tpu.memory_space<vmem>>) dst(%dma_wait3A_287 : memref<10112x32xf32, #tpu.memory_space<vmem_shared>>)
      } else {
      }
      %add3A_219 = arith.constant 2 : i32
      %add3A_220 = arith.addi %add3A_211, %add3A_219 : i32
      %lt3A_221 = arith.constant 160 : i32
      %lt3A_222 = arith.cmpi slt, %add3A_220, %lt3A_221 : i32
      %convert_element_type3A_223 = arith.extui %lt3A_222 : i1 to i32
      %cond3A_224 = arith.constant 0 : i32
      %cond3A_225 = arith.cmpi ne, %convert_element_type3A_223, %cond3A_224 : i32
      scf.if %cond3A_225 {
        %add3A_278 = arith.constant 2 : i32
        %add3A_279 = arith.addi %add3A_211, %add3A_278 : i32
        %dma_start3A_280 = arith.constant 0 : i32
        %dma_start3A_281 = arith.constant 0 : i32
        %dma_start3A_282 = tpu.memref_slice %arg9[%add3A_279, %dma_start3A_281] : memref<160x128xi32, #tpu.memory_space<vmem>> -> memref<1x128xi32, #tpu.memory_space<vmem>>
        %dma_start3A_283 = tpu.memref_squeeze %dma_start3A_282 : memref<1x128xi32, #tpu.memory_space<vmem>> -> memref<128xi32, #tpu.memory_space<vmem>>
        %dma_start3A_284 = arith.constant 0 : i32
        %dma_start3A_285 = arith.constant 0 : i32
        %dma_start3A_286 = tpu.memref_slice %arg21[%dma_start3A_284, %dma_start3A_285] : memref<10000x32xf32, #tpu.memory_space<vmem_shared>> -> memref<10000x32xf32, #tpu.memory_space<vmem_shared>>
        %dma_start3A_287 = tpu.memref_slice %arg18[%dma_start3A_280] : memref<4x!tpu.dma_semaphore, #tpu.memory_space<semaphore_mem>> -> memref<1x!tpu.dma_semaphore, #tpu.memory_space<semaphore_mem>>
        %dma_start3A_288 = tpu.memref_squeeze %dma_start3A_287 : memref<1x!tpu.dma_semaphore, #tpu.memory_space<semaphore_mem>> -> memref<!tpu.dma_semaphore, #tpu.memory_space<semaphore_mem>>
        tpu.enqueue_indirect_dma source(%dma_start3A_286 : memref<10000x32xf32, #tpu.memory_space<vmem_shared>>) target(%arg11 : memref<128x32xf32, #tpu.memory_space<vmem>>) offsets(%dma_start3A_283 : memref<128xi32, #tpu.memory_space<vmem>>) semaphore(%dma_start3A_288 : memref<!tpu.dma_semaphore, #tpu.memory_space<semaphore_mem>>)
      } else {
      }
      %dma_wait3A_226 = arith.constant 2 : i32
      %dma_wait3A_227 = arith.constant 0 : i32
      %dma_wait3A_228 = tpu.memref_slice %arg9[%add3A_211, %dma_wait3A_227] : memref<160x128xi32, #tpu.memory_space<vmem>> -> memref<1x128xi32, #tpu.memory_space<vmem>>
      %dma_wait3A_229 = tpu.memref_squeeze %dma_wait3A_228 : memref<1x128xi32, #tpu.memory_space<vmem>> -> memref<128xi32, #tpu.memory_space<vmem>>
      %dma_wait3A_230 = arith.constant 0 : i32
      %dma_wait3A_231 = arith.constant 0 : i32
      %dma_wait3A_232 = tpu.memref_slice %arg21[%dma_wait3A_230, %dma_wait3A_231] : memref<10000x32xf32, #tpu.memory_space<vmem_shared>> -> memref<10000x32xf32, #tpu.memory_space<vmem_shared>>
      %dma_wait3A_233 = tpu.memref_slice %arg18[%dma_wait3A_226] : memref<4x!tpu.dma_semaphore, #tpu.memory_space<semaphore_mem>> -> memref<1x!tpu.dma_semaphore, #tpu.memory_space<semaphore_mem>>
      %dma_wait3A_234 = tpu.memref_squeeze %dma_wait3A_233 : memref<1x!tpu.dma_semaphore, #tpu.memory_space<semaphore_mem>> -> memref<!tpu.dma_semaphore, #tpu.memory_space<semaphore_mem>>
      tpu.wait_indirect_dma semaphore(%dma_wait3A_234 : memref<!tpu.dma_semaphore, #tpu.memory_space<semaphore_mem>>) src(%dma_wait3A_232 : memref<10000x32xf32, #tpu.memory_space<vmem_shared>>) dst(%arg13 : memref<128x32xf32, #tpu.memory_space<vmem>>)
      %dma_start3A_235 = arith.constant 2 : i32
      %dma_start3A_236 = arith.constant 0 : i32
      %dma_start3A_237 = tpu.memref_slice %arg10[%add3A_211, %dma_start3A_236] : memref<160x128xi32, #tpu.memory_space<vmem>> -> memref<1x128xi32, #tpu.memory_space<vmem>>
      %dma_start3A_238 = tpu.memref_squeeze %dma_start3A_237 : memref<1x128xi32, #tpu.memory_space<vmem>> -> memref<128xi32, #tpu.memory_space<vmem>>
      %dma_start3A_239 = arith.constant 0 : i32
      %dma_start3A_240 = arith.constant 0 : i32
      %dma_start3A_241 = tpu.memref_slice %arg20[%dma_start3A_239, %dma_start3A_240] : memref<10112x32xf32, #tpu.memory_space<vmem_shared>> -> memref<10112x32xf32, #tpu.memory_space<vmem_shared>>
      %dma_start3A_242 = tpu.memref_slice %arg19[%dma_start3A_235] : memref<4x!tpu.dma_semaphore, #tpu.memory_space<semaphore_mem>> -> memref<1x!tpu.dma_semaphore, #tpu.memory_space<semaphore_mem>>
      %dma_start3A_243 = tpu.memref_squeeze %dma_start3A_242 : memref<1x!tpu.dma_semaphore, #tpu.memory_space<semaphore_mem>> -> memref<!tpu.dma_semaphore, #tpu.memory_space<semaphore_mem>>
      tpu.enqueue_indirect_dma source(%arg13 : memref<128x32xf32, #tpu.memory_space<vmem>>) target(%dma_start3A_241 : memref<10112x32xf32, #tpu.memory_space<vmem_shared>>) offsets(%dma_start3A_238 : memref<128xi32, #tpu.memory_space<vmem>>) semaphore(%dma_start3A_243 : memref<!tpu.dma_semaphore, #tpu.memory_space<semaphore_mem>>) {add = true}
      %add3A_244 = arith.constant 3 : i32
      %add3A_245 = arith.addi %mul3A_142, %add3A_244 : i32
      %add3A_246 = arith.constant 2 : i32
      %add3A_247 = arith.addi %add3A_245, %add3A_246 : i32
      %ge3A_248 = arith.constant 4 : i32
      %ge3A_249 = arith.cmpi sge, %add3A_247, %ge3A_248 : i32
      %convert_element_type3A_250 = arith.extui %ge3A_249 : i1 to i32
      %cond3A_251 = arith.constant 0 : i32
      %cond3A_252 = arith.cmpi ne, %convert_element_type3A_250, %cond3A_251 : i32
      scf.if %cond3A_252 {
        %add3A_278 = arith.constant 2 : i32
        %add3A_279 = arith.addi %add3A_245, %add3A_278 : i32
        %sub3A = arith.constant 4 : i32
        %sub3A_280 = arith.subi %add3A_279, %sub3A : i32
        %dma_wait3A_281 = arith.constant 1 : i32
        %dma_wait3A_282 = arith.constant 0 : i32
        %dma_wait3A_283 = tpu.memref_slice %arg10[%sub3A_280, %dma_wait3A_282] : memref<160x128xi32, #tpu.memory_space<vmem>> -> memref<1x128xi32, #tpu.memory_space<vmem>>
        %dma_wait3A_284 = tpu.memref_squeeze %dma_wait3A_283 : memref<1x128xi32, #tpu.memory_space<vmem>> -> memref<128xi32, #tpu.memory_space<vmem>>
        %dma_wait3A_285 = arith.constant 0 : i32
        %dma_wait3A_286 = arith.constant 0 : i32
        %dma_wait3A_287 = tpu.memref_slice %arg20[%dma_wait3A_285, %dma_wait3A_286] : memref<10112x32xf32, #tpu.memory_space<vmem_shared>> -> memref<10112x32xf32, #tpu.memory_space<vmem_shared>>
        %dma_wait3A_288 = tpu.memref_slice %arg19[%dma_wait3A_281] : memref<4x!tpu.dma_semaphore, #tpu.memory_space<semaphore_mem>> -> memref<1x!tpu.dma_semaphore, #tpu.memory_space<semaphore_mem>>
        %dma_wait3A_289 = tpu.memref_squeeze %dma_wait3A_288 : memref<1x!tpu.dma_semaphore, #tpu.memory_space<semaphore_mem>> -> memref<!tpu.dma_semaphore, #tpu.memory_space<semaphore_mem>>
        tpu.wait_indirect_dma semaphore(%dma_wait3A_289 : memref<!tpu.dma_semaphore, #tpu.memory_space<semaphore_mem>>) src(%arg12 : memref<128x32xf32, #tpu.memory_space<vmem>>) dst(%dma_wait3A_287 : memref<10112x32xf32, #tpu.memory_space<vmem_shared>>)
      } else {
      }
      %add3A_253 = arith.constant 2 : i32
      %add3A_254 = arith.addi %add3A_245, %add3A_253 : i32
      %lt3A_255 = arith.constant 160 : i32
      %lt3A_256 = arith.cmpi slt, %add3A_254, %lt3A_255 : i32
      %convert_element_type3A_257 = arith.extui %lt3A_256 : i1 to i32
      %cond3A_258 = arith.constant 0 : i32
      %cond3A_259 = arith.cmpi ne, %convert_element_type3A_257, %cond3A_258 : i32
      scf.if %cond3A_259 {
        %add3A_278 = arith.constant 2 : i32
        %add3A_279 = arith.addi %add3A_245, %add3A_278 : i32
        %dma_start3A_280 = arith.constant 1 : i32
        %dma_start3A_281 = arith.constant 0 : i32
        %dma_start3A_282 = tpu.memref_slice %arg9[%add3A_279, %dma_start3A_281] : memref<160x128xi32, #tpu.memory_space<vmem>> -> memref<1x128xi32, #tpu.memory_space<vmem>>
        %dma_start3A_283 = tpu.memref_squeeze %dma_start3A_282 : memref<1x128xi32, #tpu.memory_space<vmem>> -> memref<128xi32, #tpu.memory_space<vmem>>
        %dma_start3A_284 = arith.constant 0 : i32
        %dma_start3A_285 = arith.constant 0 : i32
        %dma_start3A_286 = tpu.memref_slice %arg21[%dma_start3A_284, %dma_start3A_285] : memref<10000x32xf32, #tpu.memory_space<vmem_shared>> -> memref<10000x32xf32, #tpu.memory_space<vmem_shared>>
        %dma_start3A_287 = tpu.memref_slice %arg18[%dma_start3A_280] : memref<4x!tpu.dma_semaphore, #tpu.memory_space<semaphore_mem>> -> memref<1x!tpu.dma_semaphore, #tpu.memory_space<semaphore_mem>>
        %dma_start3A_288 = tpu.memref_squeeze %dma_start3A_287 : memref<1x!tpu.dma_semaphore, #tpu.memory_space<semaphore_mem>> -> memref<!tpu.dma_semaphore, #tpu.memory_space<semaphore_mem>>
        tpu.enqueue_indirect_dma source(%dma_start3A_286 : memref<10000x32xf32, #tpu.memory_space<vmem_shared>>) target(%arg12 : memref<128x32xf32, #tpu.memory_space<vmem>>) offsets(%dma_start3A_283 : memref<128xi32, #tpu.memory_space<vmem>>) semaphore(%dma_start3A_288 : memref<!tpu.dma_semaphore, #tpu.memory_space<semaphore_mem>>)
      } else {
      }
      %dma_wait3A_260 = arith.constant 3 : i32
      %dma_wait3A_261 = arith.constant 0 : i32
      %dma_wait3A_262 = tpu.memref_slice %arg9[%add3A_245, %dma_wait3A_261] : memref<160x128xi32, #tpu.memory_space<vmem>> -> memref<1x128xi32, #tpu.memory_space<vmem>>
      %dma_wait3A_263 = tpu.memref_squeeze %dma_wait3A_262 : memref<1x128xi32, #tpu.memory_space<vmem>> -> memref<128xi32, #tpu.memory_space<vmem>>
      %dma_wait3A_264 = arith.constant 0 : i32
      %dma_wait3A_265 = arith.constant 0 : i32
      %dma_wait3A_266 = tpu.memref_slice %arg21[%dma_wait3A_264, %dma_wait3A_265] : memref<10000x32xf32, #tpu.memory_space<vmem_shared>> -> memref<10000x32xf32, #tpu.memory_space<vmem_shared>>
      %dma_wait3A_267 = tpu.memref_slice %arg18[%dma_wait3A_260] : memref<4x!tpu.dma_semaphore, #tpu.memory_space<semaphore_mem>> -> memref<1x!tpu.dma_semaphore, #tpu.memory_space<semaphore_mem>>
      %dma_wait3A_268 = tpu.memref_squeeze %dma_wait3A_267 : memref<1x!tpu.dma_semaphore, #tpu.memory_space<semaphore_mem>> -> memref<!tpu.dma_semaphore, #tpu.memory_space<semaphore_mem>>
      tpu.wait_indirect_dma semaphore(%dma_wait3A_268 : memref<!tpu.dma_semaphore, #tpu.memory_space<semaphore_mem>>) src(%dma_wait3A_266 : memref<10000x32xf32, #tpu.memory_space<vmem_shared>>) dst(%arg14 : memref<128x32xf32, #tpu.memory_space<vmem>>)
      %dma_start3A_269 = arith.constant 3 : i32
      %dma_start3A_270 = arith.constant 0 : i32
      %dma_start3A_271 = tpu.memref_slice %arg10[%add3A_245, %dma_start3A_270] : memref<160x128xi32, #tpu.memory_space<vmem>> -> memref<1x128xi32, #tpu.memory_space<vmem>>
      %dma_start3A_272 = tpu.memref_squeeze %dma_start3A_271 : memref<1x128xi32, #tpu.memory_space<vmem>> -> memref<128xi32, #tpu.memory_space<vmem>>
      %dma_start3A_273 = arith.constant 0 : i32
      %dma_start3A_274 = arith.constant 0 : i32
      %dma_start3A_275 = tpu.memref_slice %arg20[%dma_start3A_273, %dma_start3A_274] : memref<10112x32xf32, #tpu.memory_space<vmem_shared>> -> memref<10112x32xf32, #tpu.memory_space<vmem_shared>>
      %dma_start3A_276 = tpu.memref_slice %arg19[%dma_start3A_269] : memref<4x!tpu.dma_semaphore, #tpu.memory_space<semaphore_mem>> -> memref<1x!tpu.dma_semaphore, #tpu.memory_space<semaphore_mem>>
      %dma_start3A_277 = tpu.memref_squeeze %dma_start3A_276 : memref<1x!tpu.dma_semaphore, #tpu.memory_space<semaphore_mem>> -> memref<!tpu.dma_semaphore, #tpu.memory_space<semaphore_mem>>
      tpu.enqueue_indirect_dma source(%arg14 : memref<128x32xf32, #tpu.memory_space<vmem>>) target(%dma_start3A_275 : memref<10112x32xf32, #tpu.memory_space<vmem_shared>>) offsets(%dma_start3A_272 : memref<128xi32, #tpu.memory_space<vmem>>) semaphore(%dma_start3A_277 : memref<!tpu.dma_semaphore, #tpu.memory_space<semaphore_mem>>) {add = true}
    }
    %scan3A_39 = arith.constant 40 : i32
    %dma_wait3A = arith.constant 158 : i32
    %dma_wait3A_40 = arith.constant 2 : i32
    %dma_wait3A_41 = arith.constant 0 : i32
    %dma_wait3A_42 = tpu.memref_slice %arg10[%dma_wait3A, %dma_wait3A_41] : memref<160x128xi32, #tpu.memory_space<vmem>> -> memref<1x128xi32, #tpu.memory_space<vmem>>
    %dma_wait3A_43 = tpu.memref_squeeze %dma_wait3A_42 : memref<1x128xi32, #tpu.memory_space<vmem>> -> memref<128xi32, #tpu.memory_space<vmem>>
    %dma_wait3A_44 = arith.constant 0 : i32
    %dma_wait3A_45 = arith.constant 0 : i32
    %dma_wait3A_46 = tpu.memref_slice %arg20[%dma_wait3A_44, %dma_wait3A_45] : memref<10112x32xf32, #tpu.memory_space<vmem_shared>> -> memref<10112x32xf32, #tpu.memory_space<vmem_shared>>
    %dma_wait3A_47 = tpu.memref_slice %arg19[%dma_wait3A_40] : memref<4x!tpu.dma_semaphore, #tpu.memory_space<semaphore_mem>> -> memref<1x!tpu.dma_semaphore, #tpu.memory_space<semaphore_mem>>
    %dma_wait3A_48 = tpu.memref_squeeze %dma_wait3A_47 : memref<1x!tpu.dma_semaphore, #tpu.memory_space<semaphore_mem>> -> memref<!tpu.dma_semaphore, #tpu.memory_space<semaphore_mem>>
    tpu.wait_indirect_dma semaphore(%dma_wait3A_48 : memref<!tpu.dma_semaphore, #tpu.memory_space<semaphore_mem>>) src(%arg13 : memref<128x32xf32, #tpu.memory_space<vmem>>) dst(%dma_wait3A_46 : memref<10112x32xf32, #tpu.memory_space<vmem_shared>>)
    %dma_wait3A_49 = arith.constant 159 : i32
    %dma_wait3A_50 = arith.constant 3 : i32
    %dma_wait3A_51 = arith.constant 0 : i32
    %dma_wait3A_52 = tpu.memref_slice %arg10[%dma_wait3A_49, %dma_wait3A_51] : memref<160x128xi32, #tpu.memory_space<vmem>> -> memref<1x128xi32, #tpu.memory_space<vmem>>
    %dma_wait3A_53 = tpu.memref_squeeze %dma_wait3A_52 : memref<1x128xi32, #tpu.memory_space<vmem>> -> memref<128xi32, #tpu.memory_space<vmem>>
    %dma_wait3A_54 = arith.constant 0 : i32
    %dma_wait3A_55 = arith.constant 0 : i32
    %dma_wait3A_56 = tpu.memref_slice %arg20[%dma_wait3A_54, %dma_wait3A_55] : memref<10112x32xf32, #tpu.memory_space<vmem_shared>> -> memref<10112x32xf32, #tpu.memory_space<vmem_shared>>
    %dma_wait3A_57 = tpu.memref_slice %arg19[%dma_wait3A_50] : memref<4x!tpu.dma_semaphore, #tpu.memory_space<semaphore_mem>> -> memref<1x!tpu.dma_semaphore, #tpu.memory_space<semaphore_mem>>
    %dma_wait3A_58 = tpu.memref_squeeze %dma_wait3A_57 : memref<1x!tpu.dma_semaphore, #tpu.memory_space<semaphore_mem>> -> memref<!tpu.dma_semaphore, #tpu.memory_space<semaphore_mem>>
    tpu.wait_indirect_dma semaphore(%dma_wait3A_58 : memref<!tpu.dma_semaphore, #tpu.memory_space<semaphore_mem>>) src(%arg14 : memref<128x32xf32, #tpu.memory_space<vmem>>) dst(%dma_wait3A_56 : memref<10112x32xf32, #tpu.memory_space<vmem_shared>>)
    %barrier3A_59 = arith.constant 0 : index
    tpu.barrier barrier_id(%barrier3A_59)
    "tpu.region"() ({
      %run_scoped3A_137 = tpu.sem_alloc : memref<!tpu.dma_semaphore, #tpu.memory_space<semaphore_mem>>
      %dma_start3A_138 = arith.constant 0 : i32
      %dma_start3A_139 = tpu.memref_slice %arg20[%mul3A_4, %dma_start3A_138] : memref<10112x32xf32, #tpu.memory_space<vmem_shared>> -> memref<632x32xf32, #tpu.memory_space<vmem_shared>>
      %dma_start3A_140 = arith.constant 0 : i32
      %dma_start3A_141 = tpu.memref_slice %arg20[%mul3A_4, %dma_start3A_140] : memref<10112x32xf32, #tpu.memory_space<vmem_shared>> -> memref<632x32xf32, #tpu.memory_space<vmem_shared>>
      tpu.enqueue_dma source(%dma_start3A_141 : memref<632x32xf32, #tpu.memory_space<vmem_shared>>) target(%arg15 : memref<632x32xf32, #tpu.memory_space<vmem>>) target_semaphore(%run_scoped3A_137 : memref<!tpu.dma_semaphore, #tpu.memory_space<semaphore_mem>>)
      %dma_wait3A_142 = arith.constant 0 : i32
      %dma_wait3A_143 = tpu.memref_slice %arg20[%mul3A_4, %dma_wait3A_142] : memref<10112x32xf32, #tpu.memory_space<vmem_shared>> -> memref<632x32xf32, #tpu.memory_space<vmem_shared>>
      %dma_wait3A_144 = arith.constant 0 : i32
      %dma_wait3A_145 = tpu.memref_slice %arg20[%mul3A_4, %dma_wait3A_144] : memref<10112x32xf32, #tpu.memory_space<vmem_shared>> -> memref<632x32xf32, #tpu.memory_space<vmem_shared>>
      tpu.wait_dma2 semaphore(%run_scoped3A_137 : memref<!tpu.dma_semaphore, #tpu.memory_space<semaphore_mem>>) src(%dma_wait3A_145 : memref<632x32xf32, #tpu.memory_space<vmem_shared>>) dst(%arg15 : memref<632x32xf32, #tpu.memory_space<vmem>>)
      tpu.yield
    }) : () -> ()
    %scan3A_60 = arith.constant 0 : i32
    %scan3A_61 = arith.constant 79 : i32
    %scan3A_62 = arith.addi %scan3A_60, %scan3A_61 : i32
    %scan3A_63 = arith.constant 1 : i32
    scf.for %scan3A_137 = %scan3A_60 to %scan3A_62 step %scan3A_63  : i32 {
      %mul3A_138 = arith.constant 1 : i32
      %mul3A_139 = arith.muli %scan3A_137, %mul3A_138 : i32
      %add3A = arith.constant 0 : i32
      %add3A_140 = arith.addi %add3A, %mul3A_139 : i32
      %mul3A_141 = arith.constant 8 : i32
      %mul3A_142 = arith.muli %add3A_140, %mul3A_141 : i32
      %add3A_143 = arith.constant 0 : i32
      %add3A_144 = arith.addi %mul3A_142, %add3A_143 : i32
      %get3A = arith.index_cast %add3A_144 : i32 to index
      %get3A_145 = arith.constant 0 : index
      %get3A_146 = tpu.vector_load %arg16[%get3A, %get3A_145] {strides = array<i32>} : memref<632x16xf32, #tpu.memory_space<vmem>>, vector<1x16xf32>,
      %get3A_147 = vector.shape_cast %get3A_146 : vector<1x16xf32> to vector<16xf32>
      %mul3A_148 = arith.mulf %get3A_147, %get3A_147 : vector<16xf32>
      %get3A_149 = arith.index_cast %add3A_144 : i32 to index
      %get3A_150 = arith.constant 0 : index
      %get3A_151 = tpu.vector_load %arg15[%get3A_149, %get3A_150] {strides = array<i32>} : memref<632x32xf32, #tpu.memory_space<vmem>>, vector<1x16xf32>,
      %get3A_152 = vector.shape_cast %get3A_151 : vector<1x16xf32> to vector<16xf32>
      %mul3A_153 = arith.mulf %get3A_152, %mul3A_148 : vector<16xf32>
      %swap3A = arith.index_cast %add3A_144 : i32 to index
      %swap3A_154 = arith.constant 0 : index
      %swap3A_155 = tpu.vector_load %arg15[%swap3A, %swap3A_154] {strides = array<i32>} : memref<632x32xf32, #tpu.memory_space<vmem>>, vector<1x16xf32>,
      %swap3A_156 = vector.shape_cast %swap3A_155 : vector<1x16xf32> to vector<16xf32>
      %swap3A_157 = vector.shape_cast %mul3A_153 : vector<16xf32> to vector<1x16xf32>
      tpu.vector_store %arg15[%swap3A, %swap3A_154], %swap3A_157 {strides = array<i32>} : memref<632x32xf32, #tpu.memory_space<vmem>>, vector<1x16xf32>,
      %get3A_158 = arith.index_cast %add3A_144 : i32 to index
      %get3A_159 = arith.constant 16 : index
      %get3A_160 = tpu.vector_load %arg15[%get3A_158, %get3A_159] {strides = array<i32>} : memref<632x32xf32, #tpu.memory_space<vmem>>, vector<1x16xf32>,
      %get3A_161 = vector.shape_cast %get3A_160 : vector<1x16xf32> to vector<16xf32>
      %mul3A_162 = arith.mulf %get3A_161, %mul3A_148 : vector<16xf32>
      %swap3A_163 = arith.index_cast %add3A_144 : i32 to index
      %swap3A_164 = arith.constant 16 : index
      %swap3A_165 = tpu.vector_load %arg15[%swap3A_163, %swap3A_164] {strides = array<i32>} : memref<632x32xf32, #tpu.memory_space<vmem>>, vector<1x16xf32>,
      %swap3A_166 = vector.shape_cast %swap3A_165 : vector<1x16xf32> to vector<16xf32>
      %swap3A_167 = vector.shape_cast %mul3A_162 : vector<16xf32> to vector<1x16xf32>
      tpu.vector_store %arg15[%swap3A_163, %swap3A_164], %swap3A_167 {strides = array<i32>} : memref<632x32xf32, #tpu.memory_space<vmem>>, vector<1x16xf32>,
      %mul3A_168 = arith.constant 8 : i32
      %mul3A_169 = arith.muli %add3A_140, %mul3A_168 : i32
      %add3A_170 = arith.constant 1 : i32
      %add3A_171 = arith.addi %mul3A_169, %add3A_170 : i32
      %get3A_172 = arith.index_cast %add3A_171 : i32 to index
      %get3A_173 = arith.constant 0 : index
      %get3A_174 = tpu.vector_load %arg16[%get3A_172, %get3A_173] {strides = array<i32>} : memref<632x16xf32, #tpu.memory_space<vmem>>, vector<1x16xf32>,
      %get3A_175 = vector.shape_cast %get3A_174 : vector<1x16xf32> to vector<16xf32>
      %mul3A_176 = arith.mulf %get3A_175, %get3A_175 : vector<16xf32>
      %get3A_177 = arith.index_cast %add3A_171 : i32 to index
      %get3A_178 = arith.constant 0 : index
      %get3A_179 = tpu.vector_load %arg15[%get3A_177, %get3A_178] {strides = array<i32>} : memref<632x32xf32, #tpu.memory_space<vmem>>, vector<1x16xf32>,
      %get3A_180 = vector.shape_cast %get3A_179 : vector<1x16xf32> to vector<16xf32>
      %mul3A_181 = arith.mulf %get3A_180, %mul3A_176 : vector<16xf32>
      %swap3A_182 = arith.index_cast %add3A_171 : i32 to index
      %swap3A_183 = arith.constant 0 : index
      %swap3A_184 = tpu.vector_load %arg15[%swap3A_182, %swap3A_183] {strides = array<i32>} : memref<632x32xf32, #tpu.memory_space<vmem>>, vector<1x16xf32>,
      %swap3A_185 = vector.shape_cast %swap3A_184 : vector<1x16xf32> to vector<16xf32>
      %swap3A_186 = vector.shape_cast %mul3A_181 : vector<16xf32> to vector<1x16xf32>
      tpu.vector_store %arg15[%swap3A_182, %swap3A_183], %swap3A_186 {strides = array<i32>} : memref<632x32xf32, #tpu.memory_space<vmem>>, vector<1x16xf32>,
      %get3A_187 = arith.index_cast %add3A_171 : i32 to index
      %get3A_188 = arith.constant 16 : index
      %get3A_189 = tpu.vector_load %arg15[%get3A_187, %get3A_188] {strides = array<i32>} : memref<632x32xf32, #tpu.memory_space<vmem>>, vector<1x16xf32>,
      %get3A_190 = vector.shape_cast %get3A_189 : vector<1x16xf32> to vector<16xf32>
      %mul3A_191 = arith.mulf %get3A_190, %mul3A_176 : vector<16xf32>
      %swap3A_192 = arith.index_cast %add3A_171 : i32 to index
      %swap3A_193 = arith.constant 16 : index
      %swap3A_194 = tpu.vector_load %arg15[%swap3A_192, %swap3A_193] {strides = array<i32>} : memref<632x32xf32, #tpu.memory_space<vmem>>, vector<1x16xf32>,
      %swap3A_195 = vector.shape_cast %swap3A_194 : vector<1x16xf32> to vector<16xf32>
      %swap3A_196 = vector.shape_cast %mul3A_191 : vector<16xf32> to vector<1x16xf32>
      tpu.vector_store %arg15[%swap3A_192, %swap3A_193], %swap3A_196 {strides = array<i32>} : memref<632x32xf32, #tpu.memory_space<vmem>>, vector<1x16xf32>,
      %mul3A_197 = arith.constant 8 : i32
      %mul3A_198 = arith.muli %add3A_140, %mul3A_197 : i32
      %add3A_199 = arith.constant 2 : i32
      %add3A_200 = arith.addi %mul3A_198, %add3A_199 : i32
      %get3A_201 = arith.index_cast %add3A_200 : i32 to index
      %get3A_202 = arith.constant 0 : index
      %get3A_203 = tpu.vector_load %arg16[%get3A_201, %get3A_202] {strides = array<i32>} : memref<632x16xf32, #tpu.memory_space<vmem>>, vector<1x16xf32>,
      %get3A_204 = vector.shape_cast %get3A_203 : vector<1x16xf32> to vector<16xf32>
      %mul3A_205 = arith.mulf %get3A_204, %get3A_204 : vector<16xf32>
      %get3A_206 = arith.index_cast %add3A_200 : i32 to index
      %get3A_207 = arith.constant 0 : index
      %get3A_208 = tpu.vector_load %arg15[%get3A_206, %get3A_207] {strides = array<i32>} : memref<632x32xf32, #tpu.memory_space<vmem>>, vector<1x16xf32>,
      %get3A_209 = vector.shape_cast %get3A_208 : vector<1x16xf32> to vector<16xf32>
      %mul3A_210 = arith.mulf %get3A_209, %mul3A_205 : vector<16xf32>
      %swap3A_211 = arith.index_cast %add3A_200 : i32 to index
      %swap3A_212 = arith.constant 0 : index
      %swap3A_213 = tpu.vector_load %arg15[%swap3A_211, %swap3A_212] {strides = array<i32>} : memref<632x32xf32, #tpu.memory_space<vmem>>, vector<1x16xf32>,
      %swap3A_214 = vector.shape_cast %swap3A_213 : vector<1x16xf32> to vector<16xf32>
      %swap3A_215 = vector.shape_cast %mul3A_210 : vector<16xf32> to vector<1x16xf32>
      tpu.vector_store %arg15[%swap3A_211, %swap3A_212], %swap3A_215 {strides = array<i32>} : memref<632x32xf32, #tpu.memory_space<vmem>>, vector<1x16xf32>,
      %get3A_216 = arith.index_cast %add3A_200 : i32 to index
      %get3A_217 = arith.constant 16 : index
      %get3A_218 = tpu.vector_load %arg15[%get3A_216, %get3A_217] {strides = array<i32>} : memref<632x32xf32, #tpu.memory_space<vmem>>, vector<1x16xf32>,
      %get3A_219 = vector.shape_cast %get3A_218 : vector<1x16xf32> to vector<16xf32>
      %mul3A_220 = arith.mulf %get3A_219, %mul3A_205 : vector<16xf32>
      %swap3A_221 = arith.index_cast %add3A_200 : i32 to index
      %swap3A_222 = arith.constant 16 : index
      %swap3A_223 = tpu.vector_load %arg15[%swap3A_221, %swap3A_222] {strides = array<i32>} : memref<632x32xf32, #tpu.memory_space<vmem>>, vector<1x16xf32>,
      %swap3A_224 = vector.shape_cast %swap3A_223 : vector<1x16xf32> to vector<16xf32>
      %swap3A_225 = vector.shape_cast %mul3A_220 : vector<16xf32> to vector<1x16xf32>
      tpu.vector_store %arg15[%swap3A_221, %swap3A_222], %swap3A_225 {strides = array<i32>} : memref<632x32xf32, #tpu.memory_space<vmem>>, vector<1x16xf32>,
      %mul3A_226 = arith.constant 8 : i32
      %mul3A_227 = arith.muli %add3A_140, %mul3A_226 : i32
      %add3A_228 = arith.constant 3 : i32
      %add3A_229 = arith.addi %mul3A_227, %add3A_228 : i32
      %get3A_230 = arith.index_cast %add3A_229 : i32 to index
      %get3A_231 = arith.constant 0 : index
      %get3A_232 = tpu.vector_load %arg16[%get3A_230, %get3A_231] {strides = array<i32>} : memref<632x16xf32, #tpu.memory_space<vmem>>, vector<1x16xf32>,
      %get3A_233 = vector.shape_cast %get3A_232 : vector<1x16xf32> to vector<16xf32>
      %mul3A_234 = arith.mulf %get3A_233, %get3A_233 : vector<16xf32>
      %get3A_235 = arith.index_cast %add3A_229 : i32 to index
      %get3A_236 = arith.constant 0 : index
      %get3A_237 = tpu.vector_load %arg15[%get3A_235, %get3A_236] {strides = array<i32>} : memref<632x32xf32, #tpu.memory_space<vmem>>, vector<1x16xf32>,
      %get3A_238 = vector.shape_cast %get3A_237 : vector<1x16xf32> to vector<16xf32>
      %mul3A_239 = arith.mulf %get3A_238, %mul3A_234 : vector<16xf32>
      %swap3A_240 = arith.index_cast %add3A_229 : i32 to index
      %swap3A_241 = arith.constant 0 : index
      %swap3A_242 = tpu.vector_load %arg15[%swap3A_240, %swap3A_241] {strides = array<i32>} : memref<632x32xf32, #tpu.memory_space<vmem>>, vector<1x16xf32>,
      %swap3A_243 = vector.shape_cast %swap3A_242 : vector<1x16xf32> to vector<16xf32>
      %swap3A_244 = vector.shape_cast %mul3A_239 : vector<16xf32> to vector<1x16xf32>
      tpu.vector_store %arg15[%swap3A_240, %swap3A_241], %swap3A_244 {strides = array<i32>} : memref<632x32xf32, #tpu.memory_space<vmem>>, vector<1x16xf32>,
      %get3A_245 = arith.index_cast %add3A_229 : i32 to index
      %get3A_246 = arith.constant 16 : index
      %get3A_247 = tpu.vector_load %arg15[%get3A_245, %get3A_246] {strides = array<i32>} : memref<632x32xf32, #tpu.memory_space<vmem>>, vector<1x16xf32>,
      %get3A_248 = vector.shape_cast %get3A_247 : vector<1x16xf32> to vector<16xf32>
      %mul3A_249 = arith.mulf %get3A_248, %mul3A_234 : vector<16xf32>
      %swap3A_250 = arith.index_cast %add3A_229 : i32 to index
      %swap3A_251 = arith.constant 16 : index
      %swap3A_252 = tpu.vector_load %arg15[%swap3A_250, %swap3A_251] {strides = array<i32>} : memref<632x32xf32, #tpu.memory_space<vmem>>, vector<1x16xf32>,
      %swap3A_253 = vector.shape_cast %swap3A_252 : vector<1x16xf32> to vector<16xf32>
      %swap3A_254 = vector.shape_cast %mul3A_249 : vector<16xf32> to vector<1x16xf32>
      tpu.vector_store %arg15[%swap3A_250, %swap3A_251], %swap3A_254 {strides = array<i32>} : memref<632x32xf32, #tpu.memory_space<vmem>>, vector<1x16xf32>,
      %mul3A_255 = arith.constant 8 : i32
      %mul3A_256 = arith.muli %add3A_140, %mul3A_255 : i32
      %add3A_257 = arith.constant 4 : i32
      %add3A_258 = arith.addi %mul3A_256, %add3A_257 : i32
      %get3A_259 = arith.index_cast %add3A_258 : i32 to index
      %get3A_260 = arith.constant 0 : index
      %get3A_261 = tpu.vector_load %arg16[%get3A_259, %get3A_260] {strides = array<i32>} : memref<632x16xf32, #tpu.memory_space<vmem>>, vector<1x16xf32>,
      %get3A_262 = vector.shape_cast %get3A_261 : vector<1x16xf32> to vector<16xf32>
      %mul3A_263 = arith.mulf %get3A_262, %get3A_262 : vector<16xf32>
      %get3A_264 = arith.index_cast %add3A_258 : i32 to index
      %get3A_265 = arith.constant 0 : index
      %get3A_266 = tpu.vector_load %arg15[%get3A_264, %get3A_265] {strides = array<i32>} : memref<632x32xf32, #tpu.memory_space<vmem>>, vector<1x16xf32>,
      %get3A_267 = vector.shape_cast %get3A_266 : vector<1x16xf32> to vector<16xf32>
      %mul3A_268 = arith.mulf %get3A_267, %mul3A_263 : vector<16xf32>
      %swap3A_269 = arith.index_cast %add3A_258 : i32 to index
      %swap3A_270 = arith.constant 0 : index
      %swap3A_271 = tpu.vector_load %arg15[%swap3A_269, %swap3A_270] {strides = array<i32>} : memref<632x32xf32, #tpu.memory_space<vmem>>, vector<1x16xf32>,
      %swap3A_272 = vector.shape_cast %swap3A_271 : vector<1x16xf32> to vector<16xf32>
      %swap3A_273 = vector.shape_cast %mul3A_268 : vector<16xf32> to vector<1x16xf32>
      tpu.vector_store %arg15[%swap3A_269, %swap3A_270], %swap3A_273 {strides = array<i32>} : memref<632x32xf32, #tpu.memory_space<vmem>>, vector<1x16xf32>,
      %get3A_274 = arith.index_cast %add3A_258 : i32 to index
      %get3A_275 = arith.constant 16 : index
      %get3A_276 = tpu.vector_load %arg15[%get3A_274, %get3A_275] {strides = array<i32>} : memref<632x32xf32, #tpu.memory_space<vmem>>, vector<1x16xf32>,
      %get3A_277 = vector.shape_cast %get3A_276 : vector<1x16xf32> to vector<16xf32>
      %mul3A_278 = arith.mulf %get3A_277, %mul3A_263 : vector<16xf32>
      %swap3A_279 = arith.index_cast %add3A_258 : i32 to index
      %swap3A_280 = arith.constant 16 : index
      %swap3A_281 = tpu.vector_load %arg15[%swap3A_279, %swap3A_280] {strides = array<i32>} : memref<632x32xf32, #tpu.memory_space<vmem>>, vector<1x16xf32>,
      %swap3A_282 = vector.shape_cast %swap3A_281 : vector<1x16xf32> to vector<16xf32>
      %swap3A_283 = vector.shape_cast %mul3A_278 : vector<16xf32> to vector<1x16xf32>
      tpu.vector_store %arg15[%swap3A_279, %swap3A_280], %swap3A_283 {strides = array<i32>} : memref<632x32xf32, #tpu.memory_space<vmem>>, vector<1x16xf32>,
      %mul3A_284 = arith.constant 8 : i32
      %mul3A_285 = arith.muli %add3A_140, %mul3A_284 : i32
      %add3A_286 = arith.constant 5 : i32
      %add3A_287 = arith.addi %mul3A_285, %add3A_286 : i32
      %get3A_288 = arith.index_cast %add3A_287 : i32 to index
      %get3A_289 = arith.constant 0 : index
      %get3A_290 = tpu.vector_load %arg16[%get3A_288, %get3A_289] {strides = array<i32>} : memref<632x16xf32, #tpu.memory_space<vmem>>, vector<1x16xf32>,
      %get3A_291 = vector.shape_cast %get3A_290 : vector<1x16xf32> to vector<16xf32>
      %mul3A_292 = arith.mulf %get3A_291, %get3A_291 : vector<16xf32>
      %get3A_293 = arith.index_cast %add3A_287 : i32 to index
      %get3A_294 = arith.constant 0 : index
      %get3A_295 = tpu.vector_load %arg15[%get3A_293, %get3A_294] {strides = array<i32>} : memref<632x32xf32, #tpu.memory_space<vmem>>, vector<1x16xf32>,
      %get3A_296 = vector.shape_cast %get3A_295 : vector<1x16xf32> to vector<16xf32>
      %mul3A_297 = arith.mulf %get3A_296, %mul3A_292 : vector<16xf32>
      %swap3A_298 = arith.index_cast %add3A_287 : i32 to index
      %swap3A_299 = arith.constant 0 : index
      %swap3A_300 = tpu.vector_load %arg15[%swap3A_298, %swap3A_299] {strides = array<i32>} : memref<632x32xf32, #tpu.memory_space<vmem>>, vector<1x16xf32>,
      %swap3A_301 = vector.shape_cast %swap3A_300 : vector<1x16xf32> to vector<16xf32>
      %swap3A_302 = vector.shape_cast %mul3A_297 : vector<16xf32> to vector<1x16xf32>
      tpu.vector_store %arg15[%swap3A_298, %swap3A_299], %swap3A_302 {strides = array<i32>} : memref<632x32xf32, #tpu.memory_space<vmem>>, vector<1x16xf32>,
      %get3A_303 = arith.index_cast %add3A_287 : i32 to index
      %get3A_304 = arith.constant 16 : index
      %get3A_305 = tpu.vector_load %arg15[%get3A_303, %get3A_304] {strides = array<i32>} : memref<632x32xf32, #tpu.memory_space<vmem>>, vector<1x16xf32>,
      %get3A_306 = vector.shape_cast %get3A_305 : vector<1x16xf32> to vector<16xf32>
      %mul3A_307 = arith.mulf %get3A_306, %mul3A_292 : vector<16xf32>
      %swap3A_308 = arith.index_cast %add3A_287 : i32 to index
      %swap3A_309 = arith.constant 16 : index
      %swap3A_310 = tpu.vector_load %arg15[%swap3A_308, %swap3A_309] {strides = array<i32>} : memref<632x32xf32, #tpu.memory_space<vmem>>, vector<1x16xf32>,
      %swap3A_311 = vector.shape_cast %swap3A_310 : vector<1x16xf32> to vector<16xf32>
      %swap3A_312 = vector.shape_cast %mul3A_307 : vector<16xf32> to vector<1x16xf32>
      tpu.vector_store %arg15[%swap3A_308, %swap3A_309], %swap3A_312 {strides = array<i32>} : memref<632x32xf32, #tpu.memory_space<vmem>>, vector<1x16xf32>,
      %mul3A_313 = arith.constant 8 : i32
      %mul3A_314 = arith.muli %add3A_140, %mul3A_313 : i32
      %add3A_315 = arith.constant 6 : i32
      %add3A_316 = arith.addi %mul3A_314, %add3A_315 : i32
      %get3A_317 = arith.index_cast %add3A_316 : i32 to index
      %get3A_318 = arith.constant 0 : index
      %get3A_319 = tpu.vector_load %arg16[%get3A_317, %get3A_318] {strides = array<i32>} : memref<632x16xf32, #tpu.memory_space<vmem>>, vector<1x16xf32>,
      %get3A_320 = vector.shape_cast %get3A_319 : vector<1x16xf32> to vector<16xf32>
      %mul3A_321 = arith.mulf %get3A_320, %get3A_320 : vector<16xf32>
      %get3A_322 = arith.index_cast %add3A_316 : i32 to index
      %get3A_323 = arith.constant 0 : index
      %get3A_324 = tpu.vector_load %arg15[%get3A_322, %get3A_323] {strides = array<i32>} : memref<632x32xf32, #tpu.memory_space<vmem>>, vector<1x16xf32>,
      %get3A_325 = vector.shape_cast %get3A_324 : vector<1x16xf32> to vector<16xf32>
      %mul3A_326 = arith.mulf %get3A_325, %mul3A_321 : vector<16xf32>
      %swap3A_327 = arith.index_cast %add3A_316 : i32 to index
      %swap3A_328 = arith.constant 0 : index
      %swap3A_329 = tpu.vector_load %arg15[%swap3A_327, %swap3A_328] {strides = array<i32>} : memref<632x32xf32, #tpu.memory_space<vmem>>, vector<1x16xf32>,
      %swap3A_330 = vector.shape_cast %swap3A_329 : vector<1x16xf32> to vector<16xf32>
      %swap3A_331 = vector.shape_cast %mul3A_326 : vector<16xf32> to vector<1x16xf32>
      tpu.vector_store %arg15[%swap3A_327, %swap3A_328], %swap3A_331 {strides = array<i32>} : memref<632x32xf32, #tpu.memory_space<vmem>>, vector<1x16xf32>,
      %get3A_332 = arith.index_cast %add3A_316 : i32 to index
      %get3A_333 = arith.constant 16 : index
      %get3A_334 = tpu.vector_load %arg15[%get3A_332, %get3A_333] {strides = array<i32>} : memref<632x32xf32, #tpu.memory_space<vmem>>, vector<1x16xf32>,
      %get3A_335 = vector.shape_cast %get3A_334 : vector<1x16xf32> to vector<16xf32>
      %mul3A_336 = arith.mulf %get3A_335, %mul3A_321 : vector<16xf32>
      %swap3A_337 = arith.index_cast %add3A_316 : i32 to index
      %swap3A_338 = arith.constant 16 : index
      %swap3A_339 = tpu.vector_load %arg15[%swap3A_337, %swap3A_338] {strides = array<i32>} : memref<632x32xf32, #tpu.memory_space<vmem>>, vector<1x16xf32>,
      %swap3A_340 = vector.shape_cast %swap3A_339 : vector<1x16xf32> to vector<16xf32>
      %swap3A_341 = vector.shape_cast %mul3A_336 : vector<16xf32> to vector<1x16xf32>
      tpu.vector_store %arg15[%swap3A_337, %swap3A_338], %swap3A_341 {strides = array<i32>} : memref<632x32xf32, #tpu.memory_space<vmem>>, vector<1x16xf32>,
      %mul3A_342 = arith.constant 8 : i32
      %mul3A_343 = arith.muli %add3A_140, %mul3A_342 : i32
      %add3A_344 = arith.constant 7 : i32
      %add3A_345 = arith.addi %mul3A_343, %add3A_344 : i32
      %get3A_346 = arith.index_cast %add3A_345 : i32 to index
      %get3A_347 = arith.constant 0 : index
      %get3A_348 = tpu.vector_load %arg16[%get3A_346, %get3A_347] {strides = array<i32>} : memref<632x16xf32, #tpu.memory_space<vmem>>, vector<1x16xf32>,
      %get3A_349 = vector.shape_cast %get3A_348 : vector<1x16xf32> to vector<16xf32>
      %mul3A_350 = arith.mulf %get3A_349, %get3A_349 : vector<16xf32>
      %get3A_351 = arith.index_cast %add3A_345 : i32 to index
      %get3A_352 = arith.constant 0 : index
      %get3A_353 = tpu.vector_load %arg15[%get3A_351, %get3A_352] {strides = array<i32>} : memref<632x32xf32, #tpu.memory_space<vmem>>, vector<1x16xf32>,
      %get3A_354 = vector.shape_cast %get3A_353 : vector<1x16xf32> to vector<16xf32>
      %mul3A_355 = arith.mulf %get3A_354, %mul3A_350 : vector<16xf32>
      %swap3A_356 = arith.index_cast %add3A_345 : i32 to index
      %swap3A_357 = arith.constant 0 : index
      %swap3A_358 = tpu.vector_load %arg15[%swap3A_356, %swap3A_357] {strides = array<i32>} : memref<632x32xf32, #tpu.memory_space<vmem>>, vector<1x16xf32>,
      %swap3A_359 = vector.shape_cast %swap3A_358 : vector<1x16xf32> to vector<16xf32>
      %swap3A_360 = vector.shape_cast %mul3A_355 : vector<16xf32> to vector<1x16xf32>
      tpu.vector_store %arg15[%swap3A_356, %swap3A_357], %swap3A_360 {strides = array<i32>} : memref<632x32xf32, #tpu.memory_space<vmem>>, vector<1x16xf32>,
      %get3A_361 = arith.index_cast %add3A_345 : i32 to index
      %get3A_362 = arith.constant 16 : index
      %get3A_363 = tpu.vector_load %arg15[%get3A_361, %get3A_362] {strides = array<i32>} : memref<632x32xf32, #tpu.memory_space<vmem>>, vector<1x16xf32>,
      %get3A_364 = vector.shape_cast %get3A_363 : vector<1x16xf32> to vector<16xf32>
      %mul3A_365 = arith.mulf %get3A_364, %mul3A_350 : vector<16xf32>
      %swap3A_366 = arith.index_cast %add3A_345 : i32 to index
      %swap3A_367 = arith.constant 16 : index
      %swap3A_368 = tpu.vector_load %arg15[%swap3A_366, %swap3A_367] {strides = array<i32>} : memref<632x32xf32, #tpu.memory_space<vmem>>, vector<1x16xf32>,
      %swap3A_369 = vector.shape_cast %swap3A_368 : vector<1x16xf32> to vector<16xf32>
      %swap3A_370 = vector.shape_cast %mul3A_365 : vector<16xf32> to vector<1x16xf32>
      tpu.vector_store %arg15[%swap3A_366, %swap3A_367], %swap3A_370 {strides = array<i32>} : memref<632x32xf32, #tpu.memory_space<vmem>>, vector<1x16xf32>,
    }
    %scan3A_64 = arith.constant 79 : i32
    "tpu.region"() ({
      %run_scoped3A_137 = tpu.sem_alloc : memref<!tpu.dma_semaphore, #tpu.memory_space<semaphore_mem>>
      %dma_start3A_138 = arith.constant 0 : i32
      %dma_start3A_139 = tpu.memref_slice %arg20[%mul3A_4, %dma_start3A_138] : memref<10112x32xf32, #tpu.memory_space<vmem_shared>> -> memref<632x32xf32, #tpu.memory_space<vmem_shared>>
      %dma_start3A_140 = arith.constant 0 : i32
      %dma_start3A_141 = tpu.memref_slice %arg20[%mul3A_4, %dma_start3A_140] : memref<10112x32xf32, #tpu.memory_space<vmem_shared>> -> memref<632x32xf32, #tpu.memory_space<vmem_shared>>
      tpu.enqueue_dma source(%arg15 : memref<632x32xf32, #tpu.memory_space<vmem>>) target(%dma_start3A_141 : memref<632x32xf32, #tpu.memory_space<vmem_shared>>) target_semaphore(%run_scoped3A_137 : memref<!tpu.dma_semaphore, #tpu.memory_space<semaphore_mem>>)
      %dma_wait3A_142 = arith.constant 0 : i32
      %dma_wait3A_143 = tpu.memref_slice %arg20[%mul3A_4, %dma_wait3A_142] : memref<10112x32xf32, #tpu.memory_space<vmem_shared>> -> memref<632x32xf32, #tpu.memory_space<vmem_shared>>
      %dma_wait3A_144 = arith.constant 0 : i32
      %dma_wait3A_145 = tpu.memref_slice %arg20[%mul3A_4, %dma_wait3A_144] : memref<10112x32xf32, #tpu.memory_space<vmem_shared>> -> memref<632x32xf32, #tpu.memory_space<vmem_shared>>
      tpu.wait_dma2 semaphore(%run_scoped3A_137 : memref<!tpu.dma_semaphore, #tpu.memory_space<semaphore_mem>>) src(%arg15 : memref<632x32xf32, #tpu.memory_space<vmem>>) dst(%dma_wait3A_145 : memref<632x32xf32, #tpu.memory_space<vmem_shared>>)
      tpu.yield
    }) : () -> ()
    %lt3A_65 = arith.constant 15 : i32
    %lt3A_66 = arith.cmpi slt, %arg1, %lt3A_65 : i32
    %convert_element_type3A_67 = arith.extui %lt3A_66 : i1 to i32
    %cond3A_68 = arith.constant 0 : i32
    %cond3A_69 = arith.cmpi ne, %convert_element_type3A_67, %cond3A_68 : i32
    scf.if %cond3A_69 {
      "tpu.region"() ({
        %run_scoped3A_137 = tpu.sem_alloc : memref<!tpu.dma_semaphore, #tpu.memory_space<semaphore_mem>>
        %dma_start3A_138 = arith.constant 0 : i32
        %dma_start3A_139 = tpu.memref_slice %arg21[%mul3A_4, %dma_start3A_138] : memref<10000x32xf32, #tpu.memory_space<vmem_shared>> -> memref<632x32xf32, #tpu.memory_space<vmem_shared>>
        %dma_start3A_140 = arith.constant 0 : i32
        %dma_start3A_141 = tpu.memref_slice %arg21[%mul3A_4, %dma_start3A_140] : memref<10000x32xf32, #tpu.memory_space<vmem_shared>> -> memref<632x32xf32, #tpu.memory_space<vmem_shared>>
        tpu.enqueue_dma source(%arg15 : memref<632x32xf32, #tpu.memory_space<vmem>>) target(%dma_start3A_141 : memref<632x32xf32, #tpu.memory_space<vmem_shared>>) target_semaphore(%run_scoped3A_137 : memref<!tpu.dma_semaphore, #tpu.memory_space<semaphore_mem>>)
        %dma_wait3A_142 = arith.constant 0 : i32
        %dma_wait3A_143 = tpu.memref_slice %arg21[%mul3A_4, %dma_wait3A_142] : memref<10000x32xf32, #tpu.memory_space<vmem_shared>> -> memref<632x32xf32, #tpu.memory_space<vmem_shared>>
        %dma_wait3A_144 = arith.constant 0 : i32
        %dma_wait3A_145 = tpu.memref_slice %arg21[%mul3A_4, %dma_wait3A_144] : memref<10000x32xf32, #tpu.memory_space<vmem_shared>> -> memref<632x32xf32, #tpu.memory_space<vmem_shared>>
        tpu.wait_dma2 semaphore(%run_scoped3A_137 : memref<!tpu.dma_semaphore, #tpu.memory_space<semaphore_mem>>) src(%arg15 : memref<632x32xf32, #tpu.memory_space<vmem>>) dst(%dma_wait3A_145 : memref<632x32xf32, #tpu.memory_space<vmem_shared>>)
        tpu.yield
      }) : () -> ()
    } else {
    }
    %eq3A_70 = arith.constant 15 : i32
    %eq3A_71 = arith.cmpi eq, %arg1, %eq3A_70 : i32
    %convert_element_type3A_72 = arith.extui %eq3A_71 : i1 to i32
    %cond3A_73 = arith.constant 0 : i32
    %cond3A_74 = arith.cmpi ne, %convert_element_type3A_72, %cond3A_73 : i32
    scf.if %cond3A_74 {
      "tpu.region"() ({
        %run_scoped3A_137 = tpu.sem_alloc : memref<!tpu.dma_semaphore, #tpu.memory_space<semaphore_mem>>
        %dma_start3A_138 = arith.constant 0 : i32
        %dma_start3A_139 = arith.constant 0 : i32
        %dma_start3A_140 = tpu.memref_slice %arg15[%dma_start3A_138, %dma_start3A_139] : memref<632x32xf32, #tpu.memory_space<vmem>> -> memref<520x32xf32, #tpu.memory_space<vmem>>
        %dma_start3A_141 = arith.constant 9480 : i32
        %dma_start3A_142 = arith.constant 0 : i32
        %dma_start3A_143 = tpu.memref_slice %arg21[%dma_start3A_141, %dma_start3A_142] : memref<10000x32xf32, #tpu.memory_space<vmem_shared>> -> memref<520x32xf32, #tpu.memory_space<vmem_shared>>
        %dma_start3A_144 = arith.constant 9480 : i32
        %dma_start3A_145 = arith.constant 0 : i32
        %dma_start3A_146 = tpu.memref_slice %arg21[%dma_start3A_144, %dma_start3A_145] : memref<10000x32xf32, #tpu.memory_space<vmem_shared>> -> memref<520x32xf32, #tpu.memory_space<vmem_shared>>
        %dma_start3A_147 = arith.constant 0 : i32
        %dma_start3A_148 = arith.constant 0 : i32
        %dma_start3A_149 = tpu.memref_slice %arg15[%dma_start3A_147, %dma_start3A_148] : memref<632x32xf32, #tpu.memory_space<vmem>> -> memref<520x32xf32, #tpu.memory_space<vmem>>
        tpu.enqueue_dma source(%dma_start3A_149 : memref<520x32xf32, #tpu.memory_space<vmem>>) target(%dma_start3A_146 : memref<520x32xf32, #tpu.memory_space<vmem_shared>>) target_semaphore(%run_scoped3A_137 : memref<!tpu.dma_semaphore, #tpu.memory_space<semaphore_mem>>)
        %dma_wait3A_150 = arith.constant 0 : i32
        %dma_wait3A_151 = arith.constant 0 : i32
        %dma_wait3A_152 = tpu.memref_slice %arg15[%dma_wait3A_150, %dma_wait3A_151] : memref<632x32xf32, #tpu.memory_space<vmem>> -> memref<520x32xf32, #tpu.memory_space<vmem>>
        %dma_wait3A_153 = arith.constant 9480 : i32
        %dma_wait3A_154 = arith.constant 0 : i32
        %dma_wait3A_155 = tpu.memref_slice %arg21[%dma_wait3A_153, %dma_wait3A_154] : memref<10000x32xf32, #tpu.memory_space<vmem_shared>> -> memref<520x32xf32, #tpu.memory_space<vmem_shared>>
        %dma_wait3A_156 = arith.constant 9480 : i32
        %dma_wait3A_157 = arith.constant 0 : i32
        %dma_wait3A_158 = tpu.memref_slice %arg21[%dma_wait3A_156, %dma_wait3A_157] : memref<10000x32xf32, #tpu.memory_space<vmem_shared>> -> memref<520x32xf32, #tpu.memory_space<vmem_shared>>
        %dma_wait3A_159 = arith.constant 0 : i32
        %dma_wait3A_160 = arith.constant 0 : i32
        %dma_wait3A_161 = tpu.memref_slice %arg15[%dma_wait3A_159, %dma_wait3A_160] : memref<632x32xf32, #tpu.memory_space<vmem>> -> memref<520x32xf32, #tpu.memory_space<vmem>>
        tpu.wait_dma2 semaphore(%run_scoped3A_137 : memref<!tpu.dma_semaphore, #tpu.memory_space<semaphore_mem>>) src(%dma_wait3A_161 : memref<520x32xf32, #tpu.memory_space<vmem>>) dst(%dma_wait3A_158 : memref<520x32xf32, #tpu.memory_space<vmem_shared>>)
        tpu.yield
      }) : () -> ()
    } else {
    }
    %barrier3A_75 = arith.constant 0 : index
    tpu.barrier barrier_id(%barrier3A_75)
    %dma_start3A_76 = arith.constant 0 : i32
    %dma_start3A_77 = arith.constant 0 : i32
    %dma_start3A_78 = arith.constant 0 : i32
    %dma_start3A_79 = tpu.memref_slice %arg9[%dma_start3A_76, %dma_start3A_78] : memref<160x128xi32, #tpu.memory_space<vmem>> -> memref<1x128xi32, #tpu.memory_space<vmem>>
    %dma_start3A_80 = tpu.memref_squeeze %dma_start3A_79 : memref<1x128xi32, #tpu.memory_space<vmem>> -> memref<128xi32, #tpu.memory_space<vmem>>
    %dma_start3A_81 = arith.constant 0 : i32
    %dma_start3A_82 = arith.constant 0 : i32
    %dma_start3A_83 = tpu.memref_slice %arg21[%dma_start3A_81, %dma_start3A_82] : memref<10000x32xf32, #tpu.memory_space<vmem_shared>> -> memref<10000x32xf32, #tpu.memory_space<vmem_shared>>
    %dma_start3A_84 = tpu.memref_slice %arg18[%dma_start3A_77] : memref<4x!tpu.dma_semaphore, #tpu.memory_space<semaphore_mem>> -> memref<1x!tpu.dma_semaphore, #tpu.memory_space<semaphore_mem>>
    %dma_start3A_85 = tpu.memref_squeeze %dma_start3A_84 : memref<1x!tpu.dma_semaphore, #tpu.memory_space<semaphore_mem>> -> memref<!tpu.dma_semaphore, #tpu.memory_space<semaphore_mem>>
    tpu.enqueue_indirect_dma source(%dma_start3A_83 : memref<10000x32xf32, #tpu.memory_space<vmem_shared>>) target(%arg11 : memref<128x32xf32, #tpu.memory_space<vmem>>) offsets(%dma_start3A_80 : memref<128xi32, #tpu.memory_space<vmem>>) semaphore(%dma_start3A_85 : memref<!tpu.dma_semaphore, #tpu.memory_space<semaphore_mem>>)
    %dma_start3A_86 = arith.constant 1 : i32
    %dma_start3A_87 = arith.constant 1 : i32
    %dma_start3A_88 = arith.constant 0 : i32
    %dma_start3A_89 = tpu.memref_slice %arg9[%dma_start3A_86, %dma_start3A_88] : memref<160x128xi32, #tpu.memory_space<vmem>> -> memref<1x128xi32, #tpu.memory_space<vmem>>
    %dma_start3A_90 = tpu.memref_squeeze %dma_start3A_89 : memref<1x128xi32, #tpu.memory_space<vmem>> -> memref<128xi32, #tpu.memory_space<vmem>>
    %dma_start3A_91 = arith.constant 0 : i32
    %dma_start3A_92 = arith.constant 0 : i32
    %dma_start3A_93 = tpu.memref_slice %arg21[%dma_start3A_91, %dma_start3A_92] : memref<10000x32xf32, #tpu.memory_space<vmem_shared>> -> memref<10000x32xf32, #tpu.memory_space<vmem_shared>>
    %dma_start3A_94 = tpu.memref_slice %arg18[%dma_start3A_87] : memref<4x!tpu.dma_semaphore, #tpu.memory_space<semaphore_mem>> -> memref<1x!tpu.dma_semaphore, #tpu.memory_space<semaphore_mem>>
    %dma_start3A_95 = tpu.memref_squeeze %dma_start3A_94 : memref<1x!tpu.dma_semaphore, #tpu.memory_space<semaphore_mem>> -> memref<!tpu.dma_semaphore, #tpu.memory_space<semaphore_mem>>
    tpu.enqueue_indirect_dma source(%dma_start3A_93 : memref<10000x32xf32, #tpu.memory_space<vmem_shared>>) target(%arg12 : memref<128x32xf32, #tpu.memory_space<vmem>>) offsets(%dma_start3A_90 : memref<128xi32, #tpu.memory_space<vmem>>) semaphore(%dma_start3A_95 : memref<!tpu.dma_semaphore, #tpu.memory_space<semaphore_mem>>)
    %scan3A_96 = arith.constant 0 : i32
    %scan3A_97 = arith.constant 40 : i32
    %scan3A_98 = arith.addi %scan3A_96, %scan3A_97 : i32
    %scan3A_99 = arith.constant 1 : i32
    scf.for %scan3A_137 = %scan3A_96 to %scan3A_98 step %scan3A_99  : i32 {
      %mul3A_138 = arith.constant 1 : i32
      %mul3A_139 = arith.muli %scan3A_137, %mul3A_138 : i32
      %add3A = arith.constant 0 : i32
      %add3A_140 = arith.addi %add3A, %mul3A_139 : i32
      %mul3A_141 = arith.constant 4 : i32
      %mul3A_142 = arith.muli %add3A_140, %mul3A_141 : i32
      %add3A_143 = arith.constant 0 : i32
      %add3A_144 = arith.addi %mul3A_142, %add3A_143 : i32
      %add3A_145 = arith.constant 2 : i32
      %add3A_146 = arith.addi %add3A_144, %add3A_145 : i32
      %ge3A = arith.constant 4 : i32
      %ge3A_147 = arith.cmpi sge, %add3A_146, %ge3A : i32
      %convert_element_type3A_148 = arith.extui %ge3A_147 : i1 to i32
      %cond3A_149 = arith.constant 0 : i32
      %cond3A_150 = arith.cmpi ne, %convert_element_type3A_148, %cond3A_149 : i32
      scf.if %cond3A_150 {
        %add3A_278 = arith.constant 2 : i32
        %add3A_279 = arith.addi %add3A_144, %add3A_278 : i32
        %sub3A = arith.constant 4 : i32
        %sub3A_280 = arith.subi %add3A_279, %sub3A : i32
        %dma_wait3A_281 = arith.constant 2 : i32
        %dma_wait3A_282 = arith.constant 0 : i32
        %dma_wait3A_283 = tpu.memref_slice %arg10[%sub3A_280, %dma_wait3A_282] : memref<160x128xi32, #tpu.memory_space<vmem>> -> memref<1x128xi32, #tpu.memory_space<vmem>>
        %dma_wait3A_284 = tpu.memref_squeeze %dma_wait3A_283 : memref<1x128xi32, #tpu.memory_space<vmem>> -> memref<128xi32, #tpu.memory_space<vmem>>
        %dma_wait3A_285 = arith.constant 0 : i32
        %dma_wait3A_286 = arith.constant 0 : i32
        %dma_wait3A_287 = tpu.memref_slice %arg20[%dma_wait3A_285, %dma_wait3A_286] : memref<10112x32xf32, #tpu.memory_space<vmem_shared>> -> memref<10112x32xf32, #tpu.memory_space<vmem_shared>>
        %dma_wait3A_288 = tpu.memref_slice %arg19[%dma_wait3A_281] : memref<4x!tpu.dma_semaphore, #tpu.memory_space<semaphore_mem>> -> memref<1x!tpu.dma_semaphore, #tpu.memory_space<semaphore_mem>>
        %dma_wait3A_289 = tpu.memref_squeeze %dma_wait3A_288 : memref<1x!tpu.dma_semaphore, #tpu.memory_space<semaphore_mem>> -> memref<!tpu.dma_semaphore, #tpu.memory_space<semaphore_mem>>
        tpu.wait_indirect_dma semaphore(%dma_wait3A_289 : memref<!tpu.dma_semaphore, #tpu.memory_space<semaphore_mem>>) src(%arg13 : memref<128x32xf32, #tpu.memory_space<vmem>>) dst(%dma_wait3A_287 : memref<10112x32xf32, #tpu.memory_space<vmem_shared>>)
      } else {
      }
      %add3A_151 = arith.constant 2 : i32
      %add3A_152 = arith.addi %add3A_144, %add3A_151 : i32
      %lt3A_153 = arith.constant 160 : i32
      %lt3A_154 = arith.cmpi slt, %add3A_152, %lt3A_153 : i32
      %convert_element_type3A_155 = arith.extui %lt3A_154 : i1 to i32
      %cond3A_156 = arith.constant 0 : i32
      %cond3A_157 = arith.cmpi ne, %convert_element_type3A_155, %cond3A_156 : i32
      scf.if %cond3A_157 {
        %add3A_278 = arith.constant 2 : i32
        %add3A_279 = arith.addi %add3A_144, %add3A_278 : i32
        %dma_start3A_280 = arith.constant 2 : i32
        %dma_start3A_281 = arith.constant 0 : i32
        %dma_start3A_282 = tpu.memref_slice %arg9[%add3A_279, %dma_start3A_281] : memref<160x128xi32, #tpu.memory_space<vmem>> -> memref<1x128xi32, #tpu.memory_space<vmem>>
        %dma_start3A_283 = tpu.memref_squeeze %dma_start3A_282 : memref<1x128xi32, #tpu.memory_space<vmem>> -> memref<128xi32, #tpu.memory_space<vmem>>
        %dma_start3A_284 = arith.constant 0 : i32
        %dma_start3A_285 = arith.constant 0 : i32
        %dma_start3A_286 = tpu.memref_slice %arg21[%dma_start3A_284, %dma_start3A_285] : memref<10000x32xf32, #tpu.memory_space<vmem_shared>> -> memref<10000x32xf32, #tpu.memory_space<vmem_shared>>
        %dma_start3A_287 = tpu.memref_slice %arg18[%dma_start3A_280] : memref<4x!tpu.dma_semaphore, #tpu.memory_space<semaphore_mem>> -> memref<1x!tpu.dma_semaphore, #tpu.memory_space<semaphore_mem>>
        %dma_start3A_288 = tpu.memref_squeeze %dma_start3A_287 : memref<1x!tpu.dma_semaphore, #tpu.memory_space<semaphore_mem>> -> memref<!tpu.dma_semaphore, #tpu.memory_space<semaphore_mem>>
        tpu.enqueue_indirect_dma source(%dma_start3A_286 : memref<10000x32xf32, #tpu.memory_space<vmem_shared>>) target(%arg13 : memref<128x32xf32, #tpu.memory_space<vmem>>) offsets(%dma_start3A_283 : memref<128xi32, #tpu.memory_space<vmem>>) semaphore(%dma_start3A_288 : memref<!tpu.dma_semaphore, #tpu.memory_space<semaphore_mem>>)
      } else {
      }
      %dma_wait3A_158 = arith.constant 0 : i32
      %dma_wait3A_159 = arith.constant 0 : i32
      %dma_wait3A_160 = tpu.memref_slice %arg9[%add3A_144, %dma_wait3A_159] : memref<160x128xi32, #tpu.memory_space<vmem>> -> memref<1x128xi32, #tpu.memory_space<vmem>>
      %dma_wait3A_161 = tpu.memref_squeeze %dma_wait3A_160 : memref<1x128xi32, #tpu.memory_space<vmem>> -> memref<128xi32, #tpu.memory_space<vmem>>
      %dma_wait3A_162 = arith.constant 0 : i32
      %dma_wait3A_163 = arith.constant 0 : i32
      %dma_wait3A_164 = tpu.memref_slice %arg21[%dma_wait3A_162, %dma_wait3A_163] : memref<10000x32xf32, #tpu.memory_space<vmem_shared>> -> memref<10000x32xf32, #tpu.memory_space<vmem_shared>>
      %dma_wait3A_165 = tpu.memref_slice %arg18[%dma_wait3A_158] : memref<4x!tpu.dma_semaphore, #tpu.memory_space<semaphore_mem>> -> memref<1x!tpu.dma_semaphore, #tpu.memory_space<semaphore_mem>>
      %dma_wait3A_166 = tpu.memref_squeeze %dma_wait3A_165 : memref<1x!tpu.dma_semaphore, #tpu.memory_space<semaphore_mem>> -> memref<!tpu.dma_semaphore, #tpu.memory_space<semaphore_mem>>
      tpu.wait_indirect_dma semaphore(%dma_wait3A_166 : memref<!tpu.dma_semaphore, #tpu.memory_space<semaphore_mem>>) src(%dma_wait3A_164 : memref<10000x32xf32, #tpu.memory_space<vmem_shared>>) dst(%arg11 : memref<128x32xf32, #tpu.memory_space<vmem>>)
      %dma_start3A_167 = arith.constant 0 : i32
      %dma_start3A_168 = arith.constant 0 : i32
      %dma_start3A_169 = tpu.memref_slice %arg10[%add3A_144, %dma_start3A_168] : memref<160x128xi32, #tpu.memory_space<vmem>> -> memref<1x128xi32, #tpu.memory_space<vmem>>
      %dma_start3A_170 = tpu.memref_squeeze %dma_start3A_169 : memref<1x128xi32, #tpu.memory_space<vmem>> -> memref<128xi32, #tpu.memory_space<vmem>>
      %dma_start3A_171 = arith.constant 0 : i32
      %dma_start3A_172 = arith.constant 0 : i32
      %dma_start3A_173 = tpu.memref_slice %arg20[%dma_start3A_171, %dma_start3A_172] : memref<10112x32xf32, #tpu.memory_space<vmem_shared>> -> memref<10112x32xf32, #tpu.memory_space<vmem_shared>>
      %dma_start3A_174 = tpu.memref_slice %arg19[%dma_start3A_167] : memref<4x!tpu.dma_semaphore, #tpu.memory_space<semaphore_mem>> -> memref<1x!tpu.dma_semaphore, #tpu.memory_space<semaphore_mem>>
      %dma_start3A_175 = tpu.memref_squeeze %dma_start3A_174 : memref<1x!tpu.dma_semaphore, #tpu.memory_space<semaphore_mem>> -> memref<!tpu.dma_semaphore, #tpu.memory_space<semaphore_mem>>
      tpu.enqueue_indirect_dma source(%arg11 : memref<128x32xf32, #tpu.memory_space<vmem>>) target(%dma_start3A_173 : memref<10112x32xf32, #tpu.memory_space<vmem_shared>>) offsets(%dma_start3A_170 : memref<128xi32, #tpu.memory_space<vmem>>) semaphore(%dma_start3A_175 : memref<!tpu.dma_semaphore, #tpu.memory_space<semaphore_mem>>) {add = true}
      %add3A_176 = arith.constant 1 : i32
      %add3A_177 = arith.addi %mul3A_142, %add3A_176 : i32
      %add3A_178 = arith.constant 2 : i32
      %add3A_179 = arith.addi %add3A_177, %add3A_178 : i32
      %ge3A_180 = arith.constant 4 : i32
      %ge3A_181 = arith.cmpi sge, %add3A_179, %ge3A_180 : i32
      %convert_element_type3A_182 = arith.extui %ge3A_181 : i1 to i32
      %cond3A_183 = arith.constant 0 : i32
      %cond3A_184 = arith.cmpi ne, %convert_element_type3A_182, %cond3A_183 : i32
      scf.if %cond3A_184 {
        %add3A_278 = arith.constant 2 : i32
        %add3A_279 = arith.addi %add3A_177, %add3A_278 : i32
        %sub3A = arith.constant 4 : i32
        %sub3A_280 = arith.subi %add3A_279, %sub3A : i32
        %dma_wait3A_281 = arith.constant 3 : i32
        %dma_wait3A_282 = arith.constant 0 : i32
        %dma_wait3A_283 = tpu.memref_slice %arg10[%sub3A_280, %dma_wait3A_282] : memref<160x128xi32, #tpu.memory_space<vmem>> -> memref<1x128xi32, #tpu.memory_space<vmem>>
        %dma_wait3A_284 = tpu.memref_squeeze %dma_wait3A_283 : memref<1x128xi32, #tpu.memory_space<vmem>> -> memref<128xi32, #tpu.memory_space<vmem>>
        %dma_wait3A_285 = arith.constant 0 : i32
        %dma_wait3A_286 = arith.constant 0 : i32
        %dma_wait3A_287 = tpu.memref_slice %arg20[%dma_wait3A_285, %dma_wait3A_286] : memref<10112x32xf32, #tpu.memory_space<vmem_shared>> -> memref<10112x32xf32, #tpu.memory_space<vmem_shared>>
        %dma_wait3A_288 = tpu.memref_slice %arg19[%dma_wait3A_281] : memref<4x!tpu.dma_semaphore, #tpu.memory_space<semaphore_mem>> -> memref<1x!tpu.dma_semaphore, #tpu.memory_space<semaphore_mem>>
        %dma_wait3A_289 = tpu.memref_squeeze %dma_wait3A_288 : memref<1x!tpu.dma_semaphore, #tpu.memory_space<semaphore_mem>> -> memref<!tpu.dma_semaphore, #tpu.memory_space<semaphore_mem>>
        tpu.wait_indirect_dma semaphore(%dma_wait3A_289 : memref<!tpu.dma_semaphore, #tpu.memory_space<semaphore_mem>>) src(%arg14 : memref<128x32xf32, #tpu.memory_space<vmem>>) dst(%dma_wait3A_287 : memref<10112x32xf32, #tpu.memory_space<vmem_shared>>)
      } else {
      }
      %add3A_185 = arith.constant 2 : i32
      %add3A_186 = arith.addi %add3A_177, %add3A_185 : i32
      %lt3A_187 = arith.constant 160 : i32
      %lt3A_188 = arith.cmpi slt, %add3A_186, %lt3A_187 : i32
      %convert_element_type3A_189 = arith.extui %lt3A_188 : i1 to i32
      %cond3A_190 = arith.constant 0 : i32
      %cond3A_191 = arith.cmpi ne, %convert_element_type3A_189, %cond3A_190 : i32
      scf.if %cond3A_191 {
        %add3A_278 = arith.constant 2 : i32
        %add3A_279 = arith.addi %add3A_177, %add3A_278 : i32
        %dma_start3A_280 = arith.constant 3 : i32
        %dma_start3A_281 = arith.constant 0 : i32
        %dma_start3A_282 = tpu.memref_slice %arg9[%add3A_279, %dma_start3A_281] : memref<160x128xi32, #tpu.memory_space<vmem>> -> memref<1x128xi32, #tpu.memory_space<vmem>>
        %dma_start3A_283 = tpu.memref_squeeze %dma_start3A_282 : memref<1x128xi32, #tpu.memory_space<vmem>> -> memref<128xi32, #tpu.memory_space<vmem>>
        %dma_start3A_284 = arith.constant 0 : i32
        %dma_start3A_285 = arith.constant 0 : i32
        %dma_start3A_286 = tpu.memref_slice %arg21[%dma_start3A_284, %dma_start3A_285] : memref<10000x32xf32, #tpu.memory_space<vmem_shared>> -> memref<10000x32xf32, #tpu.memory_space<vmem_shared>>
        %dma_start3A_287 = tpu.memref_slice %arg18[%dma_start3A_280] : memref<4x!tpu.dma_semaphore, #tpu.memory_space<semaphore_mem>> -> memref<1x!tpu.dma_semaphore, #tpu.memory_space<semaphore_mem>>
        %dma_start3A_288 = tpu.memref_squeeze %dma_start3A_287 : memref<1x!tpu.dma_semaphore, #tpu.memory_space<semaphore_mem>> -> memref<!tpu.dma_semaphore, #tpu.memory_space<semaphore_mem>>
        tpu.enqueue_indirect_dma source(%dma_start3A_286 : memref<10000x32xf32, #tpu.memory_space<vmem_shared>>) target(%arg14 : memref<128x32xf32, #tpu.memory_space<vmem>>) offsets(%dma_start3A_283 : memref<128xi32, #tpu.memory_space<vmem>>) semaphore(%dma_start3A_288 : memref<!tpu.dma_semaphore, #tpu.memory_space<semaphore_mem>>)
      } else {
      }
      %dma_wait3A_192 = arith.constant 1 : i32
      %dma_wait3A_193 = arith.constant 0 : i32
      %dma_wait3A_194 = tpu.memref_slice %arg9[%add3A_177, %dma_wait3A_193] : memref<160x128xi32, #tpu.memory_space<vmem>> -> memref<1x128xi32, #tpu.memory_space<vmem>>
      %dma_wait3A_195 = tpu.memref_squeeze %dma_wait3A_194 : memref<1x128xi32, #tpu.memory_space<vmem>> -> memref<128xi32, #tpu.memory_space<vmem>>
      %dma_wait3A_196 = arith.constant 0 : i32
      %dma_wait3A_197 = arith.constant 0 : i32
      %dma_wait3A_198 = tpu.memref_slice %arg21[%dma_wait3A_196, %dma_wait3A_197] : memref<10000x32xf32, #tpu.memory_space<vmem_shared>> -> memref<10000x32xf32, #tpu.memory_space<vmem_shared>>
      %dma_wait3A_199 = tpu.memref_slice %arg18[%dma_wait3A_192] : memref<4x!tpu.dma_semaphore, #tpu.memory_space<semaphore_mem>> -> memref<1x!tpu.dma_semaphore, #tpu.memory_space<semaphore_mem>>
      %dma_wait3A_200 = tpu.memref_squeeze %dma_wait3A_199 : memref<1x!tpu.dma_semaphore, #tpu.memory_space<semaphore_mem>> -> memref<!tpu.dma_semaphore, #tpu.memory_space<semaphore_mem>>
      tpu.wait_indirect_dma semaphore(%dma_wait3A_200 : memref<!tpu.dma_semaphore, #tpu.memory_space<semaphore_mem>>) src(%dma_wait3A_198 : memref<10000x32xf32, #tpu.memory_space<vmem_shared>>) dst(%arg12 : memref<128x32xf32, #tpu.memory_space<vmem>>)
      %dma_start3A_201 = arith.constant 1 : i32
      %dma_start3A_202 = arith.constant 0 : i32
      %dma_start3A_203 = tpu.memref_slice %arg10[%add3A_177, %dma_start3A_202] : memref<160x128xi32, #tpu.memory_space<vmem>> -> memref<1x128xi32, #tpu.memory_space<vmem>>
      %dma_start3A_204 = tpu.memref_squeeze %dma_start3A_203 : memref<1x128xi32, #tpu.memory_space<vmem>> -> memref<128xi32, #tpu.memory_space<vmem>>
      %dma_start3A_205 = arith.constant 0 : i32
      %dma_start3A_206 = arith.constant 0 : i32
      %dma_start3A_207 = tpu.memref_slice %arg20[%dma_start3A_205, %dma_start3A_206] : memref<10112x32xf32, #tpu.memory_space<vmem_shared>> -> memref<10112x32xf32, #tpu.memory_space<vmem_shared>>
      %dma_start3A_208 = tpu.memref_slice %arg19[%dma_start3A_201] : memref<4x!tpu.dma_semaphore, #tpu.memory_space<semaphore_mem>> -> memref<1x!tpu.dma_semaphore, #tpu.memory_space<semaphore_mem>>
      %dma_start3A_209 = tpu.memref_squeeze %dma_start3A_208 : memref<1x!tpu.dma_semaphore, #tpu.memory_space<semaphore_mem>> -> memref<!tpu.dma_semaphore, #tpu.memory_space<semaphore_mem>>
      tpu.enqueue_indirect_dma source(%arg12 : memref<128x32xf32, #tpu.memory_space<vmem>>) target(%dma_start3A_207 : memref<10112x32xf32, #tpu.memory_space<vmem_shared>>) offsets(%dma_start3A_204 : memref<128xi32, #tpu.memory_space<vmem>>) semaphore(%dma_start3A_209 : memref<!tpu.dma_semaphore, #tpu.memory_space<semaphore_mem>>) {add = true}
      %add3A_210 = arith.constant 2 : i32
      %add3A_211 = arith.addi %mul3A_142, %add3A_210 : i32
      %add3A_212 = arith.constant 2 : i32
      %add3A_213 = arith.addi %add3A_211, %add3A_212 : i32
      %ge3A_214 = arith.constant 4 : i32
      %ge3A_215 = arith.cmpi sge, %add3A_213, %ge3A_214 : i32
      %convert_element_type3A_216 = arith.extui %ge3A_215 : i1 to i32
      %cond3A_217 = arith.constant 0 : i32
      %cond3A_218 = arith.cmpi ne, %convert_element_type3A_216, %cond3A_217 : i32
      scf.if %cond3A_218 {
        %add3A_278 = arith.constant 2 : i32
        %add3A_279 = arith.addi %add3A_211, %add3A_278 : i32
        %sub3A = arith.constant 4 : i32
        %sub3A_280 = arith.subi %add3A_279, %sub3A : i32
        %dma_wait3A_281 = arith.constant 0 : i32
        %dma_wait3A_282 = arith.constant 0 : i32
        %dma_wait3A_283 = tpu.memref_slice %arg10[%sub3A_280, %dma_wait3A_282] : memref<160x128xi32, #tpu.memory_space<vmem>> -> memref<1x128xi32, #tpu.memory_space<vmem>>
        %dma_wait3A_284 = tpu.memref_squeeze %dma_wait3A_283 : memref<1x128xi32, #tpu.memory_space<vmem>> -> memref<128xi32, #tpu.memory_space<vmem>>
        %dma_wait3A_285 = arith.constant 0 : i32
        %dma_wait3A_286 = arith.constant 0 : i32
        %dma_wait3A_287 = tpu.memref_slice %arg20[%dma_wait3A_285, %dma_wait3A_286] : memref<10112x32xf32, #tpu.memory_space<vmem_shared>> -> memref<10112x32xf32, #tpu.memory_space<vmem_shared>>
        %dma_wait3A_288 = tpu.memref_slice %arg19[%dma_wait3A_281] : memref<4x!tpu.dma_semaphore, #tpu.memory_space<semaphore_mem>> -> memref<1x!tpu.dma_semaphore, #tpu.memory_space<semaphore_mem>>
        %dma_wait3A_289 = tpu.memref_squeeze %dma_wait3A_288 : memref<1x!tpu.dma_semaphore, #tpu.memory_space<semaphore_mem>> -> memref<!tpu.dma_semaphore, #tpu.memory_space<semaphore_mem>>
        tpu.wait_indirect_dma semaphore(%dma_wait3A_289 : memref<!tpu.dma_semaphore, #tpu.memory_space<semaphore_mem>>) src(%arg11 : memref<128x32xf32, #tpu.memory_space<vmem>>) dst(%dma_wait3A_287 : memref<10112x32xf32, #tpu.memory_space<vmem_shared>>)
      } else {
      }
      %add3A_219 = arith.constant 2 : i32
      %add3A_220 = arith.addi %add3A_211, %add3A_219 : i32
      %lt3A_221 = arith.constant 160 : i32
      %lt3A_222 = arith.cmpi slt, %add3A_220, %lt3A_221 : i32
      %convert_element_type3A_223 = arith.extui %lt3A_222 : i1 to i32
      %cond3A_224 = arith.constant 0 : i32
      %cond3A_225 = arith.cmpi ne, %convert_element_type3A_223, %cond3A_224 : i32
      scf.if %cond3A_225 {
        %add3A_278 = arith.constant 2 : i32
        %add3A_279 = arith.addi %add3A_211, %add3A_278 : i32
        %dma_start3A_280 = arith.constant 0 : i32
        %dma_start3A_281 = arith.constant 0 : i32
        %dma_start3A_282 = tpu.memref_slice %arg9[%add3A_279, %dma_start3A_281] : memref<160x128xi32, #tpu.memory_space<vmem>> -> memref<1x128xi32, #tpu.memory_space<vmem>>
        %dma_start3A_283 = tpu.memref_squeeze %dma_start3A_282 : memref<1x128xi32, #tpu.memory_space<vmem>> -> memref<128xi32, #tpu.memory_space<vmem>>
        %dma_start3A_284 = arith.constant 0 : i32
        %dma_start3A_285 = arith.constant 0 : i32
        %dma_start3A_286 = tpu.memref_slice %arg21[%dma_start3A_284, %dma_start3A_285] : memref<10000x32xf32, #tpu.memory_space<vmem_shared>> -> memref<10000x32xf32, #tpu.memory_space<vmem_shared>>
        %dma_start3A_287 = tpu.memref_slice %arg18[%dma_start3A_280] : memref<4x!tpu.dma_semaphore, #tpu.memory_space<semaphore_mem>> -> memref<1x!tpu.dma_semaphore, #tpu.memory_space<semaphore_mem>>
        %dma_start3A_288 = tpu.memref_squeeze %dma_start3A_287 : memref<1x!tpu.dma_semaphore, #tpu.memory_space<semaphore_mem>> -> memref<!tpu.dma_semaphore, #tpu.memory_space<semaphore_mem>>
        tpu.enqueue_indirect_dma source(%dma_start3A_286 : memref<10000x32xf32, #tpu.memory_space<vmem_shared>>) target(%arg11 : memref<128x32xf32, #tpu.memory_space<vmem>>) offsets(%dma_start3A_283 : memref<128xi32, #tpu.memory_space<vmem>>) semaphore(%dma_start3A_288 : memref<!tpu.dma_semaphore, #tpu.memory_space<semaphore_mem>>)
      } else {
      }
      %dma_wait3A_226 = arith.constant 2 : i32
      %dma_wait3A_227 = arith.constant 0 : i32
      %dma_wait3A_228 = tpu.memref_slice %arg9[%add3A_211, %dma_wait3A_227] : memref<160x128xi32, #tpu.memory_space<vmem>> -> memref<1x128xi32, #tpu.memory_space<vmem>>
      %dma_wait3A_229 = tpu.memref_squeeze %dma_wait3A_228 : memref<1x128xi32, #tpu.memory_space<vmem>> -> memref<128xi32, #tpu.memory_space<vmem>>
      %dma_wait3A_230 = arith.constant 0 : i32
      %dma_wait3A_231 = arith.constant 0 : i32
      %dma_wait3A_232 = tpu.memref_slice %arg21[%dma_wait3A_230, %dma_wait3A_231] : memref<10000x32xf32, #tpu.memory_space<vmem_shared>> -> memref<10000x32xf32, #tpu.memory_space<vmem_shared>>
      %dma_wait3A_233 = tpu.memref_slice %arg18[%dma_wait3A_226] : memref<4x!tpu.dma_semaphore, #tpu.memory_space<semaphore_mem>> -> memref<1x!tpu.dma_semaphore, #tpu.memory_space<semaphore_mem>>
      %dma_wait3A_234 = tpu.memref_squeeze %dma_wait3A_233 : memref<1x!tpu.dma_semaphore, #tpu.memory_space<semaphore_mem>> -> memref<!tpu.dma_semaphore, #tpu.memory_space<semaphore_mem>>
      tpu.wait_indirect_dma semaphore(%dma_wait3A_234 : memref<!tpu.dma_semaphore, #tpu.memory_space<semaphore_mem>>) src(%dma_wait3A_232 : memref<10000x32xf32, #tpu.memory_space<vmem_shared>>) dst(%arg13 : memref<128x32xf32, #tpu.memory_space<vmem>>)
      %dma_start3A_235 = arith.constant 2 : i32
      %dma_start3A_236 = arith.constant 0 : i32
      %dma_start3A_237 = tpu.memref_slice %arg10[%add3A_211, %dma_start3A_236] : memref<160x128xi32, #tpu.memory_space<vmem>> -> memref<1x128xi32, #tpu.memory_space<vmem>>
      %dma_start3A_238 = tpu.memref_squeeze %dma_start3A_237 : memref<1x128xi32, #tpu.memory_space<vmem>> -> memref<128xi32, #tpu.memory_space<vmem>>
      %dma_start3A_239 = arith.constant 0 : i32
      %dma_start3A_240 = arith.constant 0 : i32
      %dma_start3A_241 = tpu.memref_slice %arg20[%dma_start3A_239, %dma_start3A_240] : memref<10112x32xf32, #tpu.memory_space<vmem_shared>> -> memref<10112x32xf32, #tpu.memory_space<vmem_shared>>
      %dma_start3A_242 = tpu.memref_slice %arg19[%dma_start3A_235] : memref<4x!tpu.dma_semaphore, #tpu.memory_space<semaphore_mem>> -> memref<1x!tpu.dma_semaphore, #tpu.memory_space<semaphore_mem>>
      %dma_start3A_243 = tpu.memref_squeeze %dma_start3A_242 : memref<1x!tpu.dma_semaphore, #tpu.memory_space<semaphore_mem>> -> memref<!tpu.dma_semaphore, #tpu.memory_space<semaphore_mem>>
      tpu.enqueue_indirect_dma source(%arg13 : memref<128x32xf32, #tpu.memory_space<vmem>>) target(%dma_start3A_241 : memref<10112x32xf32, #tpu.memory_space<vmem_shared>>) offsets(%dma_start3A_238 : memref<128xi32, #tpu.memory_space<vmem>>) semaphore(%dma_start3A_243 : memref<!tpu.dma_semaphore, #tpu.memory_space<semaphore_mem>>) {add = true}
      %add3A_244 = arith.constant 3 : i32
      %add3A_245 = arith.addi %mul3A_142, %add3A_244 : i32
      %add3A_246 = arith.constant 2 : i32
      %add3A_247 = arith.addi %add3A_245, %add3A_246 : i32
      %ge3A_248 = arith.constant 4 : i32
      %ge3A_249 = arith.cmpi sge, %add3A_247, %ge3A_248 : i32
      %convert_element_type3A_250 = arith.extui %ge3A_249 : i1 to i32
      %cond3A_251 = arith.constant 0 : i32
      %cond3A_252 = arith.cmpi ne, %convert_element_type3A_250, %cond3A_251 : i32
      scf.if %cond3A_252 {
        %add3A_278 = arith.constant 2 : i32
        %add3A_279 = arith.addi %add3A_245, %add3A_278 : i32
        %sub3A = arith.constant 4 : i32
        %sub3A_280 = arith.subi %add3A_279, %sub3A : i32
        %dma_wait3A_281 = arith.constant 1 : i32
        %dma_wait3A_282 = arith.constant 0 : i32
        %dma_wait3A_283 = tpu.memref_slice %arg10[%sub3A_280, %dma_wait3A_282] : memref<160x128xi32, #tpu.memory_space<vmem>> -> memref<1x128xi32, #tpu.memory_space<vmem>>
        %dma_wait3A_284 = tpu.memref_squeeze %dma_wait3A_283 : memref<1x128xi32, #tpu.memory_space<vmem>> -> memref<128xi32, #tpu.memory_space<vmem>>
        %dma_wait3A_285 = arith.constant 0 : i32
        %dma_wait3A_286 = arith.constant 0 : i32
        %dma_wait3A_287 = tpu.memref_slice %arg20[%dma_wait3A_285, %dma_wait3A_286] : memref<10112x32xf32, #tpu.memory_space<vmem_shared>> -> memref<10112x32xf32, #tpu.memory_space<vmem_shared>>
        %dma_wait3A_288 = tpu.memref_slice %arg19[%dma_wait3A_281] : memref<4x!tpu.dma_semaphore, #tpu.memory_space<semaphore_mem>> -> memref<1x!tpu.dma_semaphore, #tpu.memory_space<semaphore_mem>>
        %dma_wait3A_289 = tpu.memref_squeeze %dma_wait3A_288 : memref<1x!tpu.dma_semaphore, #tpu.memory_space<semaphore_mem>> -> memref<!tpu.dma_semaphore, #tpu.memory_space<semaphore_mem>>
        tpu.wait_indirect_dma semaphore(%dma_wait3A_289 : memref<!tpu.dma_semaphore, #tpu.memory_space<semaphore_mem>>) src(%arg12 : memref<128x32xf32, #tpu.memory_space<vmem>>) dst(%dma_wait3A_287 : memref<10112x32xf32, #tpu.memory_space<vmem_shared>>)
      } else {
      }
      %add3A_253 = arith.constant 2 : i32
      %add3A_254 = arith.addi %add3A_245, %add3A_253 : i32
      %lt3A_255 = arith.constant 160 : i32
      %lt3A_256 = arith.cmpi slt, %add3A_254, %lt3A_255 : i32
      %convert_element_type3A_257 = arith.extui %lt3A_256 : i1 to i32
      %cond3A_258 = arith.constant 0 : i32
      %cond3A_259 = arith.cmpi ne, %convert_element_type3A_257, %cond3A_258 : i32
      scf.if %cond3A_259 {
        %add3A_278 = arith.constant 2 : i32
        %add3A_279 = arith.addi %add3A_245, %add3A_278 : i32
        %dma_start3A_280 = arith.constant 1 : i32
        %dma_start3A_281 = arith.constant 0 : i32
        %dma_start3A_282 = tpu.memref_slice %arg9[%add3A_279, %dma_start3A_281] : memref<160x128xi32, #tpu.memory_space<vmem>> -> memref<1x128xi32, #tpu.memory_space<vmem>>
        %dma_start3A_283 = tpu.memref_squeeze %dma_start3A_282 : memref<1x128xi32, #tpu.memory_space<vmem>> -> memref<128xi32, #tpu.memory_space<vmem>>
        %dma_start3A_284 = arith.constant 0 : i32
        %dma_start3A_285 = arith.constant 0 : i32
        %dma_start3A_286 = tpu.memref_slice %arg21[%dma_start3A_284, %dma_start3A_285] : memref<10000x32xf32, #tpu.memory_space<vmem_shared>> -> memref<10000x32xf32, #tpu.memory_space<vmem_shared>>
        %dma_start3A_287 = tpu.memref_slice %arg18[%dma_start3A_280] : memref<4x!tpu.dma_semaphore, #tpu.memory_space<semaphore_mem>> -> memref<1x!tpu.dma_semaphore, #tpu.memory_space<semaphore_mem>>
        %dma_start3A_288 = tpu.memref_squeeze %dma_start3A_287 : memref<1x!tpu.dma_semaphore, #tpu.memory_space<semaphore_mem>> -> memref<!tpu.dma_semaphore, #tpu.memory_space<semaphore_mem>>
        tpu.enqueue_indirect_dma source(%dma_start3A_286 : memref<10000x32xf32, #tpu.memory_space<vmem_shared>>) target(%arg12 : memref<128x32xf32, #tpu.memory_space<vmem>>) offsets(%dma_start3A_283 : memref<128xi32, #tpu.memory_space<vmem>>) semaphore(%dma_start3A_288 : memref<!tpu.dma_semaphore, #tpu.memory_space<semaphore_mem>>)
      } else {
      }
      %dma_wait3A_260 = arith.constant 3 : i32
      %dma_wait3A_261 = arith.constant 0 : i32
      %dma_wait3A_262 = tpu.memref_slice %arg9[%add3A_245, %dma_wait3A_261] : memref<160x128xi32, #tpu.memory_space<vmem>> -> memref<1x128xi32, #tpu.memory_space<vmem>>
      %dma_wait3A_263 = tpu.memref_squeeze %dma_wait3A_262 : memref<1x128xi32, #tpu.memory_space<vmem>> -> memref<128xi32, #tpu.memory_space<vmem>>
      %dma_wait3A_264 = arith.constant 0 : i32
      %dma_wait3A_265 = arith.constant 0 : i32
      %dma_wait3A_266 = tpu.memref_slice %arg21[%dma_wait3A_264, %dma_wait3A_265] : memref<10000x32xf32, #tpu.memory_space<vmem_shared>> -> memref<10000x32xf32, #tpu.memory_space<vmem_shared>>
      %dma_wait3A_267 = tpu.memref_slice %arg18[%dma_wait3A_260] : memref<4x!tpu.dma_semaphore, #tpu.memory_space<semaphore_mem>> -> memref<1x!tpu.dma_semaphore, #tpu.memory_space<semaphore_mem>>
      %dma_wait3A_268 = tpu.memref_squeeze %dma_wait3A_267 : memref<1x!tpu.dma_semaphore, #tpu.memory_space<semaphore_mem>> -> memref<!tpu.dma_semaphore, #tpu.memory_space<semaphore_mem>>
      tpu.wait_indirect_dma semaphore(%dma_wait3A_268 : memref<!tpu.dma_semaphore, #tpu.memory_space<semaphore_mem>>) src(%dma_wait3A_266 : memref<10000x32xf32, #tpu.memory_space<vmem_shared>>) dst(%arg14 : memref<128x32xf32, #tpu.memory_space<vmem>>)
      %dma_start3A_269 = arith.constant 3 : i32
      %dma_start3A_270 = arith.constant 0 : i32
      %dma_start3A_271 = tpu.memref_slice %arg10[%add3A_245, %dma_start3A_270] : memref<160x128xi32, #tpu.memory_space<vmem>> -> memref<1x128xi32, #tpu.memory_space<vmem>>
      %dma_start3A_272 = tpu.memref_squeeze %dma_start3A_271 : memref<1x128xi32, #tpu.memory_space<vmem>> -> memref<128xi32, #tpu.memory_space<vmem>>
      %dma_start3A_273 = arith.constant 0 : i32
      %dma_start3A_274 = arith.constant 0 : i32
      %dma_start3A_275 = tpu.memref_slice %arg20[%dma_start3A_273, %dma_start3A_274] : memref<10112x32xf32, #tpu.memory_space<vmem_shared>> -> memref<10112x32xf32, #tpu.memory_space<vmem_shared>>
      %dma_start3A_276 = tpu.memref_slice %arg19[%dma_start3A_269] : memref<4x!tpu.dma_semaphore, #tpu.memory_space<semaphore_mem>> -> memref<1x!tpu.dma_semaphore, #tpu.memory_space<semaphore_mem>>
      %dma_start3A_277 = tpu.memref_squeeze %dma_start3A_276 : memref<1x!tpu.dma_semaphore, #tpu.memory_space<semaphore_mem>> -> memref<!tpu.dma_semaphore, #tpu.memory_space<semaphore_mem>>
      tpu.enqueue_indirect_dma source(%arg14 : memref<128x32xf32, #tpu.memory_space<vmem>>) target(%dma_start3A_275 : memref<10112x32xf32, #tpu.memory_space<vmem_shared>>) offsets(%dma_start3A_272 : memref<128xi32, #tpu.memory_space<vmem>>) semaphore(%dma_start3A_277 : memref<!tpu.dma_semaphore, #tpu.memory_space<semaphore_mem>>) {add = true}
    }
    %scan3A_100 = arith.constant 40 : i32
    %dma_wait3A_101 = arith.constant 158 : i32
    %dma_wait3A_102 = arith.constant 2 : i32
    %dma_wait3A_103 = arith.constant 0 : i32
    %dma_wait3A_104 = tpu.memref_slice %arg10[%dma_wait3A_101, %dma_wait3A_103] : memref<160x128xi32, #tpu.memory_space<vmem>> -> memref<1x128xi32, #tpu.memory_space<vmem>>
    %dma_wait3A_105 = tpu.memref_squeeze %dma_wait3A_104 : memref<1x128xi32, #tpu.memory_space<vmem>> -> memref<128xi32, #tpu.memory_space<vmem>>
    %dma_wait3A_106 = arith.constant 0 : i32
    %dma_wait3A_107 = arith.constant 0 : i32
    %dma_wait3A_108 = tpu.memref_slice %arg20[%dma_wait3A_106, %dma_wait3A_107] : memref<10112x32xf32, #tpu.memory_space<vmem_shared>> -> memref<10112x32xf32, #tpu.memory_space<vmem_shared>>
    %dma_wait3A_109 = tpu.memref_slice %arg19[%dma_wait3A_102] : memref<4x!tpu.dma_semaphore, #tpu.memory_space<semaphore_mem>> -> memref<1x!tpu.dma_semaphore, #tpu.memory_space<semaphore_mem>>
    %dma_wait3A_110 = tpu.memref_squeeze %dma_wait3A_109 : memref<1x!tpu.dma_semaphore, #tpu.memory_space<semaphore_mem>> -> memref<!tpu.dma_semaphore, #tpu.memory_space<semaphore_mem>>
    tpu.wait_indirect_dma semaphore(%dma_wait3A_110 : memref<!tpu.dma_semaphore, #tpu.memory_space<semaphore_mem>>) src(%arg13 : memref<128x32xf32, #tpu.memory_space<vmem>>) dst(%dma_wait3A_108 : memref<10112x32xf32, #tpu.memory_space<vmem_shared>>)
    %dma_wait3A_111 = arith.constant 159 : i32
    %dma_wait3A_112 = arith.constant 3 : i32
    %dma_wait3A_113 = arith.constant 0 : i32
    %dma_wait3A_114 = tpu.memref_slice %arg10[%dma_wait3A_111, %dma_wait3A_113] : memref<160x128xi32, #tpu.memory_space<vmem>> -> memref<1x128xi32, #tpu.memory_space<vmem>>
    %dma_wait3A_115 = tpu.memref_squeeze %dma_wait3A_114 : memref<1x128xi32, #tpu.memory_space<vmem>> -> memref<128xi32, #tpu.memory_space<vmem>>
    %dma_wait3A_116 = arith.constant 0 : i32
    %dma_wait3A_117 = arith.constant 0 : i32
    %dma_wait3A_118 = tpu.memref_slice %arg20[%dma_wait3A_116, %dma_wait3A_117] : memref<10112x32xf32, #tpu.memory_space<vmem_shared>> -> memref<10112x32xf32, #tpu.memory_space<vmem_shared>>
    %dma_wait3A_119 = tpu.memref_slice %arg19[%dma_wait3A_112] : memref<4x!tpu.dma_semaphore, #tpu.memory_space<semaphore_mem>> -> memref<1x!tpu.dma_semaphore, #tpu.memory_space<semaphore_mem>>
    %dma_wait3A_120 = tpu.memref_squeeze %dma_wait3A_119 : memref<1x!tpu.dma_semaphore, #tpu.memory_space<semaphore_mem>> -> memref<!tpu.dma_semaphore, #tpu.memory_space<semaphore_mem>>
    tpu.wait_indirect_dma semaphore(%dma_wait3A_120 : memref<!tpu.dma_semaphore, #tpu.memory_space<semaphore_mem>>) src(%arg14 : memref<128x32xf32, #tpu.memory_space<vmem>>) dst(%dma_wait3A_118 : memref<10112x32xf32, #tpu.memory_space<vmem_shared>>)
    %barrier3A_121 = arith.constant 0 : index
    tpu.barrier barrier_id(%barrier3A_121)
    "tpu.region"() ({
      %run_scoped3A_137 = tpu.sem_alloc : memref<!tpu.dma_semaphore, #tpu.memory_space<semaphore_mem>>
      %dma_start3A_138 = arith.constant 0 : i32
      %dma_start3A_139 = tpu.memref_slice %arg20[%mul3A_4, %dma_start3A_138] : memref<10112x32xf32, #tpu.memory_space<vmem_shared>> -> memref<632x32xf32, #tpu.memory_space<vmem_shared>>
      %dma_start3A_140 = arith.constant 0 : i32
      %dma_start3A_141 = tpu.memref_slice %arg20[%mul3A_4, %dma_start3A_140] : memref<10112x32xf32, #tpu.memory_space<vmem_shared>> -> memref<632x32xf32, #tpu.memory_space<vmem_shared>>
      tpu.enqueue_dma source(%dma_start3A_141 : memref<632x32xf32, #tpu.memory_space<vmem_shared>>) target(%arg15 : memref<632x32xf32, #tpu.memory_space<vmem>>) target_semaphore(%run_scoped3A_137 : memref<!tpu.dma_semaphore, #tpu.memory_space<semaphore_mem>>)
      %dma_wait3A_142 = arith.constant 0 : i32
      %dma_wait3A_143 = tpu.memref_slice %arg20[%mul3A_4, %dma_wait3A_142] : memref<10112x32xf32, #tpu.memory_space<vmem_shared>> -> memref<632x32xf32, #tpu.memory_space<vmem_shared>>
      %dma_wait3A_144 = arith.constant 0 : i32
      %dma_wait3A_145 = tpu.memref_slice %arg20[%mul3A_4, %dma_wait3A_144] : memref<10112x32xf32, #tpu.memory_space<vmem_shared>> -> memref<632x32xf32, #tpu.memory_space<vmem_shared>>
      tpu.wait_dma2 semaphore(%run_scoped3A_137 : memref<!tpu.dma_semaphore, #tpu.memory_space<semaphore_mem>>) src(%dma_wait3A_145 : memref<632x32xf32, #tpu.memory_space<vmem_shared>>) dst(%arg15 : memref<632x32xf32, #tpu.memory_space<vmem>>)
      tpu.yield
    }) : () -> ()
    %scan3A_122 = arith.constant 0 : i32
    %scan3A_123 = arith.constant 79 : i32
    %scan3A_124 = arith.addi %scan3A_122, %scan3A_123 : i32
    %scan3A_125 = arith.constant 1 : i32
    scf.for %scan3A_137 = %scan3A_122 to %scan3A_124 step %scan3A_125  : i32 {
      %mul3A_138 = arith.constant 1 : i32
      %mul3A_139 = arith.muli %scan3A_137, %mul3A_138 : i32
      %add3A = arith.constant 0 : i32
      %add3A_140 = arith.addi %add3A, %mul3A_139 : i32
      %mul3A_141 = arith.constant 8 : i32
      %mul3A_142 = arith.muli %add3A_140, %mul3A_141 : i32
      %add3A_143 = arith.constant 0 : i32
      %add3A_144 = arith.addi %mul3A_142, %add3A_143 : i32
      %get3A = arith.index_cast %add3A_144 : i32 to index
      %get3A_145 = arith.constant 0 : index
      %get3A_146 = tpu.vector_load %arg16[%get3A, %get3A_145] {strides = array<i32>} : memref<632x16xf32, #tpu.memory_space<vmem>>, vector<1x16xf32>,
      %get3A_147 = vector.shape_cast %get3A_146 : vector<1x16xf32> to vector<16xf32>
      %get3A_148 = arith.index_cast %add3A_144 : i32 to index
      %get3A_149 = arith.constant 0 : index
      %get3A_150 = tpu.vector_load %arg15[%get3A_148, %get3A_149] {strides = array<i32>} : memref<632x32xf32, #tpu.memory_space<vmem>>, vector<1x16xf32>,
      %get3A_151 = vector.shape_cast %get3A_150 : vector<1x16xf32> to vector<16xf32>
      %mul3A_152 = arith.mulf %get3A_151, %get3A_147 : vector<16xf32>
      %get3A_153 = arith.constant 0 : i32
      %get3A_154 = arith.index_cast %get3A_153 : i32 to index
      %get3A_155 = arith.constant 0 : index
      %get3A_156 = tpu.vector_load %arg17[%get3A_154, %get3A_155] {strides = array<i32>} : memref<2x16xf32, #tpu.memory_space<vmem>>, vector<1x16xf32>,
      %get3A_157 = vector.shape_cast %get3A_156 : vector<1x16xf32> to vector<16xf32>
      %add3A_158 = arith.addf %mul3A_152, %get3A_157 : vector<16xf32>
      %swap3A = arith.index_cast %add3A_144 : i32 to index
      %swap3A_159 = arith.constant 0 : index
      %swap3A_160 = tpu.vector_load %arg15[%swap3A, %swap3A_159] {strides = array<i32>} : memref<632x32xf32, #tpu.memory_space<vmem>>, vector<1x16xf32>,
      %swap3A_161 = vector.shape_cast %swap3A_160 : vector<1x16xf32> to vector<16xf32>
      %swap3A_162 = vector.shape_cast %add3A_158 : vector<16xf32> to vector<1x16xf32>
      tpu.vector_store %arg15[%swap3A, %swap3A_159], %swap3A_162 {strides = array<i32>} : memref<632x32xf32, #tpu.memory_space<vmem>>, vector<1x16xf32>,
      %get3A_163 = arith.index_cast %add3A_144 : i32 to index
      %get3A_164 = arith.constant 16 : index
      %get3A_165 = tpu.vector_load %arg15[%get3A_163, %get3A_164] {strides = array<i32>} : memref<632x32xf32, #tpu.memory_space<vmem>>, vector<1x16xf32>,
      %get3A_166 = vector.shape_cast %get3A_165 : vector<1x16xf32> to vector<16xf32>
      %mul3A_167 = arith.mulf %get3A_166, %get3A_147 : vector<16xf32>
      %get3A_168 = arith.constant 1 : i32
      %get3A_169 = arith.index_cast %get3A_168 : i32 to index
      %get3A_170 = arith.constant 0 : index
      %get3A_171 = tpu.vector_load %arg17[%get3A_169, %get3A_170] {strides = array<i32>} : memref<2x16xf32, #tpu.memory_space<vmem>>, vector<1x16xf32>,
      %get3A_172 = vector.shape_cast %get3A_171 : vector<1x16xf32> to vector<16xf32>
      %add3A_173 = arith.addf %mul3A_167, %get3A_172 : vector<16xf32>
      %swap3A_174 = arith.index_cast %add3A_144 : i32 to index
      %swap3A_175 = arith.constant 16 : index
      %swap3A_176 = tpu.vector_load %arg15[%swap3A_174, %swap3A_175] {strides = array<i32>} : memref<632x32xf32, #tpu.memory_space<vmem>>, vector<1x16xf32>,
      %swap3A_177 = vector.shape_cast %swap3A_176 : vector<1x16xf32> to vector<16xf32>
      %swap3A_178 = vector.shape_cast %add3A_173 : vector<16xf32> to vector<1x16xf32>
      tpu.vector_store %arg15[%swap3A_174, %swap3A_175], %swap3A_178 {strides = array<i32>} : memref<632x32xf32, #tpu.memory_space<vmem>>, vector<1x16xf32>,
      %mul3A_179 = arith.constant 8 : i32
      %mul3A_180 = arith.muli %add3A_140, %mul3A_179 : i32
      %add3A_181 = arith.constant 1 : i32
      %add3A_182 = arith.addi %mul3A_180, %add3A_181 : i32
      %get3A_183 = arith.index_cast %add3A_182 : i32 to index
      %get3A_184 = arith.constant 0 : index
      %get3A_185 = tpu.vector_load %arg16[%get3A_183, %get3A_184] {strides = array<i32>} : memref<632x16xf32, #tpu.memory_space<vmem>>, vector<1x16xf32>,
      %get3A_186 = vector.shape_cast %get3A_185 : vector<1x16xf32> to vector<16xf32>
      %get3A_187 = arith.index_cast %add3A_182 : i32 to index
      %get3A_188 = arith.constant 0 : index
      %get3A_189 = tpu.vector_load %arg15[%get3A_187, %get3A_188] {strides = array<i32>} : memref<632x32xf32, #tpu.memory_space<vmem>>, vector<1x16xf32>,
      %get3A_190 = vector.shape_cast %get3A_189 : vector<1x16xf32> to vector<16xf32>
      %mul3A_191 = arith.mulf %get3A_190, %get3A_186 : vector<16xf32>
      %get3A_192 = arith.constant 0 : i32
      %get3A_193 = arith.index_cast %get3A_192 : i32 to index
      %get3A_194 = arith.constant 0 : index
      %get3A_195 = tpu.vector_load %arg17[%get3A_193, %get3A_194] {strides = array<i32>} : memref<2x16xf32, #tpu.memory_space<vmem>>, vector<1x16xf32>,
      %get3A_196 = vector.shape_cast %get3A_195 : vector<1x16xf32> to vector<16xf32>
      %add3A_197 = arith.addf %mul3A_191, %get3A_196 : vector<16xf32>
      %swap3A_198 = arith.index_cast %add3A_182 : i32 to index
      %swap3A_199 = arith.constant 0 : index
      %swap3A_200 = tpu.vector_load %arg15[%swap3A_198, %swap3A_199] {strides = array<i32>} : memref<632x32xf32, #tpu.memory_space<vmem>>, vector<1x16xf32>,
      %swap3A_201 = vector.shape_cast %swap3A_200 : vector<1x16xf32> to vector<16xf32>
      %swap3A_202 = vector.shape_cast %add3A_197 : vector<16xf32> to vector<1x16xf32>
      tpu.vector_store %arg15[%swap3A_198, %swap3A_199], %swap3A_202 {strides = array<i32>} : memref<632x32xf32, #tpu.memory_space<vmem>>, vector<1x16xf32>,
      %get3A_203 = arith.index_cast %add3A_182 : i32 to index
      %get3A_204 = arith.constant 16 : index
      %get3A_205 = tpu.vector_load %arg15[%get3A_203, %get3A_204] {strides = array<i32>} : memref<632x32xf32, #tpu.memory_space<vmem>>, vector<1x16xf32>,
      %get3A_206 = vector.shape_cast %get3A_205 : vector<1x16xf32> to vector<16xf32>
      %mul3A_207 = arith.mulf %get3A_206, %get3A_186 : vector<16xf32>
      %get3A_208 = arith.constant 1 : i32
      %get3A_209 = arith.index_cast %get3A_208 : i32 to index
      %get3A_210 = arith.constant 0 : index
      %get3A_211 = tpu.vector_load %arg17[%get3A_209, %get3A_210] {strides = array<i32>} : memref<2x16xf32, #tpu.memory_space<vmem>>, vector<1x16xf32>,
      %get3A_212 = vector.shape_cast %get3A_211 : vector<1x16xf32> to vector<16xf32>
      %add3A_213 = arith.addf %mul3A_207, %get3A_212 : vector<16xf32>
      %swap3A_214 = arith.index_cast %add3A_182 : i32 to index
      %swap3A_215 = arith.constant 16 : index
      %swap3A_216 = tpu.vector_load %arg15[%swap3A_214, %swap3A_215] {strides = array<i32>} : memref<632x32xf32, #tpu.memory_space<vmem>>, vector<1x16xf32>,
      %swap3A_217 = vector.shape_cast %swap3A_216 : vector<1x16xf32> to vector<16xf32>
      %swap3A_218 = vector.shape_cast %add3A_213 : vector<16xf32> to vector<1x16xf32>
      tpu.vector_store %arg15[%swap3A_214, %swap3A_215], %swap3A_218 {strides = array<i32>} : memref<632x32xf32, #tpu.memory_space<vmem>>, vector<1x16xf32>,
      %mul3A_219 = arith.constant 8 : i32
      %mul3A_220 = arith.muli %add3A_140, %mul3A_219 : i32
      %add3A_221 = arith.constant 2 : i32
      %add3A_222 = arith.addi %mul3A_220, %add3A_221 : i32
      %get3A_223 = arith.index_cast %add3A_222 : i32 to index
      %get3A_224 = arith.constant 0 : index
      %get3A_225 = tpu.vector_load %arg16[%get3A_223, %get3A_224] {strides = array<i32>} : memref<632x16xf32, #tpu.memory_space<vmem>>, vector<1x16xf32>,
      %get3A_226 = vector.shape_cast %get3A_225 : vector<1x16xf32> to vector<16xf32>
      %get3A_227 = arith.index_cast %add3A_222 : i32 to index
      %get3A_228 = arith.constant 0 : index
      %get3A_229 = tpu.vector_load %arg15[%get3A_227, %get3A_228] {strides = array<i32>} : memref<632x32xf32, #tpu.memory_space<vmem>>, vector<1x16xf32>,
      %get3A_230 = vector.shape_cast %get3A_229 : vector<1x16xf32> to vector<16xf32>
      %mul3A_231 = arith.mulf %get3A_230, %get3A_226 : vector<16xf32>
      %get3A_232 = arith.constant 0 : i32
      %get3A_233 = arith.index_cast %get3A_232 : i32 to index
      %get3A_234 = arith.constant 0 : index
      %get3A_235 = tpu.vector_load %arg17[%get3A_233, %get3A_234] {strides = array<i32>} : memref<2x16xf32, #tpu.memory_space<vmem>>, vector<1x16xf32>,
      %get3A_236 = vector.shape_cast %get3A_235 : vector<1x16xf32> to vector<16xf32>
      %add3A_237 = arith.addf %mul3A_231, %get3A_236 : vector<16xf32>
      %swap3A_238 = arith.index_cast %add3A_222 : i32 to index
      %swap3A_239 = arith.constant 0 : index
      %swap3A_240 = tpu.vector_load %arg15[%swap3A_238, %swap3A_239] {strides = array<i32>} : memref<632x32xf32, #tpu.memory_space<vmem>>, vector<1x16xf32>,
      %swap3A_241 = vector.shape_cast %swap3A_240 : vector<1x16xf32> to vector<16xf32>
      %swap3A_242 = vector.shape_cast %add3A_237 : vector<16xf32> to vector<1x16xf32>
      tpu.vector_store %arg15[%swap3A_238, %swap3A_239], %swap3A_242 {strides = array<i32>} : memref<632x32xf32, #tpu.memory_space<vmem>>, vector<1x16xf32>,
      %get3A_243 = arith.index_cast %add3A_222 : i32 to index
      %get3A_244 = arith.constant 16 : index
      %get3A_245 = tpu.vector_load %arg15[%get3A_243, %get3A_244] {strides = array<i32>} : memref<632x32xf32, #tpu.memory_space<vmem>>, vector<1x16xf32>,
      %get3A_246 = vector.shape_cast %get3A_245 : vector<1x16xf32> to vector<16xf32>
      %mul3A_247 = arith.mulf %get3A_246, %get3A_226 : vector<16xf32>
      %get3A_248 = arith.constant 1 : i32
      %get3A_249 = arith.index_cast %get3A_248 : i32 to index
      %get3A_250 = arith.constant 0 : index
      %get3A_251 = tpu.vector_load %arg17[%get3A_249, %get3A_250] {strides = array<i32>} : memref<2x16xf32, #tpu.memory_space<vmem>>, vector<1x16xf32>,
      %get3A_252 = vector.shape_cast %get3A_251 : vector<1x16xf32> to vector<16xf32>
      %add3A_253 = arith.addf %mul3A_247, %get3A_252 : vector<16xf32>
      %swap3A_254 = arith.index_cast %add3A_222 : i32 to index
      %swap3A_255 = arith.constant 16 : index
      %swap3A_256 = tpu.vector_load %arg15[%swap3A_254, %swap3A_255] {strides = array<i32>} : memref<632x32xf32, #tpu.memory_space<vmem>>, vector<1x16xf32>,
      %swap3A_257 = vector.shape_cast %swap3A_256 : vector<1x16xf32> to vector<16xf32>
      %swap3A_258 = vector.shape_cast %add3A_253 : vector<16xf32> to vector<1x16xf32>
      tpu.vector_store %arg15[%swap3A_254, %swap3A_255], %swap3A_258 {strides = array<i32>} : memref<632x32xf32, #tpu.memory_space<vmem>>, vector<1x16xf32>,
      %mul3A_259 = arith.constant 8 : i32
      %mul3A_260 = arith.muli %add3A_140, %mul3A_259 : i32
      %add3A_261 = arith.constant 3 : i32
      %add3A_262 = arith.addi %mul3A_260, %add3A_261 : i32
      %get3A_263 = arith.index_cast %add3A_262 : i32 to index
      %get3A_264 = arith.constant 0 : index
      %get3A_265 = tpu.vector_load %arg16[%get3A_263, %get3A_264] {strides = array<i32>} : memref<632x16xf32, #tpu.memory_space<vmem>>, vector<1x16xf32>,
      %get3A_266 = vector.shape_cast %get3A_265 : vector<1x16xf32> to vector<16xf32>
      %get3A_267 = arith.index_cast %add3A_262 : i32 to index
      %get3A_268 = arith.constant 0 : index
      %get3A_269 = tpu.vector_load %arg15[%get3A_267, %get3A_268] {strides = array<i32>} : memref<632x32xf32, #tpu.memory_space<vmem>>, vector<1x16xf32>,
      %get3A_270 = vector.shape_cast %get3A_269 : vector<1x16xf32> to vector<16xf32>
      %mul3A_271 = arith.mulf %get3A_270, %get3A_266 : vector<16xf32>
      %get3A_272 = arith.constant 0 : i32
      %get3A_273 = arith.index_cast %get3A_272 : i32 to index
      %get3A_274 = arith.constant 0 : index
      %get3A_275 = tpu.vector_load %arg17[%get3A_273, %get3A_274] {strides = array<i32>} : memref<2x16xf32, #tpu.memory_space<vmem>>, vector<1x16xf32>,
      %get3A_276 = vector.shape_cast %get3A_275 : vector<1x16xf32> to vector<16xf32>
      %add3A_277 = arith.addf %mul3A_271, %get3A_276 : vector<16xf32>
      %swap3A_278 = arith.index_cast %add3A_262 : i32 to index
      %swap3A_279 = arith.constant 0 : index
      %swap3A_280 = tpu.vector_load %arg15[%swap3A_278, %swap3A_279] {strides = array<i32>} : memref<632x32xf32, #tpu.memory_space<vmem>>, vector<1x16xf32>,
      %swap3A_281 = vector.shape_cast %swap3A_280 : vector<1x16xf32> to vector<16xf32>
      %swap3A_282 = vector.shape_cast %add3A_277 : vector<16xf32> to vector<1x16xf32>
      tpu.vector_store %arg15[%swap3A_278, %swap3A_279], %swap3A_282 {strides = array<i32>} : memref<632x32xf32, #tpu.memory_space<vmem>>, vector<1x16xf32>,
      %get3A_283 = arith.index_cast %add3A_262 : i32 to index
      %get3A_284 = arith.constant 16 : index
      %get3A_285 = tpu.vector_load %arg15[%get3A_283, %get3A_284] {strides = array<i32>} : memref<632x32xf32, #tpu.memory_space<vmem>>, vector<1x16xf32>,
      %get3A_286 = vector.shape_cast %get3A_285 : vector<1x16xf32> to vector<16xf32>
      %mul3A_287 = arith.mulf %get3A_286, %get3A_266 : vector<16xf32>
      %get3A_288 = arith.constant 1 : i32
      %get3A_289 = arith.index_cast %get3A_288 : i32 to index
      %get3A_290 = arith.constant 0 : index
      %get3A_291 = tpu.vector_load %arg17[%get3A_289, %get3A_290] {strides = array<i32>} : memref<2x16xf32, #tpu.memory_space<vmem>>, vector<1x16xf32>,
      %get3A_292 = vector.shape_cast %get3A_291 : vector<1x16xf32> to vector<16xf32>
      %add3A_293 = arith.addf %mul3A_287, %get3A_292 : vector<16xf32>
      %swap3A_294 = arith.index_cast %add3A_262 : i32 to index
      %swap3A_295 = arith.constant 16 : index
      %swap3A_296 = tpu.vector_load %arg15[%swap3A_294, %swap3A_295] {strides = array<i32>} : memref<632x32xf32, #tpu.memory_space<vmem>>, vector<1x16xf32>,
      %swap3A_297 = vector.shape_cast %swap3A_296 : vector<1x16xf32> to vector<16xf32>
      %swap3A_298 = vector.shape_cast %add3A_293 : vector<16xf32> to vector<1x16xf32>
      tpu.vector_store %arg15[%swap3A_294, %swap3A_295], %swap3A_298 {strides = array<i32>} : memref<632x32xf32, #tpu.memory_space<vmem>>, vector<1x16xf32>,
      %mul3A_299 = arith.constant 8 : i32
      %mul3A_300 = arith.muli %add3A_140, %mul3A_299 : i32
      %add3A_301 = arith.constant 4 : i32
      %add3A_302 = arith.addi %mul3A_300, %add3A_301 : i32
      %get3A_303 = arith.index_cast %add3A_302 : i32 to index
      %get3A_304 = arith.constant 0 : index
      %get3A_305 = tpu.vector_load %arg16[%get3A_303, %get3A_304] {strides = array<i32>} : memref<632x16xf32, #tpu.memory_space<vmem>>, vector<1x16xf32>,
      %get3A_306 = vector.shape_cast %get3A_305 : vector<1x16xf32> to vector<16xf32>
      %get3A_307 = arith.index_cast %add3A_302 : i32 to index
      %get3A_308 = arith.constant 0 : index
      %get3A_309 = tpu.vector_load %arg15[%get3A_307, %get3A_308] {strides = array<i32>} : memref<632x32xf32, #tpu.memory_space<vmem>>, vector<1x16xf32>,
      %get3A_310 = vector.shape_cast %get3A_309 : vector<1x16xf32> to vector<16xf32>
      %mul3A_311 = arith.mulf %get3A_310, %get3A_306 : vector<16xf32>
      %get3A_312 = arith.constant 0 : i32
      %get3A_313 = arith.index_cast %get3A_312 : i32 to index
      %get3A_314 = arith.constant 0 : index
      %get3A_315 = tpu.vector_load %arg17[%get3A_313, %get3A_314] {strides = array<i32>} : memref<2x16xf32, #tpu.memory_space<vmem>>, vector<1x16xf32>,
      %get3A_316 = vector.shape_cast %get3A_315 : vector<1x16xf32> to vector<16xf32>
      %add3A_317 = arith.addf %mul3A_311, %get3A_316 : vector<16xf32>
      %swap3A_318 = arith.index_cast %add3A_302 : i32 to index
      %swap3A_319 = arith.constant 0 : index
      %swap3A_320 = tpu.vector_load %arg15[%swap3A_318, %swap3A_319] {strides = array<i32>} : memref<632x32xf32, #tpu.memory_space<vmem>>, vector<1x16xf32>,
      %swap3A_321 = vector.shape_cast %swap3A_320 : vector<1x16xf32> to vector<16xf32>
      %swap3A_322 = vector.shape_cast %add3A_317 : vector<16xf32> to vector<1x16xf32>
      tpu.vector_store %arg15[%swap3A_318, %swap3A_319], %swap3A_322 {strides = array<i32>} : memref<632x32xf32, #tpu.memory_space<vmem>>, vector<1x16xf32>,
      %get3A_323 = arith.index_cast %add3A_302 : i32 to index
      %get3A_324 = arith.constant 16 : index
      %get3A_325 = tpu.vector_load %arg15[%get3A_323, %get3A_324] {strides = array<i32>} : memref<632x32xf32, #tpu.memory_space<vmem>>, vector<1x16xf32>,
      %get3A_326 = vector.shape_cast %get3A_325 : vector<1x16xf32> to vector<16xf32>
      %mul3A_327 = arith.mulf %get3A_326, %get3A_306 : vector<16xf32>
      %get3A_328 = arith.constant 1 : i32
      %get3A_329 = arith.index_cast %get3A_328 : i32 to index
      %get3A_330 = arith.constant 0 : index
      %get3A_331 = tpu.vector_load %arg17[%get3A_329, %get3A_330] {strides = array<i32>} : memref<2x16xf32, #tpu.memory_space<vmem>>, vector<1x16xf32>,
      %get3A_332 = vector.shape_cast %get3A_331 : vector<1x16xf32> to vector<16xf32>
      %add3A_333 = arith.addf %mul3A_327, %get3A_332 : vector<16xf32>
      %swap3A_334 = arith.index_cast %add3A_302 : i32 to index
      %swap3A_335 = arith.constant 16 : index
      %swap3A_336 = tpu.vector_load %arg15[%swap3A_334, %swap3A_335] {strides = array<i32>} : memref<632x32xf32, #tpu.memory_space<vmem>>, vector<1x16xf32>,
      %swap3A_337 = vector.shape_cast %swap3A_336 : vector<1x16xf32> to vector<16xf32>
      %swap3A_338 = vector.shape_cast %add3A_333 : vector<16xf32> to vector<1x16xf32>
      tpu.vector_store %arg15[%swap3A_334, %swap3A_335], %swap3A_338 {strides = array<i32>} : memref<632x32xf32, #tpu.memory_space<vmem>>, vector<1x16xf32>,
      %mul3A_339 = arith.constant 8 : i32
      %mul3A_340 = arith.muli %add3A_140, %mul3A_339 : i32
      %add3A_341 = arith.constant 5 : i32
      %add3A_342 = arith.addi %mul3A_340, %add3A_341 : i32
      %get3A_343 = arith.index_cast %add3A_342 : i32 to index
      %get3A_344 = arith.constant 0 : index
      %get3A_345 = tpu.vector_load %arg16[%get3A_343, %get3A_344] {strides = array<i32>} : memref<632x16xf32, #tpu.memory_space<vmem>>, vector<1x16xf32>,
      %get3A_346 = vector.shape_cast %get3A_345 : vector<1x16xf32> to vector<16xf32>
      %get3A_347 = arith.index_cast %add3A_342 : i32 to index
      %get3A_348 = arith.constant 0 : index
      %get3A_349 = tpu.vector_load %arg15[%get3A_347, %get3A_348] {strides = array<i32>} : memref<632x32xf32, #tpu.memory_space<vmem>>, vector<1x16xf32>,
      %get3A_350 = vector.shape_cast %get3A_349 : vector<1x16xf32> to vector<16xf32>
      %mul3A_351 = arith.mulf %get3A_350, %get3A_346 : vector<16xf32>
      %get3A_352 = arith.constant 0 : i32
      %get3A_353 = arith.index_cast %get3A_352 : i32 to index
      %get3A_354 = arith.constant 0 : index
      %get3A_355 = tpu.vector_load %arg17[%get3A_353, %get3A_354] {strides = array<i32>} : memref<2x16xf32, #tpu.memory_space<vmem>>, vector<1x16xf32>,
      %get3A_356 = vector.shape_cast %get3A_355 : vector<1x16xf32> to vector<16xf32>
      %add3A_357 = arith.addf %mul3A_351, %get3A_356 : vector<16xf32>
      %swap3A_358 = arith.index_cast %add3A_342 : i32 to index
      %swap3A_359 = arith.constant 0 : index
      %swap3A_360 = tpu.vector_load %arg15[%swap3A_358, %swap3A_359] {strides = array<i32>} : memref<632x32xf32, #tpu.memory_space<vmem>>, vector<1x16xf32>,
      %swap3A_361 = vector.shape_cast %swap3A_360 : vector<1x16xf32> to vector<16xf32>
      %swap3A_362 = vector.shape_cast %add3A_357 : vector<16xf32> to vector<1x16xf32>
      tpu.vector_store %arg15[%swap3A_358, %swap3A_359], %swap3A_362 {strides = array<i32>} : memref<632x32xf32, #tpu.memory_space<vmem>>, vector<1x16xf32>,
      %get3A_363 = arith.index_cast %add3A_342 : i32 to index
      %get3A_364 = arith.constant 16 : index
      %get3A_365 = tpu.vector_load %arg15[%get3A_363, %get3A_364] {strides = array<i32>} : memref<632x32xf32, #tpu.memory_space<vmem>>, vector<1x16xf32>,
      %get3A_366 = vector.shape_cast %get3A_365 : vector<1x16xf32> to vector<16xf32>
      %mul3A_367 = arith.mulf %get3A_366, %get3A_346 : vector<16xf32>
      %get3A_368 = arith.constant 1 : i32
      %get3A_369 = arith.index_cast %get3A_368 : i32 to index
      %get3A_370 = arith.constant 0 : index
      %get3A_371 = tpu.vector_load %arg17[%get3A_369, %get3A_370] {strides = array<i32>} : memref<2x16xf32, #tpu.memory_space<vmem>>, vector<1x16xf32>,
      %get3A_372 = vector.shape_cast %get3A_371 : vector<1x16xf32> to vector<16xf32>
      %add3A_373 = arith.addf %mul3A_367, %get3A_372 : vector<16xf32>
      %swap3A_374 = arith.index_cast %add3A_342 : i32 to index
      %swap3A_375 = arith.constant 16 : index
      %swap3A_376 = tpu.vector_load %arg15[%swap3A_374, %swap3A_375] {strides = array<i32>} : memref<632x32xf32, #tpu.memory_space<vmem>>, vector<1x16xf32>,
      %swap3A_377 = vector.shape_cast %swap3A_376 : vector<1x16xf32> to vector<16xf32>
      %swap3A_378 = vector.shape_cast %add3A_373 : vector<16xf32> to vector<1x16xf32>
      tpu.vector_store %arg15[%swap3A_374, %swap3A_375], %swap3A_378 {strides = array<i32>} : memref<632x32xf32, #tpu.memory_space<vmem>>, vector<1x16xf32>,
      %mul3A_379 = arith.constant 8 : i32
      %mul3A_380 = arith.muli %add3A_140, %mul3A_379 : i32
      %add3A_381 = arith.constant 6 : i32
      %add3A_382 = arith.addi %mul3A_380, %add3A_381 : i32
      %get3A_383 = arith.index_cast %add3A_382 : i32 to index
      %get3A_384 = arith.constant 0 : index
      %get3A_385 = tpu.vector_load %arg16[%get3A_383, %get3A_384] {strides = array<i32>} : memref<632x16xf32, #tpu.memory_space<vmem>>, vector<1x16xf32>,
      %get3A_386 = vector.shape_cast %get3A_385 : vector<1x16xf32> to vector<16xf32>
      %get3A_387 = arith.index_cast %add3A_382 : i32 to index
      %get3A_388 = arith.constant 0 : index
      %get3A_389 = tpu.vector_load %arg15[%get3A_387, %get3A_388] {strides = array<i32>} : memref<632x32xf32, #tpu.memory_space<vmem>>, vector<1x16xf32>,
      %get3A_390 = vector.shape_cast %get3A_389 : vector<1x16xf32> to vector<16xf32>
      %mul3A_391 = arith.mulf %get3A_390, %get3A_386 : vector<16xf32>
      %get3A_392 = arith.constant 0 : i32
      %get3A_393 = arith.index_cast %get3A_392 : i32 to index
      %get3A_394 = arith.constant 0 : index
      %get3A_395 = tpu.vector_load %arg17[%get3A_393, %get3A_394] {strides = array<i32>} : memref<2x16xf32, #tpu.memory_space<vmem>>, vector<1x16xf32>,
      %get3A_396 = vector.shape_cast %get3A_395 : vector<1x16xf32> to vector<16xf32>
      %add3A_397 = arith.addf %mul3A_391, %get3A_396 : vector<16xf32>
      %swap3A_398 = arith.index_cast %add3A_382 : i32 to index
      %swap3A_399 = arith.constant 0 : index
      %swap3A_400 = tpu.vector_load %arg15[%swap3A_398, %swap3A_399] {strides = array<i32>} : memref<632x32xf32, #tpu.memory_space<vmem>>, vector<1x16xf32>,
      %swap3A_401 = vector.shape_cast %swap3A_400 : vector<1x16xf32> to vector<16xf32>
      %swap3A_402 = vector.shape_cast %add3A_397 : vector<16xf32> to vector<1x16xf32>
      tpu.vector_store %arg15[%swap3A_398, %swap3A_399], %swap3A_402 {strides = array<i32>} : memref<632x32xf32, #tpu.memory_space<vmem>>, vector<1x16xf32>,
      %get3A_403 = arith.index_cast %add3A_382 : i32 to index
      %get3A_404 = arith.constant 16 : index
      %get3A_405 = tpu.vector_load %arg15[%get3A_403, %get3A_404] {strides = array<i32>} : memref<632x32xf32, #tpu.memory_space<vmem>>, vector<1x16xf32>,
      %get3A_406 = vector.shape_cast %get3A_405 : vector<1x16xf32> to vector<16xf32>
      %mul3A_407 = arith.mulf %get3A_406, %get3A_386 : vector<16xf32>
      %get3A_408 = arith.constant 1 : i32
      %get3A_409 = arith.index_cast %get3A_408 : i32 to index
      %get3A_410 = arith.constant 0 : index
      %get3A_411 = tpu.vector_load %arg17[%get3A_409, %get3A_410] {strides = array<i32>} : memref<2x16xf32, #tpu.memory_space<vmem>>, vector<1x16xf32>,
      %get3A_412 = vector.shape_cast %get3A_411 : vector<1x16xf32> to vector<16xf32>
      %add3A_413 = arith.addf %mul3A_407, %get3A_412 : vector<16xf32>
      %swap3A_414 = arith.index_cast %add3A_382 : i32 to index
      %swap3A_415 = arith.constant 16 : index
      %swap3A_416 = tpu.vector_load %arg15[%swap3A_414, %swap3A_415] {strides = array<i32>} : memref<632x32xf32, #tpu.memory_space<vmem>>, vector<1x16xf32>,
      %swap3A_417 = vector.shape_cast %swap3A_416 : vector<1x16xf32> to vector<16xf32>
      %swap3A_418 = vector.shape_cast %add3A_413 : vector<16xf32> to vector<1x16xf32>
      tpu.vector_store %arg15[%swap3A_414, %swap3A_415], %swap3A_418 {strides = array<i32>} : memref<632x32xf32, #tpu.memory_space<vmem>>, vector<1x16xf32>,
      %mul3A_419 = arith.constant 8 : i32
      %mul3A_420 = arith.muli %add3A_140, %mul3A_419 : i32
      %add3A_421 = arith.constant 7 : i32
      %add3A_422 = arith.addi %mul3A_420, %add3A_421 : i32
      %get3A_423 = arith.index_cast %add3A_422 : i32 to index
      %get3A_424 = arith.constant 0 : index
      %get3A_425 = tpu.vector_load %arg16[%get3A_423, %get3A_424] {strides = array<i32>} : memref<632x16xf32, #tpu.memory_space<vmem>>, vector<1x16xf32>,
      %get3A_426 = vector.shape_cast %get3A_425 : vector<1x16xf32> to vector<16xf32>
      %get3A_427 = arith.index_cast %add3A_422 : i32 to index
      %get3A_428 = arith.constant 0 : index
      %get3A_429 = tpu.vector_load %arg15[%get3A_427, %get3A_428] {strides = array<i32>} : memref<632x32xf32, #tpu.memory_space<vmem>>, vector<1x16xf32>,
      %get3A_430 = vector.shape_cast %get3A_429 : vector<1x16xf32> to vector<16xf32>
      %mul3A_431 = arith.mulf %get3A_430, %get3A_426 : vector<16xf32>
      %get3A_432 = arith.constant 0 : i32
      %get3A_433 = arith.index_cast %get3A_432 : i32 to index
      %get3A_434 = arith.constant 0 : index
      %get3A_435 = tpu.vector_load %arg17[%get3A_433, %get3A_434] {strides = array<i32>} : memref<2x16xf32, #tpu.memory_space<vmem>>, vector<1x16xf32>,
      %get3A_436 = vector.shape_cast %get3A_435 : vector<1x16xf32> to vector<16xf32>
      %add3A_437 = arith.addf %mul3A_431, %get3A_436 : vector<16xf32>
      %swap3A_438 = arith.index_cast %add3A_422 : i32 to index
      %swap3A_439 = arith.constant 0 : index
      %swap3A_440 = tpu.vector_load %arg15[%swap3A_438, %swap3A_439] {strides = array<i32>} : memref<632x32xf32, #tpu.memory_space<vmem>>, vector<1x16xf32>,
      %swap3A_441 = vector.shape_cast %swap3A_440 : vector<1x16xf32> to vector<16xf32>
      %swap3A_442 = vector.shape_cast %add3A_437 : vector<16xf32> to vector<1x16xf32>
      tpu.vector_store %arg15[%swap3A_438, %swap3A_439], %swap3A_442 {strides = array<i32>} : memref<632x32xf32, #tpu.memory_space<vmem>>, vector<1x16xf32>,
      %get3A_443 = arith.index_cast %add3A_422 : i32 to index
      %get3A_444 = arith.constant 16 : index
      %get3A_445 = tpu.vector_load %arg15[%get3A_443, %get3A_444] {strides = array<i32>} : memref<632x32xf32, #tpu.memory_space<vmem>>, vector<1x16xf32>,
      %get3A_446 = vector.shape_cast %get3A_445 : vector<1x16xf32> to vector<16xf32>
      %mul3A_447 = arith.mulf %get3A_446, %get3A_426 : vector<16xf32>
      %get3A_448 = arith.constant 1 : i32
      %get3A_449 = arith.index_cast %get3A_448 : i32 to index
      %get3A_450 = arith.constant 0 : index
      %get3A_451 = tpu.vector_load %arg17[%get3A_449, %get3A_450] {strides = array<i32>} : memref<2x16xf32, #tpu.memory_space<vmem>>, vector<1x16xf32>,
      %get3A_452 = vector.shape_cast %get3A_451 : vector<1x16xf32> to vector<16xf32>
      %add3A_453 = arith.addf %mul3A_447, %get3A_452 : vector<16xf32>
      %swap3A_454 = arith.index_cast %add3A_422 : i32 to index
      %swap3A_455 = arith.constant 16 : index
      %swap3A_456 = tpu.vector_load %arg15[%swap3A_454, %swap3A_455] {strides = array<i32>} : memref<632x32xf32, #tpu.memory_space<vmem>>, vector<1x16xf32>,
      %swap3A_457 = vector.shape_cast %swap3A_456 : vector<1x16xf32> to vector<16xf32>
      %swap3A_458 = vector.shape_cast %add3A_453 : vector<16xf32> to vector<1x16xf32>
      tpu.vector_store %arg15[%swap3A_454, %swap3A_455], %swap3A_458 {strides = array<i32>} : memref<632x32xf32, #tpu.memory_space<vmem>>, vector<1x16xf32>,
    }
    %scan3A_126 = arith.constant 79 : i32
    %lt3A_127 = arith.constant 15 : i32
    %lt3A_128 = arith.cmpi slt, %arg1, %lt3A_127 : i32
    %convert_element_type3A_129 = arith.extui %lt3A_128 : i1 to i32
    %cond3A_130 = arith.constant 0 : i32
    %cond3A_131 = arith.cmpi ne, %convert_element_type3A_129, %cond3A_130 : i32
    scf.if %cond3A_131 {
      "tpu.region"() ({
        %run_scoped3A_137 = tpu.sem_alloc : memref<!tpu.dma_semaphore, #tpu.memory_space<semaphore_mem>>
        %dma_start3A_138 = tpu.memref_slice %arg8[%mul3A_4, %mul3A_0] : memref<10000x64xf32, #tpu.memory_space<hbm>> -> memref<632x32xf32, #tpu.memory_space<hbm>>
        %dma_start3A_139 = tpu.memref_slice %arg8[%mul3A_4, %mul3A_0] : memref<10000x64xf32, #tpu.memory_space<hbm>> -> memref<632x32xf32, #tpu.memory_space<hbm>>
        tpu.enqueue_dma source(%arg15 : memref<632x32xf32, #tpu.memory_space<vmem>>) target(%dma_start3A_139 : memref<632x32xf32, #tpu.memory_space<hbm>>) target_semaphore(%run_scoped3A_137 : memref<!tpu.dma_semaphore, #tpu.memory_space<semaphore_mem>>)
        %dma_wait3A_140 = tpu.memref_slice %arg8[%mul3A_4, %mul3A_0] : memref<10000x64xf32, #tpu.memory_space<hbm>> -> memref<632x32xf32, #tpu.memory_space<hbm>>
        %dma_wait3A_141 = tpu.memref_slice %arg8[%mul3A_4, %mul3A_0] : memref<10000x64xf32, #tpu.memory_space<hbm>> -> memref<632x32xf32, #tpu.memory_space<hbm>>
        tpu.wait_dma2 semaphore(%run_scoped3A_137 : memref<!tpu.dma_semaphore, #tpu.memory_space<semaphore_mem>>) src(%arg15 : memref<632x32xf32, #tpu.memory_space<vmem>>) dst(%dma_wait3A_141 : memref<632x32xf32, #tpu.memory_space<hbm>>)
        tpu.yield
      }) : () -> ()
    } else {
    }
    %eq3A_132 = arith.constant 15 : i32
    %eq3A_133 = arith.cmpi eq, %arg1, %eq3A_132 : i32
    %convert_element_type3A_134 = arith.extui %eq3A_133 : i1 to i32
    %cond3A_135 = arith.constant 0 : i32
    %cond3A_136 = arith.cmpi ne, %convert_element_type3A_134, %cond3A_135 : i32
    scf.if %cond3A_136 {
      "tpu.region"() ({
        %run_scoped3A_137 = tpu.sem_alloc : memref<!tpu.dma_semaphore, #tpu.memory_space<semaphore_mem>>
        %dma_start3A_138 = arith.constant 0 : i32
        %dma_start3A_139 = arith.constant 0 : i32
        %dma_start3A_140 = tpu.memref_slice %arg15[%dma_start3A_138, %dma_start3A_139] : memref<632x32xf32, #tpu.memory_space<vmem>> -> memref<520x32xf32, #tpu.memory_space<vmem>>
        %dma_start3A_141 = arith.constant 9480 : i32
        %dma_start3A_142 = tpu.memref_slice %arg8[%dma_start3A_141, %mul3A_0] : memref<10000x64xf32, #tpu.memory_space<hbm>> -> memref<520x32xf32, #tpu.memory_space<hbm>>
        %dma_start3A_143 = arith.constant 9480 : i32
        %dma_start3A_144 = tpu.memref_slice %arg8[%dma_start3A_143, %mul3A_0] : memref<10000x64xf32, #tpu.memory_space<hbm>> -> memref<520x32xf32, #tpu.memory_space<hbm>>
        %dma_start3A_145 = arith.constant 0 : i32
        %dma_start3A_146 = arith.constant 0 : i32
        %dma_start3A_147 = tpu.memref_slice %arg15[%dma_start3A_145, %dma_start3A_146] : memref<632x32xf32, #tpu.memory_space<vmem>> -> memref<520x32xf32, #tpu.memory_space<vmem>>
        tpu.enqueue_dma source(%dma_start3A_147 : memref<520x32xf32, #tpu.memory_space<vmem>>) target(%dma_start3A_144 : memref<520x32xf32, #tpu.memory_space<hbm>>) target_semaphore(%run_scoped3A_137 : memref<!tpu.dma_semaphore, #tpu.memory_space<semaphore_mem>>)
        %dma_wait3A_148 = arith.constant 0 : i32
        %dma_wait3A_149 = arith.constant 0 : i32
        %dma_wait3A_150 = tpu.memref_slice %arg15[%dma_wait3A_148, %dma_wait3A_149] : memref<632x32xf32, #tpu.memory_space<vmem>> -> memref<520x32xf32, #tpu.memory_space<vmem>>
        %dma_wait3A_151 = arith.constant 9480 : i32
        %dma_wait3A_152 = tpu.memref_slice %arg8[%dma_wait3A_151, %mul3A_0] : memref<10000x64xf32, #tpu.memory_space<hbm>> -> memref<520x32xf32, #tpu.memory_space<hbm>>
        %dma_wait3A_153 = arith.constant 9480 : i32
        %dma_wait3A_154 = tpu.memref_slice %arg8[%dma_wait3A_153, %mul3A_0] : memref<10000x64xf32, #tpu.memory_space<hbm>> -> memref<520x32xf32, #tpu.memory_space<hbm>>
        %dma_wait3A_155 = arith.constant 0 : i32
        %dma_wait3A_156 = arith.constant 0 : i32
        %dma_wait3A_157 = tpu.memref_slice %arg15[%dma_wait3A_155, %dma_wait3A_156] : memref<632x32xf32, #tpu.memory_space<vmem>> -> memref<520x32xf32, #tpu.memory_space<vmem>>
        tpu.wait_dma2 semaphore(%run_scoped3A_137 : memref<!tpu.dma_semaphore, #tpu.memory_space<semaphore_mem>>) src(%dma_wait3A_157 : memref<520x32xf32, #tpu.memory_space<vmem>>) dst(%dma_wait3A_154 : memref<520x32xf32, #tpu.memory_space<hbm>>)
        tpu.yield
      }) : () -> ()
    } else {
    }
    return
  }
}

#map = affine_map<(d0, d1) -> (0, 0, 0)>
#map1 = affine_map<(d0, d1) -> (0, 0)>
module attributes {stable_mosaic.version = 14 : i64} {
  func.func @k(%arg0: i32, %arg1: i32, %arg2: memref<32x80x128xi32, #tpu.memory_space<hbm>>, %arg3: memref<632x16xf32, #tpu.memory_space<hbm>>, %arg4: memref<128x16xf32, #tpu.memory_space<hbm>>, %arg5: memref<2x10112x16xf32, #tpu.memory_space<hbm>>, %arg6: memref<80x128xi32, #tpu.memory_space<vmem>>, %arg7: memref<128x16xf32, #tpu.memory_space<vmem>>, %arg8: memref<4x!tpu.dma_semaphore, #tpu.memory_space<semaphore_mem>>, %arg9: memref<10112x16xf32, #tpu.memory_space<vmem_shared>>) attributes {dimension_semantics = [#tpu.dimension_semantics<core_parallel>, #tpu.dimension_semantics<subcore_parallel>], iteration_bounds = array<i64: 2, 16>, scalar_prefetch = 0 : i64, scratch_operands = 4 : i64, tpu.core_type = #tpu.core_type<sc_vector_subcore>, window_params = [{transform_indices = #map}, {transform_indices = #map1}, {transform_indices = #map1}, {transform_indices = #map}]} {
    %mul3A = arith.constant 2 : i32
    %mul3A_0 = arith.muli %arg1, %mul3A : i32
    %add3A = arith.addi %mul3A_0, %arg0 : i32
    %mul3A_1 = arith.constant 632 : i32
    %mul3A_2 = arith.muli %arg1, %mul3A_1 : i32
    "tpu.region"() ({
      %run_scoped3A = tpu.sem_alloc : memref<!tpu.dma_semaphore, #tpu.memory_space<semaphore_mem>>
      %dma_start3A = arith.constant 0 : i32
      %dma_start3A_51 = tpu.memref_slice %arg9[%mul3A_2, %dma_start3A] : memref<10112x16xf32, #tpu.memory_space<vmem_shared>> -> memref<632x16xf32, #tpu.memory_space<vmem_shared>>
      tpu.enqueue_dma source(%arg3 : memref<632x16xf32, #tpu.memory_space<hbm>>) target(%dma_start3A_51 : memref<632x16xf32, #tpu.memory_space<vmem_shared>>) target_semaphore(%run_scoped3A : memref<!tpu.dma_semaphore, #tpu.memory_space<semaphore_mem>>)
      %dma_wait3A_52 = arith.constant 0 : i32
      %dma_wait3A_53 = tpu.memref_slice %arg9[%mul3A_2, %dma_wait3A_52] : memref<10112x16xf32, #tpu.memory_space<vmem_shared>> -> memref<632x16xf32, #tpu.memory_space<vmem_shared>>
      tpu.wait_dma2 semaphore(%run_scoped3A : memref<!tpu.dma_semaphore, #tpu.memory_space<semaphore_mem>>) src(%arg3 : memref<632x16xf32, #tpu.memory_space<hbm>>) dst(%dma_wait3A_53 : memref<632x16xf32, #tpu.memory_space<vmem_shared>>)
      tpu.yield
    }) : () -> ()
    "tpu.region"() ({
      %run_scoped3A = tpu.sem_alloc : memref<!tpu.dma_semaphore, #tpu.memory_space<semaphore_mem>>
      %dma_start3A = arith.constant 0 : i32
      %dma_start3A_51 = arith.constant 0 : i32
      %dma_start3A_52 = tpu.memref_slice %arg2[%add3A, %dma_start3A, %dma_start3A_51] : memref<32x80x128xi32, #tpu.memory_space<hbm>> -> memref<1x80x128xi32, #tpu.memory_space<hbm>>
      %dma_start3A_53 = tpu.memref_squeeze %dma_start3A_52 : memref<1x80x128xi32, #tpu.memory_space<hbm>> -> memref<80x128xi32, #tpu.memory_space<hbm>>
      %dma_start3A_54 = arith.constant 0 : i32
      %dma_start3A_55 = arith.constant 0 : i32
      %dma_start3A_56 = tpu.memref_slice %arg2[%add3A, %dma_start3A_54, %dma_start3A_55] : memref<32x80x128xi32, #tpu.memory_space<hbm>> -> memref<1x80x128xi32, #tpu.memory_space<hbm>>
      %dma_start3A_57 = tpu.memref_squeeze %dma_start3A_56 : memref<1x80x128xi32, #tpu.memory_space<hbm>> -> memref<80x128xi32, #tpu.memory_space<hbm>>
      tpu.enqueue_dma source(%dma_start3A_57 : memref<80x128xi32, #tpu.memory_space<hbm>>) target(%arg6 : memref<80x128xi32, #tpu.memory_space<vmem>>) target_semaphore(%run_scoped3A : memref<!tpu.dma_semaphore, #tpu.memory_space<semaphore_mem>>)
      %dma_wait3A_58 = arith.constant 0 : i32
      %dma_wait3A_59 = arith.constant 0 : i32
      %dma_wait3A_60 = tpu.memref_slice %arg2[%add3A, %dma_wait3A_58, %dma_wait3A_59] : memref<32x80x128xi32, #tpu.memory_space<hbm>> -> memref<1x80x128xi32, #tpu.memory_space<hbm>>
      %dma_wait3A_61 = tpu.memref_squeeze %dma_wait3A_60 : memref<1x80x128xi32, #tpu.memory_space<hbm>> -> memref<80x128xi32, #tpu.memory_space<hbm>>
      %dma_wait3A_62 = arith.constant 0 : i32
      %dma_wait3A_63 = arith.constant 0 : i32
      %dma_wait3A_64 = tpu.memref_slice %arg2[%add3A, %dma_wait3A_62, %dma_wait3A_63] : memref<32x80x128xi32, #tpu.memory_space<hbm>> -> memref<1x80x128xi32, #tpu.memory_space<hbm>>
      %dma_wait3A_65 = tpu.memref_squeeze %dma_wait3A_64 : memref<1x80x128xi32, #tpu.memory_space<hbm>> -> memref<80x128xi32, #tpu.memory_space<hbm>>
      tpu.wait_dma2 semaphore(%run_scoped3A : memref<!tpu.dma_semaphore, #tpu.memory_space<semaphore_mem>>) src(%dma_wait3A_65 : memref<80x128xi32, #tpu.memory_space<hbm>>) dst(%arg6 : memref<80x128xi32, #tpu.memory_space<vmem>>)
      tpu.yield
    }) : () -> ()
    "tpu.region"() ({
      %run_scoped3A = tpu.sem_alloc : memref<!tpu.dma_semaphore, #tpu.memory_space<semaphore_mem>>
      tpu.enqueue_dma source(%arg4 : memref<128x16xf32, #tpu.memory_space<hbm>>) target(%arg7 : memref<128x16xf32, #tpu.memory_space<vmem>>) target_semaphore(%run_scoped3A : memref<!tpu.dma_semaphore, #tpu.memory_space<semaphore_mem>>)
      tpu.wait_dma2 semaphore(%run_scoped3A : memref<!tpu.dma_semaphore, #tpu.memory_space<semaphore_mem>>) src(%arg4 : memref<128x16xf32, #tpu.memory_space<hbm>>) dst(%arg7 : memref<128x16xf32, #tpu.memory_space<vmem>>)
      tpu.yield
    }) : () -> ()
    %barrier3A = arith.constant 0 : index
    tpu.barrier barrier_id(%barrier3A)
    %scan3A = arith.constant 0 : i32
    %scan3A_3 = arith.constant 80 : i32
    %scan3A_4 = arith.addi %scan3A, %scan3A_3 : i32
    %scan3A_5 = arith.constant 1 : i32
    scf.for %scan3A_51 = %scan3A to %scan3A_4 step %scan3A_5  : i32 {
      %mul3A_52 = arith.constant 1 : i32
      %mul3A_53 = arith.muli %scan3A_51, %mul3A_52 : i32
      %add3A_54 = arith.constant 0 : i32
      %add3A_55 = arith.addi %add3A_54, %mul3A_53 : i32
      %ge3A = arith.constant 4 : i32
      %ge3A_56 = arith.cmpi sge, %add3A_55, %ge3A : i32
      %convert_element_type3A = arith.extui %ge3A_56 : i1 to i32
      %cond3A = arith.constant 0 : i32
      %cond3A_57 = arith.cmpi ne, %convert_element_type3A, %cond3A : i32
      scf.if %cond3A_57 {
        %sub3A = arith.constant 4 : i32
        %sub3A_74 = arith.subi %add3A_55, %sub3A : i32
        %jit3A_75 = arith.constant 4 : i32
        %eq3A_76 = arith.constant 0 : i32
        %eq3A_77 = arith.cmpi eq, %jit3A_75, %eq3A_76 : i32
        %jit3A_78 = arith.constant 1 : i32
        %select_n3A_79 = arith.select %eq3A_77, %jit3A_78, %jit3A_75 : i32
        %rem3A_80 = arith.remsi %add3A_55, %select_n3A_79 : i32
        %ne3A_81 = arith.constant 0 : i32
        %ne3A_82 = arith.cmpi ne, %rem3A_80, %ne3A_81 : i32
        %lt3A_83 = arith.constant 0 : i32
        %lt3A_84 = arith.cmpi slt, %rem3A_80, %lt3A_83 : i32
        %lt3A_85 = arith.constant 0 : i32
        %lt3A_86 = arith.cmpi slt, %select_n3A_79, %lt3A_85 : i32
        %ne3A_87 = arith.xori %lt3A_84, %lt3A_86 : i1
        %and3A_88 = arith.andi %ne3A_87, %ne3A_82 : i1
        %add3A_89 = arith.addi %rem3A_80, %select_n3A_79 : i32
        %select_n3A_90 = arith.select %and3A_88, %add3A_89, %rem3A_80 : i32
        %dma_wait3A_91 = arith.constant 0 : i32
        %dma_wait3A_92 = tpu.memref_slice %arg6[%sub3A_74, %dma_wait3A_91] : memref<80x128xi32, #tpu.memory_space<vmem>> -> memref<1x128xi32, #tpu.memory_space<vmem>>
        %dma_wait3A_93 = tpu.memref_squeeze %dma_wait3A_92 : memref<1x128xi32, #tpu.memory_space<vmem>> -> memref<128xi32, #tpu.memory_space<vmem>>
        %dma_wait3A_94 = arith.constant 0 : i32
        %dma_wait3A_95 = arith.constant 0 : i32
        %dma_wait3A_96 = tpu.memref_slice %arg9[%dma_wait3A_94, %dma_wait3A_95] : memref<10112x16xf32, #tpu.memory_space<vmem_shared>> -> memref<10112x16xf32, #tpu.memory_space<vmem_shared>>
        %dma_wait3A_97 = tpu.memref_slice %arg8[%select_n3A_90] : memref<4x!tpu.dma_semaphore, #tpu.memory_space<semaphore_mem>> -> memref<1x!tpu.dma_semaphore, #tpu.memory_space<semaphore_mem>>
        %dma_wait3A_98 = tpu.memref_squeeze %dma_wait3A_97 : memref<1x!tpu.dma_semaphore, #tpu.memory_space<semaphore_mem>> -> memref<!tpu.dma_semaphore, #tpu.memory_space<semaphore_mem>>
        tpu.wait_indirect_dma semaphore(%dma_wait3A_98 : memref<!tpu.dma_semaphore, #tpu.memory_space<semaphore_mem>>) src(%arg7 : memref<128x16xf32, #tpu.memory_space<vmem>>) dst(%dma_wait3A_96 : memref<10112x16xf32, #tpu.memory_space<vmem_shared>>)
      } else {
      }
      %jit3A = arith.constant 4 : i32
      %eq3A = arith.constant 0 : i32
      %eq3A_58 = arith.cmpi eq, %jit3A, %eq3A : i32
      %jit3A_59 = arith.constant 1 : i32
      %select_n3A = arith.select %eq3A_58, %jit3A_59, %jit3A : i32
      %rem3A = arith.remsi %add3A_55, %select_n3A : i32
      %ne3A = arith.constant 0 : i32
      %ne3A_60 = arith.cmpi ne, %rem3A, %ne3A : i32
      %lt3A = arith.constant 0 : i32
      %lt3A_61 = arith.cmpi slt, %rem3A, %lt3A : i32
      %lt3A_62 = arith.constant 0 : i32
      %lt3A_63 = arith.cmpi slt, %select_n3A, %lt3A_62 : i32
      %ne3A_64 = arith.xori %lt3A_61, %lt3A_63 : i1
      %and3A = arith.andi %ne3A_64, %ne3A_60 : i1
      %add3A_65 = arith.addi %rem3A, %select_n3A : i32
      %select_n3A_66 = arith.select %and3A, %add3A_65, %rem3A : i32
      %dma_start3A = arith.constant 0 : i32
      %dma_start3A_67 = tpu.memref_slice %arg6[%add3A_55, %dma_start3A] : memref<80x128xi32, #tpu.memory_space<vmem>> -> memref<1x128xi32, #tpu.memory_space<vmem>>
      %dma_start3A_68 = tpu.memref_squeeze %dma_start3A_67 : memref<1x128xi32, #tpu.memory_space<vmem>> -> memref<128xi32, #tpu.memory_space<vmem>>
      %dma_start3A_69 = arith.constant 0 : i32
      %dma_start3A_70 = arith.constant 0 : i32
      %dma_start3A_71 = tpu.memref_slice %arg9[%dma_start3A_69, %dma_start3A_70] : memref<10112x16xf32, #tpu.memory_space<vmem_shared>> -> memref<10112x16xf32, #tpu.memory_space<vmem_shared>>
      %dma_start3A_72 = tpu.memref_slice %arg8[%select_n3A_66] : memref<4x!tpu.dma_semaphore, #tpu.memory_space<semaphore_mem>> -> memref<1x!tpu.dma_semaphore, #tpu.memory_space<semaphore_mem>>
      %dma_start3A_73 = tpu.memref_squeeze %dma_start3A_72 : memref<1x!tpu.dma_semaphore, #tpu.memory_space<semaphore_mem>> -> memref<!tpu.dma_semaphore, #tpu.memory_space<semaphore_mem>>
      tpu.enqueue_indirect_dma source(%arg7 : memref<128x16xf32, #tpu.memory_space<vmem>>) target(%dma_start3A_71 : memref<10112x16xf32, #tpu.memory_space<vmem_shared>>) offsets(%dma_start3A_68 : memref<128xi32, #tpu.memory_space<vmem>>) semaphore(%dma_start3A_73 : memref<!tpu.dma_semaphore, #tpu.memory_space<semaphore_mem>>) {add = true}
    }
    %scan3A_6 = arith.constant 80 : i32
    %dma_wait3A = arith.constant 76 : i32
    %dma_wait3A_7 = arith.constant 0 : i32
    %dma_wait3A_8 = arith.constant 0 : i32
    %dma_wait3A_9 = tpu.memref_slice %arg6[%dma_wait3A, %dma_wait3A_8] : memref<80x128xi32, #tpu.memory_space<vmem>> -> memref<1x128xi32, #tpu.memory_space<vmem>>
    %dma_wait3A_10 = tpu.memref_squeeze %dma_wait3A_9 : memref<1x128xi32, #tpu.memory_space<vmem>> -> memref<128xi32, #tpu.memory_space<vmem>>
    %dma_wait3A_11 = arith.constant 0 : i32
    %dma_wait3A_12 = arith.constant 0 : i32
    %dma_wait3A_13 = tpu.memref_slice %arg9[%dma_wait3A_11, %dma_wait3A_12] : memref<10112x16xf32, #tpu.memory_space<vmem_shared>> -> memref<10112x16xf32, #tpu.memory_space<vmem_shared>>
    %dma_wait3A_14 = tpu.memref_slice %arg8[%dma_wait3A_7] : memref<4x!tpu.dma_semaphore, #tpu.memory_space<semaphore_mem>> -> memref<1x!tpu.dma_semaphore, #tpu.memory_space<semaphore_mem>>
    %dma_wait3A_15 = tpu.memref_squeeze %dma_wait3A_14 : memref<1x!tpu.dma_semaphore, #tpu.memory_space<semaphore_mem>> -> memref<!tpu.dma_semaphore, #tpu.memory_space<semaphore_mem>>
    tpu.wait_indirect_dma semaphore(%dma_wait3A_15 : memref<!tpu.dma_semaphore, #tpu.memory_space<semaphore_mem>>) src(%arg7 : memref<128x16xf32, #tpu.memory_space<vmem>>) dst(%dma_wait3A_13 : memref<10112x16xf32, #tpu.memory_space<vmem_shared>>)
    %dma_wait3A_16 = arith.constant 77 : i32
    %dma_wait3A_17 = arith.constant 1 : i32
    %dma_wait3A_18 = arith.constant 0 : i32
    %dma_wait3A_19 = tpu.memref_slice %arg6[%dma_wait3A_16, %dma_wait3A_18] : memref<80x128xi32, #tpu.memory_space<vmem>> -> memref<1x128xi32, #tpu.memory_space<vmem>>
    %dma_wait3A_20 = tpu.memref_squeeze %dma_wait3A_19 : memref<1x128xi32, #tpu.memory_space<vmem>> -> memref<128xi32, #tpu.memory_space<vmem>>
    %dma_wait3A_21 = arith.constant 0 : i32
    %dma_wait3A_22 = arith.constant 0 : i32
    %dma_wait3A_23 = tpu.memref_slice %arg9[%dma_wait3A_21, %dma_wait3A_22] : memref<10112x16xf32, #tpu.memory_space<vmem_shared>> -> memref<10112x16xf32, #tpu.memory_space<vmem_shared>>
    %dma_wait3A_24 = tpu.memref_slice %arg8[%dma_wait3A_17] : memref<4x!tpu.dma_semaphore, #tpu.memory_space<semaphore_mem>> -> memref<1x!tpu.dma_semaphore, #tpu.memory_space<semaphore_mem>>
    %dma_wait3A_25 = tpu.memref_squeeze %dma_wait3A_24 : memref<1x!tpu.dma_semaphore, #tpu.memory_space<semaphore_mem>> -> memref<!tpu.dma_semaphore, #tpu.memory_space<semaphore_mem>>
    tpu.wait_indirect_dma semaphore(%dma_wait3A_25 : memref<!tpu.dma_semaphore, #tpu.memory_space<semaphore_mem>>) src(%arg7 : memref<128x16xf32, #tpu.memory_space<vmem>>) dst(%dma_wait3A_23 : memref<10112x16xf32, #tpu.memory_space<vmem_shared>>)
    %dma_wait3A_26 = arith.constant 78 : i32
    %dma_wait3A_27 = arith.constant 2 : i32
    %dma_wait3A_28 = arith.constant 0 : i32
    %dma_wait3A_29 = tpu.memref_slice %arg6[%dma_wait3A_26, %dma_wait3A_28] : memref<80x128xi32, #tpu.memory_space<vmem>> -> memref<1x128xi32, #tpu.memory_space<vmem>>
    %dma_wait3A_30 = tpu.memref_squeeze %dma_wait3A_29 : memref<1x128xi32, #tpu.memory_space<vmem>> -> memref<128xi32, #tpu.memory_space<vmem>>
    %dma_wait3A_31 = arith.constant 0 : i32
    %dma_wait3A_32 = arith.constant 0 : i32
    %dma_wait3A_33 = tpu.memref_slice %arg9[%dma_wait3A_31, %dma_wait3A_32] : memref<10112x16xf32, #tpu.memory_space<vmem_shared>> -> memref<10112x16xf32, #tpu.memory_space<vmem_shared>>
    %dma_wait3A_34 = tpu.memref_slice %arg8[%dma_wait3A_27] : memref<4x!tpu.dma_semaphore, #tpu.memory_space<semaphore_mem>> -> memref<1x!tpu.dma_semaphore, #tpu.memory_space<semaphore_mem>>
    %dma_wait3A_35 = tpu.memref_squeeze %dma_wait3A_34 : memref<1x!tpu.dma_semaphore, #tpu.memory_space<semaphore_mem>> -> memref<!tpu.dma_semaphore, #tpu.memory_space<semaphore_mem>>
    tpu.wait_indirect_dma semaphore(%dma_wait3A_35 : memref<!tpu.dma_semaphore, #tpu.memory_space<semaphore_mem>>) src(%arg7 : memref<128x16xf32, #tpu.memory_space<vmem>>) dst(%dma_wait3A_33 : memref<10112x16xf32, #tpu.memory_space<vmem_shared>>)
    %dma_wait3A_36 = arith.constant 79 : i32
    %dma_wait3A_37 = arith.constant 3 : i32
    %dma_wait3A_38 = arith.constant 0 : i32
    %dma_wait3A_39 = tpu.memref_slice %arg6[%dma_wait3A_36, %dma_wait3A_38] : memref<80x128xi32, #tpu.memory_space<vmem>> -> memref<1x128xi32, #tpu.memory_space<vmem>>
    %dma_wait3A_40 = tpu.memref_squeeze %dma_wait3A_39 : memref<1x128xi32, #tpu.memory_space<vmem>> -> memref<128xi32, #tpu.memory_space<vmem>>
    %dma_wait3A_41 = arith.constant 0 : i32
    %dma_wait3A_42 = arith.constant 0 : i32
    %dma_wait3A_43 = tpu.memref_slice %arg9[%dma_wait3A_41, %dma_wait3A_42] : memref<10112x16xf32, #tpu.memory_space<vmem_shared>> -> memref<10112x16xf32, #tpu.memory_space<vmem_shared>>
    %dma_wait3A_44 = tpu.memref_slice %arg8[%dma_wait3A_37] : memref<4x!tpu.dma_semaphore, #tpu.memory_space<semaphore_mem>> -> memref<1x!tpu.dma_semaphore, #tpu.memory_space<semaphore_mem>>
    %dma_wait3A_45 = tpu.memref_squeeze %dma_wait3A_44 : memref<1x!tpu.dma_semaphore, #tpu.memory_space<semaphore_mem>> -> memref<!tpu.dma_semaphore, #tpu.memory_space<semaphore_mem>>
    tpu.wait_indirect_dma semaphore(%dma_wait3A_45 : memref<!tpu.dma_semaphore, #tpu.memory_space<semaphore_mem>>) src(%arg7 : memref<128x16xf32, #tpu.memory_space<vmem>>) dst(%dma_wait3A_43 : memref<10112x16xf32, #tpu.memory_space<vmem_shared>>)
    %barrier3A_46 = arith.constant 0 : index
    tpu.barrier barrier_id(%barrier3A_46)
    %mul3A_47 = arith.constant 632 : i32
    %mul3A_48 = arith.muli %arg1, %mul3A_47 : i32
    %mul3A_49 = arith.constant 632 : i32
    %mul3A_50 = arith.muli %arg1, %mul3A_49 : i32
    "tpu.region"() ({
      %run_scoped3A = tpu.sem_alloc : memref<!tpu.dma_semaphore, #tpu.memory_space<semaphore_mem>>
      %dma_start3A = arith.constant 0 : i32
      %dma_start3A_51 = tpu.memref_slice %arg5[%arg0, %mul3A_50, %dma_start3A] : memref<2x10112x16xf32, #tpu.memory_space<hbm>> -> memref<1x632x16xf32, #tpu.memory_space<hbm>>
      %dma_start3A_52 = tpu.memref_squeeze %dma_start3A_51 : memref<1x632x16xf32, #tpu.memory_space<hbm>> -> memref<632x16xf32, #tpu.memory_space<hbm>>
      %dma_start3A_53 = arith.constant 0 : i32
      %dma_start3A_54 = tpu.memref_slice %arg9[%mul3A_48, %dma_start3A_53] : memref<10112x16xf32, #tpu.memory_space<vmem_shared>> -> memref<632x16xf32, #tpu.memory_space<vmem_shared>>
      tpu.enqueue_dma source(%dma_start3A_54 : memref<632x16xf32, #tpu.memory_space<vmem_shared>>) target(%dma_start3A_52 : memref<632x16xf32, #tpu.memory_space<hbm>>) target_semaphore(%run_scoped3A : memref<!tpu.dma_semaphore, #tpu.memory_space<semaphore_mem>>)
      %dma_wait3A_55 = arith.constant 0 : i32
      %dma_wait3A_56 = tpu.memref_slice %arg5[%arg0, %mul3A_50, %dma_wait3A_55] : memref<2x10112x16xf32, #tpu.memory_space<hbm>> -> memref<1x632x16xf32, #tpu.memory_space<hbm>>
      %dma_wait3A_57 = tpu.memref_squeeze %dma_wait3A_56 : memref<1x632x16xf32, #tpu.memory_space<hbm>> -> memref<632x16xf32, #tpu.memory_space<hbm>>
      %dma_wait3A_58 = arith.constant 0 : i32
      %dma_wait3A_59 = tpu.memref_slice %arg9[%mul3A_48, %dma_wait3A_58] : memref<10112x16xf32, #tpu.memory_space<vmem_shared>> -> memref<632x16xf32, #tpu.memory_space<vmem_shared>>
      tpu.wait_dma2 semaphore(%run_scoped3A : memref<!tpu.dma_semaphore, #tpu.memory_space<semaphore_mem>>) src(%dma_wait3A_59 : memref<632x16xf32, #tpu.memory_space<vmem_shared>>) dst(%dma_wait3A_57 : memref<632x16xf32, #tpu.memory_space<hbm>>)
      tpu.yield
    }) : () -> ()
    return
  }
}

module attributes {stable_mosaic.version = 14 : i64} {
  func.func @body(%arg0: memref<10000x128xf32, #tpu.memory_space<vmem>>, %arg1: memref<128x64xf32, #tpu.memory_space<vmem>>, %arg2: memref<10000x64xf32, #tpu.memory_space<vmem>>) attributes {dimension_semantics = [], scalar_prefetch = 0 : i64, scratch_operands = 0 : i64, tpu.core_type = #tpu.core_type<tc>} {
    %get3A = arith.constant 0 : index
    %get3A_0 = arith.constant 0 : index
    %get3A_1 = vector.load %arg0[%get3A, %get3A_0] : memref<10000x128xf32, #tpu.memory_space<vmem>>, vector<10000x128xf32>
    %get3A_2 = arith.constant 0 : index
    %get3A_3 = arith.constant 0 : index
    %get3A_4 = vector.load %arg1[%get3A_2, %get3A_3] : memref<128x64xf32, #tpu.memory_space<vmem>>, vector<128x64xf32>
    %dot_general3A = arith.constant dense<0.000000e+00> : vector<10000x64xf32>
    %dot_general3A_5 = tpu.matmul %get3A_1, %get3A_4, %dot_general3A {dimension_numbers = #tpu.dot_dimension_numbers<[1], [0], [0], [1], [0, 0, 1, 1], [], []>, transpose_lhs_hint = false} : vector<10000x128xf32>, vector<128x64xf32>, vector<10000x64xf32> -> vector<10000x64xf32>
    %swap3A = arith.constant 0 : index
    %swap3A_6 = arith.constant 0 : index
    %swap3A_7 = vector.load %arg2[%swap3A, %swap3A_6] : memref<10000x64xf32, #tpu.memory_space<vmem>>, vector<10000x64xf32>
    tpu.vector_store %arg2[%swap3A, %swap3A_6], %dot_general3A_5 {strides = array<i32>} : memref<10000x64xf32, #tpu.memory_space<vmem>>, vector<10000x64xf32>,
    return
  }
}

</mosaic_0001>

<sc_bundles>
// kernel: kernel.5.cloned.1.call-start
scs
__scs_entry_jumppad:
0x0: {  	(pc) =	sbr.rel $0x88, $3  }
0x1: {  	(tag) =	ssettag $0x0;
	lr =	simm.s32 $0x1  }
0x2: {  	[smem:$0x3F9D] =	sst lr;
	_ =	strace $0xD0000000  }
0x3: {  	_ = 	snop  }
0x4: {  	_ = 	snop  }
0x5: {  	_ = 	snop  }
0x6: {  	_ = 	snop  }
0x7: {  	_ = 	snop  }
__scs_overlays_trampoline_lowered:
0x8: {  	[smem:$0x3FAC] =	sst s0  }
0x9: {  	[smem:$0x3FAD] =	sst s1  }
0xa: {  	[smem:$0x3FAE] =	sst s2  }
0xb: {  	[smem:$0x3FAF] =	sst s3  }
0xc: {  	[smem:$0x3FB0] =	sst s4  }
0xd: {  	[smem:$0x3FB1] =	sst s5  }
0xe: {  	[smem:$0x3FB2] =	sst s6  }
0xf: {  	[smem:$0x3FB3] =	sst s7  }
0x10: {  	[smem:$0x3FB4] =	sst s8  }
0x11: {  	[smem:$0x3FB5] =	sst s9;
	s0 =	simm.s32 @!p0 $0x0  }
0x12: {  	s1 =	sld [smem:$0x3F9B];
	s0 =	simm.s32 @p0 $0x1  }
0x13: {  	[smem:$0x3FB6] =	sst s0;
	s0 =	simm.s32 @!p1 $0x0  }
0x14: {  	s2 =	sld [smem:$0x3F9A];
	s0 =	simm.s32 @p1 $0x1  }
0x15: {  	[smem:$0x3FB7] =	sst s0;
	s0 =	simm.s32 @!p2 $0x0  }
0x16: {  	s3 =	sld [smem:$0x3FDB];
	s0 =	simm.s32 @p2 $0x1  }
0x17: {  	s4 =	simm.s32 $0x1BF5;
	[smem:$0x3FB9] =	sst s0  }
0x18: {  	s0 =	sld [smem:$0x3F9C];
	_ =	swait.ge [sflag:s4], $0x0  }
0x19: {  	s7 =	sld [smem:$0x3F9D]  }
0x1a: {  	s8 =	sadd.s32 $0xFFFFE003, lr  }
0x1b: {  	s9 =	sadd.s32 $0xFFFFFEF7, lr;
	s5 =	simm.s32 $0xFFFFFFFF;
	p2 =	slt.u32 s8, $0xFFFFF086  }
0x1c: {  	p1 =	slt.u32 s9, $0xF7A;
	s5 =	simm.s32 @!p2 $0x0  }
0x1d: {  	s5 =	simm.s32 @p1 $0x1;
	p0 =	seq.s32 s7, s2  }
0x1e: {  	s7 =	smul.u32 @!p0 $0xF7A, s2;
	p2 =	seq.s32 @!p0 s5, $0x0  }
0x1f: {  	s9 =	smul.u32 $0xF7A, s1;
	s8 =	simm.s32 @!p0 $0x1BF5;
	p2 =	por !p2, p0  }
0x20: {  	[sflag:s8] =	ssyncset.s32 @!p0 $0xFFFFF086;
	s6 =	sadd.s32 @!p0 s3, s7;
	s7 =	simm.s32 @!p0 $0x108  }
0x21: {  	s3 =	sadd.s32 s3, s9;
	s6 =	sadd.s32 @!p0 $0x88, s6;
	s7 =	simm.s32 @p2 $0x1082  }
0x22: {  	[simem:s7], [sflag:s8] =	dma.local @!p0 [hbm:s6], $0xF7A  }
0x23: {  	s9 =	sor.u32 $0xD0000000, s2;
	s6 =	simm.s32 $0x108;
	_ =	swait.ge @!p0 [sflag:s8], $0x0  }
0x24: {  	s3 =	sadd.s32 $0x88, s3;
	s6 =	simm.s32 @!p1 $0x1082;
	[sflag:s4] =	ssyncset.s32 $0xFFFFF086  }
0x25: {  	[simem:s6], [sflag:s4] =	dma.local [hbm:s3], $0xF7A  }
0x26: {  	[smem:$0x3F9D] =	sst s1;
	(tag) =	ssettag s2;
	_ =	strace s9  }
0x27: {  	s1 =	sld [smem:$0x3FAD]  }
0x28: {  	s2 =	sld [smem:$0x3FAE]  }
0x29: {  	s4 =	sld [smem:$0x3FB0]  }
0x2a: {  	p0 =	seq.s32 s5, $0x0;
	s5 =	sld [smem:$0x3FB1]  }
0x2b: {  	s6 =	sld [smem:$0x3FB2]  }
0x2c: {  	s7 =	sld [smem:$0x3FB3]  }
0x2d: {  	s3 =	simm.s32 $0x108;
	s8 =	sld [smem:$0x3FB4]  }
0x2e: {  	s3 =	simm.s32 @!p0 $0x1082;
	s9 =	sld [smem:$0x3FB5]  }
0x2f: {  	lr =	sadd.s32 s0, s3;
	s0 =	sld [smem:$0x3FAC]  }
0x30: {  	s3 =	sld [smem:$0x3FAF]  }
0x31: {  	[smem:$0x3FB8] =	sst s10  }
0x32: {  	s10 =	sld [smem:$0x3FB6];
	_ =	sdelay $0x3  }
0x33: {  	p0 =	seq.s32 s10, $0x1;
	s10 =	sld [smem:$0x3FB8];
	_ =	sdelay $0x3  }
0x34: {  	[smem:$0x3FB8] =	sst s10  }
0x35: {  	s10 =	sld [smem:$0x3FB7];
	_ =	sdelay $0x3  }
0x36: {  	p1 =	seq.s32 s10, $0x1;
	s10 =	sld [smem:$0x3FB8];
	_ =	sdelay $0x3  }
0x37: {  	[smem:$0x3FB8] =	sst s10  }
0x38: {  	s10 =	sld [smem:$0x3FB9]  }
0x39: {  	_ = 	snop;
	(pc) =	sbr.ind lr, $3  }
0x3a: {  	_ = 	snop  }
0x3b: {  	_ = 	snop  }
0x3c: {  	p2 =	seq.s32 s10, $0x1;
	s10 =	sld [smem:$0x3FB8]  }
0x3d: {  	_ =	shalt  }
0x3e: {  	_ =	shalt  }
0x3f: {  	_ =	shalt  }
0x40: {  	_ =	shalt  }
0x41: {  	_ =	shalt  }
0x42: {  	_ =	shalt  }
0x43: {  	_ =	shalt  }
0x44: {  	_ =	shalt  }
0x45: {  	_ =	shalt  }
0x46: {  	_ =	shalt  }
0x47: {  	_ =	shalt  }
0x48: {  	_ =	shalt  }
0x49: {  	_ =	shalt  }
0x4a: {  	_ =	shalt  }
0x4b: {  	_ =	shalt  }
0x4c: {  	_ =	shalt  }
0x4d: {  	_ =	shalt  }
0x4e: {  	_ =	shalt  }
0x4f: {  	_ =	shalt  }
0x50: {  	_ =	shalt  }
0x51: {  	_ =	shalt  }
0x52: {  	_ =	shalt  }
0x53: {  	_ =	shalt  }
0x54: {  	_ =	shalt  }
0x55: {  	_ =	shalt  }
0x56: {  	_ =	shalt  }
0x57: {  	_ =	shalt  }
0x58: {  	_ =	shalt  }
0x59: {  	_ =	shalt  }
0x5a: {  	_ =	shalt  }
0x5b: {  	_ =	shalt  }
0x5c: {  	_ =	shalt  }
0x5d: {  	_ =	shalt  }
0x5e: {  	_ =	shalt  }
0x5f: {  	_ =	shalt  }
0x60: {  	_ =	shalt  }
0x61: {  	_ =	shalt  }
0x62: {  	_ =	shalt  }
0x63: {  	_ =	shalt  }
0x64: {  	_ =	shalt  }
0x65: {  	_ =	shalt  }
0x66: {  	_ =	shalt  }
0x67: {  	_ =	shalt  }
0x68: {  	_ =	shalt  }
0x69: {  	_ =	shalt  }
0x6a: {  	_ =	shalt  }
0x6b: {  	_ =	shalt  }
0x6c: {  	_ =	shalt  }
0x6d: {  	_ =	shalt  }
0x6e: {  	_ =	shalt  }
0x6f: {  	_ =	shalt  }
0x70: {  	_ =	shalt  }
0x71: {  	_ =	shalt  }
0x72: {  	_ =	shalt  }
0x73: {  	_ =	shalt  }
0x74: {  	_ =	shalt  }
0x75: {  	_ =	shalt  }
0x76: {  	_ =	shalt  }
0x77: {  	_ =	shalt  }
0x78: {  	_ =	shalt  }
0x79: {  	_ =	shalt  }
0x7a: {  	_ =	shalt  }
0x7b: {  	_ =	shalt  }
0x7c: {  	_ =	shalt  }
0x7d: {  	_ =	shalt  }
0x7e: {  	_ =	shalt  }
0x7f: {  	_ =	shalt  }
0x80: {  	_ =	shalt  }
0x81: {  	_ =	shalt  }
0x82: {  	_ =	shalt  }
0x83: {  	_ =	shalt  }
0x84: {  	_ =	shalt  }
0x85: {  	_ =	shalt  }
0x86: {  	_ =	shalt  }
0x87: {  	_ =	shalt  }
.Lfunc_end0:
.L_simem_size_0:
called_computation_lowered:
.L_overlay_start_0:
0x88: {  	s2 =	sld [smem:$0x3FD9]  }
0x89: {  	s3 =	sld [smem:$0x3FFE];
	_ =	sdelay $0x1  }
0x8a: {  	s1 =	srdreg.scid  }
0x8b: {  	s0 =	sand.u32 $0x1, s1  }
0x8c: {  	s16 =	sshll.u32 s0, $0xA;
	s2 =	sadd.s32 s3, s2  }
0x8d: {  	s2 =	sadd.s32 s2, s16  }
0x8e: {  	[smem:$0x3FC4] =	sst s2  }
0x8f: {  	_ = 	snop  }
0x90: {  	(tm) =	ssettm $0x1  }
0x91: {  	s17 =	sld [smem:$0x3FFB];
	_ =	sdelay $0x3  }
0x92: {  	_ =	strace s17  }
0x93: {  	s2 =	sld [smem:$0x3FFC];
	_ =	sdelay $0x3  }
0x94: {  	_ =	strace s2  }
0x95: {  	s2 =	sld [smem:$0x3FFD];
	_ =	sdelay $0x3  }
0x96: {  	_ =	strace s2  }
0x97: {  	_ =	strace $0x8FFFFFFF  }
0x98: {  	s18 =	sld [smem:$0x3FDB];
	_ =	sdelay $0x1  }
0x99: {  	s19 =	simm.s32 $_scs_section_size  }
0x9a: {  	s4 =	simm.s32 $_size__tile_overlayer_lowered;
	s5 =	simm.s32 $_tile_overlayer_lowered  }
0x9b: {  	s22 =	simm.s32 $0x1BFF;
	s21 =	sshll.u32 s5, $0x1;
	s2 =	sadd.s32 s19, s18  }
0x9c: {  	s6 =	simm.s32 $0x0;
	s20 =	sshll.u32 s4, $0x1;
	s4 =	sadd.s32 s21, s2  }
0x9d: {  	[timem:s6], [sflag:s22] =	dma.local [hbm:s4], s20  }
0x9e: {  	_ =	swait.ge [sflag:s22], s20  }
0x9f: {  	s3 =	ssub.s32 $0x0, s20;
	[sflag:s22] =	ssyncset.done $0x0  }
0xa0: {  	[sflag:s22] =	ssyncadd.s32 s3;
	_ =	sdelay $0x1  }
0xa1: {  	s23 =	simm.s32 $0x1B8B  }
0xa2: {  	_ =	swait.ge [sflag:s23], $0x1  }
0xa3: {  	[sflag:s23] =	ssyncset.done $0x0  }
0xa4: {  	s25 =	simm.s32 $0x1B8E;
	s24 =	sld [smem:$0x3FFE];
	[sflag:s23] =	ssyncadd.s32 $0xFFFFFFFF  }
0xa5: {  	s26 =	simm.s32 $execute0_lowered;
	[smem:$0x3FD2] =	sst s25  }
0xa6: {  	s4 =	sshll.u32 s26, $0x1;
	_ =	strace $0x80000046;
	[dreg:$0x1] =	wrdreg $0xFFFFFFFF  }
0xa7: {  	s28 =	simm.s32 $_size_execute0_lowered;
	s2 =	sadd.s32 s2, s4;
	[dreg:$0x0] =	wrdreg $0x0  }
0xa8: {  	s4 =	sshll.u32 s28, $0x1;
	[dreg:$0x2] =	wrdreg s2  }
0xa9: {  	[dreg:$0x3] =	wrdreg s4  }
0xaa: {  	[dreg:$0x4] =	wrdreg $0xC0  }
0xab: {  	_ =	task [dreg:s6], $0x5FFFF  }
0xac: {  	[dreg:$0x1] =	wrdreg $0xFFFFFFFF  }
0xad: {  	[dreg:$0x0] =	wrdreg $0x60  }
0xae: {  	[dreg:$0x2] =	wrdreg s24  }
0xaf: {  	[dreg:$0x3] =	wrdreg $0x30000  }
0xb0: {  	[dreg:$0x4] =	wrdreg $0x9  }
0xb1: {  	_ =	task.clear_ibuf [dreg:s6], $0x5FFFF;
	_ =	strace $0x90000046  }
0xb2: {  	s29 =	simm.s32 $0x9;
	_ =	strace $0x80000048  }
0xb3: {  	_ =	swait.ge [sflag:s29], $0x1  }
0xb4: {  	[sflag:s29] =	ssyncadd.s32 $0xFFFFFFFF  }
0xb5: {  	_ =	strace $0x90000048  }
0xb6: {  	_ =	sfence  }
0xb7: {  	s30 =	sld [smem:$0x0];
	_ =	sdelay $0x2  }
0xb8: {  	s31 =	sshll.u32 s1, $0xD;
	s1 =	sshrl.u32 s1, $0x2  }
0xb9: {  	s3 =	sand.u32 $0x4000, s31;
	s1 =	sadd.s32 s1, s30  }
0xba: {  	s0 =	sor.u32 s3, s0;
	s1 =	sshll.u32 s1, $0x11  }
0xbb: {  	s0 =	sor.u32 s1, s0  }
0xbc: {  	s0 =	sadd.s32 $0x8F2B, s0  }
0xbd: {  	[sflag:s0] =	ssyncadd.remote.s32 $0x1  }
0xbe: {  	_ =	sfence.sel $0xFFFF  }
0xbf: {  	[dreg:$0x0] =	wrdreg $0xFFFFFFFF;
	(pc) =	sbr.abs _section_cstart, $3  }
0xc0: {  	[dreg:$0x1] =	wrdreg $0xFFFFFFFF  }
0xc1: {  	_ =	task.clear_ibuf [dreg:s6], $0x2FFFF;
	_ =	strace $0x9FFFFFFF  }
0xc2: {  	(tm) =	ssettm $0x7FFFFFFF  }
0xc3: {  	_ =	shalt  }
tec
execute0_lowered:
.L_overlay_start_1:
0x0: {  	(tag) =	ssettag $0x1  }
0x1: {  	s1 =	srdreg.scid;
	s6 =	rddreg [dreg:$0x0]  }
0x2: {  	s0 =	stileid.u32;
	s2 =	rddreg [dreg:$0x1]  }
0x3: {  	s3 =	simm.s32 $0x0;
	s12 =	simm.s32 $0x2800;
	s13 =	simm.s32 $0x80  }
0x4: {  	s14 =	simm.s32 $0x100;
	s15 =	simm.s32 $0x180;
	s16 =	simm.s32 $0x1  }
0x5: {  	s17 =	simm.s32 $0x2;
	s18 =	simm.s32 $0x3;
	s19 =	simm.s32 $0x4  }
0x6: {  	s20 =	simm.s32 $0x0;
	s5 =	sand.u32 $0x1, s1;
	s29 =	sshll.u32 s0, $0x1  }
0x7: {  	s7 =	smul.u32 $0x2780, s0;
	[smem:$0x7FF] =	sst s3;
	s31 =	sshll.u32 s0, $0x6  }
0x8: {  	s1 =	sor.u32 s5, s29;
	s8 =	smul.u32 $0x27800, s5;
	s10 =	ssub.s32 $0x2, s5  }
0x9: {  	s5 =	sadd.s32 $0xB000, s6;
	s4 =	smul.u32 $0x500, s1;
	s1 =	rddreg [dreg:$0x2]  }
0xa: {  	_ =	strace $0x80000047;
	s30 =	sshrl.u32 s10, $0x1;
	s8 =	sadd.s32 s7, s8  }
0xb: {  	s11 =	sadd.s32 s7, s2;
	s10 =	ssub.s32 s10, s30;
	s8 =	sshrl.u32 s8, $0x3  }
0xc: {  	s9 =	sadd.s32 s4, s6;
	s4 =	sadd.s32 $0xAA00, s6;
	s8 =	sadd.s32 s8, s6  }
0xd: {  	s6 =	sor.u32 $0x1C05, s31;
	s7 =	sadd.s32 $0xA00, s9;
	s9 =	smax.u32 s10, $0x1  }
0xe: {  	s10 =	sshrl.u32 s11, $0x3;
	s11 =	simm.s32 $0x5;
	s8 =	sadd.s32 $0xB200, s8  }
.LBB2_1:
0xf: {  	[spmem:s10], [sflag:s6] =	dma.local [hbm:s4], $0x4F0  }
0x10: {  	_ =	swait.ge [sflag:s11], $0x4F0  }
0x11: {  	[sflag:s11] =	ssyncset.done $0x0  }
0x12: {  	[sflag:s11] =	ssyncadd.s32 $0xFFFFFB10  }
0x13: {  	[tilespmem:s3], [sflag:$0x5] =	stream.linear.gather [hbm4b:s7+s3], $0x2800, $0x38;
	[tilespmem:$0x5780] =	vst v63  }
0x14: {  	_ =	swait.ge [sflag:s11], $0x2800  }
0x15: {  	[sflag:s11] =	ssyncset.done $0x0  }
0x16: {  	[sflag:s11] =	ssyncadd.s32 $0xFFFFD800  }
0x17: {  	[tilespmem:s12], [sflag:$0x5] =	stream.linear.gather [hbm4b:s5+s3], $0x800, $0x38;
	[tilespmem:$0x5780] =	vst v63  }
0x18: {  	_ =	swait.ge [sflag:s11], $0x800  }
0x19: {  	[sflag:s11] =	ssyncset.done $0x0  }
0x1a: {  	[sflag:s11] =	ssyncadd.s32 $0xFFFFF800  }
0x1b: {  	[bflag:$0x0] =	sbarrier.arrive $0xFFFF  }
0x1c: {  	[spmem:s2] =	stream.indirect.scatter.add.f32 [tilespmem:s12], [sflag:$0x1], $0x10, s3, s13, $0xb8;
	[tilespmem:$0x5780] =	vst v63  }
0x1d: {  	_ = 	snop  }
0x1e: {  	[spmem:s2] =	stream.indirect.scatter.add.f32 [tilespmem:s12], [sflag:$0x2], $0x10, s13, s13, $0xb8;
	[tilespmem:$0x5780] =	vst v63  }
0x1f: {  	s21 =	sand.u32 $0x3, s19  }
0x20: {  	[spmem:s2] =	stream.indirect.scatter.add.f32 [tilespmem:s12], [sflag:$0x3], $0x10, s14, s13, $0xb8;
	[tilespmem:$0x5780] =	vst v63  }
0x21: {  	s22 =	sadd.s32 $0x1, s21  }
0x22: {  	[spmem:s2] =	stream.indirect.scatter.add.f32 [tilespmem:s12], [sflag:$0x4], $0x10, s15, s13, $0xb8;
	[tilespmem:$0x5780] =	vst v63  }
0x23: {  	_ =	swait.ge [sflag:s22], $0x800  }
0x24: {  	s23 =	simm.s32 $0x5;
	[sflag:s22] =	ssyncset.done $0x0  }
0x25: {  	s21 =	simm.s32 $0x200;
	s23 =	sand.u32 $0x3, s23;
	[sflag:s22] =	ssyncadd.s32 $0xFFFFF800  }
0x26: {  	[spmem:s2] =	stream.indirect.scatter.add.f32 [tilespmem:s12], [sflag:s22], $0x10, s21, s13, $0xb8;
	[tilespmem:$0x5780] =	vst v63  }
0x27: {  	s22 =	sadd.s32 $0x1, s23  }
0x28: {  	s23 =	simm.s32 $0x6;
	_ =	swait.ge [sflag:s22], $0x800  }
.LBB2_2:
0x29: {  	s24 =	sand.u32 $0x3, s23  }
0x2a: {  	[sflag:s22] =	ssyncset.done $0x0;
	s21 =	sadd.s32 $0x80, s21;
	p0 =	sne.s32 s23, $0x4F  }
.Ltmp0:
0x2b: {  	s24 =	sadd.s32 $0x1, s24;
	[sflag:s22] =	ssyncadd.s32 $0xFFFFF800;
	(pc) =	sbr.rel @p0 .LBB2_2-.Ltmp0, $3  }
0x2c: {  	[spmem:s2] =	stream.indirect.scatter.add.f32 [tilespmem:s12], [sflag:s22], $0x10, s21, s13, $0xb8;
	[tilespmem:$0x5780] =	vst v63  }
0x2d: {  	s22 =	smov.u32 s24;
	_ =	swait.ge [sflag:s24], $0x800;
	_ =	sdelay $0x1  }
0x2e: {  	s23 =	sadd.s32 $0x1, s23  }
0x2f: {  	[sflag:s22] =	ssyncset.done $0x0  }
0x30: {  	s21 =	sadd.s32 $0x80, s21;
	[sflag:s22] =	ssyncadd.s32 $0xFFFFF800  }
0x31: {  	[spmem:s2] =	stream.indirect.scatter.add.f32 [tilespmem:s12], [sflag:s22], $0x10, s21, s13, $0xb8;
	[tilespmem:$0x5780] =	vst v63  }
0x32: {  	_ =	swait.ge [sflag:s16], $0x800  }
0x33: {  	[sflag:s16] =	ssyncset.done $0x0  }
0x34: {  	[sflag:s16] =	ssyncadd.s32 $0xFFFFF800  }
0x35: {  	_ =	swait.ge [sflag:s17], $0x800  }
0x36: {  	[sflag:s17] =	ssyncset.done $0x0  }
0x37: {  	[sflag:s17] =	ssyncadd.s32 $0xFFFFF800  }
0x38: {  	_ =	swait.ge [sflag:s18], $0x800  }
0x39: {  	[sflag:s18] =	ssyncset.done $0x0  }
0x3a: {  	[sflag:s18] =	ssyncadd.s32 $0xFFFFF800  }
0x3b: {  	_ =	swait.ge [sflag:s19], $0x800  }
0x3c: {  	s20 =	sadd.s32 $0x1, s20;
	[sflag:s19] =	ssyncset.done $0x0  }
0x3d: {  	p0 =	sne.s32 s20, s9;
	[sflag:s19] =	ssyncadd.s32 $0xFFFFF800  }
.Ltmp1:
0x3e: {  	[bflag:$0x0] =	sbarrier.arrive $0xFFFF;
	(pc) =	sbr.rel @p0 .LBB2_1-.Ltmp1, $4  }
0x3f: {  	[hbm:s8], [sflag:s6] =	dma.local [spmem:s10], $0x4F0  }
0x40: {  	_ =	swait.ge [sflag:s11], $0x4F0  }
0x41: {  	[sflag:s11] =	ssyncset.done $0x0  }
0x42: {  	[sflag:s11] =	ssyncadd.s32 $0xFFFFFB10  }
0x43: {  	_ =	sfence.sel $0x180000  }
0x44: {  	[bflag:$0x0] =	sbarrier.arrive $0xFFFF  }
0x45: {  	p0 =	sne.s32 s0, $0x0;
	_ =	strace $0x90000047  }
0x46: {  	s0 =	sadd.s32 @!p0 $0x100000, s1;
	[bflag:$0x2] =	sbarrier.arrive $0xFFFF  }
0x47: {  	[sflag:s0] =	ssyncadd.tile.s32 @!p0 $0x1;
	_ =	shalt  }
.Lfunc_end2:
_tile_overlayer_lowered:
.L_overlay_start_2:
0x48: {  	(tag) =	ssettag $0x2  }
0x49: {  	s0 =	rddreg [dreg:$0x0];
	s2 =	stileid.u32  }
0x4a: {  	s1 =	rddreg [dreg:$0x1];
	p0 =	sne.s32 s2, $0x0  }
0x4b: {  	s3 =	rddreg [dreg:$0x2];
	[bflag:$0x3] =	sbarrier.arrive $0xFFFF;
	s2 =	simm.s32 @!p0 $0x1C05  }
0x4c: {  	[timem:s3], [sflag:s2] =	dma.local @!p0 [hbm:s0], s1  }
0x4d: {  	s0 =	simm.s32 @!p0 $0x5  }
0x4e: {  	_ =	swait.ge @!p0 [sflag:s0], s1  }
0x4f: {  	s1 =	ssub.s32 @!p0 $0x0, s1;
	[sflag:s0] =	ssyncset.done @!p0 $0x0  }
0x50: {  	[sflag:s0] =	ssyncadd.s32 @!p0 s1  }
0x51: {  	[bflag:$0x3] =	sbarrier.arrive $0xFFFF  }
0x52: {  	_ =	shalt  }

// kernel: kernel.8.cloned.1.call-start
scs
__scs_entry_jumppad:
0x0: {  	(pc) =	sbr.rel $0x88, $3  }
0x1: {  	(tag) =	ssettag $0x0;
	lr =	simm.s32 $0x1  }
0x2: {  	[smem:$0x3F9D] =	sst lr;
	_ =	strace $0xD0000000  }
0x3: {  	_ = 	snop  }
0x4: {  	_ = 	snop  }
0x5: {  	_ = 	snop  }
0x6: {  	_ = 	snop  }
0x7: {  	_ = 	snop  }
__scs_overlays_trampoline_lowered:
0x8: {  	[smem:$0x3FAC] =	sst s0  }
0x9: {  	[smem:$0x3FAD] =	sst s1  }
0xa: {  	[smem:$0x3FAE] =	sst s2  }
0xb: {  	[smem:$0x3FAF] =	sst s3  }
0xc: {  	[smem:$0x3FB0] =	sst s4  }
0xd: {  	[smem:$0x3FB1] =	sst s5  }
0xe: {  	[smem:$0x3FB2] =	sst s6  }
0xf: {  	[smem:$0x3FB3] =	sst s7  }
0x10: {  	[smem:$0x3FB4] =	sst s8  }
0x11: {  	[smem:$0x3FB5] =	sst s9;
	s0 =	simm.s32 @!p0 $0x0  }
0x12: {  	s1 =	sld [smem:$0x3F9B];
	s0 =	simm.s32 @p0 $0x1  }
0x13: {  	[smem:$0x3FB6] =	sst s0;
	s0 =	simm.s32 @!p1 $0x0  }
0x14: {  	s2 =	sld [smem:$0x3F9A];
	s0 =	simm.s32 @p1 $0x1  }
0x15: {  	[smem:$0x3FB7] =	sst s0;
	s0 =	simm.s32 @!p2 $0x0  }
0x16: {  	s3 =	sld [smem:$0x3FDB];
	s0 =	simm.s32 @p2 $0x1  }
0x17: {  	s4 =	simm.s32 $0x1BF5;
	[smem:$0x3FB9] =	sst s0  }
0x18: {  	s0 =	sld [smem:$0x3F9C];
	_ =	swait.ge [sflag:s4], $0x0  }
0x19: {  	s7 =	sld [smem:$0x3F9D]  }
0x1a: {  	s8 =	sadd.s32 $0xFFFFE003, lr  }
0x1b: {  	s9 =	sadd.s32 $0xFFFFFEF7, lr;
	s5 =	simm.s32 $0xFFFFFFFF;
	p2 =	slt.u32 s8, $0xFFFFF086  }
0x1c: {  	p1 =	slt.u32 s9, $0xF7A;
	s5 =	simm.s32 @!p2 $0x0  }
0x1d: {  	s5 =	simm.s32 @p1 $0x1;
	p0 =	seq.s32 s7, s2  }
0x1e: {  	s7 =	smul.u32 @!p0 $0xF7A, s2;
	p2 =	seq.s32 @!p0 s5, $0x0  }
0x1f: {  	s9 =	smul.u32 $0xF7A, s1;
	s8 =	simm.s32 @!p0 $0x1BF5;
	p2 =	por !p2, p0  }
0x20: {  	[sflag:s8] =	ssyncset.s32 @!p0 $0xFFFFF086;
	s6 =	sadd.s32 @!p0 s3, s7;
	s7 =	simm.s32 @!p0 $0x108  }
0x21: {  	s3 =	sadd.s32 s3, s9;
	s6 =	sadd.s32 @!p0 $0x88, s6;
	s7 =	simm.s32 @p2 $0x1082  }
0x22: {  	[simem:s7], [sflag:s8] =	dma.local @!p0 [hbm:s6], $0xF7A  }
0x23: {  	s9 =	sor.u32 $0xD0000000, s2;
	s6 =	simm.s32 $0x108;
	_ =	swait.ge @!p0 [sflag:s8], $0x0  }
0x24: {  	s3 =	sadd.s32 $0x88, s3;
	s6 =	simm.s32 @!p1 $0x1082;
	[sflag:s4] =	ssyncset.s32 $0xFFFFF086  }
0x25: {  	[simem:s6], [sflag:s4] =	dma.local [hbm:s3], $0xF7A  }
0x26: {  	[smem:$0x3F9D] =	sst s1;
	(tag) =	ssettag s2;
	_ =	strace s9  }
0x27: {  	s1 =	sld [smem:$0x3FAD]  }
0x28: {  	s2 =	sld [smem:$0x3FAE]  }
0x29: {  	s4 =	sld [smem:$0x3FB0]  }
0x2a: {  	p0 =	seq.s32 s5, $0x0;
	s5 =	sld [smem:$0x3FB1]  }
0x2b: {  	s6 =	sld [smem:$0x3FB2]  }
0x2c: {  	s7 =	sld [smem:$0x3FB3]  }
0x2d: {  	s3 =	simm.s32 $0x108;
	s8 =	sld [smem:$0x3FB4]  }
0x2e: {  	s3 =	simm.s32 @!p0 $0x1082;
	s9 =	sld [smem:$0x3FB5]  }
0x2f: {  	lr =	sadd.s32 s0, s3;
	s0 =	sld [smem:$0x3FAC]  }
0x30: {  	s3 =	sld [smem:$0x3FAF]  }
0x31: {  	[smem:$0x3FB8] =	sst s10  }
0x32: {  	s10 =	sld [smem:$0x3FB6];
	_ =	sdelay $0x3  }
0x33: {  	p0 =	seq.s32 s10, $0x1;
	s10 =	sld [smem:$0x3FB8];
	_ =	sdelay $0x3  }
0x34: {  	[smem:$0x3FB8] =	sst s10  }
0x35: {  	s10 =	sld [smem:$0x3FB7];
	_ =	sdelay $0x3  }
0x36: {  	p1 =	seq.s32 s10, $0x1;
	s10 =	sld [smem:$0x3FB8];
	_ =	sdelay $0x3  }
0x37: {  	[smem:$0x3FB8] =	sst s10  }
0x38: {  	s10 =	sld [smem:$0x3FB9]  }
0x39: {  	_ = 	snop;
	(pc) =	sbr.ind lr, $3  }
0x3a: {  	_ = 	snop  }
0x3b: {  	_ = 	snop  }
0x3c: {  	p2 =	seq.s32 s10, $0x1;
	s10 =	sld [smem:$0x3FB8]  }
0x3d: {  	_ =	shalt  }
0x3e: {  	_ =	shalt  }
0x3f: {  	_ =	shalt  }
0x40: {  	_ =	shalt  }
0x41: {  	_ =	shalt  }
0x42: {  	_ =	shalt  }
0x43: {  	_ =	shalt  }
0x44: {  	_ =	shalt  }
0x45: {  	_ =	shalt  }
0x46: {  	_ =	shalt  }
0x47: {  	_ =	shalt  }
0x48: {  	_ =	shalt  }
0x49: {  	_ =	shalt  }
0x4a: {  	_ =	shalt  }
0x4b: {  	_ =	shalt  }
0x4c: {  	_ =	shalt  }
0x4d: {  	_ =	shalt  }
0x4e: {  	_ =	shalt  }
0x4f: {  	_ =	shalt  }
0x50: {  	_ =	shalt  }
0x51: {  	_ =	shalt  }
0x52: {  	_ =	shalt  }
0x53: {  	_ =	shalt  }
0x54: {  	_ =	shalt  }
0x55: {  	_ =	shalt  }
0x56: {  	_ =	shalt  }
0x57: {  	_ =	shalt  }
0x58: {  	_ =	shalt  }
0x59: {  	_ =	shalt  }
0x5a: {  	_ =	shalt  }
0x5b: {  	_ =	shalt  }
0x5c: {  	_ =	shalt  }
0x5d: {  	_ =	shalt  }
0x5e: {  	_ =	shalt  }
0x5f: {  	_ =	shalt  }
0x60: {  	_ =	shalt  }
0x61: {  	_ =	shalt  }
0x62: {  	_ =	shalt  }
0x63: {  	_ =	shalt  }
0x64: {  	_ =	shalt  }
0x65: {  	_ =	shalt  }
0x66: {  	_ =	shalt  }
0x67: {  	_ =	shalt  }
0x68: {  	_ =	shalt  }
0x69: {  	_ =	shalt  }
0x6a: {  	_ =	shalt  }
0x6b: {  	_ =	shalt  }
0x6c: {  	_ =	shalt  }
0x6d: {  	_ =	shalt  }
0x6e: {  	_ =	shalt  }
0x6f: {  	_ =	shalt  }
0x70: {  	_ =	shalt  }
0x71: {  	_ =	shalt  }
0x72: {  	_ =	shalt  }
0x73: {  	_ =	shalt  }
0x74: {  	_ =	shalt  }
0x75: {  	_ =	shalt  }
0x76: {  	_ =	shalt  }
0x77: {  	_ =	shalt  }
0x78: {  	_ =	shalt  }
0x79: {  	_ =	shalt  }
0x7a: {  	_ =	shalt  }
0x7b: {  	_ =	shalt  }
0x7c: {  	_ =	shalt  }
0x7d: {  	_ =	shalt  }
0x7e: {  	_ =	shalt  }
0x7f: {  	_ =	shalt  }
0x80: {  	_ =	shalt  }
0x81: {  	_ =	shalt  }
0x82: {  	_ =	shalt  }
0x83: {  	_ =	shalt  }
0x84: {  	_ =	shalt  }
0x85: {  	_ =	shalt  }
0x86: {  	_ =	shalt  }
0x87: {  	_ =	shalt  }
.Lfunc_end0:
.L_simem_size_0:
called_computation.1_lowered:
.L_overlay_start_0:
0x88: {  	s2 =	sld [smem:$0x3FD9]  }
0x89: {  	s3 =	sld [smem:$0x3FFE];
	_ =	sdelay $0x1  }
0x8a: {  	s1 =	srdreg.scid  }
0x8b: {  	s0 =	sand.u32 $0x1, s1  }
0x8c: {  	s17 =	sshll.u32 s0, $0xA;
	s2 =	sadd.s32 s3, s2  }
0x8d: {  	s2 =	sadd.s32 s2, s17  }
0x8e: {  	[smem:$0x3FC4] =	sst s2  }
0x8f: {  	_ = 	snop  }
0x90: {  	s2 =	sld [smem:$0x3FC6]  }
0x91: {  	s18 =	sld [smem:$0x3FD0];
	(tm) =	ssettm $0x1  }
0x92: {  	s4 =	sld [smem:$0x3FFB];
	_ =	sdelay $0x3  }
0x93: {  	_ =	strace s4  }
0x94: {  	s4 =	sld [smem:$0x3FFC];
	_ =	sdelay $0x3  }
0x95: {  	_ =	strace s4  }
0x96: {  	s4 =	sld [smem:$0x3FFD];
	_ =	sdelay $0x3  }
0x97: {  	_ =	strace s4  }
0x98: {  	_ =	strace $0x8FFFFFFF  }
0x99: {  	s19 =	sld [smem:$0x3FDB];
	_ =	sdelay $0x1  }
0x9a: {  	s5 =	simm.s32 $_scs_section_size  }
0x9b: {  	s6 =	simm.s32 $_size__tile_overlayer_lowered;
	s7 =	simm.s32 $_tile_overlayer_lowered  }
0x9c: {  	s22 =	simm.s32 $0x1BFF;
	s21 =	sshll.u32 s7, $0x1;
	s4 =	sadd.s32 s5, s19  }
0x9d: {  	s8 =	simm.s32 $0x0;
	s20 =	sshll.u32 s6, $0x1;
	s6 =	sadd.s32 s21, s4  }
0x9e: {  	[timem:s8], [sflag:s22] =	dma.local [hbm:s6], s20  }
0x9f: {  	_ =	swait.ge [sflag:s22], s20  }
0xa0: {  	s5 =	ssub.s32 $0x0, s20;
	[sflag:s22] =	ssyncset.done $0x0  }
0xa1: {  	[sflag:s22] =	ssyncadd.s32 s5;
	_ =	sdelay $0x1  }
0xa2: {  	s23 =	simm.s32 $0x1B8B  }
0xa3: {  	_ =	swait.ge [sflag:s23], $0x1  }
0xa4: {  	[sflag:s23] =	ssyncset.done $0x0  }
0xa5: {  	s25 =	simm.s32 $0x1B8E;
	s24 =	sld [smem:$0x3FFE];
	[sflag:s23] =	ssyncadd.s32 $0xFFFFFFFF  }
0xa6: {  	s26 =	simm.s32 $execute0_lowered;
	[smem:$0x3FD2] =	sst s25  }
0xa7: {  	s6 =	sshll.u32 s26, $0x1;
	_ =	strace $0x80000049;
	[dreg:$0x1] =	wrdreg $0xFFFFFFFF  }
0xa8: {  	s28 =	simm.s32 $_size_execute0_lowered;
	s4 =	sadd.s32 s4, s6;
	[dreg:$0x0] =	wrdreg $0x0  }
0xa9: {  	s6 =	sshll.u32 s28, $0x1;
	[dreg:$0x2] =	wrdreg s4  }
0xaa: {  	[dreg:$0x3] =	wrdreg s6  }
0xab: {  	[dreg:$0x4] =	wrdreg $0xC0  }
0xac: {  	_ =	task [dreg:s8], $0x5FFFF  }
0xad: {  	[dreg:$0x1] =	wrdreg $0xFFFFFFFF  }
0xae: {  	[dreg:$0x0] =	wrdreg $0x60  }
0xaf: {  	[dreg:$0x2] =	wrdreg s18  }
0xb0: {  	[dreg:$0x3] =	wrdreg s24  }
0xb1: {  	[dreg:$0x4] =	wrdreg s2  }
0xb2: {  	[dreg:$0x5] =	wrdreg $0x1A5A00  }
0xb3: {  	[dreg:$0x6] =	wrdreg $0x156A00  }
0xb4: {  	[dreg:$0x7] =	wrdreg $0x9  }
0xb5: {  	_ =	task.clear_ibuf [dreg:s8], $0x8FFFF;
	_ =	strace $0x90000049  }
0xb6: {  	s29 =	simm.s32 $0x9;
	_ =	strace $0x8000004B  }
0xb7: {  	_ =	swait.ge [sflag:s29], $0x1  }
0xb8: {  	[sflag:s29] =	ssyncadd.s32 $0xFFFFFFFF  }
0xb9: {  	_ =	strace $0x9000004B  }
0xba: {  	_ =	sfence  }
0xbb: {  	s30 =	sld [smem:$0x0];
	_ =	sdelay $0x2  }
0xbc: {  	s31 =	sshll.u32 s1, $0xD;
	s1 =	sshrl.u32 s1, $0x2  }
0xbd: {  	s3 =	sand.u32 $0x4000, s31;
	s1 =	sadd.s32 s1, s30  }
0xbe: {  	s0 =	sor.u32 s3, s0;
	s1 =	sshll.u32 s1, $0x11  }
0xbf: {  	s0 =	sor.u32 s1, s0  }
0xc0: {  	s0 =	sadd.s32 $0x8F2B, s0  }
0xc1: {  	[sflag:s0] =	ssyncadd.remote.s32 $0x1  }
0xc2: {  	_ =	sfence.sel $0xFFFF  }
0xc3: {  	[dreg:$0x0] =	wrdreg $0xFFFFFFFF;
	(pc) =	sbr.abs _section_cstart, $3  }
0xc4: {  	[dreg:$0x1] =	wrdreg $0xFFFFFFFF  }
0xc5: {  	_ =	task.clear_ibuf [dreg:s8], $0x2FFFF;
	_ =	strace $0x9FFFFFFF  }
0xc6: {  	(tm) =	ssettm $0x7FFFFFFF  }
0xc7: {  	_ =	shalt  }
tec
execute0_lowered:
.L_overlay_start_1:
0x0: {  	(tag) =	ssettag $0x1  }
0x1: {  	s0 =	rddreg [dreg:$0x0]  }
0x2: {  	s1 =	rddreg [dreg:$0x1]  }
0x3: {  	s5 =	rddreg [dreg:$0x2]  }
0x4: {  	s2 =	rddreg [dreg:$0x3]  }
0x5: {  	s3 =	rddreg [dreg:$0x4]  }
0x6: {  	s14 =	stileid.u32;
	s4 =	simm.s32 $0x0;
	s8 =	srdreg.scid  }
0x7: {  	s28 =	simm.s32 $0xE000;
	s30 =	simm.s32 $0x80;
	s6 =	smul.u32 $0x2780, s14  }
0x8: {  	s31 =	simm.s32 $0xA000;
	s29 =	simm.s32 $0xC000;
	s7 =	smul.u32 $0xA00, s14  }
0x9: {  	[smem:$0x7FF] =	sst s4;
	s8 =	sand.u32 $0x1, s8;
	s11 =	smul.u32 $0x9E00, s14  }
0xa: {  	s9 =	sadd.s32 $0xAA00, s1;
	s21 =	smul.u32 $0x4F00, s14;
	s15 =	sadd.s32 $0x4A100, s2  }
0xb: {  	s24 =	sadd.s32 $0x4A100, s3;
	s25 =	sadd.s32 $0x4E200, s3;
	p0 =	seq.s32 s14, $0xF  }
0xc: {  	_ =	strace $0x8000004A;
	[dreg:$0x6] =	wrdreg s9;
	s16 =	ssub.s32 $0x2, s8  }
0xd: {  	s17 =	sshll.u32 s8, $0x5;
	s18 =	sshll.u32 s8, $0x2;
	[dreg:$0xd] =	wrdreg s24  }
0xe: {  	s24 =	simm.s32 $0xD000;
	s8 =	simm.s32 $0x7;
	s6 =	sshrl.u32 s6, $0x3  }
0xf: {  	s7 =	sadd.s32 s7, s1;
	s10 =	sshrl.u32 s16, $0x1;
	s19 =	sor.u32 s17, s11  }
0x10: {  	s5 =	sadd.s32 s5, s18;
	s13 =	sadd.s32 s21, s3;
	s11 =	simm.s32 $0x5  }
0x11: {  	s17 =	simm.s32 $0x9F80;
	s6 =	sadd.s32 s6, s1;
	s1 =	sadd.s32 $0x1F000, s1  }
0x12: {  	s9 =	ssub.s32 s16, s10;
	s12 =	sadd.s32 $0x15000, s7;
	[dreg:$0x9] =	wrdreg s5  }
0x13: {  	s7 =	sadd.s32 $0xA00, s7;
	s20 =	sshrl.u32 s19, $0x3;
	[dreg:$0x7] =	wrdreg s12  }
0x14: {  	s16 =	simm.s32 $0x3;
	[dreg:$0x8] =	wrdreg s7;
	s22 =	sadd.s32 $0xB200, s6  }
0x15: {  	s10 =	sadd.s32 $0x10100, s6;
	s23 =	sadd.s32 s0, s20;
	s12 =	sadd.s32 s21, s2  }
0x16: {  	s0 =	sadd.s32 s18, s0;
	s5 =	sadd.s32 s1, s20;
	s1 =	sadd.s32 s18, s1  }
0x17: {  	s26 =	smax.u32 s9, $0x1;
	s20 =	simm.s32 $0x9;
	[dreg:$0xa] =	wrdreg s22  }
0x18: {  	s21 =	simm.s32 $0x5000;
	s7 =	simm.s32 $0x4;
	[dreg:$0xb] =	wrdreg s23  }
0x19: {  	s9 =	simm.s32 $0x0;
	s0 =	sadd.s32 $0x12840, s0;
	[dreg:$0xe] =	wrdreg s5  }
0x1a: {  	s1 =	sadd.s32 $0x12840, s1;
	[dreg:$0x10] =	wrdreg s26;
	s22 =	simm.s32 $0x1  }
0x1b: {  	s26 =	simm.s32 $0x2;
	s5 =	simm.s32 $0x8;
	[dreg:$0xc] =	wrdreg s0  }
0x1c: {  	s23 =	simm.s32 $0x9F00;
	[dreg:$0xf] =	wrdreg s1;
	s0 =	sshrl.u32 s25, $0x3  }
0x1d: {  	s1 =	simm.s32 $0x6;
	[dreg:$0x11] =	wrdreg s0;
	s0 =	simm.s32 $0xB000  }
.LBB2_1:
0x1e: {  	s6 =	rddreg [dreg:$0x7]  }
0x1f: {  	[tilespmem:s4], [sflag:$0x9] =	stream.linear.gather [hbm4b:s6+s4], $0x5000, $0x38;
	[tilespmem:$0x1F3C0] =	vst v63  }
0x20: {  	_ =	swait.ge [sflag:s20], $0x5000  }
0x21: {  	[sflag:s20] =	ssyncset.done $0x0  }
0x22: {  	s14 =	rddreg [dreg:$0x8];
	[sflag:s20] =	ssyncadd.s32 $0xFFFFB000  }
0x23: {  	[tilespmem:s21], [sflag:$0x9] =	stream.linear.gather [hbm4b:s14+s4], $0x5000, $0x38;
	[tilespmem:$0x1F3C0] =	vst v63  }
0x24: {  	_ =	swait.ge [sflag:s20], $0x5000  }
0x25: {  	[sflag:s20] =	ssyncset.done $0x0  }
0x26: {  	s14 =	simm.s32 $0x15680;
	s18 =	rddreg [dreg:$0x9];
	[sflag:s20] =	ssyncadd.s32 $0xFFFFB000  }
0x27: {  	[tilespmem:s14], [sflag:$0x9] =	stream.linear.gather [hbm4b:s18+s4], $0x20, $0x38;
	[tilespmem:$0x1F3C0] =	vst v63  }
0x28: {  	_ =	swait.ge [sflag:s20], $0x20  }
0x29: {  	[sflag:s20] =	ssyncset.done $0x0  }
0x2a: {  	s25 =	simm.s32 $0x12F00;
	s19 =	rddreg [dreg:$0xa];
	[sflag:s20] =	ssyncadd.s32 $0xFFFFFFE0  }
0x2b: {  	[tilespmem:s25], [sflag:$0x9] =	stream.linear.gather [hbm4b:s19+s4], $0x2780, $0x38;
	[tilespmem:$0x1F3C0] =	vst v63  }
0x2c: {  	_ =	swait.ge [sflag:s20], $0x2780  }
0x2d: {  	s6 =	simm.s32 $0x2;
	s14 =	simm.s32 $0xE020;
	[sflag:s20] =	ssyncset.done $0x0  }
0x2e: {  	s18 =	simm.s32 $0xE000;
	s19 =	sadd.s32 $0x0, s10;
	[sflag:s20] =	ssyncadd.s32 $0xFFFFD880  }
.LBB2_2:
0x2f: {  	[tilespmem:s18], [sflag:$0x9] =	stream.linear.gather [hbm4b:s19+s4], $0x10, $0x38;
	[tilespmem:$0x1F3C0] =	vst v63  }
0x30: {  	s19 =	smov.u32 s6;
	s18 =	smov.u32 s14;
	p1 =	sne.s32 s6, $0x4EE  }
.Ltmp0:
0x31: {  	s6 =	sadd.s32 $0x2, s6;
	(pc) =	sbr.rel @p1 .LBB2_2-.Ltmp0, $2  }
0x32: {  	_ =	sdelay $0x2  }
0x33: {  	s14 =	sadd.s32 $0x20, s14;
	s19 =	sadd.s32 s19, s10  }
0x34: {  	[tilespmem:s18], [sflag:$0x9] =	stream.linear.gather [hbm4b:s19+s4], $0x10, $0x38;
	[tilespmem:$0x1F3C0] =	vst v63  }
0x35: {  	_ =	swait.ge [sflag:s20], $0x2780  }
0x36: {  	[sflag:s20] =	ssyncset.done $0x0  }
0x37: {  	s18 =	simm.s32 $0x12F40;
	[sflag:s20] =	ssyncadd.s32 $0xFFFFD880  }
0x38: {  	s25 =	simm.s32 $0xE0;
	s19 =	simm.s32 $0x780;
	s14 =	simm.s32 $0x12F40;
	v0 =	vld [tilespmem:s18+$0xFFFFFFC0]  }
.LBB2_4:
0x39: {  	p1 =	sne.s32 s19, $0x13B80;
	v1 =	vld [tilespmem:s25+$0xDF20];
	_ =	sdelay $0x4  }
0x3a: {  	v0 =	vadd.f32 v1, v0;
	_ =	sdelay $0x1  }
0x3b: {  	v0 =	vadd.f32 $1.000000000e+00, v0;
	_ =	sdelay $0x1  }
0x3c: {  	v1 =	vshrl.u32 v0, $0x1;
	v0 =	vmul.f32 $5.000000000e-01, v0  }
0x3d: {  	v1 =	vsub.s32 $0x5F3759DF, v1  }
0x3e: {  	v2 =	vmul.f32 v1, v0;
	_ =	sdelay $0x1  }
0x3f: {  	v2 =	vmul.f32 v1, v2;
	_ =	sdelay $0x1  }
0x40: {  	v2 =	vsub.f32 $1.500000000e+00, v2;
	_ =	sdelay $0x1  }
0x41: {  	v1 =	vmul.f32 v1, v2;
	_ =	sdelay $0x1  }
0x42: {  	v2 =	vmul.f32 v1, v0;
	_ =	sdelay $0x1  }
0x43: {  	v2 =	vmul.f32 v2, v1;
	_ =	sdelay $0x1  }
0x44: {  	v2 =	vsub.f32 $1.500000000e+00, v2;
	_ =	sdelay $0x1  }
0x45: {  	v1 =	vmul.f32 v2, v1;
	_ =	sdelay $0x1  }
0x46: {  	v0 =	vmul.f32 v1, v0;
	_ =	sdelay $0x1  }
0x47: {  	v0 =	vmul.f32 v0, v1;
	_ =	sdelay $0x1  }
0x48: {  	v0 =	vsub.f32 $1.500000000e+00, v0;
	_ =	sdelay $0x1  }
0x49: {  	v0 =	vmul.f32 v0, v1;
	_ =	sdelay $0x1  }
0x4a: {  	[tilespmem:s18+$0xFFFFFFC0] =	vst v0;
	v0 =	vld [tilespmem:s18+$0xFFFFFFD0]  }
0x4b: {  	v1 =	vld [tilespmem:s25+$0xDF40];
	_ =	sdelay $0x4  }
0x4c: {  	v0 =	vadd.f32 v1, v0;
	_ =	sdelay $0x1  }
0x4d: {  	v0 =	vadd.f32 $1.000000000e+00, v0;
	_ =	sdelay $0x1  }
0x4e: {  	v1 =	vshrl.u32 v0, $0x1;
	v0 =	vmul.f32 $5.000000000e-01, v0  }
0x4f: {  	v1 =	vsub.s32 $0x5F3759DF, v1  }
0x50: {  	v2 =	vmul.f32 v1, v0;
	_ =	sdelay $0x1  }
0x51: {  	v2 =	vmul.f32 v1, v2;
	_ =	sdelay $0x1  }
0x52: {  	v2 =	vsub.f32 $1.500000000e+00, v2;
	_ =	sdelay $0x1  }
0x53: {  	v1 =	vmul.f32 v1, v2;
	_ =	sdelay $0x1  }
0x54: {  	v2 =	vmul.f32 v1, v0;
	_ =	sdelay $0x1  }
0x55: {  	v2 =	vmul.f32 v2, v1;
	_ =	sdelay $0x1  }
0x56: {  	v2 =	vsub.f32 $1.500000000e+00, v2;
	_ =	sdelay $0x1  }
0x57: {  	v1 =	vmul.f32 v2, v1;
	_ =	sdelay $0x1  }
0x58: {  	v0 =	vmul.f32 v1, v0;
	_ =	sdelay $0x1  }
0x59: {  	v0 =	vmul.f32 v0, v1;
	_ =	sdelay $0x1  }
0x5a: {  	v0 =	vsub.f32 $1.500000000e+00, v0;
	_ =	sdelay $0x1  }
0x5b: {  	v0 =	vmul.f32 v0, v1;
	_ =	sdelay $0x1  }
0x5c: {  	[tilespmem:s18+$0xFFFFFFD0] =	vst v0;
	v0 =	vld [tilespmem:s18+$0xFFFFFFE0]  }
0x5d: {  	v1 =	vld [tilespmem:s25+$0xDF60];
	_ =	sdelay $0x4  }
0x5e: {  	v0 =	vadd.f32 v1, v0;
	_ =	sdelay $0x1  }
0x5f: {  	v0 =	vadd.f32 $1.000000000e+00, v0;
	_ =	sdelay $0x1  }
0x60: {  	v1 =	vshrl.u32 v0, $0x1;
	v0 =	vmul.f32 $5.000000000e-01, v0  }
0x61: {  	v1 =	vsub.s32 $0x5F3759DF, v1  }
0x62: {  	v2 =	vmul.f32 v1, v0;
	_ =	sdelay $0x1  }
0x63: {  	v2 =	vmul.f32 v1, v2;
	_ =	sdelay $0x1  }
0x64: {  	v2 =	vsub.f32 $1.500000000e+00, v2;
	_ =	sdelay $0x1  }
0x65: {  	v1 =	vmul.f32 v1, v2;
	_ =	sdelay $0x1  }
0x66: {  	v2 =	vmul.f32 v1, v0;
	_ =	sdelay $0x1  }
0x67: {  	v2 =	vmul.f32 v2, v1;
	_ =	sdelay $0x1  }
0x68: {  	v2 =	vsub.f32 $1.500000000e+00, v2;
	_ =	sdelay $0x1  }
0x69: {  	v1 =	vmul.f32 v2, v1;
	_ =	sdelay $0x1  }
0x6a: {  	v0 =	vmul.f32 v1, v0;
	_ =	sdelay $0x1  }
0x6b: {  	v0 =	vmul.f32 v0, v1;
	_ =	sdelay $0x1  }
0x6c: {  	v0 =	vsub.f32 $1.500000000e+00, v0;
	_ =	sdelay $0x1  }
0x6d: {  	v0 =	vmul.f32 v0, v1;
	_ =	sdelay $0x1  }
0x6e: {  	[tilespmem:s18+$0xFFFFFFE0] =	vst v0;
	v0 =	vld [tilespmem:s18+$0xFFFFFFF0]  }
0x6f: {  	v1 =	vld [tilespmem:s25+$0xDF80];
	_ =	sdelay $0x4  }
0x70: {  	v0 =	vadd.f32 v1, v0;
	_ =	sdelay $0x1  }
0x71: {  	v0 =	vadd.f32 $1.000000000e+00, v0;
	_ =	sdelay $0x1  }
0x72: {  	v1 =	vshrl.u32 v0, $0x1;
	v0 =	vmul.f32 $5.000000000e-01, v0  }
0x73: {  	v1 =	vsub.s32 $0x5F3759DF, v1  }
0x74: {  	v2 =	vmul.f32 v1, v0;
	_ =	sdelay $0x1  }
0x75: {  	v2 =	vmul.f32 v1, v2;
	_ =	sdelay $0x1  }
0x76: {  	v2 =	vsub.f32 $1.500000000e+00, v2;
	_ =	sdelay $0x1  }
0x77: {  	v1 =	vmul.f32 v1, v2;
	_ =	sdelay $0x1  }
0x78: {  	v2 =	vmul.f32 v1, v0;
	_ =	sdelay $0x1  }
0x79: {  	v2 =	vmul.f32 v2, v1;
	_ =	sdelay $0x1  }
0x7a: {  	v2 =	vsub.f32 $1.500000000e+00, v2;
	_ =	sdelay $0x1  }
0x7b: {  	v1 =	vmul.f32 v2, v1;
	_ =	sdelay $0x1  }
0x7c: {  	v0 =	vmul.f32 v1, v0;
	_ =	sdelay $0x1  }
0x7d: {  	v0 =	vmul.f32 v0, v1;
	_ =	sdelay $0x1  }
0x7e: {  	v0 =	vsub.f32 $1.500000000e+00, v0;
	_ =	sdelay $0x1  }
0x7f: {  	v0 =	vmul.f32 v0, v1;
	_ =	sdelay $0x1  }
0x80: {  	[tilespmem:s18+$0xFFFFFFF0] =	vst v0;
	v0 =	vld [tilespmem:s18+$0x0]  }
0x81: {  	v1 =	vld [tilespmem:s25+$0xDFA0];
	_ =	sdelay $0x4  }
0x82: {  	v0 =	vadd.f32 v1, v0;
	_ =	sdelay $0x1  }
0x83: {  	v0 =	vadd.f32 $1.000000000e+00, v0;
	_ =	sdelay $0x1  }
0x84: {  	v1 =	vshrl.u32 v0, $0x1;
	v0 =	vmul.f32 $5.000000000e-01, v0  }
0x85: {  	v1 =	vsub.s32 $0x5F3759DF, v1  }
0x86: {  	v2 =	vmul.f32 v1, v0;
	_ =	sdelay $0x1  }
0x87: {  	v2 =	vmul.f32 v1, v2;
	_ =	sdelay $0x1  }
0x88: {  	v2 =	vsub.f32 $1.500000000e+00, v2;
	_ =	sdelay $0x1  }
0x89: {  	v1 =	vmul.f32 v1, v2;
	_ =	sdelay $0x1  }
0x8a: {  	v2 =	vmul.f32 v1, v0;
	_ =	sdelay $0x1  }
0x8b: {  	v2 =	vmul.f32 v2, v1;
	_ =	sdelay $0x1  }
0x8c: {  	v2 =	vsub.f32 $1.500000000e+00, v2;
	_ =	sdelay $0x1  }
0x8d: {  	v1 =	vmul.f32 v2, v1;
	_ =	sdelay $0x1  }
0x8e: {  	v0 =	vmul.f32 v1, v0;
	_ =	sdelay $0x1  }
0x8f: {  	v0 =	vmul.f32 v0, v1;
	_ =	sdelay $0x1  }
0x90: {  	v0 =	vsub.f32 $1.500000000e+00, v0;
	_ =	sdelay $0x1  }
0x91: {  	v0 =	vmul.f32 v0, v1;
	_ =	sdelay $0x1  }
0x92: {  	[tilespmem:s18+$0x0] =	vst v0;
	v0 =	vld [tilespmem:s18+$0x10]  }
0x93: {  	v1 =	vld [tilespmem:s25+$0xDFC0];
	_ =	sdelay $0x4  }
0x94: {  	v0 =	vadd.f32 v1, v0;
	_ =	sdelay $0x1  }
0x95: {  	v0 =	vadd.f32 $1.000000000e+00, v0;
	_ =	sdelay $0x1  }
0x96: {  	v1 =	vshrl.u32 v0, $0x1;
	v0 =	vmul.f32 $5.000000000e-01, v0  }
0x97: {  	v1 =	vsub.s32 $0x5F3759DF, v1  }
0x98: {  	v2 =	vmul.f32 v1, v0;
	_ =	sdelay $0x1  }
0x99: {  	v2 =	vmul.f32 v1, v2;
	_ =	sdelay $0x1  }
0x9a: {  	v2 =	vsub.f32 $1.500000000e+00, v2;
	_ =	sdelay $0x1  }
0x9b: {  	v1 =	vmul.f32 v1, v2;
	_ =	sdelay $0x1  }
0x9c: {  	v2 =	vmul.f32 v1, v0;
	_ =	sdelay $0x1  }
0x9d: {  	v2 =	vmul.f32 v2, v1;
	_ =	sdelay $0x1  }
0x9e: {  	v2 =	vsub.f32 $1.500000000e+00, v2;
	_ =	sdelay $0x1  }
0x9f: {  	v1 =	vmul.f32 v2, v1;
	_ =	sdelay $0x1  }
0xa0: {  	v0 =	vmul.f32 v1, v0;
	_ =	sdelay $0x1  }
0xa1: {  	v0 =	vmul.f32 v0, v1;
	_ =	sdelay $0x1  }
0xa2: {  	v0 =	vsub.f32 $1.500000000e+00, v0;
	_ =	sdelay $0x1  }
0xa3: {  	v0 =	vmul.f32 v0, v1;
	_ =	sdelay $0x1  }
0xa4: {  	[tilespmem:s18+$0x10] =	vst v0;
	v0 =	vld [tilespmem:s18+$0x20]  }
0xa5: {  	v1 =	vld [tilespmem:s25+$0xDFE0];
	_ =	sdelay $0x4  }
0xa6: {  	v0 =	vadd.f32 v1, v0;
	_ =	sdelay $0x1  }
0xa7: {  	v0 =	vadd.f32 $1.000000000e+00, v0;
	_ =	sdelay $0x1  }
0xa8: {  	v1 =	vshrl.u32 v0, $0x1;
	v0 =	vmul.f32 $5.000000000e-01, v0  }
0xa9: {  	v1 =	vsub.s32 $0x5F3759DF, v1  }
0xaa: {  	v2 =	vmul.f32 v1, v0;
	_ =	sdelay $0x1  }
0xab: {  	v2 =	vmul.f32 v1, v2;
	_ =	sdelay $0x1  }
0xac: {  	v2 =	vsub.f32 $1.500000000e+00, v2;
	_ =	sdelay $0x1  }
0xad: {  	v1 =	vmul.f32 v1, v2;
	_ =	sdelay $0x1  }
0xae: {  	v2 =	vmul.f32 v1, v0;
	_ =	sdelay $0x1  }
0xaf: {  	v2 =	vmul.f32 v2, v1;
	_ =	sdelay $0x1  }
0xb0: {  	v2 =	vsub.f32 $1.500000000e+00, v2;
	_ =	sdelay $0x1  }
0xb1: {  	v1 =	vmul.f32 v2, v1;
	_ =	sdelay $0x1  }
0xb2: {  	v0 =	vmul.f32 v1, v0;
	_ =	sdelay $0x1  }
0xb3: {  	v0 =	vmul.f32 v0, v1;
	_ =	sdelay $0x1  }
0xb4: {  	v0 =	vsub.f32 $1.500000000e+00, v0;
	_ =	sdelay $0x1  }
0xb5: {  	v0 =	vmul.f32 v0, v1;
	_ =	sdelay $0x1  }
0xb6: {  	[tilespmem:s18+$0x20] =	vst v0;
	v0 =	vld [tilespmem:s18+$0x30]  }
0xb7: {  	v1 =	vld [tilespmem:s25+$0xE000];
	_ =	sdelay $0x4  }
0xb8: {  	v0 =	vadd.f32 v1, v0;
	_ =	sdelay $0x1  }
0xb9: {  	v0 =	vadd.f32 $1.000000000e+00, v0;
	_ =	sdelay $0x1  }
0xba: {  	v1 =	vshrl.u32 v0, $0x1;
	v0 =	vmul.f32 $5.000000000e-01, v0  }
0xbb: {  	v1 =	vsub.s32 $0x5F3759DF, v1  }
0xbc: {  	v2 =	vmul.f32 v1, v0;
	_ =	sdelay $0x1  }
0xbd: {  	v2 =	vmul.f32 v1, v2;
	_ =	sdelay $0x1  }
0xbe: {  	v2 =	vsub.f32 $1.500000000e+00, v2;
	_ =	sdelay $0x1  }
0xbf: {  	v1 =	vmul.f32 v1, v2;
	_ =	sdelay $0x1  }
0xc0: {  	v2 =	vmul.f32 v1, v0;
	_ =	sdelay $0x1  }
0xc1: {  	v2 =	vmul.f32 v2, v1;
	_ =	sdelay $0x1  }
0xc2: {  	v2 =	vsub.f32 $1.500000000e+00, v2;
	_ =	sdelay $0x1  }
0xc3: {  	v1 =	vmul.f32 v2, v1;
	_ =	sdelay $0x1  }
0xc4: {  	v0 =	vmul.f32 v1, v0;
	_ =	sdelay $0x1  }
0xc5: {  	v0 =	vmul.f32 v0, v1;
	_ =	sdelay $0x1  }
.Ltmp1:
0xc6: {  	v0 =	vsub.f32 $1.500000000e+00, v0;
	(pc) =	sbr.rel @p1 .LBB2_4-.Ltmp1, $4  }
0xc7: {  	_ = 	snop  }
0xc8: {  	v1 =	vmul.f32 v0, v1  }
0xc9: {  	s18 =	sadd.s32 $0x80, s18  }
0xca: {  	s25 =	sshra.s32 s19, $0x2;
	s19 =	sadd.s32 $0x400, s19;
	v0 =	vld [tilespmem:s18+$0xFFFFFFC0];
	[tilespmem:s14+$0x30] =	vst v1;
	s14 =	smov.u32 s18  }
0xcb: {  	v1 =	vld [tilespmem:s25+$0xDF20];
	_ =	sdelay $0x4  }
0xcc: {  	v0 =	vadd.f32 v1, v0;
	_ =	sdelay $0x1  }
0xcd: {  	v0 =	vadd.f32 $1.000000000e+00, v0;
	_ =	sdelay $0x1  }
0xce: {  	v35 =	vshrl.u32 v0, $0x1;
	v0 =	vmul.f32 $5.000000000e-01, v0  }
0xcf: {  	v1 =	vsub.s32 $0x5F3759DF, v35  }
0xd0: {  	v2 =	vmul.f32 v1, v0;
	_ =	sdelay $0x1  }
0xd1: {  	v2 =	vmul.f32 v1, v2;
	_ =	sdelay $0x1  }
0xd2: {  	v2 =	vsub.f32 $1.500000000e+00, v2;
	_ =	sdelay $0x1  }
0xd3: {  	v1 =	vmul.f32 v1, v2;
	_ =	sdelay $0x1  }
0xd4: {  	v2 =	vmul.f32 v1, v0;
	_ =	sdelay $0x1  }
0xd5: {  	v2 =	vmul.f32 v2, v1;
	_ =	sdelay $0x1  }
0xd6: {  	v2 =	vsub.f32 $1.500000000e+00, v2;
	_ =	sdelay $0x1  }
0xd7: {  	v1 =	vmul.f32 v2, v1;
	_ =	sdelay $0x1  }
0xd8: {  	v0 =	vmul.f32 v1, v0;
	_ =	sdelay $0x1  }
0xd9: {  	v0 =	vmul.f32 v0, v1;
	_ =	sdelay $0x1  }
0xda: {  	v0 =	vsub.f32 $1.500000000e+00, v0;
	_ =	sdelay $0x1  }
0xdb: {  	v0 =	vmul.f32 v0, v1;
	_ =	sdelay $0x1  }
0xdc: {  	v36 =	vld [tilespmem:s18+$0xFFFFFFD0];
	[tilespmem:s18+$0xFFFFFFC0] =	vst v0  }
0xdd: {  	v37 =	vld [tilespmem:s25+$0xDF40];
	_ =	sdelay $0x4  }
0xde: {  	v0 =	vadd.f32 v37, v36;
	_ =	sdelay $0x1  }
0xdf: {  	v0 =	vadd.f32 $1.000000000e+00, v0;
	_ =	sdelay $0x1  }
0xe0: {  	v38 =	vshrl.u32 v0, $0x1;
	v0 =	vmul.f32 $5.000000000e-01, v0  }
0xe1: {  	v1 =	vsub.s32 $0x5F3759DF, v38  }
0xe2: {  	v39 =	vmul.f32 v1, v0;
	_ =	sdelay $0x1  }
0xe3: {  	v2 =	vmul.f32 v1, v39;
	_ =	sdelay $0x1  }
0xe4: {  	v2 =	vsub.f32 $1.500000000e+00, v2;
	_ =	sdelay $0x1  }
0xe5: {  	v1 =	vmul.f32 v1, v2;
	_ =	sdelay $0x1  }
0xe6: {  	v2 =	vmul.f32 v1, v0;
	_ =	sdelay $0x1  }
0xe7: {  	v2 =	vmul.f32 v2, v1;
	_ =	sdelay $0x1  }
0xe8: {  	v2 =	vsub.f32 $1.500000000e+00, v2;
	_ =	sdelay $0x1  }
0xe9: {  	v1 =	vmul.f32 v2, v1;
	_ =	sdelay $0x1  }
0xea: {  	v0 =	vmul.f32 v1, v0;
	_ =	sdelay $0x1  }
0xeb: {  	v0 =	vmul.f32 v0, v1;
	_ =	sdelay $0x1  }
0xec: {  	v0 =	vsub.f32 $1.500000000e+00, v0;
	_ =	sdelay $0x1  }
0xed: {  	v0 =	vmul.f32 v0, v1;
	_ =	sdelay $0x1  }
0xee: {  	v40 =	vld [tilespmem:s18+$0xFFFFFFE0];
	[tilespmem:s18+$0xFFFFFFD0] =	vst v0  }
0xef: {  	v41 =	vld [tilespmem:s25+$0xDF60];
	_ =	sdelay $0x4  }
0xf0: {  	v0 =	vadd.f32 v41, v40;
	_ =	sdelay $0x1  }
0xf1: {  	v0 =	vadd.f32 $1.000000000e+00, v0;
	_ =	sdelay $0x1  }
0xf2: {  	v42 =	vshrl.u32 v0, $0x1;
	v0 =	vmul.f32 $5.000000000e-01, v0  }
0xf3: {  	v1 =	vsub.s32 $0x5F3759DF, v42  }
0xf4: {  	v43 =	vmul.f32 v1, v0;
	_ =	sdelay $0x1  }
0xf5: {  	v2 =	vmul.f32 v1, v43;
	_ =	sdelay $0x1  }
0xf6: {  	v2 =	vsub.f32 $1.500000000e+00, v2;
	_ =	sdelay $0x1  }
0xf7: {  	v1 =	vmul.f32 v1, v2;
	_ =	sdelay $0x1  }
0xf8: {  	v2 =	vmul.f32 v1, v0;
	_ =	sdelay $0x1  }
0xf9: {  	v2 =	vmul.f32 v2, v1;
	_ =	sdelay $0x1  }
0xfa: {  	v2 =	vsub.f32 $1.500000000e+00, v2;
	_ =	sdelay $0x1  }
0xfb: {  	v1 =	vmul.f32 v2, v1;
	_ =	sdelay $0x1  }
0xfc: {  	v0 =	vmul.f32 v1, v0;
	_ =	sdelay $0x1  }
0xfd: {  	v0 =	vmul.f32 v0, v1;
	_ =	sdelay $0x1  }
0xfe: {  	v0 =	vsub.f32 $1.500000000e+00, v0;
	_ =	sdelay $0x1  }
0xff: {  	v0 =	vmul.f32 v0, v1;
	_ =	sdelay $0x1  }
0x100: {  	v44 =	vld [tilespmem:s18+$0xFFFFFFF0];
	[tilespmem:s18+$0xFFFFFFE0] =	vst v0  }
0x101: {  	v45 =	vld [tilespmem:s25+$0xDF80];
	_ =	sdelay $0x4  }
0x102: {  	v0 =	vadd.f32 v45, v44;
	_ =	sdelay $0x1  }
0x103: {  	v0 =	vadd.f32 $1.000000000e+00, v0;
	_ =	sdelay $0x1  }
0x104: {  	v46 =	vshrl.u32 v0, $0x1;
	v0 =	vmul.f32 $5.000000000e-01, v0  }
0x105: {  	v1 =	vsub.s32 $0x5F3759DF, v46  }
0x106: {  	v47 =	vmul.f32 v1, v0;
	_ =	sdelay $0x1  }
0x107: {  	v2 =	vmul.f32 v1, v47;
	_ =	sdelay $0x1  }
0x108: {  	v2 =	vsub.f32 $1.500000000e+00, v2;
	_ =	sdelay $0x1  }
0x109: {  	v1 =	vmul.f32 v1, v2;
	_ =	sdelay $0x1  }
0x10a: {  	v2 =	vmul.f32 v1, v0;
	_ =	sdelay $0x1  }
0x10b: {  	v2 =	vmul.f32 v2, v1;
	_ =	sdelay $0x1  }
0x10c: {  	v2 =	vsub.f32 $1.500000000e+00, v2;
	_ =	sdelay $0x1  }
0x10d: {  	v1 =	vmul.f32 v2, v1;
	_ =	sdelay $0x1  }
0x10e: {  	v0 =	vmul.f32 v1, v0;
	_ =	sdelay $0x1  }
0x10f: {  	v0 =	vmul.f32 v0, v1;
	_ =	sdelay $0x1  }
0x110: {  	v0 =	vsub.f32 $1.500000000e+00, v0;
	_ =	sdelay $0x1  }
0x111: {  	v0 =	vmul.f32 v0, v1;
	_ =	sdelay $0x1  }
0x112: {  	v48 =	vld [tilespmem:s18+$0x0];
	[tilespmem:s18+$0xFFFFFFF0] =	vst v0  }
0x113: {  	v49 =	vld [tilespmem:s25+$0xDFA0];
	_ =	sdelay $0x4  }
0x114: {  	v0 =	vadd.f32 v49, v48;
	_ =	sdelay $0x1  }
0x115: {  	v0 =	vadd.f32 $1.000000000e+00, v0;
	_ =	sdelay $0x1  }
0x116: {  	v50 =	vshrl.u32 v0, $0x1;
	v0 =	vmul.f32 $5.000000000e-01, v0  }
0x117: {  	v1 =	vsub.s32 $0x5F3759DF, v50  }
0x118: {  	v51 =	vmul.f32 v1, v0;
	_ =	sdelay $0x1  }
0x119: {  	v2 =	vmul.f32 v1, v51;
	_ =	sdelay $0x1  }
0x11a: {  	v2 =	vsub.f32 $1.500000000e+00, v2;
	_ =	sdelay $0x1  }
0x11b: {  	v1 =	vmul.f32 v1, v2;
	_ =	sdelay $0x1  }
0x11c: {  	v2 =	vmul.f32 v1, v0;
	_ =	sdelay $0x1  }
0x11d: {  	v2 =	vmul.f32 v2, v1;
	_ =	sdelay $0x1  }
0x11e: {  	v2 =	vsub.f32 $1.500000000e+00, v2;
	_ =	sdelay $0x1  }
0x11f: {  	v1 =	vmul.f32 v2, v1;
	_ =	sdelay $0x1  }
0x120: {  	v0 =	vmul.f32 v1, v0;
	_ =	sdelay $0x1  }
0x121: {  	v0 =	vmul.f32 v0, v1;
	_ =	sdelay $0x1  }
0x122: {  	v0 =	vsub.f32 $1.500000000e+00, v0;
	_ =	sdelay $0x1  }
0x123: {  	v0 =	vmul.f32 v0, v1;
	_ =	sdelay $0x1  }
0x124: {  	v52 =	vld [tilespmem:s18+$0x10];
	[tilespmem:s18+$0x0] =	vst v0  }
0x125: {  	v53 =	vld [tilespmem:s25+$0xDFC0];
	_ =	sdelay $0x4  }
0x126: {  	v0 =	vadd.f32 v53, v52;
	_ =	sdelay $0x1  }
0x127: {  	v0 =	vadd.f32 $1.000000000e+00, v0;
	_ =	sdelay $0x1  }
0x128: {  	v54 =	vshrl.u32 v0, $0x1;
	v0 =	vmul.f32 $5.000000000e-01, v0  }
0x129: {  	v1 =	vsub.s32 $0x5F3759DF, v54  }
0x12a: {  	v55 =	vmul.f32 v1, v0;
	_ =	sdelay $0x1  }
0x12b: {  	v2 =	vmul.f32 v1, v55;
	_ =	sdelay $0x1  }
0x12c: {  	v2 =	vsub.f32 $1.500000000e+00, v2;
	_ =	sdelay $0x1  }
0x12d: {  	v1 =	vmul.f32 v1, v2;
	_ =	sdelay $0x1  }
0x12e: {  	v2 =	vmul.f32 v1, v0;
	_ =	sdelay $0x1  }
0x12f: {  	v2 =	vmul.f32 v2, v1;
	_ =	sdelay $0x1  }
0x130: {  	v2 =	vsub.f32 $1.500000000e+00, v2;
	_ =	sdelay $0x1  }
0x131: {  	v1 =	vmul.f32 v2, v1;
	_ =	sdelay $0x1  }
0x132: {  	v0 =	vmul.f32 v1, v0;
	_ =	sdelay $0x1  }
0x133: {  	v0 =	vmul.f32 v0, v1;
	_ =	sdelay $0x1  }
0x134: {  	v0 =	vsub.f32 $1.500000000e+00, v0;
	_ =	sdelay $0x1  }
0x135: {  	v0 =	vmul.f32 v0, v1;
	_ =	sdelay $0x1  }
0x136: {  	v56 =	vld [tilespmem:s18+$0x20];
	[tilespmem:s18+$0x10] =	vst v0  }
0x137: {  	v57 =	vld [tilespmem:s25+$0xDFE0];
	_ =	sdelay $0x4  }
0x138: {  	v0 =	vadd.f32 v57, v56;
	_ =	sdelay $0x1  }
0x139: {  	v0 =	vadd.f32 $1.000000000e+00, v0;
	_ =	sdelay $0x1  }
0x13a: {  	v58 =	vshrl.u32 v0, $0x1;
	v0 =	vmul.f32 $5.000000000e-01, v0  }
0x13b: {  	v1 =	vsub.s32 $0x5F3759DF, v58  }
0x13c: {  	v59 =	vmul.f32 v1, v0;
	_ =	sdelay $0x1  }
0x13d: {  	v2 =	vmul.f32 v1, v59;
	_ =	sdelay $0x1  }
0x13e: {  	v2 =	vsub.f32 $1.500000000e+00, v2;
	_ =	sdelay $0x1  }
0x13f: {  	v1 =	vmul.f32 v1, v2;
	_ =	sdelay $0x1  }
0x140: {  	v2 =	vmul.f32 v1, v0;
	_ =	sdelay $0x1  }
0x141: {  	v2 =	vmul.f32 v2, v1;
	_ =	sdelay $0x1  }
0x142: {  	v2 =	vsub.f32 $1.500000000e+00, v2;
	_ =	sdelay $0x1  }
0x143: {  	v1 =	vmul.f32 v2, v1;
	_ =	sdelay $0x1  }
0x144: {  	v0 =	vmul.f32 v1, v0;
	_ =	sdelay $0x1  }
0x145: {  	v0 =	vmul.f32 v0, v1;
	_ =	sdelay $0x1  }
0x146: {  	v0 =	vsub.f32 $1.500000000e+00, v0;
	_ =	sdelay $0x1  }
0x147: {  	v0 =	vmul.f32 v0, v1;
	_ =	sdelay $0x1  }
0x148: {  	v60 =	vld [tilespmem:s18+$0x30];
	[tilespmem:s18+$0x20] =	vst v0  }
0x149: {  	v61 =	vld [tilespmem:s25+$0xE000];
	_ =	sdelay $0x4  }
0x14a: {  	v0 =	vadd.f32 v61, v60;
	_ =	sdelay $0x1  }
0x14b: {  	v0 =	vadd.f32 $1.000000000e+00, v0;
	_ =	sdelay $0x1  }
0x14c: {  	v62 =	vshrl.u32 v0, $0x1;
	v0 =	vmul.f32 $5.000000000e-01, v0  }
0x14d: {  	v1 =	vsub.s32 $0x5F3759DF, v62  }
0x14e: {  	v63 =	vmul.f32 v1, v0;
	_ =	sdelay $0x1  }
0x14f: {  	v2 =	vmul.f32 v1, v63;
	_ =	sdelay $0x1  }
0x150: {  	v2 =	vsub.f32 $1.500000000e+00, v2;
	_ =	sdelay $0x1  }
0x151: {  	v1 =	vmul.f32 v1, v2;
	_ =	sdelay $0x1  }
0x152: {  	v2 =	vmul.f32 v1, v0;
	_ =	sdelay $0x1  }
0x153: {  	v2 =	vmul.f32 v2, v1;
	_ =	sdelay $0x1  }
0x154: {  	v2 =	vsub.f32 $1.500000000e+00, v2;
	_ =	sdelay $0x1  }
0x155: {  	v1 =	vmul.f32 v2, v1;
	_ =	sdelay $0x1  }
0x156: {  	v0 =	vmul.f32 v1, v0;
	_ =	sdelay $0x1  }
0x157: {  	v0 =	vmul.f32 v0, v1;
	_ =	sdelay $0x1  }
.Ltmp2:
0x158: {  	v0 =	vsub.f32 $1.500000000e+00, v0;
	(pc) =	sbr.rel @!p0 .LBB2_6-.Ltmp2, $3  }
0x159: {  	_ = 	snop  }
0x15a: {  	v0 =	vmul.f32 v0, v1;
	_ =	sdelay $0x1  }
0x15b: {  	[tilespmem:s14+$0x30] =	vst v0  }
0x15c: {  	s6 =	rddreg [dreg:$0xc];
	s14 =	simm.s32 $0x20;
	s18 =	simm.s32 $0x40  }
0x15d: {  	[tilespmem:s28], [sflag:$0x9] =	stream.strided.gather [hbm4b:s6+s14], $0x4100, s18, s14, $0x38;
	[tilespmem:$0x1F3C0] =	vst v63  }
0x15e: {  	_ =	swait.ge [sflag:s20], $0x4100  }
0x15f: {  	[sflag:s20] =	ssyncset.done $0x0  }
0x160: {  	s6 =	simm.s32 $0xE080;
	[sflag:s20] =	ssyncadd.s32 $0xFFFFBF00  }
0x161: {  	s14 =	simm.s32 $0x70;
	v0 =	vld [tilespmem:s6+$0xFFFFFF80]  }
0x162: {  	v1 =	vld [tilespmem:s14+$0x12E90]  }
0x163: {  	v2 =	vld [tilespmem:s6+$0xFFFFFF90];
	_ =	sdelay $0x3  }
0x164: {  	v0 =	vmul.f32 v0, v1  }
0x165: {  	v1 =	vmul.f32 v2, v1  }
0x166: {  	[tilespmem:s6+$0xFFFFFF80] =	vst v0  }
0x167: {  	[tilespmem:s6+$0xFFFFFF90] =	vst v1;
	v1 =	vld [tilespmem:s6+$0xFFFFFFA0]  }
0x168: {  	v2 =	vld [tilespmem:s14+$0x12EA0]  }
0x169: {  	v0 =	vld [tilespmem:s6+$0xFFFFFFB0];
	_ =	sdelay $0x3  }
0x16a: {  	v1 =	vmul.f32 v1, v2  }
0x16b: {  	v0 =	vmul.f32 v0, v2  }
0x16c: {  	[tilespmem:s6+$0xFFFFFFA0] =	vst v1  }
0x16d: {  	[tilespmem:s6+$0xFFFFFFB0] =	vst v0;
	v0 =	vld [tilespmem:s6+$0xFFFFFFC0]  }
0x16e: {  	v2 =	vld [tilespmem:s14+$0x12EB0]  }
0x16f: {  	v1 =	vld [tilespmem:s6+$0xFFFFFFD0];
	_ =	sdelay $0x3  }
0x170: {  	v0 =	vmul.f32 v0, v2  }
0x171: {  	v1 =	vmul.f32 v1, v2  }
0x172: {  	[tilespmem:s6+$0xFFFFFFC0] =	vst v0  }
0x173: {  	[tilespmem:s6+$0xFFFFFFD0] =	vst v1;
	v0 =	vld [tilespmem:s6+$0xFFFFFFE0]  }
0x174: {  	v1 =	vld [tilespmem:s14+$0x12EC0]  }
0x175: {  	v2 =	vld [tilespmem:s6+$0xFFFFFFF0];
	_ =	sdelay $0x3  }
0x176: {  	v0 =	vmul.f32 v0, v1  }
0x177: {  	v1 =	vmul.f32 v2, v1  }
0x178: {  	[tilespmem:s6+$0xFFFFFFE0] =	vst v0  }
0x179: {  	[tilespmem:s6+$0xFFFFFFF0] =	vst v1;
	v1 =	vld [tilespmem:s6+$0x0]  }
0x17a: {  	v2 =	vld [tilespmem:s14+$0x12ED0]  }
0x17b: {  	v0 =	vld [tilespmem:s6+$0x10];
	_ =	sdelay $0x3  }
0x17c: {  	v1 =	vmul.f32 v1, v2  }
0x17d: {  	v0 =	vmul.f32 v0, v2  }
0x17e: {  	[tilespmem:s6+$0x0] =	vst v1  }
0x17f: {  	[tilespmem:s6+$0x10] =	vst v0;
	v0 =	vld [tilespmem:s6+$0x20]  }
0x180: {  	v2 =	vld [tilespmem:s14+$0x12EE0]  }
0x181: {  	v1 =	vld [tilespmem:s6+$0x30];
	_ =	sdelay $0x3  }
0x182: {  	v3 =	vmul.f32 v0, v2  }
0x183: {  	v1 =	vmul.f32 v1, v2  }
0x184: {  	[tilespmem:s6+$0x20] =	vst v3  }
0x185: {  	[tilespmem:s6+$0x30] =	vst v1;
	v1 =	vld [tilespmem:s6+$0x40]  }
0x186: {  	v3 =	vld [tilespmem:s14+$0x12EF0]  }
0x187: {  	v2 =	vld [tilespmem:s6+$0x50];
	_ =	sdelay $0x3  }
0x188: {  	v4 =	vmul.f32 v1, v3  }
0x189: {  	v2 =	vmul.f32 v2, v3  }
0x18a: {  	v0 =	vld [tilespmem:s6+$0x60];
	[tilespmem:s6+$0x40] =	vst v4  }
0x18b: {  	s19 =	simm.s32 $0x3C0;
	s18 =	simm.s32 $0xE080;
	v1 =	vld [tilespmem:s6+$0x70];
	[tilespmem:s6+$0x50] =	vst v2  }
.LBB2_10:
0x18c: {  	p1 =	sne.s32 s19, $0x81C0  }
0x18d: {  	v2 =	vld [tilespmem:s14+$0x12F00];
	s6 =	sadd.s32 $0x100, s6;
	s14 =	smov.u32 s19;
	s19 =	sadd.s32 $0x200, s19  }
0x18e: {  	_ =	sdelay $0x3  }
0x18f: {  	v0 =	vmul.f32 v0, v2;
	v1 =	vmul.f32 v1, v2;
	_ =	sdelay $0x1  }
0x190: {  	v2 =	vld [tilespmem:s6+$0xFFFFFF90];
	[tilespmem:s18+$0x60] =	vst v0  }
0x191: {  	s14 =	sshra.s32 s14, $0x2;
	v3 =	vld [tilespmem:s6+$0xFFFFFF80];
	[tilespmem:s18+$0x70] =	vst v1;
	s18 =	smov.u32 s6  }
0x192: {  	v4 =	vld [tilespmem:s14+$0x12E90]  }
0x193: {  	v1 =	vld [tilespmem:s6+$0x70]  }
0x194: {  	v0 =	vld [tilespmem:s6+$0x60];
	_ =	sdelay $0x2  }
0x195: {  	v3 =	vmul.f32 v3, v4;
	v2 =	vmul.f32 v2, v4;
	_ =	sdelay $0x1  }
0x196: {  	[tilespmem:s6+$0xFFFFFF80] =	vst v3;
	v3 =	vld [tilespmem:s6+$0xFFFFFFB0]  }
0x197: {  	[tilespmem:s6+$0xFFFFFF90] =	vst v2;
	v2 =	vld [tilespmem:s6+$0xFFFFFFA0]  }
0x198: {  	v4 =	vld [tilespmem:s14+$0x12EA0];
	_ =	sdelay $0x4  }
0x199: {  	v2 =	vmul.f32 v2, v4;
	v3 =	vmul.f32 v3, v4;
	_ =	sdelay $0x1  }
0x19a: {  	[tilespmem:s6+$0xFFFFFFA0] =	vst v2;
	v2 =	vld [tilespmem:s6+$0xFFFFFFD0]  }
0x19b: {  	[tilespmem:s6+$0xFFFFFFB0] =	vst v3;
	v3 =	vld [tilespmem:s6+$0xFFFFFFC0]  }
0x19c: {  	v4 =	vld [tilespmem:s14+$0x12EB0];
	_ =	sdelay $0x4  }
0x19d: {  	v3 =	vmul.f32 v3, v4;
	v2 =	vmul.f32 v2, v4  }
0x19e: {  	v4 =	vld [tilespmem:s6+$0xFFFFFFF0]  }
0x19f: {  	[tilespmem:s6+$0xFFFFFFC0] =	vst v3  }
0x1a0: {  	[tilespmem:s6+$0xFFFFFFD0] =	vst v2;
	v2 =	vld [tilespmem:s6+$0xFFFFFFE0]  }
0x1a1: {  	v3 =	vld [tilespmem:s14+$0x12EC0];
	_ =	sdelay $0x4  }
0x1a2: {  	v2 =	vmul.f32 v2, v3;
	v3 =	vmul.f32 v4, v3;
	_ =	sdelay $0x1  }
0x1a3: {  	[tilespmem:s6+$0xFFFFFFE0] =	vst v2;
	v2 =	vld [tilespmem:s6+$0x10]  }
0x1a4: {  	[tilespmem:s6+$0xFFFFFFF0] =	vst v3;
	v3 =	vld [tilespmem:s6+$0x0]  }
0x1a5: {  	v4 =	vld [tilespmem:s14+$0x12ED0];
	_ =	sdelay $0x4  }
0x1a6: {  	v3 =	vmul.f32 v3, v4;
	v2 =	vmul.f32 v2, v4;
	_ =	sdelay $0x1  }
0x1a7: {  	[tilespmem:s6+$0x0] =	vst v3;
	v3 =	vld [tilespmem:s6+$0x30]  }
0x1a8: {  	[tilespmem:s6+$0x10] =	vst v2;
	v2 =	vld [tilespmem:s6+$0x20]  }
0x1a9: {  	v4 =	vld [tilespmem:s14+$0x12EE0];
	_ =	sdelay $0x4  }
0x1aa: {  	v2 =	vmul.f32 v2, v4;
	v3 =	vmul.f32 v3, v4;
	_ =	sdelay $0x1  }
0x1ab: {  	[tilespmem:s6+$0x20] =	vst v2;
	v2 =	vld [tilespmem:s6+$0x50]  }
0x1ac: {  	[tilespmem:s6+$0x30] =	vst v3;
	v3 =	vld [tilespmem:s6+$0x40]  }
0x1ad: {  	v4 =	vld [tilespmem:s14+$0x12EF0];
	_ =	sdelay $0x3  }
.Ltmp3:
0x1ae: {  	(pc) =	sbr.rel @p1 .LBB2_10-.Ltmp3, $3  }
0x1af: {  	v3 =	vmul.f32 v3, v4;
	v2 =	vmul.f32 v2, v4;
	_ =	sdelay $0x1  }
0x1b0: {  	[tilespmem:s6+$0x40] =	vst v3  }
0x1b1: {  	[tilespmem:s6+$0x50] =	vst v2  }
0x1b2: {  	v2 =	vld [tilespmem:s14+$0x12F00];
	_ =	sdelay $0x4  }
0x1b3: {  	v0 =	vmul.f32 v0, v2  }
0x1b4: {  	v1 =	vmul.f32 v1, v2  }
0x1b5: {  	[tilespmem:s18+$0x60] =	vst v0  }
0x1b6: {  	[tilespmem:s18+$0x70] =	vst v1  }
0x1b7: {  	[spmem:s15] =	stream.linear.scatter [tilespmem:s28], [sflag:$0x9], $0x4100, $0x38;
	[tilespmem:$0x1F3C0] =	vst v63  }
0x1b8: {  	_ =	swait.ge [sflag:s20], $0x4100  }
0x1b9: {  	[sflag:s20] =	ssyncset.done $0x0  }
0x1ba: {  	s6 =	rddreg [dreg:$0xd];
	[sflag:s20] =	ssyncadd.s32 $0xFFFFBF00  }
0x1bb: {  	[spmem:s6] =	stream.linear.scatter [tilespmem:s28], [sflag:$0x9], $0x4100, $0x38;
	[tilespmem:$0x1F3C0] =	vst v63  }
0x1bc: {  	_ =	swait.ge [sflag:s20], $0x4100  }
0x1bd: {  	s25 =	simm.s32 $0x1FC9;
	[sflag:s20] =	ssyncset.done $0x0;
	s18 =	rddreg [dreg:$0x6]  }
.Ltmp4:
0x1be: {  	s19 =	rddreg [dreg:$0x11];
	[sflag:s20] =	ssyncadd.s32 $0xFFFFBF00;
	(pc) =	sbr.rel .LBB2_12-.Ltmp4, $4  }
0x1bf: {  	[spmem:s19], [sflag:s25] =	dma.local [hbm:s18], $0x1C0  }
0x1c0: {  	_ =	swait.ge [sflag:s20], $0x1C0  }
0x1c1: {  	[sflag:s20] =	ssyncset.done $0x0  }
0x1c2: {  	[sflag:s20] =	ssyncadd.s32 $0xFFFFFE40  }
.LBB2_6:
0x1c3: {  	s6 =	rddreg [dreg:$0xb];
	s14 =	simm.s32 $0x20;
	s18 =	simm.s32 $0x40  }
0x1c4: {  	[tilespmem:s28], [sflag:$0x9] =	stream.strided.gather [hbm4b:s6+s14], $0x4F00, s18, s14, $0x38;
	[tilespmem:$0x1F3C0] =	vst v63  }
0x1c5: {  	_ =	swait.ge [sflag:s20], $0x4F00  }
0x1c6: {  	[sflag:s20] =	ssyncset.done $0x0  }
0x1c7: {  	s6 =	simm.s32 $0xE080;
	[sflag:s20] =	ssyncadd.s32 $0xFFFFB100  }
0x1c8: {  	s14 =	simm.s32 $0x70;
	v0 =	vld [tilespmem:s6+$0xFFFFFF80]  }
0x1c9: {  	v1 =	vld [tilespmem:s14+$0x12E90]  }
0x1ca: {  	v2 =	vld [tilespmem:s6+$0xFFFFFF90];
	_ =	sdelay $0x3  }
0x1cb: {  	v0 =	vmul.f32 v0, v1  }
0x1cc: {  	v1 =	vmul.f32 v2, v1  }
0x1cd: {  	[tilespmem:s6+$0xFFFFFF80] =	vst v0  }
0x1ce: {  	[tilespmem:s6+$0xFFFFFF90] =	vst v1;
	v1 =	vld [tilespmem:s6+$0xFFFFFFA0]  }
0x1cf: {  	v2 =	vld [tilespmem:s14+$0x12EA0]  }
0x1d0: {  	v0 =	vld [tilespmem:s6+$0xFFFFFFB0];
	_ =	sdelay $0x3  }
0x1d1: {  	v1 =	vmul.f32 v1, v2  }
0x1d2: {  	v0 =	vmul.f32 v0, v2  }
0x1d3: {  	[tilespmem:s6+$0xFFFFFFA0] =	vst v1  }
0x1d4: {  	[tilespmem:s6+$0xFFFFFFB0] =	vst v0;
	v0 =	vld [tilespmem:s6+$0xFFFFFFC0]  }
0x1d5: {  	v2 =	vld [tilespmem:s14+$0x12EB0]  }
0x1d6: {  	v1 =	vld [tilespmem:s6+$0xFFFFFFD0];
	_ =	sdelay $0x3  }
0x1d7: {  	v0 =	vmul.f32 v0, v2  }
0x1d8: {  	v1 =	vmul.f32 v1, v2  }
0x1d9: {  	[tilespmem:s6+$0xFFFFFFC0] =	vst v0  }
0x1da: {  	[tilespmem:s6+$0xFFFFFFD0] =	vst v1;
	v0 =	vld [tilespmem:s6+$0xFFFFFFE0]  }
0x1db: {  	v1 =	vld [tilespmem:s14+$0x12EC0]  }
0x1dc: {  	v2 =	vld [tilespmem:s6+$0xFFFFFFF0];
	_ =	sdelay $0x3  }
0x1dd: {  	v0 =	vmul.f32 v0, v1  }
0x1de: {  	v1 =	vmul.f32 v2, v1  }
0x1df: {  	[tilespmem:s6+$0xFFFFFFE0] =	vst v0  }
0x1e0: {  	[tilespmem:s6+$0xFFFFFFF0] =	vst v1;
	v1 =	vld [tilespmem:s6+$0x0]  }
0x1e1: {  	v2 =	vld [tilespmem:s14+$0x12ED0]  }
0x1e2: {  	v0 =	vld [tilespmem:s6+$0x10];
	_ =	sdelay $0x3  }
0x1e3: {  	v1 =	vmul.f32 v1, v2  }
0x1e4: {  	v0 =	vmul.f32 v0, v2  }
0x1e5: {  	[tilespmem:s6+$0x0] =	vst v1  }
0x1e6: {  	[tilespmem:s6+$0x10] =	vst v0;
	v0 =	vld [tilespmem:s6+$0x20]  }
0x1e7: {  	v2 =	vld [tilespmem:s14+$0x12EE0]  }
0x1e8: {  	v1 =	vld [tilespmem:s6+$0x30];
	_ =	sdelay $0x3  }
0x1e9: {  	v3 =	vmul.f32 v0, v2  }
0x1ea: {  	v1 =	vmul.f32 v1, v2  }
0x1eb: {  	[tilespmem:s6+$0x20] =	vst v3  }
0x1ec: {  	[tilespmem:s6+$0x30] =	vst v1;
	v1 =	vld [tilespmem:s6+$0x40]  }
0x1ed: {  	v3 =	vld [tilespmem:s14+$0x12EF0]  }
0x1ee: {  	v2 =	vld [tilespmem:s6+$0x50];
	_ =	sdelay $0x3  }
0x1ef: {  	v4 =	vmul.f32 v1, v3  }
0x1f0: {  	v2 =	vmul.f32 v2, v3  }
0x1f1: {  	v0 =	vld [tilespmem:s6+$0x60];
	[tilespmem:s6+$0x40] =	vst v4  }
0x1f2: {  	s19 =	simm.s32 $0x3C0;
	s18 =	simm.s32 $0xE080;
	v1 =	vld [tilespmem:s6+$0x70];
	[tilespmem:s6+$0x50] =	vst v2  }
.LBB2_7:
0x1f3: {  	p1 =	sne.s32 s19, $0x9DC0  }
0x1f4: {  	v2 =	vld [tilespmem:s14+$0x12F00];
	s6 =	sadd.s32 $0x100, s6;
	s14 =	smov.u32 s19;
	s19 =	sadd.s32 $0x200, s19  }
0x1f5: {  	_ =	sdelay $0x3  }
0x1f6: {  	v0 =	vmul.f32 v0, v2;
	v1 =	vmul.f32 v1, v2;
	_ =	sdelay $0x1  }
0x1f7: {  	v2 =	vld [tilespmem:s6+$0xFFFFFF90];
	[tilespmem:s18+$0x60] =	vst v0  }
0x1f8: {  	s14 =	sshra.s32 s14, $0x2;
	v3 =	vld [tilespmem:s6+$0xFFFFFF80];
	[tilespmem:s18+$0x70] =	vst v1;
	s18 =	smov.u32 s6  }
0x1f9: {  	v4 =	vld [tilespmem:s14+$0x12E90]  }
0x1fa: {  	v1 =	vld [tilespmem:s6+$0x70]  }
0x1fb: {  	v0 =	vld [tilespmem:s6+$0x60];
	_ =	sdelay $0x2  }
0x1fc: {  	v3 =	vmul.f32 v3, v4;
	v2 =	vmul.f32 v2, v4;
	_ =	sdelay $0x1  }
0x1fd: {  	[tilespmem:s6+$0xFFFFFF80] =	vst v3;
	v3 =	vld [tilespmem:s6+$0xFFFFFFB0]  }
0x1fe: {  	[tilespmem:s6+$0xFFFFFF90] =	vst v2;
	v2 =	vld [tilespmem:s6+$0xFFFFFFA0]  }
0x1ff: {  	v4 =	vld [tilespmem:s14+$0x12EA0];
	_ =	sdelay $0x4  }
0x200: {  	v2 =	vmul.f32 v2, v4;
	v3 =	vmul.f32 v3, v4;
	_ =	sdelay $0x1  }
0x201: {  	[tilespmem:s6+$0xFFFFFFA0] =	vst v2;
	v2 =	vld [tilespmem:s6+$0xFFFFFFD0]  }
0x202: {  	[tilespmem:s6+$0xFFFFFFB0] =	vst v3;
	v3 =	vld [tilespmem:s6+$0xFFFFFFC0]  }
0x203: {  	v4 =	vld [tilespmem:s14+$0x12EB0];
	_ =	sdelay $0x4  }
0x204: {  	v3 =	vmul.f32 v3, v4;
	v2 =	vmul.f32 v2, v4  }
0x205: {  	v4 =	vld [tilespmem:s6+$0xFFFFFFF0]  }
0x206: {  	[tilespmem:s6+$0xFFFFFFC0] =	vst v3  }
0x207: {  	[tilespmem:s6+$0xFFFFFFD0] =	vst v2;
	v2 =	vld [tilespmem:s6+$0xFFFFFFE0]  }
0x208: {  	v3 =	vld [tilespmem:s14+$0x12EC0];
	_ =	sdelay $0x4  }
0x209: {  	v2 =	vmul.f32 v2, v3;
	v3 =	vmul.f32 v4, v3;
	_ =	sdelay $0x1  }
0x20a: {  	[tilespmem:s6+$0xFFFFFFE0] =	vst v2;
	v2 =	vld [tilespmem:s6+$0x10]  }
0x20b: {  	[tilespmem:s6+$0xFFFFFFF0] =	vst v3;
	v3 =	vld [tilespmem:s6+$0x0]  }
0x20c: {  	v4 =	vld [tilespmem:s14+$0x12ED0];
	_ =	sdelay $0x4  }
0x20d: {  	v3 =	vmul.f32 v3, v4;
	v2 =	vmul.f32 v2, v4;
	_ =	sdelay $0x1  }
0x20e: {  	[tilespmem:s6+$0x0] =	vst v3;
	v3 =	vld [tilespmem:s6+$0x30]  }
0x20f: {  	[tilespmem:s6+$0x10] =	vst v2;
	v2 =	vld [tilespmem:s6+$0x20]  }
0x210: {  	v4 =	vld [tilespmem:s14+$0x12EE0];
	_ =	sdelay $0x4  }
0x211: {  	v2 =	vmul.f32 v2, v4;
	v3 =	vmul.f32 v3, v4;
	_ =	sdelay $0x1  }
0x212: {  	[tilespmem:s6+$0x20] =	vst v2;
	v2 =	vld [tilespmem:s6+$0x50]  }
0x213: {  	[tilespmem:s6+$0x30] =	vst v3;
	v3 =	vld [tilespmem:s6+$0x40]  }
0x214: {  	v4 =	vld [tilespmem:s14+$0x12EF0];
	_ =	sdelay $0x3  }
.Ltmp5:
0x215: {  	(pc) =	sbr.rel @p1 .LBB2_7-.Ltmp5, $3  }
0x216: {  	v3 =	vmul.f32 v3, v4;
	v2 =	vmul.f32 v2, v4;
	_ =	sdelay $0x1  }
0x217: {  	[tilespmem:s6+$0x40] =	vst v3  }
0x218: {  	[tilespmem:s6+$0x50] =	vst v2  }
0x219: {  	v2 =	vld [tilespmem:s14+$0x12F00];
	_ =	sdelay $0x4  }
0x21a: {  	v0 =	vmul.f32 v0, v2  }
0x21b: {  	v1 =	vmul.f32 v1, v2  }
0x21c: {  	[tilespmem:s18+$0x60] =	vst v0  }
0x21d: {  	[tilespmem:s18+$0x70] =	vst v1  }
0x21e: {  	[spmem:s12] =	stream.linear.scatter [tilespmem:s28], [sflag:$0x9], $0x4F00, $0x38;
	[tilespmem:$0x1F3C0] =	vst v63  }
0x21f: {  	_ =	swait.ge [sflag:s20], $0x4F00  }
0x220: {  	[sflag:s20] =	ssyncset.done $0x0  }
0x221: {  	[sflag:s20] =	ssyncadd.s32 $0xFFFFB100  }
0x222: {  	[spmem:s13] =	stream.linear.scatter [tilespmem:s28], [sflag:$0x9], $0x4F00, $0x38;
	[tilespmem:$0x1F3C0] =	vst v63  }
0x223: {  	_ =	swait.ge [sflag:s20], $0x4F00  }
0x224: {  	[sflag:s20] =	ssyncset.done $0x0  }
0x225: {  	[sflag:s20] =	ssyncadd.s32 $0xFFFFB100  }
.LBB2_12:
0x226: {  	[bflag:$0x0] =	sbarrier.arrive $0xFFFF;
	s6 =	simm.s32 $0x0  }
0x227: {  	[tilespmem:s31], [sflag:$0x1] =	stream.indirect.gather [spmem:s2], $0x20, s6, s30, $0xb8;
	[tilespmem:$0x1F3C0] =	vst v63  }
0x228: {  	_ = 	snop  }
0x229: {  	[tilespmem:s0], [sflag:$0x2] =	stream.indirect.gather [spmem:s2], $0x20, s30, s30, $0xb8;
	[tilespmem:$0x1F3C0] =	vst v63  }
0x22a: {  	s19 =	simm.s32 $0x100  }
0x22b: {  	[tilespmem:s29], [sflag:$0x3] =	stream.indirect.gather [spmem:s2], $0x20, s19, s30, $0xb8;
	[tilespmem:$0x1F3C0] =	vst v63  }
0x22c: {  	_ =	swait.ge [sflag:s22], $0x1000  }
0x22d: {  	[sflag:s22] =	ssyncset.done $0x0  }
0x22e: {  	[sflag:s22] =	ssyncadd.s32 $0xFFFFF000  }
0x22f: {  	[spmem:s3] =	stream.indirect.scatter.add.f32 [tilespmem:s31], [sflag:$0x5], $0x20, s21, s30, $0xb8;
	[tilespmem:$0x1F3C0] =	vst v63  }
0x230: {  	s25 =	simm.s32 $0x180  }
0x231: {  	[tilespmem:s24], [sflag:$0x4] =	stream.indirect.gather [spmem:s2], $0x20, s25, s30, $0xb8;
	[tilespmem:$0x1F3C0] =	vst v63  }
0x232: {  	_ =	swait.ge [sflag:s26], $0x1000  }
0x233: {  	[sflag:s26] =	ssyncset.done $0x0  }
0x234: {  	s14 =	simm.s32 $0x5080;
	[sflag:s26] =	ssyncadd.s32 $0xFFFFF000  }
0x235: {  	[spmem:s3] =	stream.indirect.scatter.add.f32 [tilespmem:s0], [sflag:$0x6], $0x20, s14, s30, $0xb8;
	[tilespmem:$0x1F3C0] =	vst v63  }
0x236: {  	_ =	swait.ge [sflag:s11], $0x1000  }
0x237: {  	[sflag:s11] =	ssyncset.done $0x0  }
0x238: {  	s18 =	simm.s32 $0x200;
	[sflag:s11] =	ssyncadd.s32 $0xFFFFF000  }
0x239: {  	[tilespmem:s31], [sflag:$0x1] =	stream.indirect.gather [spmem:s2], $0x20, s18, s30, $0xb8;
	[tilespmem:$0x1F3C0] =	vst v63  }
0x23a: {  	_ =	swait.ge [sflag:s16], $0x1000  }
0x23b: {  	[sflag:s16] =	ssyncset.done $0x0  }
0x23c: {  	s19 =	simm.s32 $0x5100;
	[sflag:s16] =	ssyncadd.s32 $0xFFFFF000  }
0x23d: {  	[spmem:s3] =	stream.indirect.scatter.add.f32 [tilespmem:s29], [sflag:$0x7], $0x20, s19, s30, $0xb8;
	[tilespmem:$0x1F3C0] =	vst v63  }
0x23e: {  	_ =	swait.ge [sflag:s1], $0x1000  }
0x23f: {  	[sflag:s1] =	ssyncset.done $0x0  }
0x240: {  	s25 =	simm.s32 $0x280;
	[sflag:s1] =	ssyncadd.s32 $0xFFFFF000  }
0x241: {  	[tilespmem:s0], [sflag:$0x2] =	stream.indirect.gather [spmem:s2], $0x20, s25, s30, $0xb8;
	[tilespmem:$0x1F3C0] =	vst v63  }
0x242: {  	_ =	swait.ge [sflag:s7], $0x1000  }
0x243: {  	[sflag:s7] =	ssyncset.done $0x0  }
0x244: {  	s14 =	simm.s32 $0x5180;
	[sflag:s7] =	ssyncadd.s32 $0xFFFFF000  }
0x245: {  	[spmem:s3] =	stream.indirect.scatter.add.f32 [tilespmem:s24], [sflag:$0x8], $0x20, s14, s30, $0xb8;
	[tilespmem:$0x1F3C0] =	vst v63  }
0x246: {  	_ =	swait.ge [sflag:s8], $0x1000  }
0x247: {  	[sflag:s8] =	ssyncset.done $0x0  }
0x248: {  	s18 =	simm.s32 $0x300;
	[sflag:s8] =	ssyncadd.s32 $0xFFFFF000  }
0x249: {  	[tilespmem:s29], [sflag:$0x3] =	stream.indirect.gather [spmem:s2], $0x20, s18, s30, $0xb8;
	[tilespmem:$0x1F3C0] =	vst v63  }
0x24a: {  	_ =	swait.ge [sflag:s22], $0x1000  }
0x24b: {  	[sflag:s22] =	ssyncset.done $0x0  }
0x24c: {  	s19 =	simm.s32 $0x5200;
	[sflag:s22] =	ssyncadd.s32 $0xFFFFF000  }
0x24d: {  	[spmem:s3] =	stream.indirect.scatter.add.f32 [tilespmem:s31], [sflag:$0x5], $0x20, s19, s30, $0xb8;
	[tilespmem:$0x1F3C0] =	vst v63  }
0x24e: {  	_ =	swait.ge [sflag:s5], $0x1000  }
0x24f: {  	[sflag:s5] =	ssyncset.done $0x0  }
0x250: {  	s25 =	simm.s32 $0x380;
	[sflag:s5] =	ssyncadd.s32 $0xFFFFF000  }
0x251: {  	[tilespmem:s24], [sflag:$0x4] =	stream.indirect.gather [spmem:s2], $0x20, s25, s30, $0xb8;
	[tilespmem:$0x1F3C0] =	vst v63  }
0x252: {  	_ =	swait.ge [sflag:s26], $0x1000  }
0x253: {  	[sflag:s26] =	ssyncset.done $0x0  }
0x254: {  	s14 =	simm.s32 $0x5280;
	[sflag:s26] =	ssyncadd.s32 $0xFFFFF000  }
0x255: {  	[spmem:s3] =	stream.indirect.scatter.add.f32 [tilespmem:s0], [sflag:$0x6], $0x20, s14, s30, $0xb8;
	[tilespmem:$0x1F3C0] =	vst v63  }
0x256: {  	_ =	swait.ge [sflag:s11], $0x1000  }
0x257: {  	[sflag:s11] =	ssyncset.done $0x0  }
0x258: {  	s18 =	simm.s32 $0x400;
	[sflag:s11] =	ssyncadd.s32 $0xFFFFF000  }
0x259: {  	[tilespmem:s31], [sflag:$0x1] =	stream.indirect.gather [spmem:s2], $0x20, s18, s30, $0xb8;
	[tilespmem:$0x1F3C0] =	vst v63  }
0x25a: {  	_ =	swait.ge [sflag:s16], $0x1000  }
0x25b: {  	[sflag:s16] =	ssyncset.done $0x0  }
0x25c: {  	s19 =	simm.s32 $0x5300;
	[sflag:s16] =	ssyncadd.s32 $0xFFFFF000  }
0x25d: {  	[spmem:s3] =	stream.indirect.scatter.add.f32 [tilespmem:s29], [sflag:$0x7], $0x20, s19, s30, $0xb8;
	[tilespmem:$0x1F3C0] =	vst v63  }
0x25e: {  	_ =	swait.ge [sflag:s1], $0x1000  }
0x25f: {  	[sflag:s1] =	ssyncset.done $0x0  }
0x260: {  	s25 =	simm.s32 $0x480;
	[sflag:s1] =	ssyncadd.s32 $0xFFFFF000  }
0x261: {  	[tilespmem:s0], [sflag:$0x2] =	stream.indirect.gather [spmem:s2], $0x20, s25, s30, $0xb8;
	[tilespmem:$0x1F3C0] =	vst v63  }
0x262: {  	_ =	swait.ge [sflag:s7], $0x1000  }
0x263: {  	[sflag:s7] =	ssyncset.done $0x0  }
0x264: {  	s6 =	simm.s32 $0x800;
	s14 =	simm.s32 $0x5380;
	[sflag:s7] =	ssyncadd.s32 $0xFFFFF000  }
.LBB2_13:
0x265: {  	[spmem:s3] =	stream.indirect.scatter.add.f32 [tilespmem:s24], [sflag:$0x8], $0x20, s14, s30, $0xb8;
	[tilespmem:$0x1F3C0] =	vst v63  }
0x266: {  	s14 =	smov.u32 s6  }
0x267: {  	p1 =	sne.s32 s6, $0x12800;
	s6 =	sadd.s32 $0x800, s6;
	_ =	swait.ge [sflag:s8], $0x1000  }
0x268: {  	s14 =	sshra.s32 s14, $0x2;
	[sflag:s8] =	ssyncset.done $0x0  }
0x269: {  	s18 =	sadd.s32 $0x300, s14;
	[sflag:s8] =	ssyncadd.s32 $0xFFFFF000  }
0x26a: {  	[tilespmem:s29], [sflag:$0x3] =	stream.indirect.gather [spmem:s2], $0x20, s18, s30, $0xb8;
	[tilespmem:$0x1F3C0] =	vst v63  }
0x26b: {  	_ =	swait.ge [sflag:s22], $0x1000  }
0x26c: {  	[sflag:s22] =	ssyncset.done $0x0  }
0x26d: {  	s18 =	sadd.s32 $0x5200, s14;
	[sflag:s22] =	ssyncadd.s32 $0xFFFFF000  }
0x26e: {  	[spmem:s3] =	stream.indirect.scatter.add.f32 [tilespmem:s31], [sflag:$0x5], $0x20, s18, s30, $0xb8;
	[tilespmem:$0x1F3C0] =	vst v63  }
0x26f: {  	_ =	swait.ge [sflag:s5], $0x1000  }
0x270: {  	[sflag:s5] =	ssyncset.done $0x0  }
0x271: {  	s18 =	sadd.s32 $0x380, s14;
	[sflag:s5] =	ssyncadd.s32 $0xFFFFF000  }
0x272: {  	[tilespmem:s24], [sflag:$0x4] =	stream.indirect.gather [spmem:s2], $0x20, s18, s30, $0xb8;
	[tilespmem:$0x1F3C0] =	vst v63  }
0x273: {  	_ =	swait.ge [sflag:s26], $0x1000  }
0x274: {  	[sflag:s26] =	ssyncset.done $0x0  }
0x275: {  	s18 =	sadd.s32 $0x5280, s14;
	[sflag:s26] =	ssyncadd.s32 $0xFFFFF000  }
0x276: {  	[spmem:s3] =	stream.indirect.scatter.add.f32 [tilespmem:s0], [sflag:$0x6], $0x20, s18, s30, $0xb8;
	[tilespmem:$0x1F3C0] =	vst v63  }
0x277: {  	_ =	swait.ge [sflag:s11], $0x1000  }
0x278: {  	[sflag:s11] =	ssyncset.done $0x0  }
0x279: {  	s18 =	sadd.s32 $0x400, s14;
	[sflag:s11] =	ssyncadd.s32 $0xFFFFF000  }
0x27a: {  	[tilespmem:s31], [sflag:$0x1] =	stream.indirect.gather [spmem:s2], $0x20, s18, s30, $0xb8;
	[tilespmem:$0x1F3C0] =	vst v63  }
0x27b: {  	_ =	swait.ge [sflag:s16], $0x1000  }
0x27c: {  	[sflag:s16] =	ssyncset.done $0x0  }
0x27d: {  	s18 =	sadd.s32 $0x5300, s14;
	[sflag:s16] =	ssyncadd.s32 $0xFFFFF000  }
0x27e: {  	[spmem:s3] =	stream.indirect.scatter.add.f32 [tilespmem:s29], [sflag:$0x7], $0x20, s18, s30, $0xb8;
	[tilespmem:$0x1F3C0] =	vst v63  }
0x27f: {  	_ =	swait.ge [sflag:s1], $0x1000  }
0x280: {  	[sflag:s1] =	ssyncset.done $0x0  }
.Ltmp6:
0x281: {  	s18 =	sadd.s32 $0x480, s14;
	[sflag:s1] =	ssyncadd.s32 $0xFFFFF000;
	(pc) =	sbr.rel @p1 .LBB2_13-.Ltmp6, $4  }
0x282: {  	[tilespmem:s0], [sflag:$0x2] =	stream.indirect.gather [spmem:s2], $0x20, s18, s30, $0xb8;
	[tilespmem:$0x1F3C0] =	vst v63  }
0x283: {  	_ =	swait.ge [sflag:s7], $0x1000  }
0x284: {  	[sflag:s7] =	ssyncset.done $0x0  }
0x285: {  	s14 =	sadd.s32 $0x5380, s14;
	[sflag:s7] =	ssyncadd.s32 $0xFFFFF000  }
0x286: {  	[spmem:s3] =	stream.indirect.scatter.add.f32 [tilespmem:s24], [sflag:$0x8], $0x20, s14, s30, $0xb8;
	[tilespmem:$0x1F3C0] =	vst v63  }
0x287: {  	_ =	swait.ge [sflag:s8], $0x1000  }
0x288: {  	[sflag:s8] =	ssyncset.done $0x0  }
0x289: {  	s6 =	simm.s32 $0x4F00;
	[sflag:s8] =	ssyncadd.s32 $0xFFFFF000  }
0x28a: {  	[tilespmem:s29], [sflag:$0x3] =	stream.indirect.gather [spmem:s2], $0x20, s6, s30, $0xb8;
	[tilespmem:$0x1F3C0] =	vst v63  }
0x28b: {  	_ =	swait.ge [sflag:s22], $0x1000  }
0x28c: {  	[sflag:s22] =	ssyncset.done $0x0  }
0x28d: {  	s14 =	simm.s32 $0x9E00;
	[sflag:s22] =	ssyncadd.s32 $0xFFFFF000  }
0x28e: {  	[spmem:s3] =	stream.indirect.scatter.add.f32 [tilespmem:s31], [sflag:$0x5], $0x20, s14, s30, $0xb8;
	[tilespmem:$0x1F3C0] =	vst v63  }
0x28f: {  	_ =	swait.ge [sflag:s5], $0x1000  }
0x290: {  	[sflag:s5] =	ssyncset.done $0x0  }
0x291: {  	s18 =	simm.s32 $0x4F80;
	[sflag:s5] =	ssyncadd.s32 $0xFFFFF000  }
0x292: {  	[tilespmem:s24], [sflag:$0x4] =	stream.indirect.gather [spmem:s2], $0x20, s18, s30, $0xb8;
	[tilespmem:$0x1F3C0] =	vst v63  }
0x293: {  	_ =	swait.ge [sflag:s26], $0x1000  }
0x294: {  	[sflag:s26] =	ssyncset.done $0x0  }
0x295: {  	s19 =	simm.s32 $0x9E80;
	[sflag:s26] =	ssyncadd.s32 $0xFFFFF000  }
0x296: {  	[spmem:s3] =	stream.indirect.scatter.add.f32 [tilespmem:s0], [sflag:$0x6], $0x20, s19, s30, $0xb8;
	[tilespmem:$0x1F3C0] =	vst v63  }
0x297: {  	_ =	swait.ge [sflag:s11], $0x1000  }
0x298: {  	[sflag:s11] =	ssyncset.done $0x0  }
0x299: {  	[sflag:s11] =	ssyncadd.s32 $0xFFFFF000  }
0x29a: {  	_ =	swait.ge [sflag:s16], $0x1000  }
0x29b: {  	[sflag:s16] =	ssyncset.done $0x0  }
0x29c: {  	[sflag:s16] =	ssyncadd.s32 $0xFFFFF000  }
0x29d: {  	[spmem:s3] =	stream.indirect.scatter.add.f32 [tilespmem:s29], [sflag:$0x7], $0x20, s23, s30, $0xb8;
	[tilespmem:$0x1F3C0] =	vst v63  }
0x29e: {  	_ =	swait.ge [sflag:s1], $0x1000  }
0x29f: {  	[sflag:s1] =	ssyncset.done $0x0  }
0x2a0: {  	[sflag:s1] =	ssyncadd.s32 $0xFFFFF000  }
0x2a1: {  	_ =	swait.ge [sflag:s7], $0x1000  }
0x2a2: {  	[sflag:s7] =	ssyncset.done $0x0  }
0x2a3: {  	[sflag:s7] =	ssyncadd.s32 $0xFFFFF000  }
0x2a4: {  	[spmem:s3] =	stream.indirect.scatter.add.f32 [tilespmem:s24], [sflag:$0x8], $0x20, s17, s30, $0xb8;
	[tilespmem:$0x1F3C0] =	vst v63  }
0x2a5: {  	_ =	swait.ge [sflag:s8], $0x1000  }
0x2a6: {  	[sflag:s8] =	ssyncset.done $0x0  }
0x2a7: {  	[sflag:s8] =	ssyncadd.s32 $0xFFFFF000  }
0x2a8: {  	_ =	swait.ge [sflag:s5], $0x1000  }
0x2a9: {  	[sflag:s5] =	ssyncset.done $0x0  }
0x2aa: {  	[sflag:s5] =	ssyncadd.s32 $0xFFFFF000  }
0x2ab: {  	[bflag:$0x0] =	sbarrier.arrive $0xFFFF  }
0x2ac: {  	[tilespmem:s28], [sflag:$0x9] =	stream.linear.gather [spmem:s13], $0x4F00, $0x38;
	[tilespmem:$0x1F3C0] =	vst v63  }
0x2ad: {  	_ =	swait.ge [sflag:s20], $0x4F00  }
0x2ae: {  	[sflag:s20] =	ssyncset.done $0x0  }
0x2af: {  	s25 =	simm.s32 $0x70;
	[sflag:s20] =	ssyncadd.s32 $0xFFFFB100  }
0x2b0: {  	v0 =	vld [tilespmem:s25+$0x12E90]  }
0x2b1: {  	s14 =	simm.s32 $0xE080  }
0x2b2: {  	v1 =	vld [tilespmem:s14+$0xFFFFFF80]  }
0x2b3: {  	v2 =	vld [tilespmem:s14+$0xFFFFFF90];
	_ =	sdelay $0x1  }
0x2b4: {  	v0 =	vmul.f32 v0, v0;
	_ =	sdelay $0x1  }
0x2b5: {  	v1 =	vmul.f32 v0, v1  }
0x2b6: {  	v0 =	vmul.f32 v2, v0  }
0x2b7: {  	[tilespmem:s14+$0xFFFFFF80] =	vst v1  }
0x2b8: {  	[tilespmem:s14+$0xFFFFFF90] =	vst v0  }
0x2b9: {  	v0 =	vld [tilespmem:s25+$0x12EA0];
	_ =	sdelay $0x1  }
0x2ba: {  	v1 =	vld [tilespmem:s14+$0xFFFFFFA0]  }
0x2bb: {  	v2 =	vld [tilespmem:s14+$0xFFFFFFB0];
	_ =	sdelay $0x1  }
0x2bc: {  	v0 =	vmul.f32 v0, v0;
	_ =	sdelay $0x1  }
0x2bd: {  	v1 =	vmul.f32 v0, v1  }
0x2be: {  	v0 =	vmul.f32 v2, v0  }
0x2bf: {  	[tilespmem:s14+$0xFFFFFFA0] =	vst v1  }
0x2c0: {  	[tilespmem:s14+$0xFFFFFFB0] =	vst v0  }
0x2c1: {  	v0 =	vld [tilespmem:s25+$0x12EB0];
	_ =	sdelay $0x1  }
0x2c2: {  	v1 =	vld [tilespmem:s14+$0xFFFFFFC0]  }
0x2c3: {  	v2 =	vld [tilespmem:s14+$0xFFFFFFD0];
	_ =	sdelay $0x1  }
0x2c4: {  	v0 =	vmul.f32 v0, v0;
	_ =	sdelay $0x1  }
0x2c5: {  	v1 =	vmul.f32 v0, v1  }
0x2c6: {  	v0 =	vmul.f32 v2, v0  }
0x2c7: {  	[tilespmem:s14+$0xFFFFFFC0] =	vst v1  }
0x2c8: {  	[tilespmem:s14+$0xFFFFFFD0] =	vst v0  }
0x2c9: {  	v0 =	vld [tilespmem:s25+$0x12EC0];
	_ =	sdelay $0x1  }
0x2ca: {  	v1 =	vld [tilespmem:s14+$0xFFFFFFE0]  }
0x2cb: {  	v2 =	vld [tilespmem:s14+$0xFFFFFFF0];
	_ =	sdelay $0x1  }
0x2cc: {  	v0 =	vmul.f32 v0, v0;
	_ =	sdelay $0x1  }
0x2cd: {  	v1 =	vmul.f32 v0, v1  }
0x2ce: {  	v0 =	vmul.f32 v2, v0  }
0x2cf: {  	[tilespmem:s14+$0xFFFFFFE0] =	vst v1  }
0x2d0: {  	[tilespmem:s14+$0xFFFFFFF0] =	vst v0  }
0x2d1: {  	v0 =	vld [tilespmem:s25+$0x12ED0];
	_ =	sdelay $0x1  }
0x2d2: {  	v1 =	vld [tilespmem:s14+$0x0]  }
0x2d3: {  	v2 =	vld [tilespmem:s14+$0x10];
	_ =	sdelay $0x1  }
0x2d4: {  	v0 =	vmul.f32 v0, v0;
	_ =	sdelay $0x1  }
0x2d5: {  	v1 =	vmul.f32 v0, v1  }
0x2d6: {  	v0 =	vmul.f32 v2, v0  }
0x2d7: {  	[tilespmem:s14+$0x0] =	vst v1  }
0x2d8: {  	[tilespmem:s14+$0x10] =	vst v0  }
0x2d9: {  	v0 =	vld [tilespmem:s25+$0x12EE0];
	_ =	sdelay $0x1  }
0x2da: {  	v1 =	vld [tilespmem:s14+$0x20]  }
0x2db: {  	v2 =	vld [tilespmem:s14+$0x30];
	_ =	sdelay $0x1  }
0x2dc: {  	v0 =	vmul.f32 v0, v0;
	_ =	sdelay $0x1  }
0x2dd: {  	v1 =	vmul.f32 v0, v1  }
0x2de: {  	v2 =	vmul.f32 v2, v0  }
0x2df: {  	[tilespmem:s14+$0x20] =	vst v1  }
0x2e0: {  	[tilespmem:s14+$0x30] =	vst v2  }
0x2e1: {  	v1 =	vld [tilespmem:s25+$0x12EF0];
	_ =	sdelay $0x1  }
0x2e2: {  	v2 =	vld [tilespmem:s14+$0x40]  }
0x2e3: {  	v3 =	vld [tilespmem:s14+$0x50];
	_ =	sdelay $0x1  }
0x2e4: {  	v4 =	vmul.f32 v1, v1;
	_ =	sdelay $0x1  }
0x2e5: {  	v2 =	vmul.f32 v4, v2  }
0x2e6: {  	v3 =	vmul.f32 v3, v4  }
0x2e7: {  	v0 =	vld [tilespmem:s14+$0x60];
	[tilespmem:s14+$0x40] =	vst v2  }
0x2e8: {  	v1 =	vld [tilespmem:s14+$0x70];
	[tilespmem:s14+$0x50] =	vst v3  }
0x2e9: {  	s6 =	simm.s32 $0xE080;
	s18 =	simm.s32 $0x3C0;
	v2 =	vld [tilespmem:s25+$0x12F00]  }
.LBB2_15:
0x2ea: {  	p1 =	sne.s32 s18, $0x9DC0  }
0x2eb: {  	s14 =	sadd.s32 $0x100, s14;
	s19 =	smov.u32 s18;
	s18 =	sadd.s32 $0x200, s18  }
0x2ec: {  	_ =	sdelay $0x1  }
0x2ed: {  	v2 =	vmul.f32 v2, v2;
	_ =	sdelay $0x1  }
0x2ee: {  	v0 =	vmul.f32 v2, v0;
	v1 =	vmul.f32 v1, v2;
	_ =	sdelay $0x1  }
0x2ef: {  	[tilespmem:s6+$0x60] =	vst v0  }
0x2f0: {  	s19 =	sshra.s32 s19, $0x2;
	v0 =	vld [tilespmem:s14+$0x60];
	[tilespmem:s6+$0x70] =	vst v1;
	s6 =	smov.u32 s14  }
0x2f1: {  	v2 =	vld [tilespmem:s19+$0x12E90]  }
0x2f2: {  	v3 =	vld [tilespmem:s14+$0xFFFFFF90]  }
0x2f3: {  	v4 =	vld [tilespmem:s14+$0xFFFFFF80]  }
0x2f4: {  	v1 =	vld [tilespmem:s14+$0x70];
	_ =	sdelay $0x1  }
0x2f5: {  	v2 =	vmul.f32 v2, v2;
	_ =	sdelay $0x1  }
0x2f6: {  	v4 =	vmul.f32 v2, v4;
	v2 =	vmul.f32 v3, v2;
	_ =	sdelay $0x1  }
0x2f7: {  	[tilespmem:s14+$0xFFFFFF80] =	vst v4  }
0x2f8: {  	[tilespmem:s14+$0xFFFFFF90] =	vst v2  }
0x2f9: {  	v2 =	vld [tilespmem:s19+$0x12EA0]  }
0x2fa: {  	v3 =	vld [tilespmem:s14+$0xFFFFFFB0]  }
0x2fb: {  	v4 =	vld [tilespmem:s14+$0xFFFFFFA0];
	_ =	sdelay $0x2  }
0x2fc: {  	v2 =	vmul.f32 v2, v2;
	_ =	sdelay $0x1  }
0x2fd: {  	v4 =	vmul.f32 v2, v4;
	v2 =	vmul.f32 v3, v2;
	_ =	sdelay $0x1  }
0x2fe: {  	[tilespmem:s14+$0xFFFFFFA0] =	vst v4  }
0x2ff: {  	[tilespmem:s14+$0xFFFFFFB0] =	vst v2  }
0x300: {  	v2 =	vld [tilespmem:s19+$0x12EB0]  }
0x301: {  	v3 =	vld [tilespmem:s14+$0xFFFFFFD0]  }
0x302: {  	v4 =	vld [tilespmem:s14+$0xFFFFFFC0];
	_ =	sdelay $0x2  }
0x303: {  	v2 =	vmul.f32 v2, v2;
	_ =	sdelay $0x1  }
0x304: {  	v4 =	vmul.f32 v2, v4;
	v2 =	vmul.f32 v3, v2;
	_ =	sdelay $0x1  }
0x305: {  	[tilespmem:s14+$0xFFFFFFC0] =	vst v4  }
0x306: {  	[tilespmem:s14+$0xFFFFFFD0] =	vst v2;
	v2 =	vld [tilespmem:s14+$0xFFFFFFF0]  }
0x307: {  	v3 =	vld [tilespmem:s19+$0x12EC0];
	_ =	sdelay $0x1  }
0x308: {  	v4 =	vld [tilespmem:s14+$0xFFFFFFE0];
	_ =	sdelay $0x2  }
0x309: {  	v3 =	vmul.f32 v3, v3;
	_ =	sdelay $0x1  }
0x30a: {  	v4 =	vmul.f32 v3, v4;
	v2 =	vmul.f32 v2, v3;
	_ =	sdelay $0x1  }
0x30b: {  	[tilespmem:s14+$0xFFFFFFE0] =	vst v4  }
0x30c: {  	[tilespmem:s14+$0xFFFFFFF0] =	vst v2  }
0x30d: {  	v2 =	vld [tilespmem:s19+$0x12ED0]  }
0x30e: {  	v3 =	vld [tilespmem:s14+$0x10]  }
0x30f: {  	v4 =	vld [tilespmem:s14+$0x0];
	_ =	sdelay $0x2  }
0x310: {  	v2 =	vmul.f32 v2, v2;
	_ =	sdelay $0x1  }
0x311: {  	v4 =	vmul.f32 v2, v4;
	v2 =	vmul.f32 v3, v2;
	_ =	sdelay $0x1  }
0x312: {  	[tilespmem:s14+$0x0] =	vst v4  }
0x313: {  	[tilespmem:s14+$0x10] =	vst v2  }
0x314: {  	v2 =	vld [tilespmem:s19+$0x12EE0]  }
0x315: {  	v3 =	vld [tilespmem:s14+$0x30]  }
0x316: {  	v4 =	vld [tilespmem:s14+$0x20];
	_ =	sdelay $0x2  }
0x317: {  	v2 =	vmul.f32 v2, v2;
	_ =	sdelay $0x1  }
0x318: {  	v4 =	vmul.f32 v2, v4;
	v2 =	vmul.f32 v3, v2;
	_ =	sdelay $0x1  }
0x319: {  	[tilespmem:s14+$0x20] =	vst v4  }
0x31a: {  	[tilespmem:s14+$0x30] =	vst v2  }
0x31b: {  	v2 =	vld [tilespmem:s19+$0x12EF0]  }
0x31c: {  	v3 =	vld [tilespmem:s14+$0x50]  }
0x31d: {  	v4 =	vld [tilespmem:s14+$0x40];
	_ =	sdelay $0x2  }
0x31e: {  	v2 =	vmul.f32 v2, v2;
	_ =	sdelay $0x1  }
.Ltmp7:
0x31f: {  	v4 =	vmul.f32 v2, v4;
	v2 =	vmul.f32 v3, v2;
	(pc) =	sbr.rel @p1 .LBB2_15-.Ltmp7, $4  }
0x320: {  	_ = 	snop  }
0x321: {  	[tilespmem:s14+$0x40] =	vst v4  }
0x322: {  	[tilespmem:s14+$0x50] =	vst v2  }
0x323: {  	v2 =	vld [tilespmem:s19+$0x12F00]  }
0x324: {  	_ =	sdelay $0x3  }
0x325: {  	v2 =	vmul.f32 v2, v2;
	_ =	sdelay $0x1  }
0x326: {  	v0 =	vmul.f32 v2, v0  }
0x327: {  	v1 =	vmul.f32 v1, v2  }
0x328: {  	[tilespmem:s6+$0x60] =	vst v0  }
0x329: {  	[tilespmem:s6+$0x70] =	vst v1  }
0x32a: {  	[spmem:s13] =	stream.linear.scatter [tilespmem:s28], [sflag:$0x9], $0x4F00, $0x38;
	[tilespmem:$0x1F3C0] =	vst v63  }
0x32b: {  	_ =	swait.ge [sflag:s20], $0x4F00  }
0x32c: {  	[sflag:s20] =	ssyncset.done $0x0  }
0x32d: {  	s6 =	simm.s32 @p0 $0xE000;
	[sflag:s20] =	ssyncadd.s32 $0xFFFFB100  }
0x32e: {  	[spmem:s15] =	stream.linear.scatter @p0 [tilespmem:s6], [sflag:$0x9], $0x4100, $0x38;
	[tilespmem:$0x1F3C0] =	vst v63  }
0x32f: {  	s6 =	simm.s32 @p0 $0x9  }
0x330: {  	_ =	swait.ge @p0 [sflag:s6], $0x4100  }
0x331: {  	[sflag:s6] =	ssyncset.done @p0 $0x0  }
0x332: {  	[sflag:s6] =	ssyncadd.s32 @p0 $0xFFFFBF00;
	s6 =	simm.s32 @!p0 $0xE000  }
0x333: {  	[spmem:s12] =	stream.linear.scatter @!p0 [tilespmem:s6], [sflag:$0x9], $0x4F00, $0x38;
	[tilespmem:$0x1F3C0] =	vst v63  }
0x334: {  	s6 =	simm.s32 @!p0 $0x9  }
0x335: {  	_ =	swait.ge @!p0 [sflag:s6], $0x4F00  }
0x336: {  	[sflag:s6] =	ssyncset.done @!p0 $0x0  }
0x337: {  	[sflag:s6] =	ssyncadd.s32 @!p0 $0xFFFFB100  }
0x338: {  	s18 =	simm.s32 $0x0;
	[bflag:$0x0] =	sbarrier.arrive $0xFFFF  }
0x339: {  	[tilespmem:s31], [sflag:$0x1] =	stream.indirect.gather [spmem:s2], $0x20, s18, s30, $0xb8;
	[tilespmem:$0x1F3C0] =	vst v63  }
0x33a: {  	_ = 	snop  }
0x33b: {  	[tilespmem:s0], [sflag:$0x2] =	stream.indirect.gather [spmem:s2], $0x20, s30, s30, $0xb8;
	[tilespmem:$0x1F3C0] =	vst v63  }
0x33c: {  	s19 =	simm.s32 $0x100  }
0x33d: {  	[tilespmem:s29], [sflag:$0x3] =	stream.indirect.gather [spmem:s2], $0x20, s19, s30, $0xb8;
	[tilespmem:$0x1F3C0] =	vst v63  }
0x33e: {  	_ =	swait.ge [sflag:s22], $0x1000  }
0x33f: {  	[sflag:s22] =	ssyncset.done $0x0  }
0x340: {  	[sflag:s22] =	ssyncadd.s32 $0xFFFFF000  }
0x341: {  	[spmem:s3] =	stream.indirect.scatter.add.f32 [tilespmem:s31], [sflag:$0x5], $0x20, s21, s30, $0xb8;
	[tilespmem:$0x1F3C0] =	vst v63  }
0x342: {  	s25 =	simm.s32 $0x180  }
0x343: {  	[tilespmem:s24], [sflag:$0x4] =	stream.indirect.gather [spmem:s2], $0x20, s25, s30, $0xb8;
	[tilespmem:$0x1F3C0] =	vst v63  }
0x344: {  	_ =	swait.ge [sflag:s26], $0x1000  }
0x345: {  	[sflag:s26] =	ssyncset.done $0x0  }
0x346: {  	s14 =	simm.s32 $0x5080;
	[sflag:s26] =	ssyncadd.s32 $0xFFFFF000  }
0x347: {  	[spmem:s3] =	stream.indirect.scatter.add.f32 [tilespmem:s0], [sflag:$0x6], $0x20, s14, s30, $0xb8;
	[tilespmem:$0x1F3C0] =	vst v63  }
0x348: {  	_ =	swait.ge [sflag:s11], $0x1000  }
0x349: {  	[sflag:s11] =	ssyncset.done $0x0  }
0x34a: {  	s18 =	simm.s32 $0x200;
	[sflag:s11] =	ssyncadd.s32 $0xFFFFF000  }
0x34b: {  	[tilespmem:s31], [sflag:$0x1] =	stream.indirect.gather [spmem:s2], $0x20, s18, s30, $0xb8;
	[tilespmem:$0x1F3C0] =	vst v63  }
0x34c: {  	_ =	swait.ge [sflag:s16], $0x1000  }
0x34d: {  	[sflag:s16] =	ssyncset.done $0x0  }
0x34e: {  	s19 =	simm.s32 $0x5100;
	[sflag:s16] =	ssyncadd.s32 $0xFFFFF000  }
0x34f: {  	[spmem:s3] =	stream.indirect.scatter.add.f32 [tilespmem:s29], [sflag:$0x7], $0x20, s19, s30, $0xb8;
	[tilespmem:$0x1F3C0] =	vst v63  }
0x350: {  	_ =	swait.ge [sflag:s1], $0x1000  }
0x351: {  	[sflag:s1] =	ssyncset.done $0x0  }
0x352: {  	s25 =	simm.s32 $0x280;
	[sflag:s1] =	ssyncadd.s32 $0xFFFFF000  }
0x353: {  	[tilespmem:s0], [sflag:$0x2] =	stream.indirect.gather [spmem:s2], $0x20, s25, s30, $0xb8;
	[tilespmem:$0x1F3C0] =	vst v63  }
0x354: {  	_ =	swait.ge [sflag:s7], $0x1000  }
0x355: {  	[sflag:s7] =	ssyncset.done $0x0  }
0x356: {  	s14 =	simm.s32 $0x5180;
	[sflag:s7] =	ssyncadd.s32 $0xFFFFF000  }
0x357: {  	[spmem:s3] =	stream.indirect.scatter.add.f32 [tilespmem:s24], [sflag:$0x8], $0x20, s14, s30, $0xb8;
	[tilespmem:$0x1F3C0] =	vst v63  }
0x358: {  	_ =	swait.ge [sflag:s8], $0x1000  }
0x359: {  	[sflag:s8] =	ssyncset.done $0x0  }
0x35a: {  	s18 =	simm.s32 $0x300;
	[sflag:s8] =	ssyncadd.s32 $0xFFFFF000  }
0x35b: {  	[tilespmem:s29], [sflag:$0x3] =	stream.indirect.gather [spmem:s2], $0x20, s18, s30, $0xb8;
	[tilespmem:$0x1F3C0] =	vst v63  }
0x35c: {  	_ =	swait.ge [sflag:s22], $0x1000  }
0x35d: {  	[sflag:s22] =	ssyncset.done $0x0  }
0x35e: {  	s19 =	simm.s32 $0x5200;
	[sflag:s22] =	ssyncadd.s32 $0xFFFFF000  }
0x35f: {  	[spmem:s3] =	stream.indirect.scatter.add.f32 [tilespmem:s31], [sflag:$0x5], $0x20, s19, s30, $0xb8;
	[tilespmem:$0x1F3C0] =	vst v63  }
0x360: {  	_ =	swait.ge [sflag:s5], $0x1000  }
0x361: {  	[sflag:s5] =	ssyncset.done $0x0  }
0x362: {  	s25 =	simm.s32 $0x380;
	[sflag:s5] =	ssyncadd.s32 $0xFFFFF000  }
0x363: {  	[tilespmem:s24], [sflag:$0x4] =	stream.indirect.gather [spmem:s2], $0x20, s25, s30, $0xb8;
	[tilespmem:$0x1F3C0] =	vst v63  }
0x364: {  	_ =	swait.ge [sflag:s26], $0x1000  }
0x365: {  	[sflag:s26] =	ssyncset.done $0x0  }
0x366: {  	s14 =	simm.s32 $0x5280;
	[sflag:s26] =	ssyncadd.s32 $0xFFFFF000  }
0x367: {  	[spmem:s3] =	stream.indirect.scatter.add.f32 [tilespmem:s0], [sflag:$0x6], $0x20, s14, s30, $0xb8;
	[tilespmem:$0x1F3C0] =	vst v63  }
0x368: {  	_ =	swait.ge [sflag:s11], $0x1000  }
0x369: {  	[sflag:s11] =	ssyncset.done $0x0  }
0x36a: {  	s18 =	simm.s32 $0x400;
	[sflag:s11] =	ssyncadd.s32 $0xFFFFF000  }
0x36b: {  	[tilespmem:s31], [sflag:$0x1] =	stream.indirect.gather [spmem:s2], $0x20, s18, s30, $0xb8;
	[tilespmem:$0x1F3C0] =	vst v63  }
0x36c: {  	_ =	swait.ge [sflag:s16], $0x1000  }
0x36d: {  	[sflag:s16] =	ssyncset.done $0x0  }
0x36e: {  	s19 =	simm.s32 $0x5300;
	[sflag:s16] =	ssyncadd.s32 $0xFFFFF000  }
0x36f: {  	[spmem:s3] =	stream.indirect.scatter.add.f32 [tilespmem:s29], [sflag:$0x7], $0x20, s19, s30, $0xb8;
	[tilespmem:$0x1F3C0] =	vst v63  }
0x370: {  	_ =	swait.ge [sflag:s1], $0x1000  }
0x371: {  	[sflag:s1] =	ssyncset.done $0x0  }
0x372: {  	s25 =	simm.s32 $0x480;
	[sflag:s1] =	ssyncadd.s32 $0xFFFFF000  }
0x373: {  	[tilespmem:s0], [sflag:$0x2] =	stream.indirect.gather [spmem:s2], $0x20, s25, s30, $0xb8;
	[tilespmem:$0x1F3C0] =	vst v63  }
0x374: {  	_ =	swait.ge [sflag:s7], $0x1000  }
0x375: {  	[sflag:s7] =	ssyncset.done $0x0  }
0x376: {  	s6 =	simm.s32 $0x800;
	s14 =	simm.s32 $0x5380;
	[sflag:s7] =	ssyncadd.s32 $0xFFFFF000  }
.LBB2_17:
0x377: {  	[spmem:s3] =	stream.indirect.scatter.add.f32 [tilespmem:s24], [sflag:$0x8], $0x20, s14, s30, $0xb8;
	[tilespmem:$0x1F3C0] =	vst v63  }
0x378: {  	s14 =	smov.u32 s6  }
0x379: {  	p1 =	sne.s32 s6, $0x12800;
	s6 =	sadd.s32 $0x800, s6;
	_ =	swait.ge [sflag:s8], $0x1000  }
0x37a: {  	s14 =	sshra.s32 s14, $0x2;
	[sflag:s8] =	ssyncset.done $0x0  }
0x37b: {  	s18 =	sadd.s32 $0x300, s14;
	[sflag:s8] =	ssyncadd.s32 $0xFFFFF000  }
0x37c: {  	[tilespmem:s29], [sflag:$0x3] =	stream.indirect.gather [spmem:s2], $0x20, s18, s30, $0xb8;
	[tilespmem:$0x1F3C0] =	vst v63  }
0x37d: {  	_ =	swait.ge [sflag:s22], $0x1000  }
0x37e: {  	[sflag:s22] =	ssyncset.done $0x0  }
0x37f: {  	s18 =	sadd.s32 $0x5200, s14;
	[sflag:s22] =	ssyncadd.s32 $0xFFFFF000  }
0x380: {  	[spmem:s3] =	stream.indirect.scatter.add.f32 [tilespmem:s31], [sflag:$0x5], $0x20, s18, s30, $0xb8;
	[tilespmem:$0x1F3C0] =	vst v63  }
0x381: {  	_ =	swait.ge [sflag:s5], $0x1000  }
0x382: {  	[sflag:s5] =	ssyncset.done $0x0  }
0x383: {  	s18 =	sadd.s32 $0x380, s14;
	[sflag:s5] =	ssyncadd.s32 $0xFFFFF000  }
0x384: {  	[tilespmem:s24], [sflag:$0x4] =	stream.indirect.gather [spmem:s2], $0x20, s18, s30, $0xb8;
	[tilespmem:$0x1F3C0] =	vst v63  }
0x385: {  	_ =	swait.ge [sflag:s26], $0x1000  }
0x386: {  	[sflag:s26] =	ssyncset.done $0x0  }
0x387: {  	s18 =	sadd.s32 $0x5280, s14;
	[sflag:s26] =	ssyncadd.s32 $0xFFFFF000  }
0x388: {  	[spmem:s3] =	stream.indirect.scatter.add.f32 [tilespmem:s0], [sflag:$0x6], $0x20, s18, s30, $0xb8;
	[tilespmem:$0x1F3C0] =	vst v63  }
0x389: {  	_ =	swait.ge [sflag:s11], $0x1000  }
0x38a: {  	[sflag:s11] =	ssyncset.done $0x0  }
0x38b: {  	s18 =	sadd.s32 $0x400, s14;
	[sflag:s11] =	ssyncadd.s32 $0xFFFFF000  }
0x38c: {  	[tilespmem:s31], [sflag:$0x1] =	stream.indirect.gather [spmem:s2], $0x20, s18, s30, $0xb8;
	[tilespmem:$0x1F3C0] =	vst v63  }
0x38d: {  	_ =	swait.ge [sflag:s16], $0x1000  }
0x38e: {  	[sflag:s16] =	ssyncset.done $0x0  }
0x38f: {  	s18 =	sadd.s32 $0x5300, s14;
	[sflag:s16] =	ssyncadd.s32 $0xFFFFF000  }
0x390: {  	[spmem:s3] =	stream.indirect.scatter.add.f32 [tilespmem:s29], [sflag:$0x7], $0x20, s18, s30, $0xb8;
	[tilespmem:$0x1F3C0] =	vst v63  }
0x391: {  	_ =	swait.ge [sflag:s1], $0x1000  }
0x392: {  	[sflag:s1] =	ssyncset.done $0x0  }
.Ltmp8:
0x393: {  	s18 =	sadd.s32 $0x480, s14;
	[sflag:s1] =	ssyncadd.s32 $0xFFFFF000;
	(pc) =	sbr.rel @p1 .LBB2_17-.Ltmp8, $4  }
0x394: {  	[tilespmem:s0], [sflag:$0x2] =	stream.indirect.gather [spmem:s2], $0x20, s18, s30, $0xb8;
	[tilespmem:$0x1F3C0] =	vst v63  }
0x395: {  	_ =	swait.ge [sflag:s7], $0x1000  }
0x396: {  	[sflag:s7] =	ssyncset.done $0x0  }
0x397: {  	s14 =	sadd.s32 $0x5380, s14;
	[sflag:s7] =	ssyncadd.s32 $0xFFFFF000  }
0x398: {  	[spmem:s3] =	stream.indirect.scatter.add.f32 [tilespmem:s24], [sflag:$0x8], $0x20, s14, s30, $0xb8;
	[tilespmem:$0x1F3C0] =	vst v63  }
0x399: {  	_ =	swait.ge [sflag:s8], $0x1000  }
0x39a: {  	[sflag:s8] =	ssyncset.done $0x0  }
0x39b: {  	s6 =	simm.s32 $0x4F00;
	[sflag:s8] =	ssyncadd.s32 $0xFFFFF000  }
0x39c: {  	[tilespmem:s29], [sflag:$0x3] =	stream.indirect.gather [spmem:s2], $0x20, s6, s30, $0xb8;
	[tilespmem:$0x1F3C0] =	vst v63  }
0x39d: {  	_ =	swait.ge [sflag:s22], $0x1000  }
0x39e: {  	[sflag:s22] =	ssyncset.done $0x0  }
0x39f: {  	s14 =	simm.s32 $0x9E00;
	[sflag:s22] =	ssyncadd.s32 $0xFFFFF000  }
0x3a0: {  	[spmem:s3] =	stream.indirect.scatter.add.f32 [tilespmem:s31], [sflag:$0x5], $0x20, s14, s30, $0xb8;
	[tilespmem:$0x1F3C0] =	vst v63  }
0x3a1: {  	_ =	swait.ge [sflag:s5], $0x1000  }
0x3a2: {  	[sflag:s5] =	ssyncset.done $0x0  }
0x3a3: {  	s18 =	simm.s32 $0x4F80;
	[sflag:s5] =	ssyncadd.s32 $0xFFFFF000  }
0x3a4: {  	[tilespmem:s24], [sflag:$0x4] =	stream.indirect.gather [spmem:s2], $0x20, s18, s30, $0xb8;
	[tilespmem:$0x1F3C0] =	vst v63  }
0x3a5: {  	_ =	swait.ge [sflag:s26], $0x1000  }
0x3a6: {  	[sflag:s26] =	ssyncset.done $0x0  }
0x3a7: {  	s19 =	simm.s32 $0x9E80;
	[sflag:s26] =	ssyncadd.s32 $0xFFFFF000  }
0x3a8: {  	[spmem:s3] =	stream.indirect.scatter.add.f32 [tilespmem:s0], [sflag:$0x6], $0x20, s19, s30, $0xb8;
	[tilespmem:$0x1F3C0] =	vst v63  }
0x3a9: {  	_ =	swait.ge [sflag:s11], $0x1000  }
0x3aa: {  	[sflag:s11] =	ssyncset.done $0x0  }
0x3ab: {  	[sflag:s11] =	ssyncadd.s32 $0xFFFFF000  }
0x3ac: {  	_ =	swait.ge [sflag:s16], $0x1000  }
0x3ad: {  	[sflag:s16] =	ssyncset.done $0x0  }
0x3ae: {  	[sflag:s16] =	ssyncadd.s32 $0xFFFFF000  }
0x3af: {  	[spmem:s3] =	stream.indirect.scatter.add.f32 [tilespmem:s29], [sflag:$0x7], $0x20, s23, s30, $0xb8;
	[tilespmem:$0x1F3C0] =	vst v63  }
0x3b0: {  	_ =	swait.ge [sflag:s1], $0x1000  }
0x3b1: {  	[sflag:s1] =	ssyncset.done $0x0  }
0x3b2: {  	[sflag:s1] =	ssyncadd.s32 $0xFFFFF000  }
0x3b3: {  	_ =	swait.ge [sflag:s7], $0x1000  }
0x3b4: {  	[sflag:s7] =	ssyncset.done $0x0  }
0x3b5: {  	[sflag:s7] =	ssyncadd.s32 $0xFFFFF000  }
0x3b6: {  	[spmem:s3] =	stream.indirect.scatter.add.f32 [tilespmem:s24], [sflag:$0x8], $0x20, s17, s30, $0xb8;
	[tilespmem:$0x1F3C0] =	vst v63  }
0x3b7: {  	_ =	swait.ge [sflag:s8], $0x1000  }
0x3b8: {  	[sflag:s8] =	ssyncset.done $0x0  }
0x3b9: {  	[sflag:s8] =	ssyncadd.s32 $0xFFFFF000  }
0x3ba: {  	_ =	swait.ge [sflag:s5], $0x1000  }
0x3bb: {  	[sflag:s5] =	ssyncset.done $0x0  }
0x3bc: {  	[sflag:s5] =	ssyncadd.s32 $0xFFFFF000  }
0x3bd: {  	[bflag:$0x0] =	sbarrier.arrive $0xFFFF  }
0x3be: {  	[tilespmem:s28], [sflag:$0x9] =	stream.linear.gather [spmem:s13], $0x4F00, $0x38;
	[tilespmem:$0x1F3C0] =	vst v63  }
0x3bf: {  	_ =	swait.ge [sflag:s20], $0x4F00  }
0x3c0: {  	[sflag:s20] =	ssyncset.done $0x0  }
0x3c1: {  	s14 =	simm.s32 $0xE080;
	[sflag:s20] =	ssyncadd.s32 $0xFFFFB100  }
0x3c2: {  	s25 =	simm.s32 $0x70;
	v0 =	vld [tilespmem:s14+$0xFFFFFF80]  }
0x3c3: {  	v1 =	vld [tilespmem:s25+$0x12E90];
	_ =	sdelay $0x1  }
0x3c4: {  	v2 =	vld [tilespmem:$0x15680];
	_ =	sdelay $0x2  }
0x3c5: {  	v0 =	vmul.f32 v0, v1;
	_ =	sdelay $0x1  }
0x3c6: {  	v0 =	vadd.f32 v2, v0  }
0x3c7: {  	v2 =	vld [tilespmem:s14+$0xFFFFFF90]  }
0x3c8: {  	[tilespmem:s14+$0xFFFFFF80] =	vst v0  }
0x3c9: {  	v0 =	vld [tilespmem:$0x15690];
	_ =	sdelay $0x2  }
0x3ca: {  	v1 =	vmul.f32 v2, v1;
	_ =	sdelay $0x1  }
0x3cb: {  	v0 =	vadd.f32 v0, v1;
	_ =	sdelay $0x1  }
0x3cc: {  	[tilespmem:s14+$0xFFFFFF90] =	vst v0;
	v0 =	vld [tilespmem:s14+$0xFFFFFFA0]  }
0x3cd: {  	v1 =	vld [tilespmem:s25+$0x12EA0];
	_ =	sdelay $0x1  }
0x3ce: {  	v2 =	vld [tilespmem:$0x15680];
	_ =	sdelay $0x2  }
0x3cf: {  	v0 =	vmul.f32 v0, v1;
	_ =	sdelay $0x1  }
0x3d0: {  	v0 =	vadd.f32 v2, v0  }
0x3d1: {  	v2 =	vld [tilespmem:s14+$0xFFFFFFB0]  }
0x3d2: {  	[tilespmem:s14+$0xFFFFFFA0] =	vst v0  }
0x3d3: {  	v0 =	vld [tilespmem:$0x15690];
	_ =	sdelay $0x2  }
0x3d4: {  	v1 =	vmul.f32 v2, v1;
	_ =	sdelay $0x1  }
0x3d5: {  	v0 =	vadd.f32 v0, v1;
	_ =	sdelay $0x1  }
0x3d6: {  	[tilespmem:s14+$0xFFFFFFB0] =	vst v0;
	v0 =	vld [tilespmem:s14+$0xFFFFFFC0]  }
0x3d7: {  	v1 =	vld [tilespmem:s25+$0x12EB0];
	_ =	sdelay $0x1  }
0x3d8: {  	v2 =	vld [tilespmem:$0x15680];
	_ =	sdelay $0x2  }
0x3d9: {  	v0 =	vmul.f32 v0, v1;
	_ =	sdelay $0x1  }
0x3da: {  	v0 =	vadd.f32 v2, v0  }
0x3db: {  	v2 =	vld [tilespmem:s14+$0xFFFFFFD0]  }
0x3dc: {  	[tilespmem:s14+$0xFFFFFFC0] =	vst v0  }
0x3dd: {  	v0 =	vld [tilespmem:$0x15690];
	_ =	sdelay $0x2  }
0x3de: {  	v1 =	vmul.f32 v2, v1;
	_ =	sdelay $0x1  }
0x3df: {  	v0 =	vadd.f32 v0, v1;
	_ =	sdelay $0x1  }
0x3e0: {  	[tilespmem:s14+$0xFFFFFFD0] =	vst v0;
	v0 =	vld [tilespmem:s14+$0xFFFFFFE0]  }
0x3e1: {  	v1 =	vld [tilespmem:s25+$0x12EC0];
	_ =	sdelay $0x1  }
0x3e2: {  	v2 =	vld [tilespmem:$0x15680];
	_ =	sdelay $0x2  }
0x3e3: {  	v0 =	vmul.f32 v0, v1;
	_ =	sdelay $0x1  }
0x3e4: {  	v0 =	vadd.f32 v2, v0  }
0x3e5: {  	v2 =	vld [tilespmem:s14+$0xFFFFFFF0]  }
0x3e6: {  	[tilespmem:s14+$0xFFFFFFE0] =	vst v0  }
0x3e7: {  	v0 =	vld [tilespmem:$0x15690];
	_ =	sdelay $0x2  }
0x3e8: {  	v1 =	vmul.f32 v2, v1;
	_ =	sdelay $0x1  }
0x3e9: {  	v0 =	vadd.f32 v0, v1;
	_ =	sdelay $0x1  }
0x3ea: {  	[tilespmem:s14+$0xFFFFFFF0] =	vst v0;
	v0 =	vld [tilespmem:s14+$0x0]  }
0x3eb: {  	v1 =	vld [tilespmem:s25+$0x12ED0];
	_ =	sdelay $0x1  }
0x3ec: {  	v2 =	vld [tilespmem:$0x15680];
	_ =	sdelay $0x2  }
0x3ed: {  	v0 =	vmul.f32 v0, v1;
	_ =	sdelay $0x1  }
0x3ee: {  	v0 =	vadd.f32 v2, v0  }
0x3ef: {  	v2 =	vld [tilespmem:s14+$0x10]  }
0x3f0: {  	[tilespmem:s14+$0x0] =	vst v0  }
0x3f1: {  	v0 =	vld [tilespmem:$0x15690];
	_ =	sdelay $0x2  }
0x3f2: {  	v1 =	vmul.f32 v2, v1;
	_ =	sdelay $0x1  }
0x3f3: {  	v0 =	vadd.f32 v0, v1;
	_ =	sdelay $0x1  }
0x3f4: {  	[tilespmem:s14+$0x10] =	vst v0;
	v0 =	vld [tilespmem:s14+$0x20]  }
0x3f5: {  	v1 =	vld [tilespmem:s25+$0x12EE0];
	_ =	sdelay $0x1  }
0x3f6: {  	v2 =	vld [tilespmem:$0x15680];
	_ =	sdelay $0x2  }
0x3f7: {  	v0 =	vmul.f32 v0, v1;
	_ =	sdelay $0x1  }
0x3f8: {  	v0 =	vadd.f32 v2, v0  }
0x3f9: {  	v2 =	vld [tilespmem:s14+$0x30]  }
0x3fa: {  	[tilespmem:s14+$0x20] =	vst v0  }
0x3fb: {  	v0 =	vld [tilespmem:$0x15690];
	_ =	sdelay $0x2  }
0x3fc: {  	v1 =	vmul.f32 v2, v1;
	_ =	sdelay $0x1  }
0x3fd: {  	v0 =	vadd.f32 v0, v1;
	_ =	sdelay $0x1  }
0x3fe: {  	[tilespmem:s14+$0x30] =	vst v0;
	v0 =	vld [tilespmem:s14+$0x40]  }
0x3ff: {  	v1 =	vld [tilespmem:s25+$0x12EF0];
	_ =	sdelay $0x1  }
0x400: {  	v2 =	vld [tilespmem:$0x15680];
	_ =	sdelay $0x2  }
0x401: {  	v0 =	vmul.f32 v0, v1;
	_ =	sdelay $0x1  }
0x402: {  	v0 =	vadd.f32 v2, v0  }
0x403: {  	v2 =	vld [tilespmem:s14+$0x50]  }
0x404: {  	[tilespmem:s14+$0x40] =	vst v0  }
0x405: {  	v0 =	vld [tilespmem:$0x15690];
	_ =	sdelay $0x2  }
0x406: {  	v1 =	vmul.f32 v2, v1;
	_ =	sdelay $0x1  }
0x407: {  	v0 =	vadd.f32 v0, v1;
	_ =	sdelay $0x1  }
0x408: {  	[tilespmem:s14+$0x50] =	vst v0;
	v0 =	vld [tilespmem:s14+$0x60]  }
0x409: {  	v1 =	vld [tilespmem:s25+$0x12F00];
	_ =	sdelay $0x1  }
0x40a: {  	v2 =	vld [tilespmem:$0x15680];
	_ =	sdelay $0x2  }
0x40b: {  	v0 =	vmul.f32 v0, v1;
	_ =	sdelay $0x1  }
0x40c: {  	v0 =	vadd.f32 v2, v0  }
0x40d: {  	v2 =	vld [tilespmem:s14+$0x70]  }
0x40e: {  	[tilespmem:s14+$0x60] =	vst v0  }
0x40f: {  	v0 =	vld [tilespmem:$0x15690];
	_ =	sdelay $0x2  }
0x410: {  	v1 =	vmul.f32 v2, v1;
	_ =	sdelay $0x1  }
0x411: {  	s18 =	simm.s32 $0xE180;
	s19 =	simm.s32 $0x5C0;
	s25 =	simm.s32 $0x3C0;
	v0 =	vadd.f32 v0, v1  }
.LBB2_19:
0x412: {  	p1 =	sne.s32 s19, $0x9DC0;
	s6 =	sshra.s32 s25, $0x2  }
0x413: {  	v1 =	vld [tilespmem:s18+$0xFFFFFF80];
	[tilespmem:s14+$0x70] =	vst v0;
	s25 =	smov.u32 s19;
	s19 =	sadd.s32 $0x200, s19;
	s14 =	smov.u32 s18  }
0x414: {  	v0 =	vld [tilespmem:s6+$0x12E90];
	_ =	sdelay $0x1  }
0x415: {  	v2 =	vld [tilespmem:$0x15680];
	_ =	sdelay $0x2  }
0x416: {  	v1 =	vmul.f32 v1, v0;
	_ =	sdelay $0x1  }
0x417: {  	v1 =	vadd.f32 v2, v1  }
0x418: {  	v2 =	vld [tilespmem:s18+$0xFFFFFF90]  }
0x419: {  	[tilespmem:s18+$0xFFFFFF80] =	vst v1  }
0x41a: {  	v1 =	vld [tilespmem:$0x15690];
	_ =	sdelay $0x2  }
0x41b: {  	v0 =	vmul.f32 v2, v0;
	_ =	sdelay $0x1  }
0x41c: {  	v0 =	vadd.f32 v1, v0;
	_ =	sdelay $0x1  }
0x41d: {  	[tilespmem:s18+$0xFFFFFF90] =	vst v0;
	v0 =	vld [tilespmem:s18+$0xFFFFFFA0]  }
0x41e: {  	v1 =	vld [tilespmem:s6+$0x12EA0];
	_ =	sdelay $0x1  }
0x41f: {  	v2 =	vld [tilespmem:$0x15680];
	_ =	sdelay $0x2  }
0x420: {  	v0 =	vmul.f32 v0, v1;
	_ =	sdelay $0x1  }
0x421: {  	v0 =	vadd.f32 v2, v0  }
0x422: {  	v2 =	vld [tilespmem:s18+$0xFFFFFFB0]  }
0x423: {  	[tilespmem:s18+$0xFFFFFFA0] =	vst v0  }
0x424: {  	v0 =	vld [tilespmem:$0x15690];
	_ =	sdelay $0x2  }
0x425: {  	v1 =	vmul.f32 v2, v1;
	_ =	sdelay $0x1  }
0x426: {  	v0 =	vadd.f32 v0, v1;
	_ =	sdelay $0x1  }
0x427: {  	[tilespmem:s18+$0xFFFFFFB0] =	vst v0;
	v0 =	vld [tilespmem:s18+$0xFFFFFFC0]  }
0x428: {  	v1 =	vld [tilespmem:s6+$0x12EB0];
	_ =	sdelay $0x1  }
0x429: {  	v2 =	vld [tilespmem:$0x15680];
	_ =	sdelay $0x2  }
0x42a: {  	v0 =	vmul.f32 v0, v1;
	_ =	sdelay $0x1  }
0x42b: {  	v0 =	vadd.f32 v2, v0  }
0x42c: {  	v2 =	vld [tilespmem:s18+$0xFFFFFFD0]  }
0x42d: {  	[tilespmem:s18+$0xFFFFFFC0] =	vst v0  }
0x42e: {  	v0 =	vld [tilespmem:$0x15690];
	_ =	sdelay $0x2  }
0x42f: {  	v1 =	vmul.f32 v2, v1;
	_ =	sdelay $0x1  }
0x430: {  	v0 =	vadd.f32 v0, v1;
	_ =	sdelay $0x1  }
0x431: {  	[tilespmem:s18+$0xFFFFFFD0] =	vst v0;
	v0 =	vld [tilespmem:s18+$0xFFFFFFE0]  }
0x432: {  	v1 =	vld [tilespmem:s6+$0x12EC0];
	_ =	sdelay $0x1  }
0x433: {  	v2 =	vld [tilespmem:$0x15680];
	_ =	sdelay $0x2  }
0x434: {  	v0 =	vmul.f32 v0, v1;
	_ =	sdelay $0x1  }
0x435: {  	v0 =	vadd.f32 v2, v0  }
0x436: {  	v2 =	vld [tilespmem:s18+$0xFFFFFFF0]  }
0x437: {  	[tilespmem:s18+$0xFFFFFFE0] =	vst v0  }
0x438: {  	v0 =	vld [tilespmem:$0x15690];
	_ =	sdelay $0x2  }
0x439: {  	v1 =	vmul.f32 v2, v1;
	_ =	sdelay $0x1  }
0x43a: {  	v0 =	vadd.f32 v0, v1;
	_ =	sdelay $0x1  }
0x43b: {  	[tilespmem:s18+$0xFFFFFFF0] =	vst v0;
	v0 =	vld [tilespmem:s18+$0x0]  }
0x43c: {  	v1 =	vld [tilespmem:s6+$0x12ED0];
	_ =	sdelay $0x1  }
0x43d: {  	v2 =	vld [tilespmem:$0x15680];
	_ =	sdelay $0x2  }
0x43e: {  	v0 =	vmul.f32 v0, v1;
	_ =	sdelay $0x1  }
0x43f: {  	v0 =	vadd.f32 v2, v0  }
0x440: {  	v2 =	vld [tilespmem:s18+$0x10]  }
0x441: {  	[tilespmem:s18+$0x0] =	vst v0  }
0x442: {  	v0 =	vld [tilespmem:$0x15690];
	_ =	sdelay $0x2  }
0x443: {  	v1 =	vmul.f32 v2, v1;
	_ =	sdelay $0x1  }
0x444: {  	v0 =	vadd.f32 v0, v1;
	_ =	sdelay $0x1  }
0x445: {  	[tilespmem:s18+$0x10] =	vst v0;
	v0 =	vld [tilespmem:s18+$0x20]  }
0x446: {  	v1 =	vld [tilespmem:s6+$0x12EE0]  }
0x447: {  	v2 =	vld [tilespmem:$0x15680];
	_ =	sdelay $0x3  }
0x448: {  	v0 =	vmul.f32 v0, v1;
	_ =	sdelay $0x1  }
0x449: {  	v0 =	vadd.f32 v2, v0  }
0x44a: {  	v2 =	vld [tilespmem:s18+$0x30]  }
0x44b: {  	[tilespmem:s18+$0x20] =	vst v0  }
0x44c: {  	v0 =	vld [tilespmem:$0x15690];
	_ =	sdelay $0x2  }
0x44d: {  	v1 =	vmul.f32 v2, v1;
	_ =	sdelay $0x1  }
0x44e: {  	v0 =	vadd.f32 v0, v1;
	_ =	sdelay $0x1  }
0x44f: {  	[tilespmem:s18+$0x30] =	vst v0;
	v0 =	vld [tilespmem:s18+$0x40]  }
0x450: {  	v1 =	vld [tilespmem:s6+$0x12EF0]  }
0x451: {  	v2 =	vld [tilespmem:$0x15680];
	_ =	sdelay $0x3  }
0x452: {  	v0 =	vmul.f32 v0, v1;
	_ =	sdelay $0x1  }
0x453: {  	v0 =	vadd.f32 v2, v0  }
0x454: {  	v2 =	vld [tilespmem:s18+$0x50]  }
0x455: {  	[tilespmem:s18+$0x40] =	vst v0  }
0x456: {  	v0 =	vld [tilespmem:$0x15690];
	_ =	sdelay $0x2  }
0x457: {  	v1 =	vmul.f32 v2, v1;
	_ =	sdelay $0x1  }
0x458: {  	v0 =	vadd.f32 v0, v1;
	_ =	sdelay $0x1  }
0x459: {  	[tilespmem:s18+$0x50] =	vst v0;
	v0 =	vld [tilespmem:s18+$0x60]  }
0x45a: {  	v1 =	vld [tilespmem:s6+$0x12F00]  }
0x45b: {  	v2 =	vld [tilespmem:$0x15680];
	_ =	sdelay $0x3  }
0x45c: {  	v0 =	vmul.f32 v0, v1;
	_ =	sdelay $0x1  }
0x45d: {  	v0 =	vadd.f32 v2, v0  }
0x45e: {  	v2 =	vld [tilespmem:s18+$0x70]  }
0x45f: {  	[tilespmem:s18+$0x60] =	vst v0  }
0x460: {  	v0 =	vld [tilespmem:$0x15690];
	_ =	sdelay $0x1  }
.Ltmp9:
0x461: {  	(pc) =	sbr.rel @p1 .LBB2_19-.Ltmp9, $3  }
0x462: {  	v1 =	vmul.f32 v2, v1;
	_ =	sdelay $0x1  }
0x463: {  	v0 =	vadd.f32 v0, v1  }
0x464: {  	s18 =	sadd.s32 $0x100, s18  }
0x465: {  	s6 =	sshra.s32 s25, $0x2;
	v1 =	vld [tilespmem:s18+$0xFFFFFF80];
	[tilespmem:s14+$0x70] =	vst v0  }
0x466: {  	v0 =	vld [tilespmem:s6+$0x12E90];
	_ =	sdelay $0x1  }
0x467: {  	v2 =	vld [tilespmem:$0x15680];
	_ =	sdelay $0x2  }
0x468: {  	v1 =	vmul.f32 v1, v0;
	_ =	sdelay $0x1  }
0x469: {  	v1 =	vadd.f32 v2, v1  }
0x46a: {  	v35 =	vld [tilespmem:s18+$0xFFFFFF90]  }
0x46b: {  	[tilespmem:s18+$0xFFFFFF80] =	vst v1  }
0x46c: {  	v1 =	vld [tilespmem:$0x15690];
	_ =	sdelay $0x2  }
0x46d: {  	v0 =	vmul.f32 v35, v0;
	_ =	sdelay $0x1  }
0x46e: {  	v0 =	vadd.f32 v1, v0;
	_ =	sdelay $0x1  }
0x46f: {  	v36 =	vld [tilespmem:s18+$0xFFFFFFA0];
	[tilespmem:s18+$0xFFFFFF90] =	vst v0  }
0x470: {  	v37 =	vld [tilespmem:s6+$0x12EA0];
	_ =	sdelay $0x1  }
0x471: {  	v38 =	vld [tilespmem:$0x15680];
	_ =	sdelay $0x2  }
0x472: {  	v0 =	vmul.f32 v36, v37;
	_ =	sdelay $0x1  }
0x473: {  	v0 =	vadd.f32 v38, v0  }
0x474: {  	v39 =	vld [tilespmem:s18+$0xFFFFFFB0]  }
0x475: {  	[tilespmem:s18+$0xFFFFFFA0] =	vst v0  }
0x476: {  	v0 =	vld [tilespmem:$0x15690];
	_ =	sdelay $0x2  }
0x477: {  	v1 =	vmul.f32 v39, v37;
	_ =	sdelay $0x1  }
0x478: {  	v0 =	vadd.f32 v0, v1;
	_ =	sdelay $0x1  }
0x479: {  	v40 =	vld [tilespmem:s18+$0xFFFFFFC0];
	[tilespmem:s18+$0xFFFFFFB0] =	vst v0  }
0x47a: {  	v41 =	vld [tilespmem:s6+$0x12EB0];
	_ =	sdelay $0x1  }
0x47b: {  	v42 =	vld [tilespmem:$0x15680];
	_ =	sdelay $0x2  }
0x47c: {  	v0 =	vmul.f32 v40, v41;
	_ =	sdelay $0x1  }
0x47d: {  	v0 =	vadd.f32 v42, v0  }
0x47e: {  	v43 =	vld [tilespmem:s18+$0xFFFFFFD0]  }
0x47f: {  	[tilespmem:s18+$0xFFFFFFC0] =	vst v0  }
0x480: {  	v0 =	vld [tilespmem:$0x15690];
	_ =	sdelay $0x2  }
0x481: {  	v1 =	vmul.f32 v43, v41;
	_ =	sdelay $0x1  }
0x482: {  	v0 =	vadd.f32 v0, v1;
	_ =	sdelay $0x1  }
0x483: {  	v44 =	vld [tilespmem:s18+$0xFFFFFFE0];
	[tilespmem:s18+$0xFFFFFFD0] =	vst v0  }
0x484: {  	v45 =	vld [tilespmem:s6+$0x12EC0];
	_ =	sdelay $0x1  }
0x485: {  	v46 =	vld [tilespmem:$0x15680];
	_ =	sdelay $0x2  }
0x486: {  	v0 =	vmul.f32 v44, v45;
	_ =	sdelay $0x1  }
0x487: {  	v0 =	vadd.f32 v46, v0  }
0x488: {  	v47 =	vld [tilespmem:s18+$0xFFFFFFF0]  }
0x489: {  	[tilespmem:s18+$0xFFFFFFE0] =	vst v0  }
0x48a: {  	v0 =	vld [tilespmem:$0x15690];
	_ =	sdelay $0x2  }
0x48b: {  	v1 =	vmul.f32 v47, v45;
	_ =	sdelay $0x1  }
0x48c: {  	v0 =	vadd.f32 v0, v1;
	_ =	sdelay $0x1  }
0x48d: {  	v48 =	vld [tilespmem:s18+$0x0];
	[tilespmem:s18+$0xFFFFFFF0] =	vst v0  }
0x48e: {  	v49 =	vld [tilespmem:s6+$0x12ED0];
	_ =	sdelay $0x1  }
0x48f: {  	v50 =	vld [tilespmem:$0x15680];
	_ =	sdelay $0x2  }
0x490: {  	v0 =	vmul.f32 v48, v49;
	_ =	sdelay $0x1  }
0x491: {  	v0 =	vadd.f32 v50, v0  }
0x492: {  	v51 =	vld [tilespmem:s18+$0x10]  }
0x493: {  	[tilespmem:s18+$0x0] =	vst v0  }
0x494: {  	v0 =	vld [tilespmem:$0x15690];
	_ =	sdelay $0x2  }
0x495: {  	v1 =	vmul.f32 v51, v49;
	_ =	sdelay $0x1  }
0x496: {  	v0 =	vadd.f32 v0, v1;
	_ =	sdelay $0x1  }
0x497: {  	v52 =	vld [tilespmem:s18+$0x20];
	[tilespmem:s18+$0x10] =	vst v0  }
0x498: {  	v53 =	vld [tilespmem:s6+$0x12EE0];
	_ =	sdelay $0x1  }
0x499: {  	v54 =	vld [tilespmem:$0x15680];
	_ =	sdelay $0x2  }
0x49a: {  	v0 =	vmul.f32 v52, v53;
	_ =	sdelay $0x1  }
0x49b: {  	v0 =	vadd.f32 v54, v0  }
0x49c: {  	v55 =	vld [tilespmem:s18+$0x30]  }
0x49d: {  	[tilespmem:s18+$0x20] =	vst v0  }
0x49e: {  	v0 =	vld [tilespmem:$0x15690];
	_ =	sdelay $0x2  }
0x49f: {  	v1 =	vmul.f32 v55, v53;
	_ =	sdelay $0x1  }
0x4a0: {  	v0 =	vadd.f32 v0, v1;
	_ =	sdelay $0x1  }
0x4a1: {  	v56 =	vld [tilespmem:s18+$0x40];
	[tilespmem:s18+$0x30] =	vst v0  }
0x4a2: {  	v57 =	vld [tilespmem:s6+$0x12EF0];
	_ =	sdelay $0x1  }
0x4a3: {  	v58 =	vld [tilespmem:$0x15680];
	_ =	sdelay $0x2  }
0x4a4: {  	v0 =	vmul.f32 v56, v57;
	_ =	sdelay $0x1  }
0x4a5: {  	v0 =	vadd.f32 v58, v0  }
0x4a6: {  	v59 =	vld [tilespmem:s18+$0x50]  }
0x4a7: {  	[tilespmem:s18+$0x40] =	vst v0  }
0x4a8: {  	v0 =	vld [tilespmem:$0x15690];
	_ =	sdelay $0x2  }
0x4a9: {  	v1 =	vmul.f32 v59, v57;
	_ =	sdelay $0x1  }
0x4aa: {  	v0 =	vadd.f32 v0, v1;
	_ =	sdelay $0x1  }
0x4ab: {  	v60 =	vld [tilespmem:s18+$0x60];
	[tilespmem:s18+$0x50] =	vst v0  }
0x4ac: {  	v61 =	vld [tilespmem:s6+$0x12F00];
	_ =	sdelay $0x1  }
0x4ad: {  	v62 =	vld [tilespmem:$0x15680];
	_ =	sdelay $0x2  }
0x4ae: {  	v0 =	vmul.f32 v60, v61;
	_ =	sdelay $0x1  }
0x4af: {  	v0 =	vadd.f32 v62, v0  }
0x4b0: {  	v63 =	vld [tilespmem:s18+$0x70]  }
0x4b1: {  	[tilespmem:s18+$0x60] =	vst v0  }
0x4b2: {  	v0 =	vld [tilespmem:$0x15690];
	_ =	sdelay $0x2  }
0x4b3: {  	v1 =	vmul.f32 v63, v61;
	_ =	sdelay $0x1  }
0x4b4: {  	v0 =	vadd.f32 v0, v1  }
0x4b5: {  	s14 =	simm.s32 @p0 $0x40  }
0x4b6: {  	s19 =	rddreg [dreg:$0xf];
	s6 =	simm.s32 @p0 $0x20;
	[tilespmem:s18+$0x70] =	vst v0;
	s18 =	simm.s32 @p0 $0xE000  }
0x4b7: {  	[hbm4b:s19+s6] =	stream.strided.scatter @p0 [tilespmem:s18], [sflag:$0x9], $0x4100, s14, s6, $0x38;
	[tilespmem:$0x1F3C0] =	vst v63  }
0x4b8: {  	s6 =	simm.s32 @p0 $0x9  }
0x4b9: {  	_ =	swait.ge @p0 [sflag:s6], $0x4100  }
0x4ba: {  	s14 =	simm.s32 @!p0 $0x40;
	s18 =	simm.s32 @!p0 $0xE000;
	[sflag:s6] =	ssyncset.done @p0 $0x0  }
0x4bb: {  	s19 =	rddreg [dreg:$0xe];
	[sflag:s6] =	ssyncadd.s32 @p0 $0xFFFFBF00;
	s6 =	simm.s32 @!p0 $0x20  }
0x4bc: {  	[hbm4b:s19+s6] =	stream.strided.scatter @!p0 [tilespmem:s18], [sflag:$0x9], $0x4F00, s14, s6, $0x38;
	[tilespmem:$0x1F3C0] =	vst v63  }
0x4bd: {  	s6 =	simm.s32 @!p0 $0x9  }
0x4be: {  	_ =	swait.ge @!p0 [sflag:s6], $0x4F00  }
0x4bf: {  	s9 =	sadd.s32 $0x1, s9;
	s25 =	rddreg [dreg:$0x10]  }
0x4c0: {  	p1 =	sne.s32 s9, s25  }
.Ltmp10:
0x4c1: {  	_ = 	snop;
	(pc) =	sbr.rel @p1 .LBB2_1-.Ltmp10, $3  }
0x4c2: {  	_ =	sdelay $0x1  }
0x4c3: {  	[sflag:s6] =	ssyncset.done @!p0 $0x0  }
0x4c4: {  	[sflag:s6] =	ssyncadd.s32 @!p0 $0xFFFFB100  }
0x4c5: {  	_ =	sfence.sel $0x180000  }
0x4c6: {  	[bflag:$0x0] =	sbarrier.arrive $0xFFFF  }
0x4c7: {  	_ =	strace $0x9000004A  }
0x4c8: {  	s0 =	stileid.u32;
	[bflag:$0x2] =	sbarrier.arrive $0xFFFF  }
0x4c9: {  	p0 =	sne.s32 s0, $0x0;
	s0 =	rddreg [dreg:$0x5]  }
0x4ca: {  	s0 =	sadd.s32 @!p0 $0x100000, s0  }
0x4cb: {  	[sflag:s0] =	ssyncadd.tile.s32 @!p0 $0x1;
	_ =	shalt  }
.Lfunc_end2:
_tile_overlayer_lowered:
.L_overlay_start_2:
0x4cc: {  	(tag) =	ssettag $0x2  }
0x4cd: {  	s0 =	rddreg [dreg:$0x0];
	s2 =	stileid.u32  }
0x4ce: {  	s1 =	rddreg [dreg:$0x1];
	p0 =	sne.s32 s2, $0x0  }
0x4cf: {  	s3 =	rddreg [dreg:$0x2];
	[bflag:$0x3] =	sbarrier.arrive $0xFFFF;
	s2 =	simm.s32 @!p0 $0x1C09  }
0x4d0: {  	[timem:s3], [sflag:s2] =	dma.local @!p0 [hbm:s0], s1  }
0x4d1: {  	s0 =	simm.s32 @!p0 $0x9  }
0x4d2: {  	_ =	swait.ge @!p0 [sflag:s0], s1  }
0x4d3: {  	s1 =	ssub.s32 @!p0 $0x0, s1;
	[sflag:s0] =	ssyncset.done @!p0 $0x0  }
0x4d4: {  	[sflag:s0] =	ssyncadd.s32 @!p0 s1  }
0x4d5: {  	[bflag:$0x3] =	sbarrier.arrive $0xFFFF  }
0x4d6: {  	_ =	shalt  }

</sc_bundles>
